<compile_context>
chip_gen: v7x
topology: tpu7x:2x2x1
jax: 0.10.2.dev20260603
libtpu: 0.0.44.dev20260713+nightly
codegen_flags: <defaults>
</compile_context>

<pallas_src>
import functools

import jax
import jax.numpy as jnp
from jax import lax
from jax.experimental import pallas as pl
from jax.experimental.pallas import tpu as pltpu
from jax.experimental.pallas import tpu_sc as plsc

N = 10000
H = 128
G = 128
NC = 2
NS = 16
CHUNK = 120
IDXBLK = 8
NBUF = 3
ROWS_PER_TILE = 640
NP = NS * ROWS_PER_TILE
RPTA = 632
NPA = NS * RPTA
BR = 2000
NB = N // BR

_MESH = plsc.VectorSubcoreMesh(
    core_axis_name="c", subcore_axis_name="s", num_cores=NC, num_subcores=NS)



@functools.lru_cache(maxsize=None)
def _make_deg(nch):
    def body(dst_hbm, deg_hbm, dst_v, ones_v, zeros_v, deg_shared):
        c = lax.axis_index("c")
        s = lax.axis_index("s")
        for i in range(CHUNK // 16 + 1):
            ones_v[pl.ds(i * 16, 16)] = jnp.ones((16,), jnp.float32)
        for i in range(ROWS_PER_TILE // 16):
            zeros_v[pl.ds(i * 16, 16)] = jnp.zeros((16,), jnp.float32)
        pltpu.sync_copy(zeros_v, deg_shared.at[pl.ds(s * ROWS_PER_TILE, ROWS_PER_TILE)])
        plsc.subcore_barrier()

        def outer(ib, carry):
            pltpu.sync_copy(dst_hbm.at[c, s, pl.ds(ib * IDXBLK, IDXBLK)], dst_v)
            for j in range(IDXBLK):
                pltpu.sync_copy(ones_v.at[pl.ds(0, CHUNK)],
                                deg_shared.at[dst_v.at[j]], add=True)
            return carry

        lax.fori_loop(0, nch // IDXBLK, outer, 0)
        plsc.subcore_barrier()
        pltpu.sync_copy(deg_shared.at[pl.ds(s * ROWS_PER_TILE, ROWS_PER_TILE)],
                        deg_hbm.at[c, pl.ds(s * ROWS_PER_TILE, ROWS_PER_TILE)])

    return pl.kernel(
        body,
        out_type=jax.ShapeDtypeStruct((NC, NP), jnp.float32),
        mesh=_MESH,
        scratch_types=[
            pltpu.VMEM((IDXBLK, CHUNK), jnp.int32),
            pltpu.VMEM((CHUNK + 16,), jnp.float32),
            pltpu.VMEM((ROWS_PER_TILE,), jnp.float32),
            pltpu.VMEM_SHARED((NP,), jnp.float32),
        ],
    )


@functools.lru_cache(maxsize=None)
def _make_agg(nch):
    def body(ts_hbm, src_hbm, dst_hbm, out_hbm, src_v, dst_v, rows, gsems,
             ssems, isem0, isem1, acc_shared):
        c = lax.axis_index("c")
        s = lax.axis_index("s")
        row0 = s * RPTA
        pltpu.sync_copy(ts_hbm.at[pl.ds(c * NPA + row0, RPTA)],
                        acc_shared.at[pl.ds(row0, RPTA)])
        plsc.subcore_barrier()

        def gather(j, b):
            return pltpu.async_copy(ts_hbm.at[src_v.at[j]], rows[b], gsems[b])

        def outer(ib, carry):
            i1 = pltpu.async_copy(
                src_hbm.at[c, s, pl.ds(ib * IDXBLK, IDXBLK)], src_v, isem0)
            i2 = pltpu.async_copy(
                dst_hbm.at[c, s, pl.ds(ib * IDXBLK, IDXBLK)], dst_v, isem1)
            i1.wait()
            i2.wait()
            scat = [None] * NBUF
            g = [None] * NBUF
            for j0 in range(NBUF - 1):
                g[j0] = gather(j0, j0)
            for j in range(IDXBLK):
                b = j % NBUF
                jn = j + NBUF - 1
                bn = jn % NBUF
                if jn < IDXBLK:
                    if scat[bn] is not None:
                        scat[bn].wait()
                    g[bn] = gather(jn, bn)
                g[b].wait()
                scat[b] = pltpu.async_copy(
                    rows[b], acc_shared.at[dst_v.at[j]], ssems[b], add=True)
            for b in range(NBUF):
                if scat[b] is not None:
                    scat[b].wait()
            return carry

        lax.fori_loop(0, nch // IDXBLK, outer, 0)
        plsc.subcore_barrier()
        pltpu.sync_copy(acc_shared.at[pl.ds(row0, RPTA)],
                        out_hbm.at[pl.ds(c * NPA + row0, RPTA)])

    return pl.kernel(
        body,
        out_type=jax.ShapeDtypeStruct((NC * NPA, H), jnp.float32),
        mesh=_MESH,
        scratch_types=[
            pltpu.VMEM((IDXBLK, CHUNK), jnp.int32),
            pltpu.VMEM((IDXBLK, CHUNK), jnp.int32),
            tuple(pltpu.VMEM((CHUNK, H), jnp.float32) for _ in range(NBUF)),
            tuple(pltpu.SemaphoreType.DMA for _ in range(NBUF)),
            tuple(pltpu.SemaphoreType.DMA for _ in range(NBUF)),
            pltpu.SemaphoreType.DMA,
            pltpu.SemaphoreType.DMA,
            pltpu.VMEM_SHARED((NPA, H), jnp.float32),
        ],
    )



def _prep_body(x_ref, deg_ref, win_ref, bin_ref, w1_ref, ts_ref, dinv_ref):
    dinv = lax.rsqrt(deg_ref[0] + 1.0)
    h0 = jnp.maximum(x_ref[0] * win_ref[...] + bin_ref[...], 0.0)
    t = jnp.dot(h0, w1_ref[...], preferred_element_type=jnp.float32)
    ts_ref[0] = dinv * t
    dinv_ref[0] = dinv


def _mid_body(acc_ref, dinv_ref, b_ref, w_ref, ts_ref):
    dinv = dinv_ref[0]
    h = jnp.maximum(dinv * acc_ref[0] + b_ref[...], 0.0)
    ts_ref[0] = dinv * jnp.dot(h, w_ref[...], preferred_element_type=jnp.float32)


def _pool_body(acc_ref, dinv_ref, b_ref, batch_ref, sums_ref, cnt_ref):
    i = pl.program_id(1)
    h = jnp.maximum(dinv_ref[0] * acc_ref[0] + b_ref[...], 0.0)
    onehot = (batch_ref[0] == lax.broadcasted_iota(jnp.int32, (1, G), 1)
              ).astype(jnp.float32)
    dn = (((0,), (0,)), ((), ()))
    sums_blk = lax.dot_general(onehot, h, dn,
                               precision=lax.Precision.HIGHEST,
                               preferred_element_type=jnp.float32)
    cnt_blk = lax.dot_general(onehot, jnp.ones((BR, H), jnp.float32), dn,
                              precision=lax.Precision.HIGHEST,
                              preferred_element_type=jnp.float32)

    @pl.when(i == 0)
    def _():
        sums_ref[0] = sums_blk
        cnt_ref[0] = cnt_blk

    @pl.when(i > 0)
    def _():
        sums_ref[0] += sums_blk
        cnt_ref[0] += cnt_blk


def _head_body(sums_ref, cnt_ref, wout_ref, bout_ref, wm1_ref, bm1_ref,
               wm2_ref, bm2_ref, out_ref):
    ga = sums_ref[0] / jnp.maximum(cnt_ref[0], 1.0)
    gb = sums_ref[1] / jnp.maximum(cnt_ref[1], 1.0)
    za = jnp.maximum(jnp.dot(ga, wout_ref[...], preferred_element_type=jnp.float32)
                     + bout_ref[...], 0.0)
    zb = jnp.maximum(jnp.dot(gb, wout_ref[...], preferred_element_type=jnp.float32)
                     + bout_ref[...], 0.0)
    hid = (jnp.dot(za, wm1_ref[0:H], preferred_element_type=jnp.float32)
           + jnp.dot(zb, wm1_ref[H:2 * H], preferred_element_type=jnp.float32)
           + jnp.dot(jnp.abs(za - zb), wm1_ref[2 * H:3 * H],
                     preferred_element_type=jnp.float32)
           + jnp.dot(za * zb, wm1_ref[3 * H:4 * H],
                     preferred_element_type=jnp.float32)
           + bm1_ref[...])
    hid = jnp.maximum(hid, 0.0)
    out_ref[...] = (jnp.dot(hid, wm2_ref[...], preferred_element_type=jnp.float32)
                    + bm2_ref[...])


def _full2(shape):
    return pl.BlockSpec(shape, lambda g, i: (0, 0))


_prep_call = pl.pallas_call(
    _prep_body,
    grid=(2, NB),
    in_specs=[
        pl.BlockSpec((1, BR, 1), lambda g, i: (g, i, 0)),
        pl.BlockSpec((1, BR, 1), lambda g, i: (g, i, 0)),
        _full2((1, H)),
        _full2((1, H)),
        _full2((H, H)),
    ],
    out_specs=[
        pl.BlockSpec((1, BR, H), lambda g, i: (g, i, 0)),
        pl.BlockSpec((1, BR, 1), lambda g, i: (g, i, 0)),
    ],
    out_shape=[
        jax.ShapeDtypeStruct((2, NPA, H), jnp.float32),
        jax.ShapeDtypeStruct((2, N, 1), jnp.float32),
    ],
    compiler_params=pltpu.CompilerParams(
        dimension_semantics=("parallel", "parallel")),
)

_mid_call = pl.pallas_call(
    _mid_body,
    grid=(2, NB),
    in_specs=[
        pl.BlockSpec((1, BR, H), lambda g, i: (g, i, 0)),
        pl.BlockSpec((1, BR, 1), lambda g, i: (g, i, 0)),
        _full2((1, H)),
        _full2((H, H)),
    ],
    out_specs=pl.BlockSpec((1, BR, H), lambda g, i: (g, i, 0)),
    out_shape=jax.ShapeDtypeStruct((2, NPA, H), jnp.float32),
    compiler_params=pltpu.CompilerParams(
        dimension_semantics=("parallel", "parallel")),
)

_pool_call = pl.pallas_call(
    _pool_body,
    grid=(2, NB),
    in_specs=[
        pl.BlockSpec((1, BR, H), lambda g, i: (g, i, 0)),
        pl.BlockSpec((1, BR, 1), lambda g, i: (g, i, 0)),
        _full2((1, H)),
        pl.BlockSpec((1, BR, 1), lambda g, i: (g, i, 0)),
    ],
    out_specs=[
        pl.BlockSpec((1, G, H), lambda g, i: (g, 0, 0)),
        pl.BlockSpec((1, G, H), lambda g, i: (g, 0, 0)),
    ],
    out_shape=[
        jax.ShapeDtypeStruct((2, G, H), jnp.float32),
        jax.ShapeDtypeStruct((2, G, H), jnp.float32),
    ],
    compiler_params=pltpu.CompilerParams(
        dimension_semantics=("parallel", "arbitrary")),
)

_head_call = pl.pallas_call(
    _head_body,
    out_shape=jax.ShapeDtypeStruct((G, 1), jnp.float32),
)



def _prep_edges(edge_index, core, e_pad, nch):
    e = edge_index.shape[1]
    pad = e_pad - e
    src = jnp.concatenate(
        [edge_index[0], jnp.zeros((pad,), jnp.int32)]) + core * NPA
    dst = jnp.concatenate([edge_index[1], jnp.full((pad,), N, jnp.int32)])
    return src.reshape(NS, nch, CHUNK), dst.reshape(NS, nch, CHUNK)


def kernel(x_a, edge_index_a, batch_a, x_b, edge_index_b, batch_b,
           W_in, b_in, W1, b1, W2, b2, W3, b3, W_out, b_out,
           W_m1, b_m1, W_m2, b_m2):
    e = edge_index_a.shape[1]
    nch = -(-e // (NS * CHUNK))
    nch = -(-nch // IDXBLK) * IDXBLK
    e_pad = NS * nch * CHUNK

    src_a, dst_a = _prep_edges(edge_index_a, 0, e_pad, nch)
    src_b, dst_b = _prep_edges(edge_index_b, 1, e_pad, nch)
    src_all = jnp.stack([src_a, src_b])
    dst_all = jnp.stack([dst_a, dst_b])

    deg = _make_deg(nch)(dst_all)
    deg_n = deg.reshape(2, NP, 1)[:, :N, :]
    x_s = jnp.stack([x_a, x_b]).reshape(2, N, 1)

    agg = _make_agg(nch)
    ts1, dinv = _prep_call(x_s, deg_n, W_in.reshape(1, H),
                           b_in.reshape(1, H), W1)
    acc1 = agg(ts1.reshape(2 * NPA, H), src_all, dst_all)
    ts2 = _mid_call(acc1.reshape(2, NPA, H), dinv, b1.reshape(1, H), W2)
    acc2 = agg(ts2.reshape(2 * NPA, H), src_all, dst_all)
    ts3 = _mid_call(acc2.reshape(2, NPA, H), dinv, b2.reshape(1, H), W3)
    acc3 = agg(ts3.reshape(2 * NPA, H), src_all, dst_all)

    batch_s = jnp.stack([batch_a, batch_b]).reshape(2, N, 1)
    sums, cnt = _pool_call(acc3.reshape(2, NPA, H), dinv,
                           b3.reshape(1, H), batch_s)
    out = _head_call(sums, cnt, W_out, b_out.reshape(1, H),
                     W_m1, b_m1.reshape(1, H), W_m2, b_m2.reshape(1, 1))
    return out.reshape(G)

# --- scband reference (transcript-rebuilt; emitter-appended) ---
"""Pipeline reference for scband-pair-classifier-2310692405722 (READ-ONLY COPY).

The authoritative reference and input builder live on the scoring server;
editing this copy changes nothing except your own understanding.
"""

import jax, jax.numpy as jnp
import numpy as np

N = 10000
E = 320000
H = 128
G = 128


def setup_inputs(seed: int = 0) -> dict:
    key = jax.random.key(seed)
    ks = jax.random.split(key, 24)
    inp = {}
    inp["x_a"] = jax.random.normal(ks[0], (N, 1), dtype=jnp.float32)
    inp["edge_index_a"] = jax.random.randint(ks[1], (2, E), 0, N, dtype=jnp.int32)
    inp["batch_a"] = jnp.sort(jax.random.randint(ks[2], (N,), 0, G, dtype=jnp.int32))
    inp["x_b"] = jax.random.normal(ks[3], (N, 1), dtype=jnp.float32)
    inp["edge_index_b"] = jax.random.randint(ks[4], (2, E), 0, N, dtype=jnp.int32)
    inp["batch_b"] = jnp.sort(jax.random.randint(ks[5], (N,), 0, G, dtype=jnp.int32))
    # learned parameters (shared encoder for both graphs)
    inp["W_in"] = jax.random.normal(ks[6], (1, H), dtype=jnp.float32) * (1.0 / np.sqrt(1.0))
    inp["b_in"] = jnp.zeros((H,), dtype=jnp.float32)
    inp["W1"] = jax.random.normal(ks[7], (H, H), dtype=jnp.float32) * (1.0 / np.sqrt(H))
    inp["b1"] = jnp.zeros((H,), dtype=jnp.float32)
    inp["W2"] = jax.random.normal(ks[8], (H, H), dtype=jnp.float32) * (1.0 / np.sqrt(H))
    inp["b2"] = jnp.zeros((H,), dtype=jnp.float32)
    inp["W3"] = jax.random.normal(ks[9], (H, H), dtype=jnp.float32) * (1.0 / np.sqrt(H))
    inp["b3"] = jnp.zeros((H,), dtype=jnp.float32)
    inp["W_out"] = jax.random.normal(ks[10], (H, H), dtype=jnp.float32) * (1.0 / np.sqrt(H))
    inp["b_out"] = jnp.zeros((H,), dtype=jnp.float32)
    inp["W_m1"] = jax.random.normal(ks[11], (4 * H, H), dtype=jnp.float32) * (1.0 / np.sqrt(4 * H))
    inp["b_m1"] = jnp.zeros((H,), dtype=jnp.float32)
    inp["W_m2"] = jax.random.normal(ks[12], (H, 1), dtype=jnp.float32) * (1.0 / np.sqrt(H))
    inp["b_m2"] = jnp.zeros((1,), dtype=jnp.float32)
    return inp


def _gcn_conv(x, edge_index, W, b):
    # GCNConv with added self loops and symmetric normalization
    loop = jnp.arange(N, dtype=edge_index.dtype)
    src = jnp.concatenate([edge_index[0], loop])
    dst = jnp.concatenate([edge_index[1], loop])
    deg = jnp.zeros((N,), dtype=jnp.float32).at[dst].add(1.0)
    dinv = jnp.where(deg > 0, 1.0 / jnp.sqrt(deg), 0.0)
    norm = dinv[src] * dinv[dst]
    h = x @ W  # transform
    msgs = h[src] * norm[:, None]  # gather + scale
    agg = jnp.zeros((N, h.shape[1]), dtype=h.dtype).at[dst].add(msgs)  # scatter-add
    return agg + b


def _encoder(x, edge_index, batch, W_in, b_in, W1, b1, W2, b2, W3, b3, W_out, b_out):
    h = jax.nn.relu(x @ W_in + b_in)
    for W, b in ((W1, b1), (W2, b2), (W3, b3)):
        h = jax.nn.relu(_gcn_conv(h, edge_index, W, b))
        # dropout is identity in eval mode
    sums = jax.ops.segment_sum(h, batch, num_segments=G)
    cnt = jax.ops.segment_sum(jnp.ones((h.shape[0], 1), dtype=h.dtype), batch, num_segments=G)
    g = sums / jnp.maximum(cnt, 1.0)
    return jax.nn.relu(g @ W_out + b_out)


def reference(x_a, edge_index_a, batch_a, x_b, edge_index_b, batch_b,
              W_in, b_in, W1, b1, W2, b2, W3, b3, W_out, b_out,
              W_m1, b_m1, W_m2, b_m2):
    za = _encoder(x_a, edge_index_a, batch_a, W_in, b_in, W1, b1, W2, b2, W3, b3, W_out, b_out)
    zb = _encoder(x_b, edge_index_b, batch_b, W_in, b_in, W1, b1, W2, b2, W3, b3, W_out, b_out)
    feats = jnp.concatenate([za, zb, jnp.abs(za - zb), za * zb], axis=-1)
    hidden = jax.nn.relu(feats @ W_m1 + b_m1)
    logits = (hidden @ W_m2 + b_m2).squeeze(-1)
    return logits

if __name__ == "__main__":
    import jax
    _d = setup_inputs()
    print(jax.jit(kernel)(*tuple(_d.values())))

</pallas_src>

<mosaic_0001>
#map = affine_map<(d0, d1) -> (0, 0)>
#map1 = affine_map<(d0, d1) -> (0, 0, 0, 0)>
module attributes {stable_mosaic.version = 14 : i64} {
  func.func @body(%arg0: i32, %arg1: i32, %arg2: memref<20224x128xf32, #tpu.memory_space<hbm>>, %arg3: memref<2x16x168x120xi32, #tpu.memory_space<hbm>>, %arg4: memref<2x16x168x120xi32, #tpu.memory_space<hbm>>, %arg5: memref<20224x128xf32, #tpu.memory_space<hbm>>, %arg6: memref<8x120xi32, #tpu.memory_space<vmem>>, %arg7: memref<8x120xi32, #tpu.memory_space<vmem>>, %arg8: memref<120x128xf32, #tpu.memory_space<vmem>>, %arg9: memref<120x128xf32, #tpu.memory_space<vmem>>, %arg10: memref<120x128xf32, #tpu.memory_space<vmem>>, %arg11: memref<!tpu.dma_semaphore, #tpu.memory_space<semaphore_mem>>, %arg12: memref<!tpu.dma_semaphore, #tpu.memory_space<semaphore_mem>>, %arg13: memref<!tpu.dma_semaphore, #tpu.memory_space<semaphore_mem>>, %arg14: memref<!tpu.dma_semaphore, #tpu.memory_space<semaphore_mem>>, %arg15: memref<!tpu.dma_semaphore, #tpu.memory_space<semaphore_mem>>, %arg16: memref<!tpu.dma_semaphore, #tpu.memory_space<semaphore_mem>>, %arg17: memref<!tpu.dma_semaphore, #tpu.memory_space<semaphore_mem>>, %arg18: memref<!tpu.dma_semaphore, #tpu.memory_space<semaphore_mem>>, %arg19: memref<10112x128xf32, #tpu.memory_space<vmem_shared>>) attributes {dimension_semantics = [#tpu.dimension_semantics<core_parallel>, #tpu.dimension_semantics<subcore_parallel>], iteration_bounds = array<i64: 2, 16>, scalar_prefetch = 0 : i64, scratch_operands = 14 : i64, tpu.core_type = #tpu.core_type<sc_vector_subcore>, window_params = [{transform_indices = #map}, {transform_indices = #map1}, {transform_indices = #map1}, {transform_indices = #map}]} {
    %mul3A = arith.constant 632 : i32
    %mul3A_0 = arith.muli %arg1, %mul3A : i32
    %mul3A_1 = arith.constant 10112 : i32
    %mul3A_2 = arith.muli %arg0, %mul3A_1 : i32
    %add3A = arith.addi %mul3A_2, %mul3A_0 : i32
    "tpu.region"() ({
      %run_scoped3A = tpu.sem_alloc : memref<!tpu.dma_semaphore, #tpu.memory_space<semaphore_mem>>
      %dma_start3A = arith.constant 0 : i32
      %dma_start3A_12 = tpu.memref_slice %arg19[%mul3A_0, %dma_start3A] : memref<10112x128xf32, #tpu.memory_space<vmem_shared>> -> memref<632x128xf32, #tpu.memory_space<vmem_shared>>
      %dma_start3A_13 = arith.constant 0 : i32
      %dma_start3A_14 = tpu.memref_slice %arg2[%add3A, %dma_start3A_13] : memref<20224x128xf32, #tpu.memory_space<hbm>> -> memref<632x128xf32, #tpu.memory_space<hbm>>
      tpu.enqueue_dma source(%dma_start3A_14 : memref<632x128xf32, #tpu.memory_space<hbm>>) target(%dma_start3A_12 : memref<632x128xf32, #tpu.memory_space<vmem_shared>>) target_semaphore(%run_scoped3A : memref<!tpu.dma_semaphore, #tpu.memory_space<semaphore_mem>>)
      %dma_wait3A = arith.constant 0 : i32
      %dma_wait3A_15 = tpu.memref_slice %arg19[%mul3A_0, %dma_wait3A] : memref<10112x128xf32, #tpu.memory_space<vmem_shared>> -> memref<632x128xf32, #tpu.memory_space<vmem_shared>>
      %dma_wait3A_16 = arith.constant 0 : i32
      %dma_wait3A_17 = tpu.memref_slice %arg2[%add3A, %dma_wait3A_16] : memref<20224x128xf32, #tpu.memory_space<hbm>> -> memref<632x128xf32, #tpu.memory_space<hbm>>
      tpu.wait_dma2 semaphore(%run_scoped3A : memref<!tpu.dma_semaphore, #tpu.memory_space<semaphore_mem>>) src(%dma_wait3A_17 : memref<632x128xf32, #tpu.memory_space<hbm>>) dst(%dma_wait3A_15 : memref<632x128xf32, #tpu.memory_space<vmem_shared>>)
      tpu.yield
    }) : () -> ()
    %barrier3A = arith.constant 0 : index
    tpu.barrier barrier_id(%barrier3A)
    %scan3A = arith.constant 0 : i32
    %scan3A_3 = arith.constant 0 : i32
    %scan3A_4 = arith.constant 21 : i32
    %scan3A_5 = arith.addi %scan3A_3, %scan3A_4 : i32
    %scan3A_6 = arith.constant 1 : i32
    scf.for %scan3A_12 = %scan3A_3 to %scan3A_5 step %scan3A_6  : i32 {
      %mul3A_13 = arith.constant 8 : i32
      %mul3A_14 = arith.muli %scan3A_12, %mul3A_13 : i32
      %dma_start3A = arith.constant 0 : i32
      %dma_start3A_15 = tpu.memref_slice %arg3[%arg0, %arg1, %mul3A_14, %dma_start3A] : memref<2x16x168x120xi32, #tpu.memory_space<hbm>> -> memref<1x1x8x120xi32, #tpu.memory_space<hbm>>
      %dma_start3A_16 = tpu.memref_squeeze %dma_start3A_15 : memref<1x1x8x120xi32, #tpu.memory_space<hbm>> -> memref<8x120xi32, #tpu.memory_space<hbm>>
      %dma_start3A_17 = arith.constant 0 : i32
      %dma_start3A_18 = tpu.memref_slice %arg3[%arg0, %arg1, %mul3A_14, %dma_start3A_17] : memref<2x16x168x120xi32, #tpu.memory_space<hbm>> -> memref<1x1x8x120xi32, #tpu.memory_space<hbm>>
      %dma_start3A_19 = tpu.memref_squeeze %dma_start3A_18 : memref<1x1x8x120xi32, #tpu.memory_space<hbm>> -> memref<8x120xi32, #tpu.memory_space<hbm>>
      tpu.enqueue_dma source(%dma_start3A_19 : memref<8x120xi32, #tpu.memory_space<hbm>>) target(%arg6 : memref<8x120xi32, #tpu.memory_space<vmem>>) target_semaphore(%arg17 : memref<!tpu.dma_semaphore, #tpu.memory_space<semaphore_mem>>)
      %mul3A_20 = arith.constant 8 : i32
      %mul3A_21 = arith.muli %scan3A_12, %mul3A_20 : i32
      %dma_start3A_22 = arith.constant 0 : i32
      %dma_start3A_23 = tpu.memref_slice %arg4[%arg0, %arg1, %mul3A_21, %dma_start3A_22] : memref<2x16x168x120xi32, #tpu.memory_space<hbm>> -> memref<1x1x8x120xi32, #tpu.memory_space<hbm>>
      %dma_start3A_24 = tpu.memref_squeeze %dma_start3A_23 : memref<1x1x8x120xi32, #tpu.memory_space<hbm>> -> memref<8x120xi32, #tpu.memory_space<hbm>>
      %dma_start3A_25 = arith.constant 0 : i32
      %dma_start3A_26 = tpu.memref_slice %arg4[%arg0, %arg1, %mul3A_21, %dma_start3A_25] : memref<2x16x168x120xi32, #tpu.memory_space<hbm>> -> memref<1x1x8x120xi32, #tpu.memory_space<hbm>>
      %dma_start3A_27 = tpu.memref_squeeze %dma_start3A_26 : memref<1x1x8x120xi32, #tpu.memory_space<hbm>> -> memref<8x120xi32, #tpu.memory_space<hbm>>
      tpu.enqueue_dma source(%dma_start3A_27 : memref<8x120xi32, #tpu.memory_space<hbm>>) target(%arg7 : memref<8x120xi32, #tpu.memory_space<vmem>>) target_semaphore(%arg18 : memref<!tpu.dma_semaphore, #tpu.memory_space<semaphore_mem>>)
      %dma_wait3A = arith.constant 0 : i32
      %dma_wait3A_28 = tpu.memref_slice %arg3[%arg0, %arg1, %mul3A_14, %dma_wait3A] : memref<2x16x168x120xi32, #tpu.memory_space<hbm>> -> memref<1x1x8x120xi32, #tpu.memory_space<hbm>>
      %dma_wait3A_29 = tpu.memref_squeeze %dma_wait3A_28 : memref<1x1x8x120xi32, #tpu.memory_space<hbm>> -> memref<8x120xi32, #tpu.memory_space<hbm>>
      %dma_wait3A_30 = arith.constant 0 : i32
      %dma_wait3A_31 = tpu.memref_slice %arg3[%arg0, %arg1, %mul3A_14, %dma_wait3A_30] : memref<2x16x168x120xi32, #tpu.memory_space<hbm>> -> memref<1x1x8x120xi32, #tpu.memory_space<hbm>>
      %dma_wait3A_32 = tpu.memref_squeeze %dma_wait3A_31 : memref<1x1x8x120xi32, #tpu.memory_space<hbm>> -> memref<8x120xi32, #tpu.memory_space<hbm>>
      tpu.wait_dma2 semaphore(%arg17 : memref<!tpu.dma_semaphore, #tpu.memory_space<semaphore_mem>>) src(%dma_wait3A_32 : memref<8x120xi32, #tpu.memory_space<hbm>>) dst(%arg6 : memref<8x120xi32, #tpu.memory_space<vmem>>)
      %dma_wait3A_33 = arith.constant 0 : i32
      %dma_wait3A_34 = tpu.memref_slice %arg4[%arg0, %arg1, %mul3A_21, %dma_wait3A_33] : memref<2x16x168x120xi32, #tpu.memory_space<hbm>> -> memref<1x1x8x120xi32, #tpu.memory_space<hbm>>
      %dma_wait3A_35 = tpu.memref_squeeze %dma_wait3A_34 : memref<1x1x8x120xi32, #tpu.memory_space<hbm>> -> memref<8x120xi32, #tpu.memory_space<hbm>>
      %dma_wait3A_36 = arith.constant 0 : i32
      %dma_wait3A_37 = tpu.memref_slice %arg4[%arg0, %arg1, %mul3A_21, %dma_wait3A_36] : memref<2x16x168x120xi32, #tpu.memory_space<hbm>> -> memref<1x1x8x120xi32, #tpu.memory_space<hbm>>
      %dma_wait3A_38 = tpu.memref_squeeze %dma_wait3A_37 : memref<1x1x8x120xi32, #tpu.memory_space<hbm>> -> memref<8x120xi32, #tpu.memory_space<hbm>>
      tpu.wait_dma2 semaphore(%arg18 : memref<!tpu.dma_semaphore, #tpu.memory_space<semaphore_mem>>) src(%dma_wait3A_38 : memref<8x120xi32, #tpu.memory_space<hbm>>) dst(%arg7 : memref<8x120xi32, #tpu.memory_space<vmem>>)
      %dma_start3A_39 = arith.constant 0 : i32
      %dma_start3A_40 = arith.constant 0 : i32
      %dma_start3A_41 = tpu.memref_slice %arg6[%dma_start3A_39, %dma_start3A_40] : memref<8x120xi32, #tpu.memory_space<vmem>> -> memref<1x120xi32, #tpu.memory_space<vmem>>
      %dma_start3A_42 = tpu.memref_squeeze %dma_start3A_41 : memref<1x120xi32, #tpu.memory_space<vmem>> -> memref<120xi32, #tpu.memory_space<vmem>>
      %dma_start3A_43 = arith.constant 0 : i32
      %dma_start3A_44 = arith.constant 0 : i32
      %dma_start3A_45 = tpu.memref_slice %arg2[%dma_start3A_43, %dma_start3A_44] : memref<20224x128xf32, #tpu.memory_space<hbm>> -> memref<20224x128xf32, #tpu.memory_space<hbm>>
      tpu.enqueue_indirect_dma source(%dma_start3A_45 : memref<20224x128xf32, #tpu.memory_space<hbm>>) target(%arg8 : memref<120x128xf32, #tpu.memory_space<vmem>>) offsets(%dma_start3A_42 : memref<120xi32, #tpu.memory_space<vmem>>) semaphore(%arg11 : memref<!tpu.dma_semaphore, #tpu.memory_space<semaphore_mem>>)
      %dma_start3A_46 = arith.constant 1 : i32
      %dma_start3A_47 = arith.constant 0 : i32
      %dma_start3A_48 = tpu.memref_slice %arg6[%dma_start3A_46, %dma_start3A_47] : memref<8x120xi32, #tpu.memory_space<vmem>> -> memref<1x120xi32, #tpu.memory_space<vmem>>
      %dma_start3A_49 = tpu.memref_squeeze %dma_start3A_48 : memref<1x120xi32, #tpu.memory_space<vmem>> -> memref<120xi32, #tpu.memory_space<vmem>>
      %dma_start3A_50 = arith.constant 0 : i32
      %dma_start3A_51 = arith.constant 0 : i32
      %dma_start3A_52 = tpu.memref_slice %arg2[%dma_start3A_50, %dma_start3A_51] : memref<20224x128xf32, #tpu.memory_space<hbm>> -> memref<20224x128xf32, #tpu.memory_space<hbm>>
      tpu.enqueue_indirect_dma source(%dma_start3A_52 : memref<20224x128xf32, #tpu.memory_space<hbm>>) target(%arg9 : memref<120x128xf32, #tpu.memory_space<vmem>>) offsets(%dma_start3A_49 : memref<120xi32, #tpu.memory_space<vmem>>) semaphore(%arg12 : memref<!tpu.dma_semaphore, #tpu.memory_space<semaphore_mem>>)
      %dma_start3A_53 = arith.constant 2 : i32
      %dma_start3A_54 = arith.constant 0 : i32
      %dma_start3A_55 = tpu.memref_slice %arg6[%dma_start3A_53, %dma_start3A_54] : memref<8x120xi32, #tpu.memory_space<vmem>> -> memref<1x120xi32, #tpu.memory_space<vmem>>
      %dma_start3A_56 = tpu.memref_squeeze %dma_start3A_55 : memref<1x120xi32, #tpu.memory_space<vmem>> -> memref<120xi32, #tpu.memory_space<vmem>>
      %dma_start3A_57 = arith.constant 0 : i32
      %dma_start3A_58 = arith.constant 0 : i32
      %dma_start3A_59 = tpu.memref_slice %arg2[%dma_start3A_57, %dma_start3A_58] : memref<20224x128xf32, #tpu.memory_space<hbm>> -> memref<20224x128xf32, #tpu.memory_space<hbm>>
      tpu.enqueue_indirect_dma source(%dma_start3A_59 : memref<20224x128xf32, #tpu.memory_space<hbm>>) target(%arg10 : memref<120x128xf32, #tpu.memory_space<vmem>>) offsets(%dma_start3A_56 : memref<120xi32, #tpu.memory_space<vmem>>) semaphore(%arg13 : memref<!tpu.dma_semaphore, #tpu.memory_space<semaphore_mem>>)
      %dma_wait3A_60 = arith.constant 0 : i32
      %dma_wait3A_61 = arith.constant 0 : i32
      %dma_wait3A_62 = tpu.memref_slice %arg6[%dma_wait3A_60, %dma_wait3A_61] : memref<8x120xi32, #tpu.memory_space<vmem>> -> memref<1x120xi32, #tpu.memory_space<vmem>>
      %dma_wait3A_63 = tpu.memref_squeeze %dma_wait3A_62 : memref<1x120xi32, #tpu.memory_space<vmem>> -> memref<120xi32, #tpu.memory_space<vmem>>
      %dma_wait3A_64 = arith.constant 0 : i32
      %dma_wait3A_65 = arith.constant 0 : i32
      %dma_wait3A_66 = tpu.memref_slice %arg2[%dma_wait3A_64, %dma_wait3A_65] : memref<20224x128xf32, #tpu.memory_space<hbm>> -> memref<20224x128xf32, #tpu.memory_space<hbm>>
      tpu.wait_indirect_dma semaphore(%arg11 : memref<!tpu.dma_semaphore, #tpu.memory_space<semaphore_mem>>) src(%dma_wait3A_66 : memref<20224x128xf32, #tpu.memory_space<hbm>>) dst(%arg8 : memref<120x128xf32, #tpu.memory_space<vmem>>)
      %dma_start3A_67 = arith.constant 0 : i32
      %dma_start3A_68 = arith.constant 0 : i32
      %dma_start3A_69 = tpu.memref_slice %arg7[%dma_start3A_67, %dma_start3A_68] : memref<8x120xi32, #tpu.memory_space<vmem>> -> memref<1x120xi32, #tpu.memory_space<vmem>>
      %dma_start3A_70 = tpu.memref_squeeze %dma_start3A_69 : memref<1x120xi32, #tpu.memory_space<vmem>> -> memref<120xi32, #tpu.memory_space<vmem>>
      %dma_start3A_71 = arith.constant 0 : i32
      %dma_start3A_72 = arith.constant 0 : i32
      %dma_start3A_73 = tpu.memref_slice %arg19[%dma_start3A_71, %dma_start3A_72] : memref<10112x128xf32, #tpu.memory_space<vmem_shared>> -> memref<10112x128xf32, #tpu.memory_space<vmem_shared>>
      tpu.enqueue_indirect_dma source(%arg8 : memref<120x128xf32, #tpu.memory_space<vmem>>) target(%dma_start3A_73 : memref<10112x128xf32, #tpu.memory_space<vmem_shared>>) offsets(%dma_start3A_70 : memref<120xi32, #tpu.memory_space<vmem>>) semaphore(%arg14 : memref<!tpu.dma_semaphore, #tpu.memory_space<semaphore_mem>>) {add = true}
      %dma_wait3A_74 = arith.constant 0 : i32
      %dma_wait3A_75 = arith.constant 0 : i32
      %dma_wait3A_76 = tpu.memref_slice %arg7[%dma_wait3A_74, %dma_wait3A_75] : memref<8x120xi32, #tpu.memory_space<vmem>> -> memref<1x120xi32, #tpu.memory_space<vmem>>
      %dma_wait3A_77 = tpu.memref_squeeze %dma_wait3A_76 : memref<1x120xi32, #tpu.memory_space<vmem>> -> memref<120xi32, #tpu.memory_space<vmem>>
      %dma_wait3A_78 = arith.constant 0 : i32
      %dma_wait3A_79 = arith.constant 0 : i32
      %dma_wait3A_80 = tpu.memref_slice %arg19[%dma_wait3A_78, %dma_wait3A_79] : memref<10112x128xf32, #tpu.memory_space<vmem_shared>> -> memref<10112x128xf32, #tpu.memory_space<vmem_shared>>
      tpu.wait_indirect_dma semaphore(%arg14 : memref<!tpu.dma_semaphore, #tpu.memory_space<semaphore_mem>>) src(%arg8 : memref<120x128xf32, #tpu.memory_space<vmem>>) dst(%dma_wait3A_80 : memref<10112x128xf32, #tpu.memory_space<vmem_shared>>)
      %dma_start3A_81 = arith.constant 3 : i32
      %dma_start3A_82 = arith.constant 0 : i32
      %dma_start3A_83 = tpu.memref_slice %arg6[%dma_start3A_81, %dma_start3A_82] : memref<8x120xi32, #tpu.memory_space<vmem>> -> memref<1x120xi32, #tpu.memory_space<vmem>>
      %dma_start3A_84 = tpu.memref_squeeze %dma_start3A_83 : memref<1x120xi32, #tpu.memory_space<vmem>> -> memref<120xi32, #tpu.memory_space<vmem>>
      %dma_start3A_85 = arith.constant 0 : i32
      %dma_start3A_86 = arith.constant 0 : i32
      %dma_start3A_87 = tpu.memref_slice %arg2[%dma_start3A_85, %dma_start3A_86] : memref<20224x128xf32, #tpu.memory_space<hbm>> -> memref<20224x128xf32, #tpu.memory_space<hbm>>
      tpu.enqueue_indirect_dma source(%dma_start3A_87 : memref<20224x128xf32, #tpu.memory_space<hbm>>) target(%arg8 : memref<120x128xf32, #tpu.memory_space<vmem>>) offsets(%dma_start3A_84 : memref<120xi32, #tpu.memory_space<vmem>>) semaphore(%arg11 : memref<!tpu.dma_semaphore, #tpu.memory_space<semaphore_mem>>)
      %dma_wait3A_88 = arith.constant 1 : i32
      %dma_wait3A_89 = arith.constant 0 : i32
      %dma_wait3A_90 = tpu.memref_slice %arg6[%dma_wait3A_88, %dma_wait3A_89] : memref<8x120xi32, #tpu.memory_space<vmem>> -> memref<1x120xi32, #tpu.memory_space<vmem>>
      %dma_wait3A_91 = tpu.memref_squeeze %dma_wait3A_90 : memref<1x120xi32, #tpu.memory_space<vmem>> -> memref<120xi32, #tpu.memory_space<vmem>>
      %dma_wait3A_92 = arith.constant 0 : i32
      %dma_wait3A_93 = arith.constant 0 : i32
      %dma_wait3A_94 = tpu.memref_slice %arg2[%dma_wait3A_92, %dma_wait3A_93] : memref<20224x128xf32, #tpu.memory_space<hbm>> -> memref<20224x128xf32, #tpu.memory_space<hbm>>
      tpu.wait_indirect_dma semaphore(%arg12 : memref<!tpu.dma_semaphore, #tpu.memory_space<semaphore_mem>>) src(%dma_wait3A_94 : memref<20224x128xf32, #tpu.memory_space<hbm>>) dst(%arg9 : memref<120x128xf32, #tpu.memory_space<vmem>>)
      %dma_start3A_95 = arith.constant 1 : i32
      %dma_start3A_96 = arith.constant 0 : i32
      %dma_start3A_97 = tpu.memref_slice %arg7[%dma_start3A_95, %dma_start3A_96] : memref<8x120xi32, #tpu.memory_space<vmem>> -> memref<1x120xi32, #tpu.memory_space<vmem>>
      %dma_start3A_98 = tpu.memref_squeeze %dma_start3A_97 : memref<1x120xi32, #tpu.memory_space<vmem>> -> memref<120xi32, #tpu.memory_space<vmem>>
      %dma_start3A_99 = arith.constant 0 : i32
      %dma_start3A_100 = arith.constant 0 : i32
      %dma_start3A_101 = tpu.memref_slice %arg19[%dma_start3A_99, %dma_start3A_100] : memref<10112x128xf32, #tpu.memory_space<vmem_shared>> -> memref<10112x128xf32, #tpu.memory_space<vmem_shared>>
      tpu.enqueue_indirect_dma source(%arg9 : memref<120x128xf32, #tpu.memory_space<vmem>>) target(%dma_start3A_101 : memref<10112x128xf32, #tpu.memory_space<vmem_shared>>) offsets(%dma_start3A_98 : memref<120xi32, #tpu.memory_space<vmem>>) semaphore(%arg15 : memref<!tpu.dma_semaphore, #tpu.memory_space<semaphore_mem>>) {add = true}
      %dma_wait3A_102 = arith.constant 1 : i32
      %dma_wait3A_103 = arith.constant 0 : i32
      %dma_wait3A_104 = tpu.memref_slice %arg7[%dma_wait3A_102, %dma_wait3A_103] : memref<8x120xi32, #tpu.memory_space<vmem>> -> memref<1x120xi32, #tpu.memory_space<vmem>>
      %dma_wait3A_105 = tpu.memref_squeeze %dma_wait3A_104 : memref<1x120xi32, #tpu.memory_space<vmem>> -> memref<120xi32, #tpu.memory_space<vmem>>
      %dma_wait3A_106 = arith.constant 0 : i32
      %dma_wait3A_107 = arith.constant 0 : i32
      %dma_wait3A_108 = tpu.memref_slice %arg19[%dma_wait3A_106, %dma_wait3A_107] : memref<10112x128xf32, #tpu.memory_space<vmem_shared>> -> memref<10112x128xf32, #tpu.memory_space<vmem_shared>>
      tpu.wait_indirect_dma semaphore(%arg15 : memref<!tpu.dma_semaphore, #tpu.memory_space<semaphore_mem>>) src(%arg9 : memref<120x128xf32, #tpu.memory_space<vmem>>) dst(%dma_wait3A_108 : memref<10112x128xf32, #tpu.memory_space<vmem_shared>>)
      %dma_start3A_109 = arith.constant 4 : i32
      %dma_start3A_110 = arith.constant 0 : i32
      %dma_start3A_111 = tpu.memref_slice %arg6[%dma_start3A_109, %dma_start3A_110] : memref<8x120xi32, #tpu.memory_space<vmem>> -> memref<1x120xi32, #tpu.memory_space<vmem>>
      %dma_start3A_112 = tpu.memref_squeeze %dma_start3A_111 : memref<1x120xi32, #tpu.memory_space<vmem>> -> memref<120xi32, #tpu.memory_space<vmem>>
      %dma_start3A_113 = arith.constant 0 : i32
      %dma_start3A_114 = arith.constant 0 : i32
      %dma_start3A_115 = tpu.memref_slice %arg2[%dma_start3A_113, %dma_start3A_114] : memref<20224x128xf32, #tpu.memory_space<hbm>> -> memref<20224x128xf32, #tpu.memory_space<hbm>>
      tpu.enqueue_indirect_dma source(%dma_start3A_115 : memref<20224x128xf32, #tpu.memory_space<hbm>>) target(%arg9 : memref<120x128xf32, #tpu.memory_space<vmem>>) offsets(%dma_start3A_112 : memref<120xi32, #tpu.memory_space<vmem>>) semaphore(%arg12 : memref<!tpu.dma_semaphore, #tpu.memory_space<semaphore_mem>>)
      %dma_wait3A_116 = arith.constant 2 : i32
      %dma_wait3A_117 = arith.constant 0 : i32
      %dma_wait3A_118 = tpu.memref_slice %arg6[%dma_wait3A_116, %dma_wait3A_117] : memref<8x120xi32, #tpu.memory_space<vmem>> -> memref<1x120xi32, #tpu.memory_space<vmem>>
      %dma_wait3A_119 = tpu.memref_squeeze %dma_wait3A_118 : memref<1x120xi32, #tpu.memory_space<vmem>> -> memref<120xi32, #tpu.memory_space<vmem>>
      %dma_wait3A_120 = arith.constant 0 : i32
      %dma_wait3A_121 = arith.constant 0 : i32
      %dma_wait3A_122 = tpu.memref_slice %arg2[%dma_wait3A_120, %dma_wait3A_121] : memref<20224x128xf32, #tpu.memory_space<hbm>> -> memref<20224x128xf32, #tpu.memory_space<hbm>>
      tpu.wait_indirect_dma semaphore(%arg13 : memref<!tpu.dma_semaphore, #tpu.memory_space<semaphore_mem>>) src(%dma_wait3A_122 : memref<20224x128xf32, #tpu.memory_space<hbm>>) dst(%arg10 : memref<120x128xf32, #tpu.memory_space<vmem>>)
      %dma_start3A_123 = arith.constant 2 : i32
      %dma_start3A_124 = arith.constant 0 : i32
      %dma_start3A_125 = tpu.memref_slice %arg7[%dma_start3A_123, %dma_start3A_124] : memref<8x120xi32, #tpu.memory_space<vmem>> -> memref<1x120xi32, #tpu.memory_space<vmem>>
      %dma_start3A_126 = tpu.memref_squeeze %dma_start3A_125 : memref<1x120xi32, #tpu.memory_space<vmem>> -> memref<120xi32, #tpu.memory_space<vmem>>
      %dma_start3A_127 = arith.constant 0 : i32
      %dma_start3A_128 = arith.constant 0 : i32
      %dma_start3A_129 = tpu.memref_slice %arg19[%dma_start3A_127, %dma_start3A_128] : memref<10112x128xf32, #tpu.memory_space<vmem_shared>> -> memref<10112x128xf32, #tpu.memory_space<vmem_shared>>
      tpu.enqueue_indirect_dma source(%arg10 : memref<120x128xf32, #tpu.memory_space<vmem>>) target(%dma_start3A_129 : memref<10112x128xf32, #tpu.memory_space<vmem_shared>>) offsets(%dma_start3A_126 : memref<120xi32, #tpu.memory_space<vmem>>) semaphore(%arg16 : memref<!tpu.dma_semaphore, #tpu.memory_space<semaphore_mem>>) {add = true}
      %dma_wait3A_130 = arith.constant 2 : i32
      %dma_wait3A_131 = arith.constant 0 : i32
      %dma_wait3A_132 = tpu.memref_slice %arg7[%dma_wait3A_130, %dma_wait3A_131] : memref<8x120xi32, #tpu.memory_space<vmem>> -> memref<1x120xi32, #tpu.memory_space<vmem>>
      %dma_wait3A_133 = tpu.memref_squeeze %dma_wait3A_132 : memref<1x120xi32, #tpu.memory_space<vmem>> -> memref<120xi32, #tpu.memory_space<vmem>>
      %dma_wait3A_134 = arith.constant 0 : i32
      %dma_wait3A_135 = arith.constant 0 : i32
      %dma_wait3A_136 = tpu.memref_slice %arg19[%dma_wait3A_134, %dma_wait3A_135] : memref<10112x128xf32, #tpu.memory_space<vmem_shared>> -> memref<10112x128xf32, #tpu.memory_space<vmem_shared>>
      tpu.wait_indirect_dma semaphore(%arg16 : memref<!tpu.dma_semaphore, #tpu.memory_space<semaphore_mem>>) src(%arg10 : memref<120x128xf32, #tpu.memory_space<vmem>>) dst(%dma_wait3A_136 : memref<10112x128xf32, #tpu.memory_space<vmem_shared>>)
      %dma_start3A_137 = arith.constant 5 : i32
      %dma_start3A_138 = arith.constant 0 : i32
      %dma_start3A_139 = tpu.memref_slice %arg6[%dma_start3A_137, %dma_start3A_138] : memref<8x120xi32, #tpu.memory_space<vmem>> -> memref<1x120xi32, #tpu.memory_space<vmem>>
      %dma_start3A_140 = tpu.memref_squeeze %dma_start3A_139 : memref<1x120xi32, #tpu.memory_space<vmem>> -> memref<120xi32, #tpu.memory_space<vmem>>
      %dma_start3A_141 = arith.constant 0 : i32
      %dma_start3A_142 = arith.constant 0 : i32
      %dma_start3A_143 = tpu.memref_slice %arg2[%dma_start3A_141, %dma_start3A_142] : memref<20224x128xf32, #tpu.memory_space<hbm>> -> memref<20224x128xf32, #tpu.memory_space<hbm>>
      tpu.enqueue_indirect_dma source(%dma_start3A_143 : memref<20224x128xf32, #tpu.memory_space<hbm>>) target(%arg10 : memref<120x128xf32, #tpu.memory_space<vmem>>) offsets(%dma_start3A_140 : memref<120xi32, #tpu.memory_space<vmem>>) semaphore(%arg13 : memref<!tpu.dma_semaphore, #tpu.memory_space<semaphore_mem>>)
      %dma_wait3A_144 = arith.constant 3 : i32
      %dma_wait3A_145 = arith.constant 0 : i32
      %dma_wait3A_146 = tpu.memref_slice %arg6[%dma_wait3A_144, %dma_wait3A_145] : memref<8x120xi32, #tpu.memory_space<vmem>> -> memref<1x120xi32, #tpu.memory_space<vmem>>
      %dma_wait3A_147 = tpu.memref_squeeze %dma_wait3A_146 : memref<1x120xi32, #tpu.memory_space<vmem>> -> memref<120xi32, #tpu.memory_space<vmem>>
      %dma_wait3A_148 = arith.constant 0 : i32
      %dma_wait3A_149 = arith.constant 0 : i32
      %dma_wait3A_150 = tpu.memref_slice %arg2[%dma_wait3A_148, %dma_wait3A_149] : memref<20224x128xf32, #tpu.memory_space<hbm>> -> memref<20224x128xf32, #tpu.memory_space<hbm>>
      tpu.wait_indirect_dma semaphore(%arg11 : memref<!tpu.dma_semaphore, #tpu.memory_space<semaphore_mem>>) src(%dma_wait3A_150 : memref<20224x128xf32, #tpu.memory_space<hbm>>) dst(%arg8 : memref<120x128xf32, #tpu.memory_space<vmem>>)
      %dma_start3A_151 = arith.constant 3 : i32
      %dma_start3A_152 = arith.constant 0 : i32
      %dma_start3A_153 = tpu.memref_slice %arg7[%dma_start3A_151, %dma_start3A_152] : memref<8x120xi32, #tpu.memory_space<vmem>> -> memref<1x120xi32, #tpu.memory_space<vmem>>
      %dma_start3A_154 = tpu.memref_squeeze %dma_start3A_153 : memref<1x120xi32, #tpu.memory_space<vmem>> -> memref<120xi32, #tpu.memory_space<vmem>>
      %dma_start3A_155 = arith.constant 0 : i32
      %dma_start3A_156 = arith.constant 0 : i32
      %dma_start3A_157 = tpu.memref_slice %arg19[%dma_start3A_155, %dma_start3A_156] : memref<10112x128xf32, #tpu.memory_space<vmem_shared>> -> memref<10112x128xf32, #tpu.memory_space<vmem_shared>>
      tpu.enqueue_indirect_dma source(%arg8 : memref<120x128xf32, #tpu.memory_space<vmem>>) target(%dma_start3A_157 : memref<10112x128xf32, #tpu.memory_space<vmem_shared>>) offsets(%dma_start3A_154 : memref<120xi32, #tpu.memory_space<vmem>>) semaphore(%arg14 : memref<!tpu.dma_semaphore, #tpu.memory_space<semaphore_mem>>) {add = true}
      %dma_wait3A_158 = arith.constant 3 : i32
      %dma_wait3A_159 = arith.constant 0 : i32
      %dma_wait3A_160 = tpu.memref_slice %arg7[%dma_wait3A_158, %dma_wait3A_159] : memref<8x120xi32, #tpu.memory_space<vmem>> -> memref<1x120xi32, #tpu.memory_space<vmem>>
      %dma_wait3A_161 = tpu.memref_squeeze %dma_wait3A_160 : memref<1x120xi32, #tpu.memory_space<vmem>> -> memref<120xi32, #tpu.memory_space<vmem>>
      %dma_wait3A_162 = arith.constant 0 : i32
      %dma_wait3A_163 = arith.constant 0 : i32
      %dma_wait3A_164 = tpu.memref_slice %arg19[%dma_wait3A_162, %dma_wait3A_163] : memref<10112x128xf32, #tpu.memory_space<vmem_shared>> -> memref<10112x128xf32, #tpu.memory_space<vmem_shared>>
      tpu.wait_indirect_dma semaphore(%arg14 : memref<!tpu.dma_semaphore, #tpu.memory_space<semaphore_mem>>) src(%arg8 : memref<120x128xf32, #tpu.memory_space<vmem>>) dst(%dma_wait3A_164 : memref<10112x128xf32, #tpu.memory_space<vmem_shared>>)
      %dma_start3A_165 = arith.constant 6 : i32
      %dma_start3A_166 = arith.constant 0 : i32
      %dma_start3A_167 = tpu.memref_slice %arg6[%dma_start3A_165, %dma_start3A_166] : memref<8x120xi32, #tpu.memory_space<vmem>> -> memref<1x120xi32, #tpu.memory_space<vmem>>
      %dma_start3A_168 = tpu.memref_squeeze %dma_start3A_167 : memref<1x120xi32, #tpu.memory_space<vmem>> -> memref<120xi32, #tpu.memory_space<vmem>>
      %dma_start3A_169 = arith.constant 0 : i32
      %dma_start3A_170 = arith.constant 0 : i32
      %dma_start3A_171 = tpu.memref_slice %arg2[%dma_start3A_169, %dma_start3A_170] : memref<20224x128xf32, #tpu.memory_space<hbm>> -> memref<20224x128xf32, #tpu.memory_space<hbm>>
      tpu.enqueue_indirect_dma source(%dma_start3A_171 : memref<20224x128xf32, #tpu.memory_space<hbm>>) target(%arg8 : memref<120x128xf32, #tpu.memory_space<vmem>>) offsets(%dma_start3A_168 : memref<120xi32, #tpu.memory_space<vmem>>) semaphore(%arg11 : memref<!tpu.dma_semaphore, #tpu.memory_space<semaphore_mem>>)
      %dma_wait3A_172 = arith.constant 4 : i32
      %dma_wait3A_173 = arith.constant 0 : i32
      %dma_wait3A_174 = tpu.memref_slice %arg6[%dma_wait3A_172, %dma_wait3A_173] : memref<8x120xi32, #tpu.memory_space<vmem>> -> memref<1x120xi32, #tpu.memory_space<vmem>>
      %dma_wait3A_175 = tpu.memref_squeeze %dma_wait3A_174 : memref<1x120xi32, #tpu.memory_space<vmem>> -> memref<120xi32, #tpu.memory_space<vmem>>
      %dma_wait3A_176 = arith.constant 0 : i32
      %dma_wait3A_177 = arith.constant 0 : i32
      %dma_wait3A_178 = tpu.memref_slice %arg2[%dma_wait3A_176, %dma_wait3A_177] : memref<20224x128xf32, #tpu.memory_space<hbm>> -> memref<20224x128xf32, #tpu.memory_space<hbm>>
      tpu.wait_indirect_dma semaphore(%arg12 : memref<!tpu.dma_semaphore, #tpu.memory_space<semaphore_mem>>) src(%dma_wait3A_178 : memref<20224x128xf32, #tpu.memory_space<hbm>>) dst(%arg9 : memref<120x128xf32, #tpu.memory_space<vmem>>)
      %dma_start3A_179 = arith.constant 4 : i32
      %dma_start3A_180 = arith.constant 0 : i32
      %dma_start3A_181 = tpu.memref_slice %arg7[%dma_start3A_179, %dma_start3A_180] : memref<8x120xi32, #tpu.memory_space<vmem>> -> memref<1x120xi32, #tpu.memory_space<vmem>>
      %dma_start3A_182 = tpu.memref_squeeze %dma_start3A_181 : memref<1x120xi32, #tpu.memory_space<vmem>> -> memref<120xi32, #tpu.memory_space<vmem>>
      %dma_start3A_183 = arith.constant 0 : i32
      %dma_start3A_184 = arith.constant 0 : i32
      %dma_start3A_185 = tpu.memref_slice %arg19[%dma_start3A_183, %dma_start3A_184] : memref<10112x128xf32, #tpu.memory_space<vmem_shared>> -> memref<10112x128xf32, #tpu.memory_space<vmem_shared>>
      tpu.enqueue_indirect_dma source(%arg9 : memref<120x128xf32, #tpu.memory_space<vmem>>) target(%dma_start3A_185 : memref<10112x128xf32, #tpu.memory_space<vmem_shared>>) offsets(%dma_start3A_182 : memref<120xi32, #tpu.memory_space<vmem>>) semaphore(%arg15 : memref<!tpu.dma_semaphore, #tpu.memory_space<semaphore_mem>>) {add = true}
      %dma_wait3A_186 = arith.constant 4 : i32
      %dma_wait3A_187 = arith.constant 0 : i32
      %dma_wait3A_188 = tpu.memref_slice %arg7[%dma_wait3A_186, %dma_wait3A_187] : memref<8x120xi32, #tpu.memory_space<vmem>> -> memref<1x120xi32, #tpu.memory_space<vmem>>
      %dma_wait3A_189 = tpu.memref_squeeze %dma_wait3A_188 : memref<1x120xi32, #tpu.memory_space<vmem>> -> memref<120xi32, #tpu.memory_space<vmem>>
      %dma_wait3A_190 = arith.constant 0 : i32
      %dma_wait3A_191 = arith.constant 0 : i32
      %dma_wait3A_192 = tpu.memref_slice %arg19[%dma_wait3A_190, %dma_wait3A_191] : memref<10112x128xf32, #tpu.memory_space<vmem_shared>> -> memref<10112x128xf32, #tpu.memory_space<vmem_shared>>
      tpu.wait_indirect_dma semaphore(%arg15 : memref<!tpu.dma_semaphore, #tpu.memory_space<semaphore_mem>>) src(%arg9 : memref<120x128xf32, #tpu.memory_space<vmem>>) dst(%dma_wait3A_192 : memref<10112x128xf32, #tpu.memory_space<vmem_shared>>)
      %dma_start3A_193 = arith.constant 7 : i32
      %dma_start3A_194 = arith.constant 0 : i32
      %dma_start3A_195 = tpu.memref_slice %arg6[%dma_start3A_193, %dma_start3A_194] : memref<8x120xi32, #tpu.memory_space<vmem>> -> memref<1x120xi32, #tpu.memory_space<vmem>>
      %dma_start3A_196 = tpu.memref_squeeze %dma_start3A_195 : memref<1x120xi32, #tpu.memory_space<vmem>> -> memref<120xi32, #tpu.memory_space<vmem>>
      %dma_start3A_197 = arith.constant 0 : i32
      %dma_start3A_198 = arith.constant 0 : i32
      %dma_start3A_199 = tpu.memref_slice %arg2[%dma_start3A_197, %dma_start3A_198] : memref<20224x128xf32, #tpu.memory_space<hbm>> -> memref<20224x128xf32, #tpu.memory_space<hbm>>
      tpu.enqueue_indirect_dma source(%dma_start3A_199 : memref<20224x128xf32, #tpu.memory_space<hbm>>) target(%arg9 : memref<120x128xf32, #tpu.memory_space<vmem>>) offsets(%dma_start3A_196 : memref<120xi32, #tpu.memory_space<vmem>>) semaphore(%arg12 : memref<!tpu.dma_semaphore, #tpu.memory_space<semaphore_mem>>)
      %dma_wait3A_200 = arith.constant 5 : i32
      %dma_wait3A_201 = arith.constant 0 : i32
      %dma_wait3A_202 = tpu.memref_slice %arg6[%dma_wait3A_200, %dma_wait3A_201] : memref<8x120xi32, #tpu.memory_space<vmem>> -> memref<1x120xi32, #tpu.memory_space<vmem>>
      %dma_wait3A_203 = tpu.memref_squeeze %dma_wait3A_202 : memref<1x120xi32, #tpu.memory_space<vmem>> -> memref<120xi32, #tpu.memory_space<vmem>>
      %dma_wait3A_204 = arith.constant 0 : i32
      %dma_wait3A_205 = arith.constant 0 : i32
      %dma_wait3A_206 = tpu.memref_slice %arg2[%dma_wait3A_204, %dma_wait3A_205] : memref<20224x128xf32, #tpu.memory_space<hbm>> -> memref<20224x128xf32, #tpu.memory_space<hbm>>
      tpu.wait_indirect_dma semaphore(%arg13 : memref<!tpu.dma_semaphore, #tpu.memory_space<semaphore_mem>>) src(%dma_wait3A_206 : memref<20224x128xf32, #tpu.memory_space<hbm>>) dst(%arg10 : memref<120x128xf32, #tpu.memory_space<vmem>>)
      %dma_start3A_207 = arith.constant 5 : i32
      %dma_start3A_208 = arith.constant 0 : i32
      %dma_start3A_209 = tpu.memref_slice %arg7[%dma_start3A_207, %dma_start3A_208] : memref<8x120xi32, #tpu.memory_space<vmem>> -> memref<1x120xi32, #tpu.memory_space<vmem>>
      %dma_start3A_210 = tpu.memref_squeeze %dma_start3A_209 : memref<1x120xi32, #tpu.memory_space<vmem>> -> memref<120xi32, #tpu.memory_space<vmem>>
      %dma_start3A_211 = arith.constant 0 : i32
      %dma_start3A_212 = arith.constant 0 : i32
      %dma_start3A_213 = tpu.memref_slice %arg19[%dma_start3A_211, %dma_start3A_212] : memref<10112x128xf32, #tpu.memory_space<vmem_shared>> -> memref<10112x128xf32, #tpu.memory_space<vmem_shared>>
      tpu.enqueue_indirect_dma source(%arg10 : memref<120x128xf32, #tpu.memory_space<vmem>>) target(%dma_start3A_213 : memref<10112x128xf32, #tpu.memory_space<vmem_shared>>) offsets(%dma_start3A_210 : memref<120xi32, #tpu.memory_space<vmem>>) semaphore(%arg16 : memref<!tpu.dma_semaphore, #tpu.memory_space<semaphore_mem>>) {add = true}
      %dma_wait3A_214 = arith.constant 6 : i32
      %dma_wait3A_215 = arith.constant 0 : i32
      %dma_wait3A_216 = tpu.memref_slice %arg6[%dma_wait3A_214, %dma_wait3A_215] : memref<8x120xi32, #tpu.memory_space<vmem>> -> memref<1x120xi32, #tpu.memory_space<vmem>>
      %dma_wait3A_217 = tpu.memref_squeeze %dma_wait3A_216 : memref<1x120xi32, #tpu.memory_space<vmem>> -> memref<120xi32, #tpu.memory_space<vmem>>
      %dma_wait3A_218 = arith.constant 0 : i32
      %dma_wait3A_219 = arith.constant 0 : i32
      %dma_wait3A_220 = tpu.memref_slice %arg2[%dma_wait3A_218, %dma_wait3A_219] : memref<20224x128xf32, #tpu.memory_space<hbm>> -> memref<20224x128xf32, #tpu.memory_space<hbm>>
      tpu.wait_indirect_dma semaphore(%arg11 : memref<!tpu.dma_semaphore, #tpu.memory_space<semaphore_mem>>) src(%dma_wait3A_220 : memref<20224x128xf32, #tpu.memory_space<hbm>>) dst(%arg8 : memref<120x128xf32, #tpu.memory_space<vmem>>)
      %dma_start3A_221 = arith.constant 6 : i32
      %dma_start3A_222 = arith.constant 0 : i32
      %dma_start3A_223 = tpu.memref_slice %arg7[%dma_start3A_221, %dma_start3A_222] : memref<8x120xi32, #tpu.memory_space<vmem>> -> memref<1x120xi32, #tpu.memory_space<vmem>>
      %dma_start3A_224 = tpu.memref_squeeze %dma_start3A_223 : memref<1x120xi32, #tpu.memory_space<vmem>> -> memref<120xi32, #tpu.memory_space<vmem>>
      %dma_start3A_225 = arith.constant 0 : i32
      %dma_start3A_226 = arith.constant 0 : i32
      %dma_start3A_227 = tpu.memref_slice %arg19[%dma_start3A_225, %dma_start3A_226] : memref<10112x128xf32, #tpu.memory_space<vmem_shared>> -> memref<10112x128xf32, #tpu.memory_space<vmem_shared>>
      tpu.enqueue_indirect_dma source(%arg8 : memref<120x128xf32, #tpu.memory_space<vmem>>) target(%dma_start3A_227 : memref<10112x128xf32, #tpu.memory_space<vmem_shared>>) offsets(%dma_start3A_224 : memref<120xi32, #tpu.memory_space<vmem>>) semaphore(%arg14 : memref<!tpu.dma_semaphore, #tpu.memory_space<semaphore_mem>>) {add = true}
      %dma_wait3A_228 = arith.constant 7 : i32
      %dma_wait3A_229 = arith.constant 0 : i32
      %dma_wait3A_230 = tpu.memref_slice %arg6[%dma_wait3A_228, %dma_wait3A_229] : memref<8x120xi32, #tpu.memory_space<vmem>> -> memref<1x120xi32, #tpu.memory_space<vmem>>
      %dma_wait3A_231 = tpu.memref_squeeze %dma_wait3A_230 : memref<1x120xi32, #tpu.memory_space<vmem>> -> memref<120xi32, #tpu.memory_space<vmem>>
      %dma_wait3A_232 = arith.constant 0 : i32
      %dma_wait3A_233 = arith.constant 0 : i32
      %dma_wait3A_234 = tpu.memref_slice %arg2[%dma_wait3A_232, %dma_wait3A_233] : memref<20224x128xf32, #tpu.memory_space<hbm>> -> memref<20224x128xf32, #tpu.memory_space<hbm>>
      tpu.wait_indirect_dma semaphore(%arg12 : memref<!tpu.dma_semaphore, #tpu.memory_space<semaphore_mem>>) src(%dma_wait3A_234 : memref<20224x128xf32, #tpu.memory_space<hbm>>) dst(%arg9 : memref<120x128xf32, #tpu.memory_space<vmem>>)
      %dma_start3A_235 = arith.constant 7 : i32
      %dma_start3A_236 = arith.constant 0 : i32
      %dma_start3A_237 = tpu.memref_slice %arg7[%dma_start3A_235, %dma_start3A_236] : memref<8x120xi32, #tpu.memory_space<vmem>> -> memref<1x120xi32, #tpu.memory_space<vmem>>
      %dma_start3A_238 = tpu.memref_squeeze %dma_start3A_237 : memref<1x120xi32, #tpu.memory_space<vmem>> -> memref<120xi32, #tpu.memory_space<vmem>>
      %dma_start3A_239 = arith.constant 0 : i32
      %dma_start3A_240 = arith.constant 0 : i32
      %dma_start3A_241 = tpu.memref_slice %arg19[%dma_start3A_239, %dma_start3A_240] : memref<10112x128xf32, #tpu.memory_space<vmem_shared>> -> memref<10112x128xf32, #tpu.memory_space<vmem_shared>>
      tpu.enqueue_indirect_dma source(%arg9 : memref<120x128xf32, #tpu.memory_space<vmem>>) target(%dma_start3A_241 : memref<10112x128xf32, #tpu.memory_space<vmem_shared>>) offsets(%dma_start3A_238 : memref<120xi32, #tpu.memory_space<vmem>>) semaphore(%arg15 : memref<!tpu.dma_semaphore, #tpu.memory_space<semaphore_mem>>) {add = true}
      %dma_wait3A_242 = arith.constant 6 : i32
      %dma_wait3A_243 = arith.constant 0 : i32
      %dma_wait3A_244 = tpu.memref_slice %arg7[%dma_wait3A_242, %dma_wait3A_243] : memref<8x120xi32, #tpu.memory_space<vmem>> -> memref<1x120xi32, #tpu.memory_space<vmem>>
      %dma_wait3A_245 = tpu.memref_squeeze %dma_wait3A_244 : memref<1x120xi32, #tpu.memory_space<vmem>> -> memref<120xi32, #tpu.memory_space<vmem>>
      %dma_wait3A_246 = arith.constant 0 : i32
      %dma_wait3A_247 = arith.constant 0 : i32
      %dma_wait3A_248 = tpu.memref_slice %arg19[%dma_wait3A_246, %dma_wait3A_247] : memref<10112x128xf32, #tpu.memory_space<vmem_shared>> -> memref<10112x128xf32, #tpu.memory_space<vmem_shared>>
      tpu.wait_indirect_dma semaphore(%arg14 : memref<!tpu.dma_semaphore, #tpu.memory_space<semaphore_mem>>) src(%arg8 : memref<120x128xf32, #tpu.memory_space<vmem>>) dst(%dma_wait3A_248 : memref<10112x128xf32, #tpu.memory_space<vmem_shared>>)
      %dma_wait3A_249 = arith.constant 7 : i32
      %dma_wait3A_250 = arith.constant 0 : i32
      %dma_wait3A_251 = tpu.memref_slice %arg7[%dma_wait3A_249, %dma_wait3A_250] : memref<8x120xi32, #tpu.memory_space<vmem>> -> memref<1x120xi32, #tpu.memory_space<vmem>>
      %dma_wait3A_252 = tpu.memref_squeeze %dma_wait3A_251 : memref<1x120xi32, #tpu.memory_space<vmem>> -> memref<120xi32, #tpu.memory_space<vmem>>
      %dma_wait3A_253 = arith.constant 0 : i32
      %dma_wait3A_254 = arith.constant 0 : i32
      %dma_wait3A_255 = tpu.memref_slice %arg19[%dma_wait3A_253, %dma_wait3A_254] : memref<10112x128xf32, #tpu.memory_space<vmem_shared>> -> memref<10112x128xf32, #tpu.memory_space<vmem_shared>>
      tpu.wait_indirect_dma semaphore(%arg15 : memref<!tpu.dma_semaphore, #tpu.memory_space<semaphore_mem>>) src(%arg9 : memref<120x128xf32, #tpu.memory_space<vmem>>) dst(%dma_wait3A_255 : memref<10112x128xf32, #tpu.memory_space<vmem_shared>>)
      %dma_wait3A_256 = arith.constant 5 : i32
      %dma_wait3A_257 = arith.constant 0 : i32
      %dma_wait3A_258 = tpu.memref_slice %arg7[%dma_wait3A_256, %dma_wait3A_257] : memref<8x120xi32, #tpu.memory_space<vmem>> -> memref<1x120xi32, #tpu.memory_space<vmem>>
      %dma_wait3A_259 = tpu.memref_squeeze %dma_wait3A_258 : memref<1x120xi32, #tpu.memory_space<vmem>> -> memref<120xi32, #tpu.memory_space<vmem>>
      %dma_wait3A_260 = arith.constant 0 : i32
      %dma_wait3A_261 = arith.constant 0 : i32
      %dma_wait3A_262 = tpu.memref_slice %arg19[%dma_wait3A_260, %dma_wait3A_261] : memref<10112x128xf32, #tpu.memory_space<vmem_shared>> -> memref<10112x128xf32, #tpu.memory_space<vmem_shared>>
      tpu.wait_indirect_dma semaphore(%arg16 : memref<!tpu.dma_semaphore, #tpu.memory_space<semaphore_mem>>) src(%arg10 : memref<120x128xf32, #tpu.memory_space<vmem>>) dst(%dma_wait3A_262 : memref<10112x128xf32, #tpu.memory_space<vmem_shared>>)
    }
    %scan3A_7 = arith.constant 21 : i32
    %barrier3A_8 = arith.constant 0 : index
    tpu.barrier barrier_id(%barrier3A_8)
    %mul3A_9 = arith.constant 10112 : i32
    %mul3A_10 = arith.muli %arg0, %mul3A_9 : i32
    %add3A_11 = arith.addi %mul3A_10, %mul3A_0 : i32
    "tpu.region"() ({
      %run_scoped3A = tpu.sem_alloc : memref<!tpu.dma_semaphore, #tpu.memory_space<semaphore_mem>>
      %dma_start3A = arith.constant 0 : i32
      %dma_start3A_12 = tpu.memref_slice %arg5[%add3A_11, %dma_start3A] : memref<20224x128xf32, #tpu.memory_space<hbm>> -> memref<632x128xf32, #tpu.memory_space<hbm>>
      %dma_start3A_13 = arith.constant 0 : i32
      %dma_start3A_14 = tpu.memref_slice %arg19[%mul3A_0, %dma_start3A_13] : memref<10112x128xf32, #tpu.memory_space<vmem_shared>> -> memref<632x128xf32, #tpu.memory_space<vmem_shared>>
      tpu.enqueue_dma source(%dma_start3A_14 : memref<632x128xf32, #tpu.memory_space<vmem_shared>>) target(%dma_start3A_12 : memref<632x128xf32, #tpu.memory_space<hbm>>) target_semaphore(%run_scoped3A : memref<!tpu.dma_semaphore, #tpu.memory_space<semaphore_mem>>)
      %dma_wait3A = arith.constant 0 : i32
      %dma_wait3A_15 = tpu.memref_slice %arg5[%add3A_11, %dma_wait3A] : memref<20224x128xf32, #tpu.memory_space<hbm>> -> memref<632x128xf32, #tpu.memory_space<hbm>>
      %dma_wait3A_16 = arith.constant 0 : i32
      %dma_wait3A_17 = tpu.memref_slice %arg19[%mul3A_0, %dma_wait3A_16] : memref<10112x128xf32, #tpu.memory_space<vmem_shared>> -> memref<632x128xf32, #tpu.memory_space<vmem_shared>>
      tpu.wait_dma2 semaphore(%run_scoped3A : memref<!tpu.dma_semaphore, #tpu.memory_space<semaphore_mem>>) src(%dma_wait3A_17 : memref<632x128xf32, #tpu.memory_space<vmem_shared>>) dst(%dma_wait3A_15 : memref<632x128xf32, #tpu.memory_space<hbm>>)
      tpu.yield
    }) : () -> ()
    return
  }
}

#map = affine_map<(d0, d1) -> (0, 0)>
#map1 = affine_map<(d0, d1) -> (0, 0, 0, 0)>
module attributes {stable_mosaic.version = 14 : i64} {
  func.func @body(%arg0: i32, %arg1: i32, %arg2: memref<20224x128xf32, #tpu.memory_space<hbm>>, %arg3: memref<2x16x168x120xi32, #tpu.memory_space<hbm>>, %arg4: memref<2x16x168x120xi32, #tpu.memory_space<hbm>>, %arg5: memref<20224x128xf32, #tpu.memory_space<hbm>>, %arg6: memref<8x120xi32, #tpu.memory_space<vmem>>, %arg7: memref<8x120xi32, #tpu.memory_space<vmem>>, %arg8: memref<120x128xf32, #tpu.memory_space<vmem>>, %arg9: memref<120x128xf32, #tpu.memory_space<vmem>>, %arg10: memref<120x128xf32, #tpu.memory_space<vmem>>, %arg11: memref<!tpu.dma_semaphore, #tpu.memory_space<semaphore_mem>>, %arg12: memref<!tpu.dma_semaphore, #tpu.memory_space<semaphore_mem>>, %arg13: memref<!tpu.dma_semaphore, #tpu.memory_space<semaphore_mem>>, %arg14: memref<!tpu.dma_semaphore, #tpu.memory_space<semaphore_mem>>, %arg15: memref<!tpu.dma_semaphore, #tpu.memory_space<semaphore_mem>>, %arg16: memref<!tpu.dma_semaphore, #tpu.memory_space<semaphore_mem>>, %arg17: memref<!tpu.dma_semaphore, #tpu.memory_space<semaphore_mem>>, %arg18: memref<!tpu.dma_semaphore, #tpu.memory_space<semaphore_mem>>, %arg19: memref<10112x128xf32, #tpu.memory_space<vmem_shared>>) attributes {dimension_semantics = [#tpu.dimension_semantics<core_parallel>, #tpu.dimension_semantics<subcore_parallel>], iteration_bounds = array<i64: 2, 16>, scalar_prefetch = 0 : i64, scratch_operands = 14 : i64, tpu.core_type = #tpu.core_type<sc_vector_subcore>, window_params = [{transform_indices = #map}, {transform_indices = #map1}, {transform_indices = #map1}, {transform_indices = #map}]} {
    %mul3A = arith.constant 632 : i32
    %mul3A_0 = arith.muli %arg1, %mul3A : i32
    %mul3A_1 = arith.constant 10112 : i32
    %mul3A_2 = arith.muli %arg0, %mul3A_1 : i32
    %add3A = arith.addi %mul3A_2, %mul3A_0 : i32
    "tpu.region"() ({
      %run_scoped3A = tpu.sem_alloc : memref<!tpu.dma_semaphore, #tpu.memory_space<semaphore_mem>>
      %dma_start3A = arith.constant 0 : i32
      %dma_start3A_12 = tpu.memref_slice %arg19[%mul3A_0, %dma_start3A] : memref<10112x128xf32, #tpu.memory_space<vmem_shared>> -> memref<632x128xf32, #tpu.memory_space<vmem_shared>>
      %dma_start3A_13 = arith.constant 0 : i32
      %dma_start3A_14 = tpu.memref_slice %arg2[%add3A, %dma_start3A_13] : memref<20224x128xf32, #tpu.memory_space<hbm>> -> memref<632x128xf32, #tpu.memory_space<hbm>>
      tpu.enqueue_dma source(%dma_start3A_14 : memref<632x128xf32, #tpu.memory_space<hbm>>) target(%dma_start3A_12 : memref<632x128xf32, #tpu.memory_space<vmem_shared>>) target_semaphore(%run_scoped3A : memref<!tpu.dma_semaphore, #tpu.memory_space<semaphore_mem>>)
      %dma_wait3A = arith.constant 0 : i32
      %dma_wait3A_15 = tpu.memref_slice %arg19[%mul3A_0, %dma_wait3A] : memref<10112x128xf32, #tpu.memory_space<vmem_shared>> -> memref<632x128xf32, #tpu.memory_space<vmem_shared>>
      %dma_wait3A_16 = arith.constant 0 : i32
      %dma_wait3A_17 = tpu.memref_slice %arg2[%add3A, %dma_wait3A_16] : memref<20224x128xf32, #tpu.memory_space<hbm>> -> memref<632x128xf32, #tpu.memory_space<hbm>>
      tpu.wait_dma2 semaphore(%run_scoped3A : memref<!tpu.dma_semaphore, #tpu.memory_space<semaphore_mem>>) src(%dma_wait3A_17 : memref<632x128xf32, #tpu.memory_space<hbm>>) dst(%dma_wait3A_15 : memref<632x128xf32, #tpu.memory_space<vmem_shared>>)
      tpu.yield
    }) : () -> ()
    %barrier3A = arith.constant 0 : index
    tpu.barrier barrier_id(%barrier3A)
    %scan3A = arith.constant 0 : i32
    %scan3A_3 = arith.constant 0 : i32
    %scan3A_4 = arith.constant 21 : i32
    %scan3A_5 = arith.addi %scan3A_3, %scan3A_4 : i32
    %scan3A_6 = arith.constant 1 : i32
    scf.for %scan3A_12 = %scan3A_3 to %scan3A_5 step %scan3A_6  : i32 {
      %mul3A_13 = arith.constant 8 : i32
      %mul3A_14 = arith.muli %scan3A_12, %mul3A_13 : i32
      %dma_start3A = arith.constant 0 : i32
      %dma_start3A_15 = tpu.memref_slice %arg3[%arg0, %arg1, %mul3A_14, %dma_start3A] : memref<2x16x168x120xi32, #tpu.memory_space<hbm>> -> memref<1x1x8x120xi32, #tpu.memory_space<hbm>>
      %dma_start3A_16 = tpu.memref_squeeze %dma_start3A_15 : memref<1x1x8x120xi32, #tpu.memory_space<hbm>> -> memref<8x120xi32, #tpu.memory_space<hbm>>
      %dma_start3A_17 = arith.constant 0 : i32
      %dma_start3A_18 = tpu.memref_slice %arg3[%arg0, %arg1, %mul3A_14, %dma_start3A_17] : memref<2x16x168x120xi32, #tpu.memory_space<hbm>> -> memref<1x1x8x120xi32, #tpu.memory_space<hbm>>
      %dma_start3A_19 = tpu.memref_squeeze %dma_start3A_18 : memref<1x1x8x120xi32, #tpu.memory_space<hbm>> -> memref<8x120xi32, #tpu.memory_space<hbm>>
      tpu.enqueue_dma source(%dma_start3A_19 : memref<8x120xi32, #tpu.memory_space<hbm>>) target(%arg6 : memref<8x120xi32, #tpu.memory_space<vmem>>) target_semaphore(%arg17 : memref<!tpu.dma_semaphore, #tpu.memory_space<semaphore_mem>>)
      %mul3A_20 = arith.constant 8 : i32
      %mul3A_21 = arith.muli %scan3A_12, %mul3A_20 : i32
      %dma_start3A_22 = arith.constant 0 : i32
      %dma_start3A_23 = tpu.memref_slice %arg4[%arg0, %arg1, %mul3A_21, %dma_start3A_22] : memref<2x16x168x120xi32, #tpu.memory_space<hbm>> -> memref<1x1x8x120xi32, #tpu.memory_space<hbm>>
      %dma_start3A_24 = tpu.memref_squeeze %dma_start3A_23 : memref<1x1x8x120xi32, #tpu.memory_space<hbm>> -> memref<8x120xi32, #tpu.memory_space<hbm>>
      %dma_start3A_25 = arith.constant 0 : i32
      %dma_start3A_26 = tpu.memref_slice %arg4[%arg0, %arg1, %mul3A_21, %dma_start3A_25] : memref<2x16x168x120xi32, #tpu.memory_space<hbm>> -> memref<1x1x8x120xi32, #tpu.memory_space<hbm>>
      %dma_start3A_27 = tpu.memref_squeeze %dma_start3A_26 : memref<1x1x8x120xi32, #tpu.memory_space<hbm>> -> memref<8x120xi32, #tpu.memory_space<hbm>>
      tpu.enqueue_dma source(%dma_start3A_27 : memref<8x120xi32, #tpu.memory_space<hbm>>) target(%arg7 : memref<8x120xi32, #tpu.memory_space<vmem>>) target_semaphore(%arg18 : memref<!tpu.dma_semaphore, #tpu.memory_space<semaphore_mem>>)
      %dma_wait3A = arith.constant 0 : i32
      %dma_wait3A_28 = tpu.memref_slice %arg3[%arg0, %arg1, %mul3A_14, %dma_wait3A] : memref<2x16x168x120xi32, #tpu.memory_space<hbm>> -> memref<1x1x8x120xi32, #tpu.memory_space<hbm>>
      %dma_wait3A_29 = tpu.memref_squeeze %dma_wait3A_28 : memref<1x1x8x120xi32, #tpu.memory_space<hbm>> -> memref<8x120xi32, #tpu.memory_space<hbm>>
      %dma_wait3A_30 = arith.constant 0 : i32
      %dma_wait3A_31 = tpu.memref_slice %arg3[%arg0, %arg1, %mul3A_14, %dma_wait3A_30] : memref<2x16x168x120xi32, #tpu.memory_space<hbm>> -> memref<1x1x8x120xi32, #tpu.memory_space<hbm>>
      %dma_wait3A_32 = tpu.memref_squeeze %dma_wait3A_31 : memref<1x1x8x120xi32, #tpu.memory_space<hbm>> -> memref<8x120xi32, #tpu.memory_space<hbm>>
      tpu.wait_dma2 semaphore(%arg17 : memref<!tpu.dma_semaphore, #tpu.memory_space<semaphore_mem>>) src(%dma_wait3A_32 : memref<8x120xi32, #tpu.memory_space<hbm>>) dst(%arg6 : memref<8x120xi32, #tpu.memory_space<vmem>>)
      %dma_wait3A_33 = arith.constant 0 : i32
      %dma_wait3A_34 = tpu.memref_slice %arg4[%arg0, %arg1, %mul3A_21, %dma_wait3A_33] : memref<2x16x168x120xi32, #tpu.memory_space<hbm>> -> memref<1x1x8x120xi32, #tpu.memory_space<hbm>>
      %dma_wait3A_35 = tpu.memref_squeeze %dma_wait3A_34 : memref<1x1x8x120xi32, #tpu.memory_space<hbm>> -> memref<8x120xi32, #tpu.memory_space<hbm>>
      %dma_wait3A_36 = arith.constant 0 : i32
      %dma_wait3A_37 = tpu.memref_slice %arg4[%arg0, %arg1, %mul3A_21, %dma_wait3A_36] : memref<2x16x168x120xi32, #tpu.memory_space<hbm>> -> memref<1x1x8x120xi32, #tpu.memory_space<hbm>>
      %dma_wait3A_38 = tpu.memref_squeeze %dma_wait3A_37 : memref<1x1x8x120xi32, #tpu.memory_space<hbm>> -> memref<8x120xi32, #tpu.memory_space<hbm>>
      tpu.wait_dma2 semaphore(%arg18 : memref<!tpu.dma_semaphore, #tpu.memory_space<semaphore_mem>>) src(%dma_wait3A_38 : memref<8x120xi32, #tpu.memory_space<hbm>>) dst(%arg7 : memref<8x120xi32, #tpu.memory_space<vmem>>)
      %dma_start3A_39 = arith.constant 0 : i32
      %dma_start3A_40 = arith.constant 0 : i32
      %dma_start3A_41 = tpu.memref_slice %arg6[%dma_start3A_39, %dma_start3A_40] : memref<8x120xi32, #tpu.memory_space<vmem>> -> memref<1x120xi32, #tpu.memory_space<vmem>>
      %dma_start3A_42 = tpu.memref_squeeze %dma_start3A_41 : memref<1x120xi32, #tpu.memory_space<vmem>> -> memref<120xi32, #tpu.memory_space<vmem>>
      %dma_start3A_43 = arith.constant 0 : i32
      %dma_start3A_44 = arith.constant 0 : i32
      %dma_start3A_45 = tpu.memref_slice %arg2[%dma_start3A_43, %dma_start3A_44] : memref<20224x128xf32, #tpu.memory_space<hbm>> -> memref<20224x128xf32, #tpu.memory_space<hbm>>
      tpu.enqueue_indirect_dma source(%dma_start3A_45 : memref<20224x128xf32, #tpu.memory_space<hbm>>) target(%arg8 : memref<120x128xf32, #tpu.memory_space<vmem>>) offsets(%dma_start3A_42 : memref<120xi32, #tpu.memory_space<vmem>>) semaphore(%arg11 : memref<!tpu.dma_semaphore, #tpu.memory_space<semaphore_mem>>)
      %dma_start3A_46 = arith.constant 1 : i32
      %dma_start3A_47 = arith.constant 0 : i32
      %dma_start3A_48 = tpu.memref_slice %arg6[%dma_start3A_46, %dma_start3A_47] : memref<8x120xi32, #tpu.memory_space<vmem>> -> memref<1x120xi32, #tpu.memory_space<vmem>>
      %dma_start3A_49 = tpu.memref_squeeze %dma_start3A_48 : memref<1x120xi32, #tpu.memory_space<vmem>> -> memref<120xi32, #tpu.memory_space<vmem>>
      %dma_start3A_50 = arith.constant 0 : i32
      %dma_start3A_51 = arith.constant 0 : i32
      %dma_start3A_52 = tpu.memref_slice %arg2[%dma_start3A_50, %dma_start3A_51] : memref<20224x128xf32, #tpu.memory_space<hbm>> -> memref<20224x128xf32, #tpu.memory_space<hbm>>
      tpu.enqueue_indirect_dma source(%dma_start3A_52 : memref<20224x128xf32, #tpu.memory_space<hbm>>) target(%arg9 : memref<120x128xf32, #tpu.memory_space<vmem>>) offsets(%dma_start3A_49 : memref<120xi32, #tpu.memory_space<vmem>>) semaphore(%arg12 : memref<!tpu.dma_semaphore, #tpu.memory_space<semaphore_mem>>)
      %dma_start3A_53 = arith.constant 2 : i32
      %dma_start3A_54 = arith.constant 0 : i32
      %dma_start3A_55 = tpu.memref_slice %arg6[%dma_start3A_53, %dma_start3A_54] : memref<8x120xi32, #tpu.memory_space<vmem>> -> memref<1x120xi32, #tpu.memory_space<vmem>>
      %dma_start3A_56 = tpu.memref_squeeze %dma_start3A_55 : memref<1x120xi32, #tpu.memory_space<vmem>> -> memref<120xi32, #tpu.memory_space<vmem>>
      %dma_start3A_57 = arith.constant 0 : i32
      %dma_start3A_58 = arith.constant 0 : i32
      %dma_start3A_59 = tpu.memref_slice %arg2[%dma_start3A_57, %dma_start3A_58] : memref<20224x128xf32, #tpu.memory_space<hbm>> -> memref<20224x128xf32, #tpu.memory_space<hbm>>
      tpu.enqueue_indirect_dma source(%dma_start3A_59 : memref<20224x128xf32, #tpu.memory_space<hbm>>) target(%arg10 : memref<120x128xf32, #tpu.memory_space<vmem>>) offsets(%dma_start3A_56 : memref<120xi32, #tpu.memory_space<vmem>>) semaphore(%arg13 : memref<!tpu.dma_semaphore, #tpu.memory_space<semaphore_mem>>)
      %dma_wait3A_60 = arith.constant 0 : i32
      %dma_wait3A_61 = arith.constant 0 : i32
      %dma_wait3A_62 = tpu.memref_slice %arg6[%dma_wait3A_60, %dma_wait3A_61] : memref<8x120xi32, #tpu.memory_space<vmem>> -> memref<1x120xi32, #tpu.memory_space<vmem>>
      %dma_wait3A_63 = tpu.memref_squeeze %dma_wait3A_62 : memref<1x120xi32, #tpu.memory_space<vmem>> -> memref<120xi32, #tpu.memory_space<vmem>>
      %dma_wait3A_64 = arith.constant 0 : i32
      %dma_wait3A_65 = arith.constant 0 : i32
      %dma_wait3A_66 = tpu.memref_slice %arg2[%dma_wait3A_64, %dma_wait3A_65] : memref<20224x128xf32, #tpu.memory_space<hbm>> -> memref<20224x128xf32, #tpu.memory_space<hbm>>
      tpu.wait_indirect_dma semaphore(%arg11 : memref<!tpu.dma_semaphore, #tpu.memory_space<semaphore_mem>>) src(%dma_wait3A_66 : memref<20224x128xf32, #tpu.memory_space<hbm>>) dst(%arg8 : memref<120x128xf32, #tpu.memory_space<vmem>>)
      %dma_start3A_67 = arith.constant 0 : i32
      %dma_start3A_68 = arith.constant 0 : i32
      %dma_start3A_69 = tpu.memref_slice %arg7[%dma_start3A_67, %dma_start3A_68] : memref<8x120xi32, #tpu.memory_space<vmem>> -> memref<1x120xi32, #tpu.memory_space<vmem>>
      %dma_start3A_70 = tpu.memref_squeeze %dma_start3A_69 : memref<1x120xi32, #tpu.memory_space<vmem>> -> memref<120xi32, #tpu.memory_space<vmem>>
      %dma_start3A_71 = arith.constant 0 : i32
      %dma_start3A_72 = arith.constant 0 : i32
      %dma_start3A_73 = tpu.memref_slice %arg19[%dma_start3A_71, %dma_start3A_72] : memref<10112x128xf32, #tpu.memory_space<vmem_shared>> -> memref<10112x128xf32, #tpu.memory_space<vmem_shared>>
      tpu.enqueue_indirect_dma source(%arg8 : memref<120x128xf32, #tpu.memory_space<vmem>>) target(%dma_start3A_73 : memref<10112x128xf32, #tpu.memory_space<vmem_shared>>) offsets(%dma_start3A_70 : memref<120xi32, #tpu.memory_space<vmem>>) semaphore(%arg14 : memref<!tpu.dma_semaphore, #tpu.memory_space<semaphore_mem>>) {add = true}
      %dma_wait3A_74 = arith.constant 0 : i32
      %dma_wait3A_75 = arith.constant 0 : i32
      %dma_wait3A_76 = tpu.memref_slice %arg7[%dma_wait3A_74, %dma_wait3A_75] : memref<8x120xi32, #tpu.memory_space<vmem>> -> memref<1x120xi32, #tpu.memory_space<vmem>>
      %dma_wait3A_77 = tpu.memref_squeeze %dma_wait3A_76 : memref<1x120xi32, #tpu.memory_space<vmem>> -> memref<120xi32, #tpu.memory_space<vmem>>
      %dma_wait3A_78 = arith.constant 0 : i32
      %dma_wait3A_79 = arith.constant 0 : i32
      %dma_wait3A_80 = tpu.memref_slice %arg19[%dma_wait3A_78, %dma_wait3A_79] : memref<10112x128xf32, #tpu.memory_space<vmem_shared>> -> memref<10112x128xf32, #tpu.memory_space<vmem_shared>>
      tpu.wait_indirect_dma semaphore(%arg14 : memref<!tpu.dma_semaphore, #tpu.memory_space<semaphore_mem>>) src(%arg8 : memref<120x128xf32, #tpu.memory_space<vmem>>) dst(%dma_wait3A_80 : memref<10112x128xf32, #tpu.memory_space<vmem_shared>>)
      %dma_start3A_81 = arith.constant 3 : i32
      %dma_start3A_82 = arith.constant 0 : i32
      %dma_start3A_83 = tpu.memref_slice %arg6[%dma_start3A_81, %dma_start3A_82] : memref<8x120xi32, #tpu.memory_space<vmem>> -> memref<1x120xi32, #tpu.memory_space<vmem>>
      %dma_start3A_84 = tpu.memref_squeeze %dma_start3A_83 : memref<1x120xi32, #tpu.memory_space<vmem>> -> memref<120xi32, #tpu.memory_space<vmem>>
      %dma_start3A_85 = arith.constant 0 : i32
      %dma_start3A_86 = arith.constant 0 : i32
      %dma_start3A_87 = tpu.memref_slice %arg2[%dma_start3A_85, %dma_start3A_86] : memref<20224x128xf32, #tpu.memory_space<hbm>> -> memref<20224x128xf32, #tpu.memory_space<hbm>>
      tpu.enqueue_indirect_dma source(%dma_start3A_87 : memref<20224x128xf32, #tpu.memory_space<hbm>>) target(%arg8 : memref<120x128xf32, #tpu.memory_space<vmem>>) offsets(%dma_start3A_84 : memref<120xi32, #tpu.memory_space<vmem>>) semaphore(%arg11 : memref<!tpu.dma_semaphore, #tpu.memory_space<semaphore_mem>>)
      %dma_wait3A_88 = arith.constant 1 : i32
      %dma_wait3A_89 = arith.constant 0 : i32
      %dma_wait3A_90 = tpu.memref_slice %arg6[%dma_wait3A_88, %dma_wait3A_89] : memref<8x120xi32, #tpu.memory_space<vmem>> -> memref<1x120xi32, #tpu.memory_space<vmem>>
      %dma_wait3A_91 = tpu.memref_squeeze %dma_wait3A_90 : memref<1x120xi32, #tpu.memory_space<vmem>> -> memref<120xi32, #tpu.memory_space<vmem>>
      %dma_wait3A_92 = arith.constant 0 : i32
      %dma_wait3A_93 = arith.constant 0 : i32
      %dma_wait3A_94 = tpu.memref_slice %arg2[%dma_wait3A_92, %dma_wait3A_93] : memref<20224x128xf32, #tpu.memory_space<hbm>> -> memref<20224x128xf32, #tpu.memory_space<hbm>>
      tpu.wait_indirect_dma semaphore(%arg12 : memref<!tpu.dma_semaphore, #tpu.memory_space<semaphore_mem>>) src(%dma_wait3A_94 : memref<20224x128xf32, #tpu.memory_space<hbm>>) dst(%arg9 : memref<120x128xf32, #tpu.memory_space<vmem>>)
      %dma_start3A_95 = arith.constant 1 : i32
      %dma_start3A_96 = arith.constant 0 : i32
      %dma_start3A_97 = tpu.memref_slice %arg7[%dma_start3A_95, %dma_start3A_96] : memref<8x120xi32, #tpu.memory_space<vmem>> -> memref<1x120xi32, #tpu.memory_space<vmem>>
      %dma_start3A_98 = tpu.memref_squeeze %dma_start3A_97 : memref<1x120xi32, #tpu.memory_space<vmem>> -> memref<120xi32, #tpu.memory_space<vmem>>
      %dma_start3A_99 = arith.constant 0 : i32
      %dma_start3A_100 = arith.constant 0 : i32
      %dma_start3A_101 = tpu.memref_slice %arg19[%dma_start3A_99, %dma_start3A_100] : memref<10112x128xf32, #tpu.memory_space<vmem_shared>> -> memref<10112x128xf32, #tpu.memory_space<vmem_shared>>
      tpu.enqueue_indirect_dma source(%arg9 : memref<120x128xf32, #tpu.memory_space<vmem>>) target(%dma_start3A_101 : memref<10112x128xf32, #tpu.memory_space<vmem_shared>>) offsets(%dma_start3A_98 : memref<120xi32, #tpu.memory_space<vmem>>) semaphore(%arg15 : memref<!tpu.dma_semaphore, #tpu.memory_space<semaphore_mem>>) {add = true}
      %dma_wait3A_102 = arith.constant 1 : i32
      %dma_wait3A_103 = arith.constant 0 : i32
      %dma_wait3A_104 = tpu.memref_slice %arg7[%dma_wait3A_102, %dma_wait3A_103] : memref<8x120xi32, #tpu.memory_space<vmem>> -> memref<1x120xi32, #tpu.memory_space<vmem>>
      %dma_wait3A_105 = tpu.memref_squeeze %dma_wait3A_104 : memref<1x120xi32, #tpu.memory_space<vmem>> -> memref<120xi32, #tpu.memory_space<vmem>>
      %dma_wait3A_106 = arith.constant 0 : i32
      %dma_wait3A_107 = arith.constant 0 : i32
      %dma_wait3A_108 = tpu.memref_slice %arg19[%dma_wait3A_106, %dma_wait3A_107] : memref<10112x128xf32, #tpu.memory_space<vmem_shared>> -> memref<10112x128xf32, #tpu.memory_space<vmem_shared>>
      tpu.wait_indirect_dma semaphore(%arg15 : memref<!tpu.dma_semaphore, #tpu.memory_space<semaphore_mem>>) src(%arg9 : memref<120x128xf32, #tpu.memory_space<vmem>>) dst(%dma_wait3A_108 : memref<10112x128xf32, #tpu.memory_space<vmem_shared>>)
      %dma_start3A_109 = arith.constant 4 : i32
      %dma_start3A_110 = arith.constant 0 : i32
      %dma_start3A_111 = tpu.memref_slice %arg6[%dma_start3A_109, %dma_start3A_110] : memref<8x120xi32, #tpu.memory_space<vmem>> -> memref<1x120xi32, #tpu.memory_space<vmem>>
      %dma_start3A_112 = tpu.memref_squeeze %dma_start3A_111 : memref<1x120xi32, #tpu.memory_space<vmem>> -> memref<120xi32, #tpu.memory_space<vmem>>
      %dma_start3A_113 = arith.constant 0 : i32
      %dma_start3A_114 = arith.constant 0 : i32
      %dma_start3A_115 = tpu.memref_slice %arg2[%dma_start3A_113, %dma_start3A_114] : memref<20224x128xf32, #tpu.memory_space<hbm>> -> memref<20224x128xf32, #tpu.memory_space<hbm>>
      tpu.enqueue_indirect_dma source(%dma_start3A_115 : memref<20224x128xf32, #tpu.memory_space<hbm>>) target(%arg9 : memref<120x128xf32, #tpu.memory_space<vmem>>) offsets(%dma_start3A_112 : memref<120xi32, #tpu.memory_space<vmem>>) semaphore(%arg12 : memref<!tpu.dma_semaphore, #tpu.memory_space<semaphore_mem>>)
      %dma_wait3A_116 = arith.constant 2 : i32
      %dma_wait3A_117 = arith.constant 0 : i32
      %dma_wait3A_118 = tpu.memref_slice %arg6[%dma_wait3A_116, %dma_wait3A_117] : memref<8x120xi32, #tpu.memory_space<vmem>> -> memref<1x120xi32, #tpu.memory_space<vmem>>
      %dma_wait3A_119 = tpu.memref_squeeze %dma_wait3A_118 : memref<1x120xi32, #tpu.memory_space<vmem>> -> memref<120xi32, #tpu.memory_space<vmem>>
      %dma_wait3A_120 = arith.constant 0 : i32
      %dma_wait3A_121 = arith.constant 0 : i32
      %dma_wait3A_122 = tpu.memref_slice %arg2[%dma_wait3A_120, %dma_wait3A_121] : memref<20224x128xf32, #tpu.memory_space<hbm>> -> memref<20224x128xf32, #tpu.memory_space<hbm>>
      tpu.wait_indirect_dma semaphore(%arg13 : memref<!tpu.dma_semaphore, #tpu.memory_space<semaphore_mem>>) src(%dma_wait3A_122 : memref<20224x128xf32, #tpu.memory_space<hbm>>) dst(%arg10 : memref<120x128xf32, #tpu.memory_space<vmem>>)
      %dma_start3A_123 = arith.constant 2 : i32
      %dma_start3A_124 = arith.constant 0 : i32
      %dma_start3A_125 = tpu.memref_slice %arg7[%dma_start3A_123, %dma_start3A_124] : memref<8x120xi32, #tpu.memory_space<vmem>> -> memref<1x120xi32, #tpu.memory_space<vmem>>
      %dma_start3A_126 = tpu.memref_squeeze %dma_start3A_125 : memref<1x120xi32, #tpu.memory_space<vmem>> -> memref<120xi32, #tpu.memory_space<vmem>>
      %dma_start3A_127 = arith.constant 0 : i32
      %dma_start3A_128 = arith.constant 0 : i32
      %dma_start3A_129 = tpu.memref_slice %arg19[%dma_start3A_127, %dma_start3A_128] : memref<10112x128xf32, #tpu.memory_space<vmem_shared>> -> memref<10112x128xf32, #tpu.memory_space<vmem_shared>>
      tpu.enqueue_indirect_dma source(%arg10 : memref<120x128xf32, #tpu.memory_space<vmem>>) target(%dma_start3A_129 : memref<10112x128xf32, #tpu.memory_space<vmem_shared>>) offsets(%dma_start3A_126 : memref<120xi32, #tpu.memory_space<vmem>>) semaphore(%arg16 : memref<!tpu.dma_semaphore, #tpu.memory_space<semaphore_mem>>) {add = true}
      %dma_wait3A_130 = arith.constant 2 : i32
      %dma_wait3A_131 = arith.constant 0 : i32
      %dma_wait3A_132 = tpu.memref_slice %arg7[%dma_wait3A_130, %dma_wait3A_131] : memref<8x120xi32, #tpu.memory_space<vmem>> -> memref<1x120xi32, #tpu.memory_space<vmem>>
      %dma_wait3A_133 = tpu.memref_squeeze %dma_wait3A_132 : memref<1x120xi32, #tpu.memory_space<vmem>> -> memref<120xi32, #tpu.memory_space<vmem>>
      %dma_wait3A_134 = arith.constant 0 : i32
      %dma_wait3A_135 = arith.constant 0 : i32
      %dma_wait3A_136 = tpu.memref_slice %arg19[%dma_wait3A_134, %dma_wait3A_135] : memref<10112x128xf32, #tpu.memory_space<vmem_shared>> -> memref<10112x128xf32, #tpu.memory_space<vmem_shared>>
      tpu.wait_indirect_dma semaphore(%arg16 : memref<!tpu.dma_semaphore, #tpu.memory_space<semaphore_mem>>) src(%arg10 : memref<120x128xf32, #tpu.memory_space<vmem>>) dst(%dma_wait3A_136 : memref<10112x128xf32, #tpu.memory_space<vmem_shared>>)
      %dma_start3A_137 = arith.constant 5 : i32
      %dma_start3A_138 = arith.constant 0 : i32
      %dma_start3A_139 = tpu.memref_slice %arg6[%dma_start3A_137, %dma_start3A_138] : memref<8x120xi32, #tpu.memory_space<vmem>> -> memref<1x120xi32, #tpu.memory_space<vmem>>
      %dma_start3A_140 = tpu.memref_squeeze %dma_start3A_139 : memref<1x120xi32, #tpu.memory_space<vmem>> -> memref<120xi32, #tpu.memory_space<vmem>>
      %dma_start3A_141 = arith.constant 0 : i32
      %dma_start3A_142 = arith.constant 0 : i32
      %dma_start3A_143 = tpu.memref_slice %arg2[%dma_start3A_141, %dma_start3A_142] : memref<20224x128xf32, #tpu.memory_space<hbm>> -> memref<20224x128xf32, #tpu.memory_space<hbm>>
      tpu.enqueue_indirect_dma source(%dma_start3A_143 : memref<20224x128xf32, #tpu.memory_space<hbm>>) target(%arg10 : memref<120x128xf32, #tpu.memory_space<vmem>>) offsets(%dma_start3A_140 : memref<120xi32, #tpu.memory_space<vmem>>) semaphore(%arg13 : memref<!tpu.dma_semaphore, #tpu.memory_space<semaphore_mem>>)
      %dma_wait3A_144 = arith.constant 3 : i32
      %dma_wait3A_145 = arith.constant 0 : i32
      %dma_wait3A_146 = tpu.memref_slice %arg6[%dma_wait3A_144, %dma_wait3A_145] : memref<8x120xi32, #tpu.memory_space<vmem>> -> memref<1x120xi32, #tpu.memory_space<vmem>>
      %dma_wait3A_147 = tpu.memref_squeeze %dma_wait3A_146 : memref<1x120xi32, #tpu.memory_space<vmem>> -> memref<120xi32, #tpu.memory_space<vmem>>
      %dma_wait3A_148 = arith.constant 0 : i32
      %dma_wait3A_149 = arith.constant 0 : i32
      %dma_wait3A_150 = tpu.memref_slice %arg2[%dma_wait3A_148, %dma_wait3A_149] : memref<20224x128xf32, #tpu.memory_space<hbm>> -> memref<20224x128xf32, #tpu.memory_space<hbm>>
      tpu.wait_indirect_dma semaphore(%arg11 : memref<!tpu.dma_semaphore, #tpu.memory_space<semaphore_mem>>) src(%dma_wait3A_150 : memref<20224x128xf32, #tpu.memory_space<hbm>>) dst(%arg8 : memref<120x128xf32, #tpu.memory_space<vmem>>)
      %dma_start3A_151 = arith.constant 3 : i32
      %dma_start3A_152 = arith.constant 0 : i32
      %dma_start3A_153 = tpu.memref_slice %arg7[%dma_start3A_151, %dma_start3A_152] : memref<8x120xi32, #tpu.memory_space<vmem>> -> memref<1x120xi32, #tpu.memory_space<vmem>>
      %dma_start3A_154 = tpu.memref_squeeze %dma_start3A_153 : memref<1x120xi32, #tpu.memory_space<vmem>> -> memref<120xi32, #tpu.memory_space<vmem>>
      %dma_start3A_155 = arith.constant 0 : i32
      %dma_start3A_156 = arith.constant 0 : i32
      %dma_start3A_157 = tpu.memref_slice %arg19[%dma_start3A_155, %dma_start3A_156] : memref<10112x128xf32, #tpu.memory_space<vmem_shared>> -> memref<10112x128xf32, #tpu.memory_space<vmem_shared>>
      tpu.enqueue_indirect_dma source(%arg8 : memref<120x128xf32, #tpu.memory_space<vmem>>) target(%dma_start3A_157 : memref<10112x128xf32, #tpu.memory_space<vmem_shared>>) offsets(%dma_start3A_154 : memref<120xi32, #tpu.memory_space<vmem>>) semaphore(%arg14 : memref<!tpu.dma_semaphore, #tpu.memory_space<semaphore_mem>>) {add = true}
      %dma_wait3A_158 = arith.constant 3 : i32
      %dma_wait3A_159 = arith.constant 0 : i32
      %dma_wait3A_160 = tpu.memref_slice %arg7[%dma_wait3A_158, %dma_wait3A_159] : memref<8x120xi32, #tpu.memory_space<vmem>> -> memref<1x120xi32, #tpu.memory_space<vmem>>
      %dma_wait3A_161 = tpu.memref_squeeze %dma_wait3A_160 : memref<1x120xi32, #tpu.memory_space<vmem>> -> memref<120xi32, #tpu.memory_space<vmem>>
      %dma_wait3A_162 = arith.constant 0 : i32
      %dma_wait3A_163 = arith.constant 0 : i32
      %dma_wait3A_164 = tpu.memref_slice %arg19[%dma_wait3A_162, %dma_wait3A_163] : memref<10112x128xf32, #tpu.memory_space<vmem_shared>> -> memref<10112x128xf32, #tpu.memory_space<vmem_shared>>
      tpu.wait_indirect_dma semaphore(%arg14 : memref<!tpu.dma_semaphore, #tpu.memory_space<semaphore_mem>>) src(%arg8 : memref<120x128xf32, #tpu.memory_space<vmem>>) dst(%dma_wait3A_164 : memref<10112x128xf32, #tpu.memory_space<vmem_shared>>)
      %dma_start3A_165 = arith.constant 6 : i32
      %dma_start3A_166 = arith.constant 0 : i32
      %dma_start3A_167 = tpu.memref_slice %arg6[%dma_start3A_165, %dma_start3A_166] : memref<8x120xi32, #tpu.memory_space<vmem>> -> memref<1x120xi32, #tpu.memory_space<vmem>>
      %dma_start3A_168 = tpu.memref_squeeze %dma_start3A_167 : memref<1x120xi32, #tpu.memory_space<vmem>> -> memref<120xi32, #tpu.memory_space<vmem>>
      %dma_start3A_169 = arith.constant 0 : i32
      %dma_start3A_170 = arith.constant 0 : i32
      %dma_start3A_171 = tpu.memref_slice %arg2[%dma_start3A_169, %dma_start3A_170] : memref<20224x128xf32, #tpu.memory_space<hbm>> -> memref<20224x128xf32, #tpu.memory_space<hbm>>
      tpu.enqueue_indirect_dma source(%dma_start3A_171 : memref<20224x128xf32, #tpu.memory_space<hbm>>) target(%arg8 : memref<120x128xf32, #tpu.memory_space<vmem>>) offsets(%dma_start3A_168 : memref<120xi32, #tpu.memory_space<vmem>>) semaphore(%arg11 : memref<!tpu.dma_semaphore, #tpu.memory_space<semaphore_mem>>)
      %dma_wait3A_172 = arith.constant 4 : i32
      %dma_wait3A_173 = arith.constant 0 : i32
      %dma_wait3A_174 = tpu.memref_slice %arg6[%dma_wait3A_172, %dma_wait3A_173] : memref<8x120xi32, #tpu.memory_space<vmem>> -> memref<1x120xi32, #tpu.memory_space<vmem>>
      %dma_wait3A_175 = tpu.memref_squeeze %dma_wait3A_174 : memref<1x120xi32, #tpu.memory_space<vmem>> -> memref<120xi32, #tpu.memory_space<vmem>>
      %dma_wait3A_176 = arith.constant 0 : i32
      %dma_wait3A_177 = arith.constant 0 : i32
      %dma_wait3A_178 = tpu.memref_slice %arg2[%dma_wait3A_176, %dma_wait3A_177] : memref<20224x128xf32, #tpu.memory_space<hbm>> -> memref<20224x128xf32, #tpu.memory_space<hbm>>
      tpu.wait_indirect_dma semaphore(%arg12 : memref<!tpu.dma_semaphore, #tpu.memory_space<semaphore_mem>>) src(%dma_wait3A_178 : memref<20224x128xf32, #tpu.memory_space<hbm>>) dst(%arg9 : memref<120x128xf32, #tpu.memory_space<vmem>>)
      %dma_start3A_179 = arith.constant 4 : i32
      %dma_start3A_180 = arith.constant 0 : i32
      %dma_start3A_181 = tpu.memref_slice %arg7[%dma_start3A_179, %dma_start3A_180] : memref<8x120xi32, #tpu.memory_space<vmem>> -> memref<1x120xi32, #tpu.memory_space<vmem>>
      %dma_start3A_182 = tpu.memref_squeeze %dma_start3A_181 : memref<1x120xi32, #tpu.memory_space<vmem>> -> memref<120xi32, #tpu.memory_space<vmem>>
      %dma_start3A_183 = arith.constant 0 : i32
      %dma_start3A_184 = arith.constant 0 : i32
      %dma_start3A_185 = tpu.memref_slice %arg19[%dma_start3A_183, %dma_start3A_184] : memref<10112x128xf32, #tpu.memory_space<vmem_shared>> -> memref<10112x128xf32, #tpu.memory_space<vmem_shared>>
      tpu.enqueue_indirect_dma source(%arg9 : memref<120x128xf32, #tpu.memory_space<vmem>>) target(%dma_start3A_185 : memref<10112x128xf32, #tpu.memory_space<vmem_shared>>) offsets(%dma_start3A_182 : memref<120xi32, #tpu.memory_space<vmem>>) semaphore(%arg15 : memref<!tpu.dma_semaphore, #tpu.memory_space<semaphore_mem>>) {add = true}
      %dma_wait3A_186 = arith.constant 4 : i32
      %dma_wait3A_187 = arith.constant 0 : i32
      %dma_wait3A_188 = tpu.memref_slice %arg7[%dma_wait3A_186, %dma_wait3A_187] : memref<8x120xi32, #tpu.memory_space<vmem>> -> memref<1x120xi32, #tpu.memory_space<vmem>>
      %dma_wait3A_189 = tpu.memref_squeeze %dma_wait3A_188 : memref<1x120xi32, #tpu.memory_space<vmem>> -> memref<120xi32, #tpu.memory_space<vmem>>
      %dma_wait3A_190 = arith.constant 0 : i32
      %dma_wait3A_191 = arith.constant 0 : i32
      %dma_wait3A_192 = tpu.memref_slice %arg19[%dma_wait3A_190, %dma_wait3A_191] : memref<10112x128xf32, #tpu.memory_space<vmem_shared>> -> memref<10112x128xf32, #tpu.memory_space<vmem_shared>>
      tpu.wait_indirect_dma semaphore(%arg15 : memref<!tpu.dma_semaphore, #tpu.memory_space<semaphore_mem>>) src(%arg9 : memref<120x128xf32, #tpu.memory_space<vmem>>) dst(%dma_wait3A_192 : memref<10112x128xf32, #tpu.memory_space<vmem_shared>>)
      %dma_start3A_193 = arith.constant 7 : i32
      %dma_start3A_194 = arith.constant 0 : i32
      %dma_start3A_195 = tpu.memref_slice %arg6[%dma_start3A_193, %dma_start3A_194] : memref<8x120xi32, #tpu.memory_space<vmem>> -> memref<1x120xi32, #tpu.memory_space<vmem>>
      %dma_start3A_196 = tpu.memref_squeeze %dma_start3A_195 : memref<1x120xi32, #tpu.memory_space<vmem>> -> memref<120xi32, #tpu.memory_space<vmem>>
      %dma_start3A_197 = arith.constant 0 : i32
      %dma_start3A_198 = arith.constant 0 : i32
      %dma_start3A_199 = tpu.memref_slice %arg2[%dma_start3A_197, %dma_start3A_198] : memref<20224x128xf32, #tpu.memory_space<hbm>> -> memref<20224x128xf32, #tpu.memory_space<hbm>>
      tpu.enqueue_indirect_dma source(%dma_start3A_199 : memref<20224x128xf32, #tpu.memory_space<hbm>>) target(%arg9 : memref<120x128xf32, #tpu.memory_space<vmem>>) offsets(%dma_start3A_196 : memref<120xi32, #tpu.memory_space<vmem>>) semaphore(%arg12 : memref<!tpu.dma_semaphore, #tpu.memory_space<semaphore_mem>>)
      %dma_wait3A_200 = arith.constant 5 : i32
      %dma_wait3A_201 = arith.constant 0 : i32
      %dma_wait3A_202 = tpu.memref_slice %arg6[%dma_wait3A_200, %dma_wait3A_201] : memref<8x120xi32, #tpu.memory_space<vmem>> -> memref<1x120xi32, #tpu.memory_space<vmem>>
      %dma_wait3A_203 = tpu.memref_squeeze %dma_wait3A_202 : memref<1x120xi32, #tpu.memory_space<vmem>> -> memref<120xi32, #tpu.memory_space<vmem>>
      %dma_wait3A_204 = arith.constant 0 : i32
      %dma_wait3A_205 = arith.constant 0 : i32
      %dma_wait3A_206 = tpu.memref_slice %arg2[%dma_wait3A_204, %dma_wait3A_205] : memref<20224x128xf32, #tpu.memory_space<hbm>> -> memref<20224x128xf32, #tpu.memory_space<hbm>>
      tpu.wait_indirect_dma semaphore(%arg13 : memref<!tpu.dma_semaphore, #tpu.memory_space<semaphore_mem>>) src(%dma_wait3A_206 : memref<20224x128xf32, #tpu.memory_space<hbm>>) dst(%arg10 : memref<120x128xf32, #tpu.memory_space<vmem>>)
      %dma_start3A_207 = arith.constant 5 : i32
      %dma_start3A_208 = arith.constant 0 : i32
      %dma_start3A_209 = tpu.memref_slice %arg7[%dma_start3A_207, %dma_start3A_208] : memref<8x120xi32, #tpu.memory_space<vmem>> -> memref<1x120xi32, #tpu.memory_space<vmem>>
      %dma_start3A_210 = tpu.memref_squeeze %dma_start3A_209 : memref<1x120xi32, #tpu.memory_space<vmem>> -> memref<120xi32, #tpu.memory_space<vmem>>
      %dma_start3A_211 = arith.constant 0 : i32
      %dma_start3A_212 = arith.constant 0 : i32
      %dma_start3A_213 = tpu.memref_slice %arg19[%dma_start3A_211, %dma_start3A_212] : memref<10112x128xf32, #tpu.memory_space<vmem_shared>> -> memref<10112x128xf32, #tpu.memory_space<vmem_shared>>
      tpu.enqueue_indirect_dma source(%arg10 : memref<120x128xf32, #tpu.memory_space<vmem>>) target(%dma_start3A_213 : memref<10112x128xf32, #tpu.memory_space<vmem_shared>>) offsets(%dma_start3A_210 : memref<120xi32, #tpu.memory_space<vmem>>) semaphore(%arg16 : memref<!tpu.dma_semaphore, #tpu.memory_space<semaphore_mem>>) {add = true}
      %dma_wait3A_214 = arith.constant 6 : i32
      %dma_wait3A_215 = arith.constant 0 : i32
      %dma_wait3A_216 = tpu.memref_slice %arg6[%dma_wait3A_214, %dma_wait3A_215] : memref<8x120xi32, #tpu.memory_space<vmem>> -> memref<1x120xi32, #tpu.memory_space<vmem>>
      %dma_wait3A_217 = tpu.memref_squeeze %dma_wait3A_216 : memref<1x120xi32, #tpu.memory_space<vmem>> -> memref<120xi32, #tpu.memory_space<vmem>>
      %dma_wait3A_218 = arith.constant 0 : i32
      %dma_wait3A_219 = arith.constant 0 : i32
      %dma_wait3A_220 = tpu.memref_slice %arg2[%dma_wait3A_218, %dma_wait3A_219] : memref<20224x128xf32, #tpu.memory_space<hbm>> -> memref<20224x128xf32, #tpu.memory_space<hbm>>
      tpu.wait_indirect_dma semaphore(%arg11 : memref<!tpu.dma_semaphore, #tpu.memory_space<semaphore_mem>>) src(%dma_wait3A_220 : memref<20224x128xf32, #tpu.memory_space<hbm>>) dst(%arg8 : memref<120x128xf32, #tpu.memory_space<vmem>>)
      %dma_start3A_221 = arith.constant 6 : i32
      %dma_start3A_222 = arith.constant 0 : i32
      %dma_start3A_223 = tpu.memref_slice %arg7[%dma_start3A_221, %dma_start3A_222] : memref<8x120xi32, #tpu.memory_space<vmem>> -> memref<1x120xi32, #tpu.memory_space<vmem>>
      %dma_start3A_224 = tpu.memref_squeeze %dma_start3A_223 : memref<1x120xi32, #tpu.memory_space<vmem>> -> memref<120xi32, #tpu.memory_space<vmem>>
      %dma_start3A_225 = arith.constant 0 : i32
      %dma_start3A_226 = arith.constant 0 : i32
      %dma_start3A_227 = tpu.memref_slice %arg19[%dma_start3A_225, %dma_start3A_226] : memref<10112x128xf32, #tpu.memory_space<vmem_shared>> -> memref<10112x128xf32, #tpu.memory_space<vmem_shared>>
      tpu.enqueue_indirect_dma source(%arg8 : memref<120x128xf32, #tpu.memory_space<vmem>>) target(%dma_start3A_227 : memref<10112x128xf32, #tpu.memory_space<vmem_shared>>) offsets(%dma_start3A_224 : memref<120xi32, #tpu.memory_space<vmem>>) semaphore(%arg14 : memref<!tpu.dma_semaphore, #tpu.memory_space<semaphore_mem>>) {add = true}
      %dma_wait3A_228 = arith.constant 7 : i32
      %dma_wait3A_229 = arith.constant 0 : i32
      %dma_wait3A_230 = tpu.memref_slice %arg6[%dma_wait3A_228, %dma_wait3A_229] : memref<8x120xi32, #tpu.memory_space<vmem>> -> memref<1x120xi32, #tpu.memory_space<vmem>>
      %dma_wait3A_231 = tpu.memref_squeeze %dma_wait3A_230 : memref<1x120xi32, #tpu.memory_space<vmem>> -> memref<120xi32, #tpu.memory_space<vmem>>
      %dma_wait3A_232 = arith.constant 0 : i32
      %dma_wait3A_233 = arith.constant 0 : i32
      %dma_wait3A_234 = tpu.memref_slice %arg2[%dma_wait3A_232, %dma_wait3A_233] : memref<20224x128xf32, #tpu.memory_space<hbm>> -> memref<20224x128xf32, #tpu.memory_space<hbm>>
      tpu.wait_indirect_dma semaphore(%arg12 : memref<!tpu.dma_semaphore, #tpu.memory_space<semaphore_mem>>) src(%dma_wait3A_234 : memref<20224x128xf32, #tpu.memory_space<hbm>>) dst(%arg9 : memref<120x128xf32, #tpu.memory_space<vmem>>)
      %dma_start3A_235 = arith.constant 7 : i32
      %dma_start3A_236 = arith.constant 0 : i32
      %dma_start3A_237 = tpu.memref_slice %arg7[%dma_start3A_235, %dma_start3A_236] : memref<8x120xi32, #tpu.memory_space<vmem>> -> memref<1x120xi32, #tpu.memory_space<vmem>>
      %dma_start3A_238 = tpu.memref_squeeze %dma_start3A_237 : memref<1x120xi32, #tpu.memory_space<vmem>> -> memref<120xi32, #tpu.memory_space<vmem>>
      %dma_start3A_239 = arith.constant 0 : i32
      %dma_start3A_240 = arith.constant 0 : i32
      %dma_start3A_241 = tpu.memref_slice %arg19[%dma_start3A_239, %dma_start3A_240] : memref<10112x128xf32, #tpu.memory_space<vmem_shared>> -> memref<10112x128xf32, #tpu.memory_space<vmem_shared>>
      tpu.enqueue_indirect_dma source(%arg9 : memref<120x128xf32, #tpu.memory_space<vmem>>) target(%dma_start3A_241 : memref<10112x128xf32, #tpu.memory_space<vmem_shared>>) offsets(%dma_start3A_238 : memref<120xi32, #tpu.memory_space<vmem>>) semaphore(%arg15 : memref<!tpu.dma_semaphore, #tpu.memory_space<semaphore_mem>>) {add = true}
      %dma_wait3A_242 = arith.constant 6 : i32
      %dma_wait3A_243 = arith.constant 0 : i32
      %dma_wait3A_244 = tpu.memref_slice %arg7[%dma_wait3A_242, %dma_wait3A_243] : memref<8x120xi32, #tpu.memory_space<vmem>> -> memref<1x120xi32, #tpu.memory_space<vmem>>
      %dma_wait3A_245 = tpu.memref_squeeze %dma_wait3A_244 : memref<1x120xi32, #tpu.memory_space<vmem>> -> memref<120xi32, #tpu.memory_space<vmem>>
      %dma_wait3A_246 = arith.constant 0 : i32
      %dma_wait3A_247 = arith.constant 0 : i32
      %dma_wait3A_248 = tpu.memref_slice %arg19[%dma_wait3A_246, %dma_wait3A_247] : memref<10112x128xf32, #tpu.memory_space<vmem_shared>> -> memref<10112x128xf32, #tpu.memory_space<vmem_shared>>
      tpu.wait_indirect_dma semaphore(%arg14 : memref<!tpu.dma_semaphore, #tpu.memory_space<semaphore_mem>>) src(%arg8 : memref<120x128xf32, #tpu.memory_space<vmem>>) dst(%dma_wait3A_248 : memref<10112x128xf32, #tpu.memory_space<vmem_shared>>)
      %dma_wait3A_249 = arith.constant 7 : i32
      %dma_wait3A_250 = arith.constant 0 : i32
      %dma_wait3A_251 = tpu.memref_slice %arg7[%dma_wait3A_249, %dma_wait3A_250] : memref<8x120xi32, #tpu.memory_space<vmem>> -> memref<1x120xi32, #tpu.memory_space<vmem>>
      %dma_wait3A_252 = tpu.memref_squeeze %dma_wait3A_251 : memref<1x120xi32, #tpu.memory_space<vmem>> -> memref<120xi32, #tpu.memory_space<vmem>>
      %dma_wait3A_253 = arith.constant 0 : i32
      %dma_wait3A_254 = arith.constant 0 : i32
      %dma_wait3A_255 = tpu.memref_slice %arg19[%dma_wait3A_253, %dma_wait3A_254] : memref<10112x128xf32, #tpu.memory_space<vmem_shared>> -> memref<10112x128xf32, #tpu.memory_space<vmem_shared>>
      tpu.wait_indirect_dma semaphore(%arg15 : memref<!tpu.dma_semaphore, #tpu.memory_space<semaphore_mem>>) src(%arg9 : memref<120x128xf32, #tpu.memory_space<vmem>>) dst(%dma_wait3A_255 : memref<10112x128xf32, #tpu.memory_space<vmem_shared>>)
      %dma_wait3A_256 = arith.constant 5 : i32
      %dma_wait3A_257 = arith.constant 0 : i32
      %dma_wait3A_258 = tpu.memref_slice %arg7[%dma_wait3A_256, %dma_wait3A_257] : memref<8x120xi32, #tpu.memory_space<vmem>> -> memref<1x120xi32, #tpu.memory_space<vmem>>
      %dma_wait3A_259 = tpu.memref_squeeze %dma_wait3A_258 : memref<1x120xi32, #tpu.memory_space<vmem>> -> memref<120xi32, #tpu.memory_space<vmem>>
      %dma_wait3A_260 = arith.constant 0 : i32
      %dma_wait3A_261 = arith.constant 0 : i32
      %dma_wait3A_262 = tpu.memref_slice %arg19[%dma_wait3A_260, %dma_wait3A_261] : memref<10112x128xf32, #tpu.memory_space<vmem_shared>> -> memref<10112x128xf32, #tpu.memory_space<vmem_shared>>
      tpu.wait_indirect_dma semaphore(%arg16 : memref<!tpu.dma_semaphore, #tpu.memory_space<semaphore_mem>>) src(%arg10 : memref<120x128xf32, #tpu.memory_space<vmem>>) dst(%dma_wait3A_262 : memref<10112x128xf32, #tpu.memory_space<vmem_shared>>)
    }
    %scan3A_7 = arith.constant 21 : i32
    %barrier3A_8 = arith.constant 0 : index
    tpu.barrier barrier_id(%barrier3A_8)
    %mul3A_9 = arith.constant 10112 : i32
    %mul3A_10 = arith.muli %arg0, %mul3A_9 : i32
    %add3A_11 = arith.addi %mul3A_10, %mul3A_0 : i32
    "tpu.region"() ({
      %run_scoped3A = tpu.sem_alloc : memref<!tpu.dma_semaphore, #tpu.memory_space<semaphore_mem>>
      %dma_start3A = arith.constant 0 : i32
      %dma_start3A_12 = tpu.memref_slice %arg5[%add3A_11, %dma_start3A] : memref<20224x128xf32, #tpu.memory_space<hbm>> -> memref<632x128xf32, #tpu.memory_space<hbm>>
      %dma_start3A_13 = arith.constant 0 : i32
      %dma_start3A_14 = tpu.memref_slice %arg19[%mul3A_0, %dma_start3A_13] : memref<10112x128xf32, #tpu.memory_space<vmem_shared>> -> memref<632x128xf32, #tpu.memory_space<vmem_shared>>
      tpu.enqueue_dma source(%dma_start3A_14 : memref<632x128xf32, #tpu.memory_space<vmem_shared>>) target(%dma_start3A_12 : memref<632x128xf32, #tpu.memory_space<hbm>>) target_semaphore(%run_scoped3A : memref<!tpu.dma_semaphore, #tpu.memory_space<semaphore_mem>>)
      %dma_wait3A = arith.constant 0 : i32
      %dma_wait3A_15 = tpu.memref_slice %arg5[%add3A_11, %dma_wait3A] : memref<20224x128xf32, #tpu.memory_space<hbm>> -> memref<632x128xf32, #tpu.memory_space<hbm>>
      %dma_wait3A_16 = arith.constant 0 : i32
      %dma_wait3A_17 = tpu.memref_slice %arg19[%mul3A_0, %dma_wait3A_16] : memref<10112x128xf32, #tpu.memory_space<vmem_shared>> -> memref<632x128xf32, #tpu.memory_space<vmem_shared>>
      tpu.wait_dma2 semaphore(%run_scoped3A : memref<!tpu.dma_semaphore, #tpu.memory_space<semaphore_mem>>) src(%dma_wait3A_17 : memref<632x128xf32, #tpu.memory_space<vmem_shared>>) dst(%dma_wait3A_15 : memref<632x128xf32, #tpu.memory_space<hbm>>)
      tpu.yield
    }) : () -> ()
    return
  }
}

#map = affine_map<(d0, d1) -> (0, 0, 0, 0)>
#map1 = affine_map<(d0, d1) -> (0, 0)>
module attributes {stable_mosaic.version = 14 : i64} {
  func.func @body(%arg0: i32, %arg1: i32, %arg2: memref<2x16x168x120xi32, #tpu.memory_space<hbm>>, %arg3: memref<2x10240xf32, #tpu.memory_space<hbm>>, %arg4: memref<8x120xi32, #tpu.memory_space<vmem>>, %arg5: memref<136xf32, #tpu.memory_space<vmem>>, %arg6: memref<640xf32, #tpu.memory_space<vmem>>, %arg7: memref<10240xf32, #tpu.memory_space<vmem_shared>>) attributes {dimension_semantics = [#tpu.dimension_semantics<core_parallel>, #tpu.dimension_semantics<subcore_parallel>], iteration_bounds = array<i64: 2, 16>, scalar_prefetch = 0 : i64, scratch_operands = 4 : i64, tpu.core_type = #tpu.core_type<sc_vector_subcore>, window_params = [{transform_indices = #map}, {transform_indices = #map1}]} {
    %broadcast_in_dim3A = arith.constant 1.000000e+00 : f32
    %broadcast_in_dim3A_0 = vector.broadcast %broadcast_in_dim3A : f32 to vector<16xf32>
    %swap3A = arith.constant 0 : index
    %swap3A_1 = tpu.vector_load %arg5[%swap3A] {strides = array<i32>} : memref<136xf32, #tpu.memory_space<vmem>>, vector<16xf32>,
    %swap3A_2 = vector.shape_cast %swap3A_1 : vector<16xf32> to vector<16xf32>
    %swap3A_3 = vector.shape_cast %broadcast_in_dim3A_0 : vector<16xf32> to vector<16xf32>
    tpu.vector_store %arg5[%swap3A], %swap3A_3 {strides = array<i32>} : memref<136xf32, #tpu.memory_space<vmem>>, vector<16xf32>,
    %broadcast_in_dim3A_4 = arith.constant 1.000000e+00 : f32
    %broadcast_in_dim3A_5 = vector.broadcast %broadcast_in_dim3A_4 : f32 to vector<16xf32>
    %swap3A_6 = arith.constant 16 : index
    %swap3A_7 = tpu.vector_load %arg5[%swap3A_6] {strides = array<i32>} : memref<136xf32, #tpu.memory_space<vmem>>, vector<16xf32>,
    %swap3A_8 = vector.shape_cast %swap3A_7 : vector<16xf32> to vector<16xf32>
    %swap3A_9 = vector.shape_cast %broadcast_in_dim3A_5 : vector<16xf32> to vector<16xf32>
    tpu.vector_store %arg5[%swap3A_6], %swap3A_9 {strides = array<i32>} : memref<136xf32, #tpu.memory_space<vmem>>, vector<16xf32>,
    %broadcast_in_dim3A_10 = arith.constant 1.000000e+00 : f32
    %broadcast_in_dim3A_11 = vector.broadcast %broadcast_in_dim3A_10 : f32 to vector<16xf32>
    %swap3A_12 = arith.constant 32 : index
    %swap3A_13 = tpu.vector_load %arg5[%swap3A_12] {strides = array<i32>} : memref<136xf32, #tpu.memory_space<vmem>>, vector<16xf32>,
    %swap3A_14 = vector.shape_cast %swap3A_13 : vector<16xf32> to vector<16xf32>
    %swap3A_15 = vector.shape_cast %broadcast_in_dim3A_11 : vector<16xf32> to vector<16xf32>
    tpu.vector_store %arg5[%swap3A_12], %swap3A_15 {strides = array<i32>} : memref<136xf32, #tpu.memory_space<vmem>>, vector<16xf32>,
    %broadcast_in_dim3A_16 = arith.constant 1.000000e+00 : f32
    %broadcast_in_dim3A_17 = vector.broadcast %broadcast_in_dim3A_16 : f32 to vector<16xf32>
    %swap3A_18 = arith.constant 48 : index
    %swap3A_19 = tpu.vector_load %arg5[%swap3A_18] {strides = array<i32>} : memref<136xf32, #tpu.memory_space<vmem>>, vector<16xf32>,
    %swap3A_20 = vector.shape_cast %swap3A_19 : vector<16xf32> to vector<16xf32>
    %swap3A_21 = vector.shape_cast %broadcast_in_dim3A_17 : vector<16xf32> to vector<16xf32>
    tpu.vector_store %arg5[%swap3A_18], %swap3A_21 {strides = array<i32>} : memref<136xf32, #tpu.memory_space<vmem>>, vector<16xf32>,
    %broadcast_in_dim3A_22 = arith.constant 1.000000e+00 : f32
    %broadcast_in_dim3A_23 = vector.broadcast %broadcast_in_dim3A_22 : f32 to vector<16xf32>
    %swap3A_24 = arith.constant 64 : index
    %swap3A_25 = tpu.vector_load %arg5[%swap3A_24] {strides = array<i32>} : memref<136xf32, #tpu.memory_space<vmem>>, vector<16xf32>,
    %swap3A_26 = vector.shape_cast %swap3A_25 : vector<16xf32> to vector<16xf32>
    %swap3A_27 = vector.shape_cast %broadcast_in_dim3A_23 : vector<16xf32> to vector<16xf32>
    tpu.vector_store %arg5[%swap3A_24], %swap3A_27 {strides = array<i32>} : memref<136xf32, #tpu.memory_space<vmem>>, vector<16xf32>,
    %broadcast_in_dim3A_28 = arith.constant 1.000000e+00 : f32
    %broadcast_in_dim3A_29 = vector.broadcast %broadcast_in_dim3A_28 : f32 to vector<16xf32>
    %swap3A_30 = arith.constant 80 : index
    %swap3A_31 = tpu.vector_load %arg5[%swap3A_30] {strides = array<i32>} : memref<136xf32, #tpu.memory_space<vmem>>, vector<16xf32>,
    %swap3A_32 = vector.shape_cast %swap3A_31 : vector<16xf32> to vector<16xf32>
    %swap3A_33 = vector.shape_cast %broadcast_in_dim3A_29 : vector<16xf32> to vector<16xf32>
    tpu.vector_store %arg5[%swap3A_30], %swap3A_33 {strides = array<i32>} : memref<136xf32, #tpu.memory_space<vmem>>, vector<16xf32>,
    %broadcast_in_dim3A_34 = arith.constant 1.000000e+00 : f32
    %broadcast_in_dim3A_35 = vector.broadcast %broadcast_in_dim3A_34 : f32 to vector<16xf32>
    %swap3A_36 = arith.constant 96 : index
    %swap3A_37 = tpu.vector_load %arg5[%swap3A_36] {strides = array<i32>} : memref<136xf32, #tpu.memory_space<vmem>>, vector<16xf32>,
    %swap3A_38 = vector.shape_cast %swap3A_37 : vector<16xf32> to vector<16xf32>
    %swap3A_39 = vector.shape_cast %broadcast_in_dim3A_35 : vector<16xf32> to vector<16xf32>
    tpu.vector_store %arg5[%swap3A_36], %swap3A_39 {strides = array<i32>} : memref<136xf32, #tpu.memory_space<vmem>>, vector<16xf32>,
    %broadcast_in_dim3A_40 = arith.constant 1.000000e+00 : f32
    %broadcast_in_dim3A_41 = vector.broadcast %broadcast_in_dim3A_40 : f32 to vector<16xf32>
    %swap3A_42 = arith.constant 112 : index
    %swap3A_43 = tpu.vector_load %arg5[%swap3A_42] {strides = array<i32>} : memref<136xf32, #tpu.memory_space<vmem>>, vector<16xf32>,
    %swap3A_44 = vector.shape_cast %swap3A_43 : vector<16xf32> to vector<16xf32>
    %swap3A_45 = vector.shape_cast %broadcast_in_dim3A_41 : vector<16xf32> to vector<16xf32>
    tpu.vector_store %arg5[%swap3A_42], %swap3A_45 {strides = array<i32>} : memref<136xf32, #tpu.memory_space<vmem>>, vector<16xf32>,
    %broadcast_in_dim3A_46 = arith.constant 0.000000e+00 : f32
    %broadcast_in_dim3A_47 = vector.broadcast %broadcast_in_dim3A_46 : f32 to vector<16xf32>
    %swap3A_48 = arith.constant 0 : index
    %swap3A_49 = tpu.vector_load %arg6[%swap3A_48] {strides = array<i32>} : memref<640xf32, #tpu.memory_space<vmem>>, vector<16xf32>,
    %swap3A_50 = vector.shape_cast %swap3A_49 : vector<16xf32> to vector<16xf32>
    %swap3A_51 = vector.shape_cast %broadcast_in_dim3A_47 : vector<16xf32> to vector<16xf32>
    tpu.vector_store %arg6[%swap3A_48], %swap3A_51 {strides = array<i32>} : memref<640xf32, #tpu.memory_space<vmem>>, vector<16xf32>,
    %broadcast_in_dim3A_52 = arith.constant 0.000000e+00 : f32
    %broadcast_in_dim3A_53 = vector.broadcast %broadcast_in_dim3A_52 : f32 to vector<16xf32>
    %swap3A_54 = arith.constant 16 : index
    %swap3A_55 = tpu.vector_load %arg6[%swap3A_54] {strides = array<i32>} : memref<640xf32, #tpu.memory_space<vmem>>, vector<16xf32>,
    %swap3A_56 = vector.shape_cast %swap3A_55 : vector<16xf32> to vector<16xf32>
    %swap3A_57 = vector.shape_cast %broadcast_in_dim3A_53 : vector<16xf32> to vector<16xf32>
    tpu.vector_store %arg6[%swap3A_54], %swap3A_57 {strides = array<i32>} : memref<640xf32, #tpu.memory_space<vmem>>, vector<16xf32>,
    %broadcast_in_dim3A_58 = arith.constant 0.000000e+00 : f32
    %broadcast_in_dim3A_59 = vector.broadcast %broadcast_in_dim3A_58 : f32 to vector<16xf32>
    %swap3A_60 = arith.constant 32 : index
    %swap3A_61 = tpu.vector_load %arg6[%swap3A_60] {strides = array<i32>} : memref<640xf32, #tpu.memory_space<vmem>>, vector<16xf32>,
    %swap3A_62 = vector.shape_cast %swap3A_61 : vector<16xf32> to vector<16xf32>
    %swap3A_63 = vector.shape_cast %broadcast_in_dim3A_59 : vector<16xf32> to vector<16xf32>
    tpu.vector_store %arg6[%swap3A_60], %swap3A_63 {strides = array<i32>} : memref<640xf32, #tpu.memory_space<vmem>>, vector<16xf32>,
    %broadcast_in_dim3A_64 = arith.constant 0.000000e+00 : f32
    %broadcast_in_dim3A_65 = vector.broadcast %broadcast_in_dim3A_64 : f32 to vector<16xf32>
    %swap3A_66 = arith.constant 48 : index
    %swap3A_67 = tpu.vector_load %arg6[%swap3A_66] {strides = array<i32>} : memref<640xf32, #tpu.memory_space<vmem>>, vector<16xf32>,
    %swap3A_68 = vector.shape_cast %swap3A_67 : vector<16xf32> to vector<16xf32>
    %swap3A_69 = vector.shape_cast %broadcast_in_dim3A_65 : vector<16xf32> to vector<16xf32>
    tpu.vector_store %arg6[%swap3A_66], %swap3A_69 {strides = array<i32>} : memref<640xf32, #tpu.memory_space<vmem>>, vector<16xf32>,
    %broadcast_in_dim3A_70 = arith.constant 0.000000e+00 : f32
    %broadcast_in_dim3A_71 = vector.broadcast %broadcast_in_dim3A_70 : f32 to vector<16xf32>
    %swap3A_72 = arith.constant 64 : index
    %swap3A_73 = tpu.vector_load %arg6[%swap3A_72] {strides = array<i32>} : memref<640xf32, #tpu.memory_space<vmem>>, vector<16xf32>,
    %swap3A_74 = vector.shape_cast %swap3A_73 : vector<16xf32> to vector<16xf32>
    %swap3A_75 = vector.shape_cast %broadcast_in_dim3A_71 : vector<16xf32> to vector<16xf32>
    tpu.vector_store %arg6[%swap3A_72], %swap3A_75 {strides = array<i32>} : memref<640xf32, #tpu.memory_space<vmem>>, vector<16xf32>,
    %broadcast_in_dim3A_76 = arith.constant 0.000000e+00 : f32
    %broadcast_in_dim3A_77 = vector.broadcast %broadcast_in_dim3A_76 : f32 to vector<16xf32>
    %swap3A_78 = arith.constant 80 : index
    %swap3A_79 = tpu.vector_load %arg6[%swap3A_78] {strides = array<i32>} : memref<640xf32, #tpu.memory_space<vmem>>, vector<16xf32>,
    %swap3A_80 = vector.shape_cast %swap3A_79 : vector<16xf32> to vector<16xf32>
    %swap3A_81 = vector.shape_cast %broadcast_in_dim3A_77 : vector<16xf32> to vector<16xf32>
    tpu.vector_store %arg6[%swap3A_78], %swap3A_81 {strides = array<i32>} : memref<640xf32, #tpu.memory_space<vmem>>, vector<16xf32>,
    %broadcast_in_dim3A_82 = arith.constant 0.000000e+00 : f32
    %broadcast_in_dim3A_83 = vector.broadcast %broadcast_in_dim3A_82 : f32 to vector<16xf32>
    %swap3A_84 = arith.constant 96 : index
    %swap3A_85 = tpu.vector_load %arg6[%swap3A_84] {strides = array<i32>} : memref<640xf32, #tpu.memory_space<vmem>>, vector<16xf32>,
    %swap3A_86 = vector.shape_cast %swap3A_85 : vector<16xf32> to vector<16xf32>
    %swap3A_87 = vector.shape_cast %broadcast_in_dim3A_83 : vector<16xf32> to vector<16xf32>
    tpu.vector_store %arg6[%swap3A_84], %swap3A_87 {strides = array<i32>} : memref<640xf32, #tpu.memory_space<vmem>>, vector<16xf32>,
    %broadcast_in_dim3A_88 = arith.constant 0.000000e+00 : f32
    %broadcast_in_dim3A_89 = vector.broadcast %broadcast_in_dim3A_88 : f32 to vector<16xf32>
    %swap3A_90 = arith.constant 112 : index
    %swap3A_91 = tpu.vector_load %arg6[%swap3A_90] {strides = array<i32>} : memref<640xf32, #tpu.memory_space<vmem>>, vector<16xf32>,
    %swap3A_92 = vector.shape_cast %swap3A_91 : vector<16xf32> to vector<16xf32>
    %swap3A_93 = vector.shape_cast %broadcast_in_dim3A_89 : vector<16xf32> to vector<16xf32>
    tpu.vector_store %arg6[%swap3A_90], %swap3A_93 {strides = array<i32>} : memref<640xf32, #tpu.memory_space<vmem>>, vector<16xf32>,
    %broadcast_in_dim3A_94 = arith.constant 0.000000e+00 : f32
    %broadcast_in_dim3A_95 = vector.broadcast %broadcast_in_dim3A_94 : f32 to vector<16xf32>
    %swap3A_96 = arith.constant 128 : index
    %swap3A_97 = tpu.vector_load %arg6[%swap3A_96] {strides = array<i32>} : memref<640xf32, #tpu.memory_space<vmem>>, vector<16xf32>,
    %swap3A_98 = vector.shape_cast %swap3A_97 : vector<16xf32> to vector<16xf32>
    %swap3A_99 = vector.shape_cast %broadcast_in_dim3A_95 : vector<16xf32> to vector<16xf32>
    tpu.vector_store %arg6[%swap3A_96], %swap3A_99 {strides = array<i32>} : memref<640xf32, #tpu.memory_space<vmem>>, vector<16xf32>,
    %broadcast_in_dim3A_100 = arith.constant 0.000000e+00 : f32
    %broadcast_in_dim3A_101 = vector.broadcast %broadcast_in_dim3A_100 : f32 to vector<16xf32>
    %swap3A_102 = arith.constant 144 : index
    %swap3A_103 = tpu.vector_load %arg6[%swap3A_102] {strides = array<i32>} : memref<640xf32, #tpu.memory_space<vmem>>, vector<16xf32>,
    %swap3A_104 = vector.shape_cast %swap3A_103 : vector<16xf32> to vector<16xf32>
    %swap3A_105 = vector.shape_cast %broadcast_in_dim3A_101 : vector<16xf32> to vector<16xf32>
    tpu.vector_store %arg6[%swap3A_102], %swap3A_105 {strides = array<i32>} : memref<640xf32, #tpu.memory_space<vmem>>, vector<16xf32>,
    %broadcast_in_dim3A_106 = arith.constant 0.000000e+00 : f32
    %broadcast_in_dim3A_107 = vector.broadcast %broadcast_in_dim3A_106 : f32 to vector<16xf32>
    %swap3A_108 = arith.constant 160 : index
    %swap3A_109 = tpu.vector_load %arg6[%swap3A_108] {strides = array<i32>} : memref<640xf32, #tpu.memory_space<vmem>>, vector<16xf32>,
    %swap3A_110 = vector.shape_cast %swap3A_109 : vector<16xf32> to vector<16xf32>
    %swap3A_111 = vector.shape_cast %broadcast_in_dim3A_107 : vector<16xf32> to vector<16xf32>
    tpu.vector_store %arg6[%swap3A_108], %swap3A_111 {strides = array<i32>} : memref<640xf32, #tpu.memory_space<vmem>>, vector<16xf32>,
    %broadcast_in_dim3A_112 = arith.constant 0.000000e+00 : f32
    %broadcast_in_dim3A_113 = vector.broadcast %broadcast_in_dim3A_112 : f32 to vector<16xf32>
    %swap3A_114 = arith.constant 176 : index
    %swap3A_115 = tpu.vector_load %arg6[%swap3A_114] {strides = array<i32>} : memref<640xf32, #tpu.memory_space<vmem>>, vector<16xf32>,
    %swap3A_116 = vector.shape_cast %swap3A_115 : vector<16xf32> to vector<16xf32>
    %swap3A_117 = vector.shape_cast %broadcast_in_dim3A_113 : vector<16xf32> to vector<16xf32>
    tpu.vector_store %arg6[%swap3A_114], %swap3A_117 {strides = array<i32>} : memref<640xf32, #tpu.memory_space<vmem>>, vector<16xf32>,
    %broadcast_in_dim3A_118 = arith.constant 0.000000e+00 : f32
    %broadcast_in_dim3A_119 = vector.broadcast %broadcast_in_dim3A_118 : f32 to vector<16xf32>
    %swap3A_120 = arith.constant 192 : index
    %swap3A_121 = tpu.vector_load %arg6[%swap3A_120] {strides = array<i32>} : memref<640xf32, #tpu.memory_space<vmem>>, vector<16xf32>,
    %swap3A_122 = vector.shape_cast %swap3A_121 : vector<16xf32> to vector<16xf32>
    %swap3A_123 = vector.shape_cast %broadcast_in_dim3A_119 : vector<16xf32> to vector<16xf32>
    tpu.vector_store %arg6[%swap3A_120], %swap3A_123 {strides = array<i32>} : memref<640xf32, #tpu.memory_space<vmem>>, vector<16xf32>,
    %broadcast_in_dim3A_124 = arith.constant 0.000000e+00 : f32
    %broadcast_in_dim3A_125 = vector.broadcast %broadcast_in_dim3A_124 : f32 to vector<16xf32>
    %swap3A_126 = arith.constant 208 : index
    %swap3A_127 = tpu.vector_load %arg6[%swap3A_126] {strides = array<i32>} : memref<640xf32, #tpu.memory_space<vmem>>, vector<16xf32>,
    %swap3A_128 = vector.shape_cast %swap3A_127 : vector<16xf32> to vector<16xf32>
    %swap3A_129 = vector.shape_cast %broadcast_in_dim3A_125 : vector<16xf32> to vector<16xf32>
    tpu.vector_store %arg6[%swap3A_126], %swap3A_129 {strides = array<i32>} : memref<640xf32, #tpu.memory_space<vmem>>, vector<16xf32>,
    %broadcast_in_dim3A_130 = arith.constant 0.000000e+00 : f32
    %broadcast_in_dim3A_131 = vector.broadcast %broadcast_in_dim3A_130 : f32 to vector<16xf32>
    %swap3A_132 = arith.constant 224 : index
    %swap3A_133 = tpu.vector_load %arg6[%swap3A_132] {strides = array<i32>} : memref<640xf32, #tpu.memory_space<vmem>>, vector<16xf32>,
    %swap3A_134 = vector.shape_cast %swap3A_133 : vector<16xf32> to vector<16xf32>
    %swap3A_135 = vector.shape_cast %broadcast_in_dim3A_131 : vector<16xf32> to vector<16xf32>
    tpu.vector_store %arg6[%swap3A_132], %swap3A_135 {strides = array<i32>} : memref<640xf32, #tpu.memory_space<vmem>>, vector<16xf32>,
    %broadcast_in_dim3A_136 = arith.constant 0.000000e+00 : f32
    %broadcast_in_dim3A_137 = vector.broadcast %broadcast_in_dim3A_136 : f32 to vector<16xf32>
    %swap3A_138 = arith.constant 240 : index
    %swap3A_139 = tpu.vector_load %arg6[%swap3A_138] {strides = array<i32>} : memref<640xf32, #tpu.memory_space<vmem>>, vector<16xf32>,
    %swap3A_140 = vector.shape_cast %swap3A_139 : vector<16xf32> to vector<16xf32>
    %swap3A_141 = vector.shape_cast %broadcast_in_dim3A_137 : vector<16xf32> to vector<16xf32>
    tpu.vector_store %arg6[%swap3A_138], %swap3A_141 {strides = array<i32>} : memref<640xf32, #tpu.memory_space<vmem>>, vector<16xf32>,
    %broadcast_in_dim3A_142 = arith.constant 0.000000e+00 : f32
    %broadcast_in_dim3A_143 = vector.broadcast %broadcast_in_dim3A_142 : f32 to vector<16xf32>
    %swap3A_144 = arith.constant 256 : index
    %swap3A_145 = tpu.vector_load %arg6[%swap3A_144] {strides = array<i32>} : memref<640xf32, #tpu.memory_space<vmem>>, vector<16xf32>,
    %swap3A_146 = vector.shape_cast %swap3A_145 : vector<16xf32> to vector<16xf32>
    %swap3A_147 = vector.shape_cast %broadcast_in_dim3A_143 : vector<16xf32> to vector<16xf32>
    tpu.vector_store %arg6[%swap3A_144], %swap3A_147 {strides = array<i32>} : memref<640xf32, #tpu.memory_space<vmem>>, vector<16xf32>,
    %broadcast_in_dim3A_148 = arith.constant 0.000000e+00 : f32
    %broadcast_in_dim3A_149 = vector.broadcast %broadcast_in_dim3A_148 : f32 to vector<16xf32>
    %swap3A_150 = arith.constant 272 : index
    %swap3A_151 = tpu.vector_load %arg6[%swap3A_150] {strides = array<i32>} : memref<640xf32, #tpu.memory_space<vmem>>, vector<16xf32>,
    %swap3A_152 = vector.shape_cast %swap3A_151 : vector<16xf32> to vector<16xf32>
    %swap3A_153 = vector.shape_cast %broadcast_in_dim3A_149 : vector<16xf32> to vector<16xf32>
    tpu.vector_store %arg6[%swap3A_150], %swap3A_153 {strides = array<i32>} : memref<640xf32, #tpu.memory_space<vmem>>, vector<16xf32>,
    %broadcast_in_dim3A_154 = arith.constant 0.000000e+00 : f32
    %broadcast_in_dim3A_155 = vector.broadcast %broadcast_in_dim3A_154 : f32 to vector<16xf32>
    %swap3A_156 = arith.constant 288 : index
    %swap3A_157 = tpu.vector_load %arg6[%swap3A_156] {strides = array<i32>} : memref<640xf32, #tpu.memory_space<vmem>>, vector<16xf32>,
    %swap3A_158 = vector.shape_cast %swap3A_157 : vector<16xf32> to vector<16xf32>
    %swap3A_159 = vector.shape_cast %broadcast_in_dim3A_155 : vector<16xf32> to vector<16xf32>
    tpu.vector_store %arg6[%swap3A_156], %swap3A_159 {strides = array<i32>} : memref<640xf32, #tpu.memory_space<vmem>>, vector<16xf32>,
    %broadcast_in_dim3A_160 = arith.constant 0.000000e+00 : f32
    %broadcast_in_dim3A_161 = vector.broadcast %broadcast_in_dim3A_160 : f32 to vector<16xf32>
    %swap3A_162 = arith.constant 304 : index
    %swap3A_163 = tpu.vector_load %arg6[%swap3A_162] {strides = array<i32>} : memref<640xf32, #tpu.memory_space<vmem>>, vector<16xf32>,
    %swap3A_164 = vector.shape_cast %swap3A_163 : vector<16xf32> to vector<16xf32>
    %swap3A_165 = vector.shape_cast %broadcast_in_dim3A_161 : vector<16xf32> to vector<16xf32>
    tpu.vector_store %arg6[%swap3A_162], %swap3A_165 {strides = array<i32>} : memref<640xf32, #tpu.memory_space<vmem>>, vector<16xf32>,
    %broadcast_in_dim3A_166 = arith.constant 0.000000e+00 : f32
    %broadcast_in_dim3A_167 = vector.broadcast %broadcast_in_dim3A_166 : f32 to vector<16xf32>
    %swap3A_168 = arith.constant 320 : index
    %swap3A_169 = tpu.vector_load %arg6[%swap3A_168] {strides = array<i32>} : memref<640xf32, #tpu.memory_space<vmem>>, vector<16xf32>,
    %swap3A_170 = vector.shape_cast %swap3A_169 : vector<16xf32> to vector<16xf32>
    %swap3A_171 = vector.shape_cast %broadcast_in_dim3A_167 : vector<16xf32> to vector<16xf32>
    tpu.vector_store %arg6[%swap3A_168], %swap3A_171 {strides = array<i32>} : memref<640xf32, #tpu.memory_space<vmem>>, vector<16xf32>,
    %broadcast_in_dim3A_172 = arith.constant 0.000000e+00 : f32
    %broadcast_in_dim3A_173 = vector.broadcast %broadcast_in_dim3A_172 : f32 to vector<16xf32>
    %swap3A_174 = arith.constant 336 : index
    %swap3A_175 = tpu.vector_load %arg6[%swap3A_174] {strides = array<i32>} : memref<640xf32, #tpu.memory_space<vmem>>, vector<16xf32>,
    %swap3A_176 = vector.shape_cast %swap3A_175 : vector<16xf32> to vector<16xf32>
    %swap3A_177 = vector.shape_cast %broadcast_in_dim3A_173 : vector<16xf32> to vector<16xf32>
    tpu.vector_store %arg6[%swap3A_174], %swap3A_177 {strides = array<i32>} : memref<640xf32, #tpu.memory_space<vmem>>, vector<16xf32>,
    %broadcast_in_dim3A_178 = arith.constant 0.000000e+00 : f32
    %broadcast_in_dim3A_179 = vector.broadcast %broadcast_in_dim3A_178 : f32 to vector<16xf32>
    %swap3A_180 = arith.constant 352 : index
    %swap3A_181 = tpu.vector_load %arg6[%swap3A_180] {strides = array<i32>} : memref<640xf32, #tpu.memory_space<vmem>>, vector<16xf32>,
    %swap3A_182 = vector.shape_cast %swap3A_181 : vector<16xf32> to vector<16xf32>
    %swap3A_183 = vector.shape_cast %broadcast_in_dim3A_179 : vector<16xf32> to vector<16xf32>
    tpu.vector_store %arg6[%swap3A_180], %swap3A_183 {strides = array<i32>} : memref<640xf32, #tpu.memory_space<vmem>>, vector<16xf32>,
    %broadcast_in_dim3A_184 = arith.constant 0.000000e+00 : f32
    %broadcast_in_dim3A_185 = vector.broadcast %broadcast_in_dim3A_184 : f32 to vector<16xf32>
    %swap3A_186 = arith.constant 368 : index
    %swap3A_187 = tpu.vector_load %arg6[%swap3A_186] {strides = array<i32>} : memref<640xf32, #tpu.memory_space<vmem>>, vector<16xf32>,
    %swap3A_188 = vector.shape_cast %swap3A_187 : vector<16xf32> to vector<16xf32>
    %swap3A_189 = vector.shape_cast %broadcast_in_dim3A_185 : vector<16xf32> to vector<16xf32>
    tpu.vector_store %arg6[%swap3A_186], %swap3A_189 {strides = array<i32>} : memref<640xf32, #tpu.memory_space<vmem>>, vector<16xf32>,
    %broadcast_in_dim3A_190 = arith.constant 0.000000e+00 : f32
    %broadcast_in_dim3A_191 = vector.broadcast %broadcast_in_dim3A_190 : f32 to vector<16xf32>
    %swap3A_192 = arith.constant 384 : index
    %swap3A_193 = tpu.vector_load %arg6[%swap3A_192] {strides = array<i32>} : memref<640xf32, #tpu.memory_space<vmem>>, vector<16xf32>,
    %swap3A_194 = vector.shape_cast %swap3A_193 : vector<16xf32> to vector<16xf32>
    %swap3A_195 = vector.shape_cast %broadcast_in_dim3A_191 : vector<16xf32> to vector<16xf32>
    tpu.vector_store %arg6[%swap3A_192], %swap3A_195 {strides = array<i32>} : memref<640xf32, #tpu.memory_space<vmem>>, vector<16xf32>,
    %broadcast_in_dim3A_196 = arith.constant 0.000000e+00 : f32
    %broadcast_in_dim3A_197 = vector.broadcast %broadcast_in_dim3A_196 : f32 to vector<16xf32>
    %swap3A_198 = arith.constant 400 : index
    %swap3A_199 = tpu.vector_load %arg6[%swap3A_198] {strides = array<i32>} : memref<640xf32, #tpu.memory_space<vmem>>, vector<16xf32>,
    %swap3A_200 = vector.shape_cast %swap3A_199 : vector<16xf32> to vector<16xf32>
    %swap3A_201 = vector.shape_cast %broadcast_in_dim3A_197 : vector<16xf32> to vector<16xf32>
    tpu.vector_store %arg6[%swap3A_198], %swap3A_201 {strides = array<i32>} : memref<640xf32, #tpu.memory_space<vmem>>, vector<16xf32>,
    %broadcast_in_dim3A_202 = arith.constant 0.000000e+00 : f32
    %broadcast_in_dim3A_203 = vector.broadcast %broadcast_in_dim3A_202 : f32 to vector<16xf32>
    %swap3A_204 = arith.constant 416 : index
    %swap3A_205 = tpu.vector_load %arg6[%swap3A_204] {strides = array<i32>} : memref<640xf32, #tpu.memory_space<vmem>>, vector<16xf32>,
    %swap3A_206 = vector.shape_cast %swap3A_205 : vector<16xf32> to vector<16xf32>
    %swap3A_207 = vector.shape_cast %broadcast_in_dim3A_203 : vector<16xf32> to vector<16xf32>
    tpu.vector_store %arg6[%swap3A_204], %swap3A_207 {strides = array<i32>} : memref<640xf32, #tpu.memory_space<vmem>>, vector<16xf32>,
    %broadcast_in_dim3A_208 = arith.constant 0.000000e+00 : f32
    %broadcast_in_dim3A_209 = vector.broadcast %broadcast_in_dim3A_208 : f32 to vector<16xf32>
    %swap3A_210 = arith.constant 432 : index
    %swap3A_211 = tpu.vector_load %arg6[%swap3A_210] {strides = array<i32>} : memref<640xf32, #tpu.memory_space<vmem>>, vector<16xf32>,
    %swap3A_212 = vector.shape_cast %swap3A_211 : vector<16xf32> to vector<16xf32>
    %swap3A_213 = vector.shape_cast %broadcast_in_dim3A_209 : vector<16xf32> to vector<16xf32>
    tpu.vector_store %arg6[%swap3A_210], %swap3A_213 {strides = array<i32>} : memref<640xf32, #tpu.memory_space<vmem>>, vector<16xf32>,
    %broadcast_in_dim3A_214 = arith.constant 0.000000e+00 : f32
    %broadcast_in_dim3A_215 = vector.broadcast %broadcast_in_dim3A_214 : f32 to vector<16xf32>
    %swap3A_216 = arith.constant 448 : index
    %swap3A_217 = tpu.vector_load %arg6[%swap3A_216] {strides = array<i32>} : memref<640xf32, #tpu.memory_space<vmem>>, vector<16xf32>,
    %swap3A_218 = vector.shape_cast %swap3A_217 : vector<16xf32> to vector<16xf32>
    %swap3A_219 = vector.shape_cast %broadcast_in_dim3A_215 : vector<16xf32> to vector<16xf32>
    tpu.vector_store %arg6[%swap3A_216], %swap3A_219 {strides = array<i32>} : memref<640xf32, #tpu.memory_space<vmem>>, vector<16xf32>,
    %broadcast_in_dim3A_220 = arith.constant 0.000000e+00 : f32
    %broadcast_in_dim3A_221 = vector.broadcast %broadcast_in_dim3A_220 : f32 to vector<16xf32>
    %swap3A_222 = arith.constant 464 : index
    %swap3A_223 = tpu.vector_load %arg6[%swap3A_222] {strides = array<i32>} : memref<640xf32, #tpu.memory_space<vmem>>, vector<16xf32>,
    %swap3A_224 = vector.shape_cast %swap3A_223 : vector<16xf32> to vector<16xf32>
    %swap3A_225 = vector.shape_cast %broadcast_in_dim3A_221 : vector<16xf32> to vector<16xf32>
    tpu.vector_store %arg6[%swap3A_222], %swap3A_225 {strides = array<i32>} : memref<640xf32, #tpu.memory_space<vmem>>, vector<16xf32>,
    %broadcast_in_dim3A_226 = arith.constant 0.000000e+00 : f32
    %broadcast_in_dim3A_227 = vector.broadcast %broadcast_in_dim3A_226 : f32 to vector<16xf32>
    %swap3A_228 = arith.constant 480 : index
    %swap3A_229 = tpu.vector_load %arg6[%swap3A_228] {strides = array<i32>} : memref<640xf32, #tpu.memory_space<vmem>>, vector<16xf32>,
    %swap3A_230 = vector.shape_cast %swap3A_229 : vector<16xf32> to vector<16xf32>
    %swap3A_231 = vector.shape_cast %broadcast_in_dim3A_227 : vector<16xf32> to vector<16xf32>
    tpu.vector_store %arg6[%swap3A_228], %swap3A_231 {strides = array<i32>} : memref<640xf32, #tpu.memory_space<vmem>>, vector<16xf32>,
    %broadcast_in_dim3A_232 = arith.constant 0.000000e+00 : f32
    %broadcast_in_dim3A_233 = vector.broadcast %broadcast_in_dim3A_232 : f32 to vector<16xf32>
    %swap3A_234 = arith.constant 496 : index
    %swap3A_235 = tpu.vector_load %arg6[%swap3A_234] {strides = array<i32>} : memref<640xf32, #tpu.memory_space<vmem>>, vector<16xf32>,
    %swap3A_236 = vector.shape_cast %swap3A_235 : vector<16xf32> to vector<16xf32>
    %swap3A_237 = vector.shape_cast %broadcast_in_dim3A_233 : vector<16xf32> to vector<16xf32>
    tpu.vector_store %arg6[%swap3A_234], %swap3A_237 {strides = array<i32>} : memref<640xf32, #tpu.memory_space<vmem>>, vector<16xf32>,
    %broadcast_in_dim3A_238 = arith.constant 0.000000e+00 : f32
    %broadcast_in_dim3A_239 = vector.broadcast %broadcast_in_dim3A_238 : f32 to vector<16xf32>
    %swap3A_240 = arith.constant 512 : index
    %swap3A_241 = tpu.vector_load %arg6[%swap3A_240] {strides = array<i32>} : memref<640xf32, #tpu.memory_space<vmem>>, vector<16xf32>,
    %swap3A_242 = vector.shape_cast %swap3A_241 : vector<16xf32> to vector<16xf32>
    %swap3A_243 = vector.shape_cast %broadcast_in_dim3A_239 : vector<16xf32> to vector<16xf32>
    tpu.vector_store %arg6[%swap3A_240], %swap3A_243 {strides = array<i32>} : memref<640xf32, #tpu.memory_space<vmem>>, vector<16xf32>,
    %broadcast_in_dim3A_244 = arith.constant 0.000000e+00 : f32
    %broadcast_in_dim3A_245 = vector.broadcast %broadcast_in_dim3A_244 : f32 to vector<16xf32>
    %swap3A_246 = arith.constant 528 : index
    %swap3A_247 = tpu.vector_load %arg6[%swap3A_246] {strides = array<i32>} : memref<640xf32, #tpu.memory_space<vmem>>, vector<16xf32>,
    %swap3A_248 = vector.shape_cast %swap3A_247 : vector<16xf32> to vector<16xf32>
    %swap3A_249 = vector.shape_cast %broadcast_in_dim3A_245 : vector<16xf32> to vector<16xf32>
    tpu.vector_store %arg6[%swap3A_246], %swap3A_249 {strides = array<i32>} : memref<640xf32, #tpu.memory_space<vmem>>, vector<16xf32>,
    %broadcast_in_dim3A_250 = arith.constant 0.000000e+00 : f32
    %broadcast_in_dim3A_251 = vector.broadcast %broadcast_in_dim3A_250 : f32 to vector<16xf32>
    %swap3A_252 = arith.constant 544 : index
    %swap3A_253 = tpu.vector_load %arg6[%swap3A_252] {strides = array<i32>} : memref<640xf32, #tpu.memory_space<vmem>>, vector<16xf32>,
    %swap3A_254 = vector.shape_cast %swap3A_253 : vector<16xf32> to vector<16xf32>
    %swap3A_255 = vector.shape_cast %broadcast_in_dim3A_251 : vector<16xf32> to vector<16xf32>
    tpu.vector_store %arg6[%swap3A_252], %swap3A_255 {strides = array<i32>} : memref<640xf32, #tpu.memory_space<vmem>>, vector<16xf32>,
    %broadcast_in_dim3A_256 = arith.constant 0.000000e+00 : f32
    %broadcast_in_dim3A_257 = vector.broadcast %broadcast_in_dim3A_256 : f32 to vector<16xf32>
    %swap3A_258 = arith.constant 560 : index
    %swap3A_259 = tpu.vector_load %arg6[%swap3A_258] {strides = array<i32>} : memref<640xf32, #tpu.memory_space<vmem>>, vector<16xf32>,
    %swap3A_260 = vector.shape_cast %swap3A_259 : vector<16xf32> to vector<16xf32>
    %swap3A_261 = vector.shape_cast %broadcast_in_dim3A_257 : vector<16xf32> to vector<16xf32>
    tpu.vector_store %arg6[%swap3A_258], %swap3A_261 {strides = array<i32>} : memref<640xf32, #tpu.memory_space<vmem>>, vector<16xf32>,
    %broadcast_in_dim3A_262 = arith.constant 0.000000e+00 : f32
    %broadcast_in_dim3A_263 = vector.broadcast %broadcast_in_dim3A_262 : f32 to vector<16xf32>
    %swap3A_264 = arith.constant 576 : index
    %swap3A_265 = tpu.vector_load %arg6[%swap3A_264] {strides = array<i32>} : memref<640xf32, #tpu.memory_space<vmem>>, vector<16xf32>,
    %swap3A_266 = vector.shape_cast %swap3A_265 : vector<16xf32> to vector<16xf32>
    %swap3A_267 = vector.shape_cast %broadcast_in_dim3A_263 : vector<16xf32> to vector<16xf32>
    tpu.vector_store %arg6[%swap3A_264], %swap3A_267 {strides = array<i32>} : memref<640xf32, #tpu.memory_space<vmem>>, vector<16xf32>,
    %broadcast_in_dim3A_268 = arith.constant 0.000000e+00 : f32
    %broadcast_in_dim3A_269 = vector.broadcast %broadcast_in_dim3A_268 : f32 to vector<16xf32>
    %swap3A_270 = arith.constant 592 : index
    %swap3A_271 = tpu.vector_load %arg6[%swap3A_270] {strides = array<i32>} : memref<640xf32, #tpu.memory_space<vmem>>, vector<16xf32>,
    %swap3A_272 = vector.shape_cast %swap3A_271 : vector<16xf32> to vector<16xf32>
    %swap3A_273 = vector.shape_cast %broadcast_in_dim3A_269 : vector<16xf32> to vector<16xf32>
    tpu.vector_store %arg6[%swap3A_270], %swap3A_273 {strides = array<i32>} : memref<640xf32, #tpu.memory_space<vmem>>, vector<16xf32>,
    %broadcast_in_dim3A_274 = arith.constant 0.000000e+00 : f32
    %broadcast_in_dim3A_275 = vector.broadcast %broadcast_in_dim3A_274 : f32 to vector<16xf32>
    %swap3A_276 = arith.constant 608 : index
    %swap3A_277 = tpu.vector_load %arg6[%swap3A_276] {strides = array<i32>} : memref<640xf32, #tpu.memory_space<vmem>>, vector<16xf32>,
    %swap3A_278 = vector.shape_cast %swap3A_277 : vector<16xf32> to vector<16xf32>
    %swap3A_279 = vector.shape_cast %broadcast_in_dim3A_275 : vector<16xf32> to vector<16xf32>
    tpu.vector_store %arg6[%swap3A_276], %swap3A_279 {strides = array<i32>} : memref<640xf32, #tpu.memory_space<vmem>>, vector<16xf32>,
    %broadcast_in_dim3A_280 = arith.constant 0.000000e+00 : f32
    %broadcast_in_dim3A_281 = vector.broadcast %broadcast_in_dim3A_280 : f32 to vector<16xf32>
    %swap3A_282 = arith.constant 624 : index
    %swap3A_283 = tpu.vector_load %arg6[%swap3A_282] {strides = array<i32>} : memref<640xf32, #tpu.memory_space<vmem>>, vector<16xf32>,
    %swap3A_284 = vector.shape_cast %swap3A_283 : vector<16xf32> to vector<16xf32>
    %swap3A_285 = vector.shape_cast %broadcast_in_dim3A_281 : vector<16xf32> to vector<16xf32>
    tpu.vector_store %arg6[%swap3A_282], %swap3A_285 {strides = array<i32>} : memref<640xf32, #tpu.memory_space<vmem>>, vector<16xf32>,
    %mul3A = arith.constant 640 : i32
    %mul3A_286 = arith.muli %arg1, %mul3A : i32
    "tpu.region"() ({
      %run_scoped3A = tpu.sem_alloc : memref<!tpu.dma_semaphore, #tpu.memory_space<semaphore_mem>>
      %dma_start3A = tpu.memref_slice %arg7[%mul3A_286] : memref<10240xf32, #tpu.memory_space<vmem_shared>> -> memref<640xf32, #tpu.memory_space<vmem_shared>>
      %dma_start3A_297 = tpu.memref_slice %arg7[%mul3A_286] : memref<10240xf32, #tpu.memory_space<vmem_shared>> -> memref<640xf32, #tpu.memory_space<vmem_shared>>
      tpu.enqueue_dma source(%arg6 : memref<640xf32, #tpu.memory_space<vmem>>) target(%dma_start3A_297 : memref<640xf32, #tpu.memory_space<vmem_shared>>) target_semaphore(%run_scoped3A : memref<!tpu.dma_semaphore, #tpu.memory_space<semaphore_mem>>)
      %dma_wait3A = tpu.memref_slice %arg7[%mul3A_286] : memref<10240xf32, #tpu.memory_space<vmem_shared>> -> memref<640xf32, #tpu.memory_space<vmem_shared>>
      %dma_wait3A_298 = tpu.memref_slice %arg7[%mul3A_286] : memref<10240xf32, #tpu.memory_space<vmem_shared>> -> memref<640xf32, #tpu.memory_space<vmem_shared>>
      tpu.wait_dma2 semaphore(%run_scoped3A : memref<!tpu.dma_semaphore, #tpu.memory_space<semaphore_mem>>) src(%arg6 : memref<640xf32, #tpu.memory_space<vmem>>) dst(%dma_wait3A_298 : memref<640xf32, #tpu.memory_space<vmem_shared>>)
      tpu.yield
    }) : () -> ()
    %barrier3A = arith.constant 0 : index
    tpu.barrier barrier_id(%barrier3A)
    %scan3A = arith.constant 0 : i32
    %scan3A_287 = arith.constant 0 : i32
    %scan3A_288 = arith.constant 21 : i32
    %scan3A_289 = arith.addi %scan3A_287, %scan3A_288 : i32
    %scan3A_290 = arith.constant 1 : i32
    scf.for %scan3A_297 = %scan3A_287 to %scan3A_289 step %scan3A_290  : i32 {
      %mul3A_298 = arith.constant 8 : i32
      %mul3A_299 = arith.muli %scan3A_297, %mul3A_298 : i32
      "tpu.region"() ({
        %run_scoped3A_307 = tpu.sem_alloc : memref<!tpu.dma_semaphore, #tpu.memory_space<semaphore_mem>>
        %dma_start3A = arith.constant 0 : i32
        %dma_start3A_308 = tpu.memref_slice %arg2[%arg0, %arg1, %mul3A_299, %dma_start3A] : memref<2x16x168x120xi32, #tpu.memory_space<hbm>> -> memref<1x1x8x120xi32, #tpu.memory_space<hbm>>
        %dma_start3A_309 = tpu.memref_squeeze %dma_start3A_308 : memref<1x1x8x120xi32, #tpu.memory_space<hbm>> -> memref<8x120xi32, #tpu.memory_space<hbm>>
        %dma_start3A_310 = arith.constant 0 : i32
        %dma_start3A_311 = tpu.memref_slice %arg2[%arg0, %arg1, %mul3A_299, %dma_start3A_310] : memref<2x16x168x120xi32, #tpu.memory_space<hbm>> -> memref<1x1x8x120xi32, #tpu.memory_space<hbm>>
        %dma_start3A_312 = tpu.memref_squeeze %dma_start3A_311 : memref<1x1x8x120xi32, #tpu.memory_space<hbm>> -> memref<8x120xi32, #tpu.memory_space<hbm>>
        tpu.enqueue_dma source(%dma_start3A_312 : memref<8x120xi32, #tpu.memory_space<hbm>>) target(%arg4 : memref<8x120xi32, #tpu.memory_space<vmem>>) target_semaphore(%run_scoped3A_307 : memref<!tpu.dma_semaphore, #tpu.memory_space<semaphore_mem>>)
        %dma_wait3A = arith.constant 0 : i32
        %dma_wait3A_313 = tpu.memref_slice %arg2[%arg0, %arg1, %mul3A_299, %dma_wait3A] : memref<2x16x168x120xi32, #tpu.memory_space<hbm>> -> memref<1x1x8x120xi32, #tpu.memory_space<hbm>>
        %dma_wait3A_314 = tpu.memref_squeeze %dma_wait3A_313 : memref<1x1x8x120xi32, #tpu.memory_space<hbm>> -> memref<8x120xi32, #tpu.memory_space<hbm>>
        %dma_wait3A_315 = arith.constant 0 : i32
        %dma_wait3A_316 = tpu.memref_slice %arg2[%arg0, %arg1, %mul3A_299, %dma_wait3A_315] : memref<2x16x168x120xi32, #tpu.memory_space<hbm>> -> memref<1x1x8x120xi32, #tpu.memory_space<hbm>>
        %dma_wait3A_317 = tpu.memref_squeeze %dma_wait3A_316 : memref<1x1x8x120xi32, #tpu.memory_space<hbm>> -> memref<8x120xi32, #tpu.memory_space<hbm>>
        tpu.wait_dma2 semaphore(%run_scoped3A_307 : memref<!tpu.dma_semaphore, #tpu.memory_space<semaphore_mem>>) src(%dma_wait3A_317 : memref<8x120xi32, #tpu.memory_space<hbm>>) dst(%arg4 : memref<8x120xi32, #tpu.memory_space<vmem>>)
        tpu.yield
      }) : () -> ()
      %run_scoped3A = arith.constant 0 : i32
      "tpu.region"() ({
        %run_scoped3A_307 = tpu.sem_alloc : memref<!tpu.dma_semaphore, #tpu.memory_space<semaphore_mem>>
        %dma_start3A = arith.constant 0 : i32
        %dma_start3A_308 = tpu.memref_slice %arg5[%dma_start3A] : memref<136xf32, #tpu.memory_space<vmem>> -> memref<120xf32, #tpu.memory_space<vmem>>
        %dma_start3A_309 = arith.constant 0 : i32
        %dma_start3A_310 = tpu.memref_slice %arg4[%run_scoped3A, %dma_start3A_309] : memref<8x120xi32, #tpu.memory_space<vmem>> -> memref<1x120xi32, #tpu.memory_space<vmem>>
        %dma_start3A_311 = tpu.memref_squeeze %dma_start3A_310 : memref<1x120xi32, #tpu.memory_space<vmem>> -> memref<120xi32, #tpu.memory_space<vmem>>
        %dma_start3A_312 = arith.constant 0 : i32
        %dma_start3A_313 = tpu.memref_slice %arg7[%dma_start3A_312] : memref<10240xf32, #tpu.memory_space<vmem_shared>> -> memref<10240xf32, #tpu.memory_space<vmem_shared>>
        tpu.enqueue_indirect_dma source(%dma_start3A_308 : memref<120xf32, #tpu.memory_space<vmem>>) target(%dma_start3A_313 : memref<10240xf32, #tpu.memory_space<vmem_shared>>) offsets(%dma_start3A_311 : memref<120xi32, #tpu.memory_space<vmem>>) semaphore(%run_scoped3A_307 : memref<!tpu.dma_semaphore, #tpu.memory_space<semaphore_mem>>) {add = true}
        %dma_wait3A = arith.constant 0 : i32
        %dma_wait3A_314 = tpu.memref_slice %arg5[%dma_wait3A] : memref<136xf32, #tpu.memory_space<vmem>> -> memref<120xf32, #tpu.memory_space<vmem>>
        %dma_wait3A_315 = arith.constant 0 : i32
        %dma_wait3A_316 = tpu.memref_slice %arg4[%run_scoped3A, %dma_wait3A_315] : memref<8x120xi32, #tpu.memory_space<vmem>> -> memref<1x120xi32, #tpu.memory_space<vmem>>
        %dma_wait3A_317 = tpu.memref_squeeze %dma_wait3A_316 : memref<1x120xi32, #tpu.memory_space<vmem>> -> memref<120xi32, #tpu.memory_space<vmem>>
        %dma_wait3A_318 = arith.constant 0 : i32
        %dma_wait3A_319 = tpu.memref_slice %arg7[%dma_wait3A_318] : memref<10240xf32, #tpu.memory_space<vmem_shared>> -> memref<10240xf32, #tpu.memory_space<vmem_shared>>
        tpu.wait_indirect_dma semaphore(%run_scoped3A_307 : memref<!tpu.dma_semaphore, #tpu.memory_space<semaphore_mem>>) src(%dma_wait3A_314 : memref<120xf32, #tpu.memory_space<vmem>>) dst(%dma_wait3A_319 : memref<10240xf32, #tpu.memory_space<vmem_shared>>)
        tpu.yield
      }) : () -> ()
      %run_scoped3A_300 = arith.constant 1 : i32
      "tpu.region"() ({
        %run_scoped3A_307 = tpu.sem_alloc : memref<!tpu.dma_semaphore, #tpu.memory_space<semaphore_mem>>
        %dma_start3A = arith.constant 0 : i32
        %dma_start3A_308 = tpu.memref_slice %arg5[%dma_start3A] : memref<136xf32, #tpu.memory_space<vmem>> -> memref<120xf32, #tpu.memory_space<vmem>>
        %dma_start3A_309 = arith.constant 0 : i32
        %dma_start3A_310 = tpu.memref_slice %arg4[%run_scoped3A_300, %dma_start3A_309] : memref<8x120xi32, #tpu.memory_space<vmem>> -> memref<1x120xi32, #tpu.memory_space<vmem>>
        %dma_start3A_311 = tpu.memref_squeeze %dma_start3A_310 : memref<1x120xi32, #tpu.memory_space<vmem>> -> memref<120xi32, #tpu.memory_space<vmem>>
        %dma_start3A_312 = arith.constant 0 : i32
        %dma_start3A_313 = tpu.memref_slice %arg7[%dma_start3A_312] : memref<10240xf32, #tpu.memory_space<vmem_shared>> -> memref<10240xf32, #tpu.memory_space<vmem_shared>>
        tpu.enqueue_indirect_dma source(%dma_start3A_308 : memref<120xf32, #tpu.memory_space<vmem>>) target(%dma_start3A_313 : memref<10240xf32, #tpu.memory_space<vmem_shared>>) offsets(%dma_start3A_311 : memref<120xi32, #tpu.memory_space<vmem>>) semaphore(%run_scoped3A_307 : memref<!tpu.dma_semaphore, #tpu.memory_space<semaphore_mem>>) {add = true}
        %dma_wait3A = arith.constant 0 : i32
        %dma_wait3A_314 = tpu.memref_slice %arg5[%dma_wait3A] : memref<136xf32, #tpu.memory_space<vmem>> -> memref<120xf32, #tpu.memory_space<vmem>>
        %dma_wait3A_315 = arith.constant 0 : i32
        %dma_wait3A_316 = tpu.memref_slice %arg4[%run_scoped3A_300, %dma_wait3A_315] : memref<8x120xi32, #tpu.memory_space<vmem>> -> memref<1x120xi32, #tpu.memory_space<vmem>>
        %dma_wait3A_317 = tpu.memref_squeeze %dma_wait3A_316 : memref<1x120xi32, #tpu.memory_space<vmem>> -> memref<120xi32, #tpu.memory_space<vmem>>
        %dma_wait3A_318 = arith.constant 0 : i32
        %dma_wait3A_319 = tpu.memref_slice %arg7[%dma_wait3A_318] : memref<10240xf32, #tpu.memory_space<vmem_shared>> -> memref<10240xf32, #tpu.memory_space<vmem_shared>>
        tpu.wait_indirect_dma semaphore(%run_scoped3A_307 : memref<!tpu.dma_semaphore, #tpu.memory_space<semaphore_mem>>) src(%dma_wait3A_314 : memref<120xf32, #tpu.memory_space<vmem>>) dst(%dma_wait3A_319 : memref<10240xf32, #tpu.memory_space<vmem_shared>>)
        tpu.yield
      }) : () -> ()
      %run_scoped3A_301 = arith.constant 2 : i32
      "tpu.region"() ({
        %run_scoped3A_307 = tpu.sem_alloc : memref<!tpu.dma_semaphore, #tpu.memory_space<semaphore_mem>>
        %dma_start3A = arith.constant 0 : i32
        %dma_start3A_308 = tpu.memref_slice %arg5[%dma_start3A] : memref<136xf32, #tpu.memory_space<vmem>> -> memref<120xf32, #tpu.memory_space<vmem>>
        %dma_start3A_309 = arith.constant 0 : i32
        %dma_start3A_310 = tpu.memref_slice %arg4[%run_scoped3A_301, %dma_start3A_309] : memref<8x120xi32, #tpu.memory_space<vmem>> -> memref<1x120xi32, #tpu.memory_space<vmem>>
        %dma_start3A_311 = tpu.memref_squeeze %dma_start3A_310 : memref<1x120xi32, #tpu.memory_space<vmem>> -> memref<120xi32, #tpu.memory_space<vmem>>
        %dma_start3A_312 = arith.constant 0 : i32
        %dma_start3A_313 = tpu.memref_slice %arg7[%dma_start3A_312] : memref<10240xf32, #tpu.memory_space<vmem_shared>> -> memref<10240xf32, #tpu.memory_space<vmem_shared>>
        tpu.enqueue_indirect_dma source(%dma_start3A_308 : memref<120xf32, #tpu.memory_space<vmem>>) target(%dma_start3A_313 : memref<10240xf32, #tpu.memory_space<vmem_shared>>) offsets(%dma_start3A_311 : memref<120xi32, #tpu.memory_space<vmem>>) semaphore(%run_scoped3A_307 : memref<!tpu.dma_semaphore, #tpu.memory_space<semaphore_mem>>) {add = true}
        %dma_wait3A = arith.constant 0 : i32
        %dma_wait3A_314 = tpu.memref_slice %arg5[%dma_wait3A] : memref<136xf32, #tpu.memory_space<vmem>> -> memref<120xf32, #tpu.memory_space<vmem>>
        %dma_wait3A_315 = arith.constant 0 : i32
        %dma_wait3A_316 = tpu.memref_slice %arg4[%run_scoped3A_301, %dma_wait3A_315] : memref<8x120xi32, #tpu.memory_space<vmem>> -> memref<1x120xi32, #tpu.memory_space<vmem>>
        %dma_wait3A_317 = tpu.memref_squeeze %dma_wait3A_316 : memref<1x120xi32, #tpu.memory_space<vmem>> -> memref<120xi32, #tpu.memory_space<vmem>>
        %dma_wait3A_318 = arith.constant 0 : i32
        %dma_wait3A_319 = tpu.memref_slice %arg7[%dma_wait3A_318] : memref<10240xf32, #tpu.memory_space<vmem_shared>> -> memref<10240xf32, #tpu.memory_space<vmem_shared>>
        tpu.wait_indirect_dma semaphore(%run_scoped3A_307 : memref<!tpu.dma_semaphore, #tpu.memory_space<semaphore_mem>>) src(%dma_wait3A_314 : memref<120xf32, #tpu.memory_space<vmem>>) dst(%dma_wait3A_319 : memref<10240xf32, #tpu.memory_space<vmem_shared>>)
        tpu.yield
      }) : () -> ()
      %run_scoped3A_302 = arith.constant 3 : i32
      "tpu.region"() ({
        %run_scoped3A_307 = tpu.sem_alloc : memref<!tpu.dma_semaphore, #tpu.memory_space<semaphore_mem>>
        %dma_start3A = arith.constant 0 : i32
        %dma_start3A_308 = tpu.memref_slice %arg5[%dma_start3A] : memref<136xf32, #tpu.memory_space<vmem>> -> memref<120xf32, #tpu.memory_space<vmem>>
        %dma_start3A_309 = arith.constant 0 : i32
        %dma_start3A_310 = tpu.memref_slice %arg4[%run_scoped3A_302, %dma_start3A_309] : memref<8x120xi32, #tpu.memory_space<vmem>> -> memref<1x120xi32, #tpu.memory_space<vmem>>
        %dma_start3A_311 = tpu.memref_squeeze %dma_start3A_310 : memref<1x120xi32, #tpu.memory_space<vmem>> -> memref<120xi32, #tpu.memory_space<vmem>>
        %dma_start3A_312 = arith.constant 0 : i32
        %dma_start3A_313 = tpu.memref_slice %arg7[%dma_start3A_312] : memref<10240xf32, #tpu.memory_space<vmem_shared>> -> memref<10240xf32, #tpu.memory_space<vmem_shared>>
        tpu.enqueue_indirect_dma source(%dma_start3A_308 : memref<120xf32, #tpu.memory_space<vmem>>) target(%dma_start3A_313 : memref<10240xf32, #tpu.memory_space<vmem_shared>>) offsets(%dma_start3A_311 : memref<120xi32, #tpu.memory_space<vmem>>) semaphore(%run_scoped3A_307 : memref<!tpu.dma_semaphore, #tpu.memory_space<semaphore_mem>>) {add = true}
        %dma_wait3A = arith.constant 0 : i32
        %dma_wait3A_314 = tpu.memref_slice %arg5[%dma_wait3A] : memref<136xf32, #tpu.memory_space<vmem>> -> memref<120xf32, #tpu.memory_space<vmem>>
        %dma_wait3A_315 = arith.constant 0 : i32
        %dma_wait3A_316 = tpu.memref_slice %arg4[%run_scoped3A_302, %dma_wait3A_315] : memref<8x120xi32, #tpu.memory_space<vmem>> -> memref<1x120xi32, #tpu.memory_space<vmem>>
        %dma_wait3A_317 = tpu.memref_squeeze %dma_wait3A_316 : memref<1x120xi32, #tpu.memory_space<vmem>> -> memref<120xi32, #tpu.memory_space<vmem>>
        %dma_wait3A_318 = arith.constant 0 : i32
        %dma_wait3A_319 = tpu.memref_slice %arg7[%dma_wait3A_318] : memref<10240xf32, #tpu.memory_space<vmem_shared>> -> memref<10240xf32, #tpu.memory_space<vmem_shared>>
        tpu.wait_indirect_dma semaphore(%run_scoped3A_307 : memref<!tpu.dma_semaphore, #tpu.memory_space<semaphore_mem>>) src(%dma_wait3A_314 : memref<120xf32, #tpu.memory_space<vmem>>) dst(%dma_wait3A_319 : memref<10240xf32, #tpu.memory_space<vmem_shared>>)
        tpu.yield
      }) : () -> ()
      %run_scoped3A_303 = arith.constant 4 : i32
      "tpu.region"() ({
        %run_scoped3A_307 = tpu.sem_alloc : memref<!tpu.dma_semaphore, #tpu.memory_space<semaphore_mem>>
        %dma_start3A = arith.constant 0 : i32
        %dma_start3A_308 = tpu.memref_slice %arg5[%dma_start3A] : memref<136xf32, #tpu.memory_space<vmem>> -> memref<120xf32, #tpu.memory_space<vmem>>
        %dma_start3A_309 = arith.constant 0 : i32
        %dma_start3A_310 = tpu.memref_slice %arg4[%run_scoped3A_303, %dma_start3A_309] : memref<8x120xi32, #tpu.memory_space<vmem>> -> memref<1x120xi32, #tpu.memory_space<vmem>>
        %dma_start3A_311 = tpu.memref_squeeze %dma_start3A_310 : memref<1x120xi32, #tpu.memory_space<vmem>> -> memref<120xi32, #tpu.memory_space<vmem>>
        %dma_start3A_312 = arith.constant 0 : i32
        %dma_start3A_313 = tpu.memref_slice %arg7[%dma_start3A_312] : memref<10240xf32, #tpu.memory_space<vmem_shared>> -> memref<10240xf32, #tpu.memory_space<vmem_shared>>
        tpu.enqueue_indirect_dma source(%dma_start3A_308 : memref<120xf32, #tpu.memory_space<vmem>>) target(%dma_start3A_313 : memref<10240xf32, #tpu.memory_space<vmem_shared>>) offsets(%dma_start3A_311 : memref<120xi32, #tpu.memory_space<vmem>>) semaphore(%run_scoped3A_307 : memref<!tpu.dma_semaphore, #tpu.memory_space<semaphore_mem>>) {add = true}
        %dma_wait3A = arith.constant 0 : i32
        %dma_wait3A_314 = tpu.memref_slice %arg5[%dma_wait3A] : memref<136xf32, #tpu.memory_space<vmem>> -> memref<120xf32, #tpu.memory_space<vmem>>
        %dma_wait3A_315 = arith.constant 0 : i32
        %dma_wait3A_316 = tpu.memref_slice %arg4[%run_scoped3A_303, %dma_wait3A_315] : memref<8x120xi32, #tpu.memory_space<vmem>> -> memref<1x120xi32, #tpu.memory_space<vmem>>
        %dma_wait3A_317 = tpu.memref_squeeze %dma_wait3A_316 : memref<1x120xi32, #tpu.memory_space<vmem>> -> memref<120xi32, #tpu.memory_space<vmem>>
        %dma_wait3A_318 = arith.constant 0 : i32
        %dma_wait3A_319 = tpu.memref_slice %arg7[%dma_wait3A_318] : memref<10240xf32, #tpu.memory_space<vmem_shared>> -> memref<10240xf32, #tpu.memory_space<vmem_shared>>
        tpu.wait_indirect_dma semaphore(%run_scoped3A_307 : memref<!tpu.dma_semaphore, #tpu.memory_space<semaphore_mem>>) src(%dma_wait3A_314 : memref<120xf32, #tpu.memory_space<vmem>>) dst(%dma_wait3A_319 : memref<10240xf32, #tpu.memory_space<vmem_shared>>)
        tpu.yield
      }) : () -> ()
      %run_scoped3A_304 = arith.constant 5 : i32
      "tpu.region"() ({
        %run_scoped3A_307 = tpu.sem_alloc : memref<!tpu.dma_semaphore, #tpu.memory_space<semaphore_mem>>
        %dma_start3A = arith.constant 0 : i32
        %dma_start3A_308 = tpu.memref_slice %arg5[%dma_start3A] : memref<136xf32, #tpu.memory_space<vmem>> -> memref<120xf32, #tpu.memory_space<vmem>>
        %dma_start3A_309 = arith.constant 0 : i32
        %dma_start3A_310 = tpu.memref_slice %arg4[%run_scoped3A_304, %dma_start3A_309] : memref<8x120xi32, #tpu.memory_space<vmem>> -> memref<1x120xi32, #tpu.memory_space<vmem>>
        %dma_start3A_311 = tpu.memref_squeeze %dma_start3A_310 : memref<1x120xi32, #tpu.memory_space<vmem>> -> memref<120xi32, #tpu.memory_space<vmem>>
        %dma_start3A_312 = arith.constant 0 : i32
        %dma_start3A_313 = tpu.memref_slice %arg7[%dma_start3A_312] : memref<10240xf32, #tpu.memory_space<vmem_shared>> -> memref<10240xf32, #tpu.memory_space<vmem_shared>>
        tpu.enqueue_indirect_dma source(%dma_start3A_308 : memref<120xf32, #tpu.memory_space<vmem>>) target(%dma_start3A_313 : memref<10240xf32, #tpu.memory_space<vmem_shared>>) offsets(%dma_start3A_311 : memref<120xi32, #tpu.memory_space<vmem>>) semaphore(%run_scoped3A_307 : memref<!tpu.dma_semaphore, #tpu.memory_space<semaphore_mem>>) {add = true}
        %dma_wait3A = arith.constant 0 : i32
        %dma_wait3A_314 = tpu.memref_slice %arg5[%dma_wait3A] : memref<136xf32, #tpu.memory_space<vmem>> -> memref<120xf32, #tpu.memory_space<vmem>>
        %dma_wait3A_315 = arith.constant 0 : i32
        %dma_wait3A_316 = tpu.memref_slice %arg4[%run_scoped3A_304, %dma_wait3A_315] : memref<8x120xi32, #tpu.memory_space<vmem>> -> memref<1x120xi32, #tpu.memory_space<vmem>>
        %dma_wait3A_317 = tpu.memref_squeeze %dma_wait3A_316 : memref<1x120xi32, #tpu.memory_space<vmem>> -> memref<120xi32, #tpu.memory_space<vmem>>
        %dma_wait3A_318 = arith.constant 0 : i32
        %dma_wait3A_319 = tpu.memref_slice %arg7[%dma_wait3A_318] : memref<10240xf32, #tpu.memory_space<vmem_shared>> -> memref<10240xf32, #tpu.memory_space<vmem_shared>>
        tpu.wait_indirect_dma semaphore(%run_scoped3A_307 : memref<!tpu.dma_semaphore, #tpu.memory_space<semaphore_mem>>) src(%dma_wait3A_314 : memref<120xf32, #tpu.memory_space<vmem>>) dst(%dma_wait3A_319 : memref<10240xf32, #tpu.memory_space<vmem_shared>>)
        tpu.yield
      }) : () -> ()
      %run_scoped3A_305 = arith.constant 6 : i32
      "tpu.region"() ({
        %run_scoped3A_307 = tpu.sem_alloc : memref<!tpu.dma_semaphore, #tpu.memory_space<semaphore_mem>>
        %dma_start3A = arith.constant 0 : i32
        %dma_start3A_308 = tpu.memref_slice %arg5[%dma_start3A] : memref<136xf32, #tpu.memory_space<vmem>> -> memref<120xf32, #tpu.memory_space<vmem>>
        %dma_start3A_309 = arith.constant 0 : i32
        %dma_start3A_310 = tpu.memref_slice %arg4[%run_scoped3A_305, %dma_start3A_309] : memref<8x120xi32, #tpu.memory_space<vmem>> -> memref<1x120xi32, #tpu.memory_space<vmem>>
        %dma_start3A_311 = tpu.memref_squeeze %dma_start3A_310 : memref<1x120xi32, #tpu.memory_space<vmem>> -> memref<120xi32, #tpu.memory_space<vmem>>
        %dma_start3A_312 = arith.constant 0 : i32
        %dma_start3A_313 = tpu.memref_slice %arg7[%dma_start3A_312] : memref<10240xf32, #tpu.memory_space<vmem_shared>> -> memref<10240xf32, #tpu.memory_space<vmem_shared>>
        tpu.enqueue_indirect_dma source(%dma_start3A_308 : memref<120xf32, #tpu.memory_space<vmem>>) target(%dma_start3A_313 : memref<10240xf32, #tpu.memory_space<vmem_shared>>) offsets(%dma_start3A_311 : memref<120xi32, #tpu.memory_space<vmem>>) semaphore(%run_scoped3A_307 : memref<!tpu.dma_semaphore, #tpu.memory_space<semaphore_mem>>) {add = true}
        %dma_wait3A = arith.constant 0 : i32
        %dma_wait3A_314 = tpu.memref_slice %arg5[%dma_wait3A] : memref<136xf32, #tpu.memory_space<vmem>> -> memref<120xf32, #tpu.memory_space<vmem>>
        %dma_wait3A_315 = arith.constant 0 : i32
        %dma_wait3A_316 = tpu.memref_slice %arg4[%run_scoped3A_305, %dma_wait3A_315] : memref<8x120xi32, #tpu.memory_space<vmem>> -> memref<1x120xi32, #tpu.memory_space<vmem>>
        %dma_wait3A_317 = tpu.memref_squeeze %dma_wait3A_316 : memref<1x120xi32, #tpu.memory_space<vmem>> -> memref<120xi32, #tpu.memory_space<vmem>>
        %dma_wait3A_318 = arith.constant 0 : i32
        %dma_wait3A_319 = tpu.memref_slice %arg7[%dma_wait3A_318] : memref<10240xf32, #tpu.memory_space<vmem_shared>> -> memref<10240xf32, #tpu.memory_space<vmem_shared>>
        tpu.wait_indirect_dma semaphore(%run_scoped3A_307 : memref<!tpu.dma_semaphore, #tpu.memory_space<semaphore_mem>>) src(%dma_wait3A_314 : memref<120xf32, #tpu.memory_space<vmem>>) dst(%dma_wait3A_319 : memref<10240xf32, #tpu.memory_space<vmem_shared>>)
        tpu.yield
      }) : () -> ()
      %run_scoped3A_306 = arith.constant 7 : i32
      "tpu.region"() ({
        %run_scoped3A_307 = tpu.sem_alloc : memref<!tpu.dma_semaphore, #tpu.memory_space<semaphore_mem>>
        %dma_start3A = arith.constant 0 : i32
        %dma_start3A_308 = tpu.memref_slice %arg5[%dma_start3A] : memref<136xf32, #tpu.memory_space<vmem>> -> memref<120xf32, #tpu.memory_space<vmem>>
        %dma_start3A_309 = arith.constant 0 : i32
        %dma_start3A_310 = tpu.memref_slice %arg4[%run_scoped3A_306, %dma_start3A_309] : memref<8x120xi32, #tpu.memory_space<vmem>> -> memref<1x120xi32, #tpu.memory_space<vmem>>
        %dma_start3A_311 = tpu.memref_squeeze %dma_start3A_310 : memref<1x120xi32, #tpu.memory_space<vmem>> -> memref<120xi32, #tpu.memory_space<vmem>>
        %dma_start3A_312 = arith.constant 0 : i32
        %dma_start3A_313 = tpu.memref_slice %arg7[%dma_start3A_312] : memref<10240xf32, #tpu.memory_space<vmem_shared>> -> memref<10240xf32, #tpu.memory_space<vmem_shared>>
        tpu.enqueue_indirect_dma source(%dma_start3A_308 : memref<120xf32, #tpu.memory_space<vmem>>) target(%dma_start3A_313 : memref<10240xf32, #tpu.memory_space<vmem_shared>>) offsets(%dma_start3A_311 : memref<120xi32, #tpu.memory_space<vmem>>) semaphore(%run_scoped3A_307 : memref<!tpu.dma_semaphore, #tpu.memory_space<semaphore_mem>>) {add = true}
        %dma_wait3A = arith.constant 0 : i32
        %dma_wait3A_314 = tpu.memref_slice %arg5[%dma_wait3A] : memref<136xf32, #tpu.memory_space<vmem>> -> memref<120xf32, #tpu.memory_space<vmem>>
        %dma_wait3A_315 = arith.constant 0 : i32
        %dma_wait3A_316 = tpu.memref_slice %arg4[%run_scoped3A_306, %dma_wait3A_315] : memref<8x120xi32, #tpu.memory_space<vmem>> -> memref<1x120xi32, #tpu.memory_space<vmem>>
        %dma_wait3A_317 = tpu.memref_squeeze %dma_wait3A_316 : memref<1x120xi32, #tpu.memory_space<vmem>> -> memref<120xi32, #tpu.memory_space<vmem>>
        %dma_wait3A_318 = arith.constant 0 : i32
        %dma_wait3A_319 = tpu.memref_slice %arg7[%dma_wait3A_318] : memref<10240xf32, #tpu.memory_space<vmem_shared>> -> memref<10240xf32, #tpu.memory_space<vmem_shared>>
        tpu.wait_indirect_dma semaphore(%run_scoped3A_307 : memref<!tpu.dma_semaphore, #tpu.memory_space<semaphore_mem>>) src(%dma_wait3A_314 : memref<120xf32, #tpu.memory_space<vmem>>) dst(%dma_wait3A_319 : memref<10240xf32, #tpu.memory_space<vmem_shared>>)
        tpu.yield
      }) : () -> ()
    }
    %scan3A_291 = arith.constant 21 : i32
    %barrier3A_292 = arith.constant 0 : index
    tpu.barrier barrier_id(%barrier3A_292)
    %mul3A_293 = arith.constant 640 : i32
    %mul3A_294 = arith.muli %arg1, %mul3A_293 : i32
    %mul3A_295 = arith.constant 640 : i32
    %mul3A_296 = arith.muli %arg1, %mul3A_295 : i32
    "tpu.region"() ({
      %run_scoped3A = tpu.sem_alloc : memref<!tpu.dma_semaphore, #tpu.memory_space<semaphore_mem>>
      %dma_start3A = tpu.memref_slice %arg3[%arg0, %mul3A_296] : memref<2x10240xf32, #tpu.memory_space<hbm>> -> memref<1x640xf32, #tpu.memory_space<hbm>>
      %dma_start3A_297 = tpu.memref_squeeze %dma_start3A : memref<1x640xf32, #tpu.memory_space<hbm>> -> memref<640xf32, #tpu.memory_space<hbm>>
      %dma_start3A_298 = tpu.memref_slice %arg7[%mul3A_294] : memref<10240xf32, #tpu.memory_space<vmem_shared>> -> memref<640xf32, #tpu.memory_space<vmem_shared>>
      tpu.enqueue_dma source(%dma_start3A_298 : memref<640xf32, #tpu.memory_space<vmem_shared>>) target(%dma_start3A_297 : memref<640xf32, #tpu.memory_space<hbm>>) target_semaphore(%run_scoped3A : memref<!tpu.dma_semaphore, #tpu.memory_space<semaphore_mem>>)
      %dma_wait3A = tpu.memref_slice %arg3[%arg0, %mul3A_296] : memref<2x10240xf32, #tpu.memory_space<hbm>> -> memref<1x640xf32, #tpu.memory_space<hbm>>
      %dma_wait3A_299 = tpu.memref_squeeze %dma_wait3A : memref<1x640xf32, #tpu.memory_space<hbm>> -> memref<640xf32, #tpu.memory_space<hbm>>
      %dma_wait3A_300 = tpu.memref_slice %arg7[%mul3A_294] : memref<10240xf32, #tpu.memory_space<vmem_shared>> -> memref<640xf32, #tpu.memory_space<vmem_shared>>
      tpu.wait_dma2 semaphore(%run_scoped3A : memref<!tpu.dma_semaphore, #tpu.memory_space<semaphore_mem>>) src(%dma_wait3A_300 : memref<640xf32, #tpu.memory_space<vmem_shared>>) dst(%dma_wait3A_299 : memref<640xf32, #tpu.memory_space<hbm>>)
      tpu.yield
    }) : () -> ()
    return
  }
}

#map = affine_map<(d0, d1) -> (0, 0)>
#map1 = affine_map<(d0, d1) -> (0, 0, 0, 0)>
module attributes {stable_mosaic.version = 14 : i64} {
  func.func @body(%arg0: i32, %arg1: i32, %arg2: memref<20224x128xf32, #tpu.memory_space<hbm>>, %arg3: memref<2x16x168x120xi32, #tpu.memory_space<hbm>>, %arg4: memref<2x16x168x120xi32, #tpu.memory_space<hbm>>, %arg5: memref<20224x128xf32, #tpu.memory_space<hbm>>, %arg6: memref<8x120xi32, #tpu.memory_space<vmem>>, %arg7: memref<8x120xi32, #tpu.memory_space<vmem>>, %arg8: memref<120x128xf32, #tpu.memory_space<vmem>>, %arg9: memref<120x128xf32, #tpu.memory_space<vmem>>, %arg10: memref<120x128xf32, #tpu.memory_space<vmem>>, %arg11: memref<!tpu.dma_semaphore, #tpu.memory_space<semaphore_mem>>, %arg12: memref<!tpu.dma_semaphore, #tpu.memory_space<semaphore_mem>>, %arg13: memref<!tpu.dma_semaphore, #tpu.memory_space<semaphore_mem>>, %arg14: memref<!tpu.dma_semaphore, #tpu.memory_space<semaphore_mem>>, %arg15: memref<!tpu.dma_semaphore, #tpu.memory_space<semaphore_mem>>, %arg16: memref<!tpu.dma_semaphore, #tpu.memory_space<semaphore_mem>>, %arg17: memref<!tpu.dma_semaphore, #tpu.memory_space<semaphore_mem>>, %arg18: memref<!tpu.dma_semaphore, #tpu.memory_space<semaphore_mem>>, %arg19: memref<10112x128xf32, #tpu.memory_space<vmem_shared>>) attributes {dimension_semantics = [#tpu.dimension_semantics<core_parallel>, #tpu.dimension_semantics<subcore_parallel>], iteration_bounds = array<i64: 2, 16>, scalar_prefetch = 0 : i64, scratch_operands = 14 : i64, tpu.core_type = #tpu.core_type<sc_vector_subcore>, window_params = [{transform_indices = #map}, {transform_indices = #map1}, {transform_indices = #map1}, {transform_indices = #map}]} {
    %mul3A = arith.constant 632 : i32
    %mul3A_0 = arith.muli %arg1, %mul3A : i32
    %mul3A_1 = arith.constant 10112 : i32
    %mul3A_2 = arith.muli %arg0, %mul3A_1 : i32
    %add3A = arith.addi %mul3A_2, %mul3A_0 : i32
    "tpu.region"() ({
      %run_scoped3A = tpu.sem_alloc : memref<!tpu.dma_semaphore, #tpu.memory_space<semaphore_mem>>
      %dma_start3A = arith.constant 0 : i32
      %dma_start3A_12 = tpu.memref_slice %arg19[%mul3A_0, %dma_start3A] : memref<10112x128xf32, #tpu.memory_space<vmem_shared>> -> memref<632x128xf32, #tpu.memory_space<vmem_shared>>
      %dma_start3A_13 = arith.constant 0 : i32
      %dma_start3A_14 = tpu.memref_slice %arg2[%add3A, %dma_start3A_13] : memref<20224x128xf32, #tpu.memory_space<hbm>> -> memref<632x128xf32, #tpu.memory_space<hbm>>
      tpu.enqueue_dma source(%dma_start3A_14 : memref<632x128xf32, #tpu.memory_space<hbm>>) target(%dma_start3A_12 : memref<632x128xf32, #tpu.memory_space<vmem_shared>>) target_semaphore(%run_scoped3A : memref<!tpu.dma_semaphore, #tpu.memory_space<semaphore_mem>>)
      %dma_wait3A = arith.constant 0 : i32
      %dma_wait3A_15 = tpu.memref_slice %arg19[%mul3A_0, %dma_wait3A] : memref<10112x128xf32, #tpu.memory_space<vmem_shared>> -> memref<632x128xf32, #tpu.memory_space<vmem_shared>>
      %dma_wait3A_16 = arith.constant 0 : i32
      %dma_wait3A_17 = tpu.memref_slice %arg2[%add3A, %dma_wait3A_16] : memref<20224x128xf32, #tpu.memory_space<hbm>> -> memref<632x128xf32, #tpu.memory_space<hbm>>
      tpu.wait_dma2 semaphore(%run_scoped3A : memref<!tpu.dma_semaphore, #tpu.memory_space<semaphore_mem>>) src(%dma_wait3A_17 : memref<632x128xf32, #tpu.memory_space<hbm>>) dst(%dma_wait3A_15 : memref<632x128xf32, #tpu.memory_space<vmem_shared>>)
      tpu.yield
    }) : () -> ()
    %barrier3A = arith.constant 0 : index
    tpu.barrier barrier_id(%barrier3A)
    %scan3A = arith.constant 0 : i32
    %scan3A_3 = arith.constant 0 : i32
    %scan3A_4 = arith.constant 21 : i32
    %scan3A_5 = arith.addi %scan3A_3, %scan3A_4 : i32
    %scan3A_6 = arith.constant 1 : i32
    scf.for %scan3A_12 = %scan3A_3 to %scan3A_5 step %scan3A_6  : i32 {
      %mul3A_13 = arith.constant 8 : i32
      %mul3A_14 = arith.muli %scan3A_12, %mul3A_13 : i32
      %dma_start3A = arith.constant 0 : i32
      %dma_start3A_15 = tpu.memref_slice %arg3[%arg0, %arg1, %mul3A_14, %dma_start3A] : memref<2x16x168x120xi32, #tpu.memory_space<hbm>> -> memref<1x1x8x120xi32, #tpu.memory_space<hbm>>
      %dma_start3A_16 = tpu.memref_squeeze %dma_start3A_15 : memref<1x1x8x120xi32, #tpu.memory_space<hbm>> -> memref<8x120xi32, #tpu.memory_space<hbm>>
      %dma_start3A_17 = arith.constant 0 : i32
      %dma_start3A_18 = tpu.memref_slice %arg3[%arg0, %arg1, %mul3A_14, %dma_start3A_17] : memref<2x16x168x120xi32, #tpu.memory_space<hbm>> -> memref<1x1x8x120xi32, #tpu.memory_space<hbm>>
      %dma_start3A_19 = tpu.memref_squeeze %dma_start3A_18 : memref<1x1x8x120xi32, #tpu.memory_space<hbm>> -> memref<8x120xi32, #tpu.memory_space<hbm>>
      tpu.enqueue_dma source(%dma_start3A_19 : memref<8x120xi32, #tpu.memory_space<hbm>>) target(%arg6 : memref<8x120xi32, #tpu.memory_space<vmem>>) target_semaphore(%arg17 : memref<!tpu.dma_semaphore, #tpu.memory_space<semaphore_mem>>)
      %mul3A_20 = arith.constant 8 : i32
      %mul3A_21 = arith.muli %scan3A_12, %mul3A_20 : i32
      %dma_start3A_22 = arith.constant 0 : i32
      %dma_start3A_23 = tpu.memref_slice %arg4[%arg0, %arg1, %mul3A_21, %dma_start3A_22] : memref<2x16x168x120xi32, #tpu.memory_space<hbm>> -> memref<1x1x8x120xi32, #tpu.memory_space<hbm>>
      %dma_start3A_24 = tpu.memref_squeeze %dma_start3A_23 : memref<1x1x8x120xi32, #tpu.memory_space<hbm>> -> memref<8x120xi32, #tpu.memory_space<hbm>>
      %dma_start3A_25 = arith.constant 0 : i32
      %dma_start3A_26 = tpu.memref_slice %arg4[%arg0, %arg1, %mul3A_21, %dma_start3A_25] : memref<2x16x168x120xi32, #tpu.memory_space<hbm>> -> memref<1x1x8x120xi32, #tpu.memory_space<hbm>>
      %dma_start3A_27 = tpu.memref_squeeze %dma_start3A_26 : memref<1x1x8x120xi32, #tpu.memory_space<hbm>> -> memref<8x120xi32, #tpu.memory_space<hbm>>
      tpu.enqueue_dma source(%dma_start3A_27 : memref<8x120xi32, #tpu.memory_space<hbm>>) target(%arg7 : memref<8x120xi32, #tpu.memory_space<vmem>>) target_semaphore(%arg18 : memref<!tpu.dma_semaphore, #tpu.memory_space<semaphore_mem>>)
      %dma_wait3A = arith.constant 0 : i32
      %dma_wait3A_28 = tpu.memref_slice %arg3[%arg0, %arg1, %mul3A_14, %dma_wait3A] : memref<2x16x168x120xi32, #tpu.memory_space<hbm>> -> memref<1x1x8x120xi32, #tpu.memory_space<hbm>>
      %dma_wait3A_29 = tpu.memref_squeeze %dma_wait3A_28 : memref<1x1x8x120xi32, #tpu.memory_space<hbm>> -> memref<8x120xi32, #tpu.memory_space<hbm>>
      %dma_wait3A_30 = arith.constant 0 : i32
      %dma_wait3A_31 = tpu.memref_slice %arg3[%arg0, %arg1, %mul3A_14, %dma_wait3A_30] : memref<2x16x168x120xi32, #tpu.memory_space<hbm>> -> memref<1x1x8x120xi32, #tpu.memory_space<hbm>>
      %dma_wait3A_32 = tpu.memref_squeeze %dma_wait3A_31 : memref<1x1x8x120xi32, #tpu.memory_space<hbm>> -> memref<8x120xi32, #tpu.memory_space<hbm>>
      tpu.wait_dma2 semaphore(%arg17 : memref<!tpu.dma_semaphore, #tpu.memory_space<semaphore_mem>>) src(%dma_wait3A_32 : memref<8x120xi32, #tpu.memory_space<hbm>>) dst(%arg6 : memref<8x120xi32, #tpu.memory_space<vmem>>)
      %dma_wait3A_33 = arith.constant 0 : i32
      %dma_wait3A_34 = tpu.memref_slice %arg4[%arg0, %arg1, %mul3A_21, %dma_wait3A_33] : memref<2x16x168x120xi32, #tpu.memory_space<hbm>> -> memref<1x1x8x120xi32, #tpu.memory_space<hbm>>
      %dma_wait3A_35 = tpu.memref_squeeze %dma_wait3A_34 : memref<1x1x8x120xi32, #tpu.memory_space<hbm>> -> memref<8x120xi32, #tpu.memory_space<hbm>>
      %dma_wait3A_36 = arith.constant 0 : i32
      %dma_wait3A_37 = tpu.memref_slice %arg4[%arg0, %arg1, %mul3A_21, %dma_wait3A_36] : memref<2x16x168x120xi32, #tpu.memory_space<hbm>> -> memref<1x1x8x120xi32, #tpu.memory_space<hbm>>
      %dma_wait3A_38 = tpu.memref_squeeze %dma_wait3A_37 : memref<1x1x8x120xi32, #tpu.memory_space<hbm>> -> memref<8x120xi32, #tpu.memory_space<hbm>>
      tpu.wait_dma2 semaphore(%arg18 : memref<!tpu.dma_semaphore, #tpu.memory_space<semaphore_mem>>) src(%dma_wait3A_38 : memref<8x120xi32, #tpu.memory_space<hbm>>) dst(%arg7 : memref<8x120xi32, #tpu.memory_space<vmem>>)
      %dma_start3A_39 = arith.constant 0 : i32
      %dma_start3A_40 = arith.constant 0 : i32
      %dma_start3A_41 = tpu.memref_slice %arg6[%dma_start3A_39, %dma_start3A_40] : memref<8x120xi32, #tpu.memory_space<vmem>> -> memref<1x120xi32, #tpu.memory_space<vmem>>
      %dma_start3A_42 = tpu.memref_squeeze %dma_start3A_41 : memref<1x120xi32, #tpu.memory_space<vmem>> -> memref<120xi32, #tpu.memory_space<vmem>>
      %dma_start3A_43 = arith.constant 0 : i32
      %dma_start3A_44 = arith.constant 0 : i32
      %dma_start3A_45 = tpu.memref_slice %arg2[%dma_start3A_43, %dma_start3A_44] : memref<20224x128xf32, #tpu.memory_space<hbm>> -> memref<20224x128xf32, #tpu.memory_space<hbm>>
      tpu.enqueue_indirect_dma source(%dma_start3A_45 : memref<20224x128xf32, #tpu.memory_space<hbm>>) target(%arg8 : memref<120x128xf32, #tpu.memory_space<vmem>>) offsets(%dma_start3A_42 : memref<120xi32, #tpu.memory_space<vmem>>) semaphore(%arg11 : memref<!tpu.dma_semaphore, #tpu.memory_space<semaphore_mem>>)
      %dma_start3A_46 = arith.constant 1 : i32
      %dma_start3A_47 = arith.constant 0 : i32
      %dma_start3A_48 = tpu.memref_slice %arg6[%dma_start3A_46, %dma_start3A_47] : memref<8x120xi32, #tpu.memory_space<vmem>> -> memref<1x120xi32, #tpu.memory_space<vmem>>
      %dma_start3A_49 = tpu.memref_squeeze %dma_start3A_48 : memref<1x120xi32, #tpu.memory_space<vmem>> -> memref<120xi32, #tpu.memory_space<vmem>>
      %dma_start3A_50 = arith.constant 0 : i32
      %dma_start3A_51 = arith.constant 0 : i32
      %dma_start3A_52 = tpu.memref_slice %arg2[%dma_start3A_50, %dma_start3A_51] : memref<20224x128xf32, #tpu.memory_space<hbm>> -> memref<20224x128xf32, #tpu.memory_space<hbm>>
      tpu.enqueue_indirect_dma source(%dma_start3A_52 : memref<20224x128xf32, #tpu.memory_space<hbm>>) target(%arg9 : memref<120x128xf32, #tpu.memory_space<vmem>>) offsets(%dma_start3A_49 : memref<120xi32, #tpu.memory_space<vmem>>) semaphore(%arg12 : memref<!tpu.dma_semaphore, #tpu.memory_space<semaphore_mem>>)
      %dma_start3A_53 = arith.constant 2 : i32
      %dma_start3A_54 = arith.constant 0 : i32
      %dma_start3A_55 = tpu.memref_slice %arg6[%dma_start3A_53, %dma_start3A_54] : memref<8x120xi32, #tpu.memory_space<vmem>> -> memref<1x120xi32, #tpu.memory_space<vmem>>
      %dma_start3A_56 = tpu.memref_squeeze %dma_start3A_55 : memref<1x120xi32, #tpu.memory_space<vmem>> -> memref<120xi32, #tpu.memory_space<vmem>>
      %dma_start3A_57 = arith.constant 0 : i32
      %dma_start3A_58 = arith.constant 0 : i32
      %dma_start3A_59 = tpu.memref_slice %arg2[%dma_start3A_57, %dma_start3A_58] : memref<20224x128xf32, #tpu.memory_space<hbm>> -> memref<20224x128xf32, #tpu.memory_space<hbm>>
      tpu.enqueue_indirect_dma source(%dma_start3A_59 : memref<20224x128xf32, #tpu.memory_space<hbm>>) target(%arg10 : memref<120x128xf32, #tpu.memory_space<vmem>>) offsets(%dma_start3A_56 : memref<120xi32, #tpu.memory_space<vmem>>) semaphore(%arg13 : memref<!tpu.dma_semaphore, #tpu.memory_space<semaphore_mem>>)
      %dma_wait3A_60 = arith.constant 0 : i32
      %dma_wait3A_61 = arith.constant 0 : i32
      %dma_wait3A_62 = tpu.memref_slice %arg6[%dma_wait3A_60, %dma_wait3A_61] : memref<8x120xi32, #tpu.memory_space<vmem>> -> memref<1x120xi32, #tpu.memory_space<vmem>>
      %dma_wait3A_63 = tpu.memref_squeeze %dma_wait3A_62 : memref<1x120xi32, #tpu.memory_space<vmem>> -> memref<120xi32, #tpu.memory_space<vmem>>
      %dma_wait3A_64 = arith.constant 0 : i32
      %dma_wait3A_65 = arith.constant 0 : i32
      %dma_wait3A_66 = tpu.memref_slice %arg2[%dma_wait3A_64, %dma_wait3A_65] : memref<20224x128xf32, #tpu.memory_space<hbm>> -> memref<20224x128xf32, #tpu.memory_space<hbm>>
      tpu.wait_indirect_dma semaphore(%arg11 : memref<!tpu.dma_semaphore, #tpu.memory_space<semaphore_mem>>) src(%dma_wait3A_66 : memref<20224x128xf32, #tpu.memory_space<hbm>>) dst(%arg8 : memref<120x128xf32, #tpu.memory_space<vmem>>)
      %dma_start3A_67 = arith.constant 0 : i32
      %dma_start3A_68 = arith.constant 0 : i32
      %dma_start3A_69 = tpu.memref_slice %arg7[%dma_start3A_67, %dma_start3A_68] : memref<8x120xi32, #tpu.memory_space<vmem>> -> memref<1x120xi32, #tpu.memory_space<vmem>>
      %dma_start3A_70 = tpu.memref_squeeze %dma_start3A_69 : memref<1x120xi32, #tpu.memory_space<vmem>> -> memref<120xi32, #tpu.memory_space<vmem>>
      %dma_start3A_71 = arith.constant 0 : i32
      %dma_start3A_72 = arith.constant 0 : i32
      %dma_start3A_73 = tpu.memref_slice %arg19[%dma_start3A_71, %dma_start3A_72] : memref<10112x128xf32, #tpu.memory_space<vmem_shared>> -> memref<10112x128xf32, #tpu.memory_space<vmem_shared>>
      tpu.enqueue_indirect_dma source(%arg8 : memref<120x128xf32, #tpu.memory_space<vmem>>) target(%dma_start3A_73 : memref<10112x128xf32, #tpu.memory_space<vmem_shared>>) offsets(%dma_start3A_70 : memref<120xi32, #tpu.memory_space<vmem>>) semaphore(%arg14 : memref<!tpu.dma_semaphore, #tpu.memory_space<semaphore_mem>>) {add = true}
      %dma_wait3A_74 = arith.constant 0 : i32
      %dma_wait3A_75 = arith.constant 0 : i32
      %dma_wait3A_76 = tpu.memref_slice %arg7[%dma_wait3A_74, %dma_wait3A_75] : memref<8x120xi32, #tpu.memory_space<vmem>> -> memref<1x120xi32, #tpu.memory_space<vmem>>
      %dma_wait3A_77 = tpu.memref_squeeze %dma_wait3A_76 : memref<1x120xi32, #tpu.memory_space<vmem>> -> memref<120xi32, #tpu.memory_space<vmem>>
      %dma_wait3A_78 = arith.constant 0 : i32
      %dma_wait3A_79 = arith.constant 0 : i32
      %dma_wait3A_80 = tpu.memref_slice %arg19[%dma_wait3A_78, %dma_wait3A_79] : memref<10112x128xf32, #tpu.memory_space<vmem_shared>> -> memref<10112x128xf32, #tpu.memory_space<vmem_shared>>
      tpu.wait_indirect_dma semaphore(%arg14 : memref<!tpu.dma_semaphore, #tpu.memory_space<semaphore_mem>>) src(%arg8 : memref<120x128xf32, #tpu.memory_space<vmem>>) dst(%dma_wait3A_80 : memref<10112x128xf32, #tpu.memory_space<vmem_shared>>)
      %dma_start3A_81 = arith.constant 3 : i32
      %dma_start3A_82 = arith.constant 0 : i32
      %dma_start3A_83 = tpu.memref_slice %arg6[%dma_start3A_81, %dma_start3A_82] : memref<8x120xi32, #tpu.memory_space<vmem>> -> memref<1x120xi32, #tpu.memory_space<vmem>>
      %dma_start3A_84 = tpu.memref_squeeze %dma_start3A_83 : memref<1x120xi32, #tpu.memory_space<vmem>> -> memref<120xi32, #tpu.memory_space<vmem>>
      %dma_start3A_85 = arith.constant 0 : i32
      %dma_start3A_86 = arith.constant 0 : i32
      %dma_start3A_87 = tpu.memref_slice %arg2[%dma_start3A_85, %dma_start3A_86] : memref<20224x128xf32, #tpu.memory_space<hbm>> -> memref<20224x128xf32, #tpu.memory_space<hbm>>
      tpu.enqueue_indirect_dma source(%dma_start3A_87 : memref<20224x128xf32, #tpu.memory_space<hbm>>) target(%arg8 : memref<120x128xf32, #tpu.memory_space<vmem>>) offsets(%dma_start3A_84 : memref<120xi32, #tpu.memory_space<vmem>>) semaphore(%arg11 : memref<!tpu.dma_semaphore, #tpu.memory_space<semaphore_mem>>)
      %dma_wait3A_88 = arith.constant 1 : i32
      %dma_wait3A_89 = arith.constant 0 : i32
      %dma_wait3A_90 = tpu.memref_slice %arg6[%dma_wait3A_88, %dma_wait3A_89] : memref<8x120xi32, #tpu.memory_space<vmem>> -> memref<1x120xi32, #tpu.memory_space<vmem>>
      %dma_wait3A_91 = tpu.memref_squeeze %dma_wait3A_90 : memref<1x120xi32, #tpu.memory_space<vmem>> -> memref<120xi32, #tpu.memory_space<vmem>>
      %dma_wait3A_92 = arith.constant 0 : i32
      %dma_wait3A_93 = arith.constant 0 : i32
      %dma_wait3A_94 = tpu.memref_slice %arg2[%dma_wait3A_92, %dma_wait3A_93] : memref<20224x128xf32, #tpu.memory_space<hbm>> -> memref<20224x128xf32, #tpu.memory_space<hbm>>
      tpu.wait_indirect_dma semaphore(%arg12 : memref<!tpu.dma_semaphore, #tpu.memory_space<semaphore_mem>>) src(%dma_wait3A_94 : memref<20224x128xf32, #tpu.memory_space<hbm>>) dst(%arg9 : memref<120x128xf32, #tpu.memory_space<vmem>>)
      %dma_start3A_95 = arith.constant 1 : i32
      %dma_start3A_96 = arith.constant 0 : i32
      %dma_start3A_97 = tpu.memref_slice %arg7[%dma_start3A_95, %dma_start3A_96] : memref<8x120xi32, #tpu.memory_space<vmem>> -> memref<1x120xi32, #tpu.memory_space<vmem>>
      %dma_start3A_98 = tpu.memref_squeeze %dma_start3A_97 : memref<1x120xi32, #tpu.memory_space<vmem>> -> memref<120xi32, #tpu.memory_space<vmem>>
      %dma_start3A_99 = arith.constant 0 : i32
      %dma_start3A_100 = arith.constant 0 : i32
      %dma_start3A_101 = tpu.memref_slice %arg19[%dma_start3A_99, %dma_start3A_100] : memref<10112x128xf32, #tpu.memory_space<vmem_shared>> -> memref<10112x128xf32, #tpu.memory_space<vmem_shared>>
      tpu.enqueue_indirect_dma source(%arg9 : memref<120x128xf32, #tpu.memory_space<vmem>>) target(%dma_start3A_101 : memref<10112x128xf32, #tpu.memory_space<vmem_shared>>) offsets(%dma_start3A_98 : memref<120xi32, #tpu.memory_space<vmem>>) semaphore(%arg15 : memref<!tpu.dma_semaphore, #tpu.memory_space<semaphore_mem>>) {add = true}
      %dma_wait3A_102 = arith.constant 1 : i32
      %dma_wait3A_103 = arith.constant 0 : i32
      %dma_wait3A_104 = tpu.memref_slice %arg7[%dma_wait3A_102, %dma_wait3A_103] : memref<8x120xi32, #tpu.memory_space<vmem>> -> memref<1x120xi32, #tpu.memory_space<vmem>>
      %dma_wait3A_105 = tpu.memref_squeeze %dma_wait3A_104 : memref<1x120xi32, #tpu.memory_space<vmem>> -> memref<120xi32, #tpu.memory_space<vmem>>
      %dma_wait3A_106 = arith.constant 0 : i32
      %dma_wait3A_107 = arith.constant 0 : i32
      %dma_wait3A_108 = tpu.memref_slice %arg19[%dma_wait3A_106, %dma_wait3A_107] : memref<10112x128xf32, #tpu.memory_space<vmem_shared>> -> memref<10112x128xf32, #tpu.memory_space<vmem_shared>>
      tpu.wait_indirect_dma semaphore(%arg15 : memref<!tpu.dma_semaphore, #tpu.memory_space<semaphore_mem>>) src(%arg9 : memref<120x128xf32, #tpu.memory_space<vmem>>) dst(%dma_wait3A_108 : memref<10112x128xf32, #tpu.memory_space<vmem_shared>>)
      %dma_start3A_109 = arith.constant 4 : i32
      %dma_start3A_110 = arith.constant 0 : i32
      %dma_start3A_111 = tpu.memref_slice %arg6[%dma_start3A_109, %dma_start3A_110] : memref<8x120xi32, #tpu.memory_space<vmem>> -> memref<1x120xi32, #tpu.memory_space<vmem>>
      %dma_start3A_112 = tpu.memref_squeeze %dma_start3A_111 : memref<1x120xi32, #tpu.memory_space<vmem>> -> memref<120xi32, #tpu.memory_space<vmem>>
      %dma_start3A_113 = arith.constant 0 : i32
      %dma_start3A_114 = arith.constant 0 : i32
      %dma_start3A_115 = tpu.memref_slice %arg2[%dma_start3A_113, %dma_start3A_114] : memref<20224x128xf32, #tpu.memory_space<hbm>> -> memref<20224x128xf32, #tpu.memory_space<hbm>>
      tpu.enqueue_indirect_dma source(%dma_start3A_115 : memref<20224x128xf32, #tpu.memory_space<hbm>>) target(%arg9 : memref<120x128xf32, #tpu.memory_space<vmem>>) offsets(%dma_start3A_112 : memref<120xi32, #tpu.memory_space<vmem>>) semaphore(%arg12 : memref<!tpu.dma_semaphore, #tpu.memory_space<semaphore_mem>>)
      %dma_wait3A_116 = arith.constant 2 : i32
      %dma_wait3A_117 = arith.constant 0 : i32
      %dma_wait3A_118 = tpu.memref_slice %arg6[%dma_wait3A_116, %dma_wait3A_117] : memref<8x120xi32, #tpu.memory_space<vmem>> -> memref<1x120xi32, #tpu.memory_space<vmem>>
      %dma_wait3A_119 = tpu.memref_squeeze %dma_wait3A_118 : memref<1x120xi32, #tpu.memory_space<vmem>> -> memref<120xi32, #tpu.memory_space<vmem>>
      %dma_wait3A_120 = arith.constant 0 : i32
      %dma_wait3A_121 = arith.constant 0 : i32
      %dma_wait3A_122 = tpu.memref_slice %arg2[%dma_wait3A_120, %dma_wait3A_121] : memref<20224x128xf32, #tpu.memory_space<hbm>> -> memref<20224x128xf32, #tpu.memory_space<hbm>>
      tpu.wait_indirect_dma semaphore(%arg13 : memref<!tpu.dma_semaphore, #tpu.memory_space<semaphore_mem>>) src(%dma_wait3A_122 : memref<20224x128xf32, #tpu.memory_space<hbm>>) dst(%arg10 : memref<120x128xf32, #tpu.memory_space<vmem>>)
      %dma_start3A_123 = arith.constant 2 : i32
      %dma_start3A_124 = arith.constant 0 : i32
      %dma_start3A_125 = tpu.memref_slice %arg7[%dma_start3A_123, %dma_start3A_124] : memref<8x120xi32, #tpu.memory_space<vmem>> -> memref<1x120xi32, #tpu.memory_space<vmem>>
      %dma_start3A_126 = tpu.memref_squeeze %dma_start3A_125 : memref<1x120xi32, #tpu.memory_space<vmem>> -> memref<120xi32, #tpu.memory_space<vmem>>
      %dma_start3A_127 = arith.constant 0 : i32
      %dma_start3A_128 = arith.constant 0 : i32
      %dma_start3A_129 = tpu.memref_slice %arg19[%dma_start3A_127, %dma_start3A_128] : memref<10112x128xf32, #tpu.memory_space<vmem_shared>> -> memref<10112x128xf32, #tpu.memory_space<vmem_shared>>
      tpu.enqueue_indirect_dma source(%arg10 : memref<120x128xf32, #tpu.memory_space<vmem>>) target(%dma_start3A_129 : memref<10112x128xf32, #tpu.memory_space<vmem_shared>>) offsets(%dma_start3A_126 : memref<120xi32, #tpu.memory_space<vmem>>) semaphore(%arg16 : memref<!tpu.dma_semaphore, #tpu.memory_space<semaphore_mem>>) {add = true}
      %dma_wait3A_130 = arith.constant 2 : i32
      %dma_wait3A_131 = arith.constant 0 : i32
      %dma_wait3A_132 = tpu.memref_slice %arg7[%dma_wait3A_130, %dma_wait3A_131] : memref<8x120xi32, #tpu.memory_space<vmem>> -> memref<1x120xi32, #tpu.memory_space<vmem>>
      %dma_wait3A_133 = tpu.memref_squeeze %dma_wait3A_132 : memref<1x120xi32, #tpu.memory_space<vmem>> -> memref<120xi32, #tpu.memory_space<vmem>>
      %dma_wait3A_134 = arith.constant 0 : i32
      %dma_wait3A_135 = arith.constant 0 : i32
      %dma_wait3A_136 = tpu.memref_slice %arg19[%dma_wait3A_134, %dma_wait3A_135] : memref<10112x128xf32, #tpu.memory_space<vmem_shared>> -> memref<10112x128xf32, #tpu.memory_space<vmem_shared>>
      tpu.wait_indirect_dma semaphore(%arg16 : memref<!tpu.dma_semaphore, #tpu.memory_space<semaphore_mem>>) src(%arg10 : memref<120x128xf32, #tpu.memory_space<vmem>>) dst(%dma_wait3A_136 : memref<10112x128xf32, #tpu.memory_space<vmem_shared>>)
      %dma_start3A_137 = arith.constant 5 : i32
      %dma_start3A_138 = arith.constant 0 : i32
      %dma_start3A_139 = tpu.memref_slice %arg6[%dma_start3A_137, %dma_start3A_138] : memref<8x120xi32, #tpu.memory_space<vmem>> -> memref<1x120xi32, #tpu.memory_space<vmem>>
      %dma_start3A_140 = tpu.memref_squeeze %dma_start3A_139 : memref<1x120xi32, #tpu.memory_space<vmem>> -> memref<120xi32, #tpu.memory_space<vmem>>
      %dma_start3A_141 = arith.constant 0 : i32
      %dma_start3A_142 = arith.constant 0 : i32
      %dma_start3A_143 = tpu.memref_slice %arg2[%dma_start3A_141, %dma_start3A_142] : memref<20224x128xf32, #tpu.memory_space<hbm>> -> memref<20224x128xf32, #tpu.memory_space<hbm>>
      tpu.enqueue_indirect_dma source(%dma_start3A_143 : memref<20224x128xf32, #tpu.memory_space<hbm>>) target(%arg10 : memref<120x128xf32, #tpu.memory_space<vmem>>) offsets(%dma_start3A_140 : memref<120xi32, #tpu.memory_space<vmem>>) semaphore(%arg13 : memref<!tpu.dma_semaphore, #tpu.memory_space<semaphore_mem>>)
      %dma_wait3A_144 = arith.constant 3 : i32
      %dma_wait3A_145 = arith.constant 0 : i32
      %dma_wait3A_146 = tpu.memref_slice %arg6[%dma_wait3A_144, %dma_wait3A_145] : memref<8x120xi32, #tpu.memory_space<vmem>> -> memref<1x120xi32, #tpu.memory_space<vmem>>
      %dma_wait3A_147 = tpu.memref_squeeze %dma_wait3A_146 : memref<1x120xi32, #tpu.memory_space<vmem>> -> memref<120xi32, #tpu.memory_space<vmem>>
      %dma_wait3A_148 = arith.constant 0 : i32
      %dma_wait3A_149 = arith.constant 0 : i32
      %dma_wait3A_150 = tpu.memref_slice %arg2[%dma_wait3A_148, %dma_wait3A_149] : memref<20224x128xf32, #tpu.memory_space<hbm>> -> memref<20224x128xf32, #tpu.memory_space<hbm>>
      tpu.wait_indirect_dma semaphore(%arg11 : memref<!tpu.dma_semaphore, #tpu.memory_space<semaphore_mem>>) src(%dma_wait3A_150 : memref<20224x128xf32, #tpu.memory_space<hbm>>) dst(%arg8 : memref<120x128xf32, #tpu.memory_space<vmem>>)
      %dma_start3A_151 = arith.constant 3 : i32
      %dma_start3A_152 = arith.constant 0 : i32
      %dma_start3A_153 = tpu.memref_slice %arg7[%dma_start3A_151, %dma_start3A_152] : memref<8x120xi32, #tpu.memory_space<vmem>> -> memref<1x120xi32, #tpu.memory_space<vmem>>
      %dma_start3A_154 = tpu.memref_squeeze %dma_start3A_153 : memref<1x120xi32, #tpu.memory_space<vmem>> -> memref<120xi32, #tpu.memory_space<vmem>>
      %dma_start3A_155 = arith.constant 0 : i32
      %dma_start3A_156 = arith.constant 0 : i32
      %dma_start3A_157 = tpu.memref_slice %arg19[%dma_start3A_155, %dma_start3A_156] : memref<10112x128xf32, #tpu.memory_space<vmem_shared>> -> memref<10112x128xf32, #tpu.memory_space<vmem_shared>>
      tpu.enqueue_indirect_dma source(%arg8 : memref<120x128xf32, #tpu.memory_space<vmem>>) target(%dma_start3A_157 : memref<10112x128xf32, #tpu.memory_space<vmem_shared>>) offsets(%dma_start3A_154 : memref<120xi32, #tpu.memory_space<vmem>>) semaphore(%arg14 : memref<!tpu.dma_semaphore, #tpu.memory_space<semaphore_mem>>) {add = true}
      %dma_wait3A_158 = arith.constant 3 : i32
      %dma_wait3A_159 = arith.constant 0 : i32
      %dma_wait3A_160 = tpu.memref_slice %arg7[%dma_wait3A_158, %dma_wait3A_159] : memref<8x120xi32, #tpu.memory_space<vmem>> -> memref<1x120xi32, #tpu.memory_space<vmem>>
      %dma_wait3A_161 = tpu.memref_squeeze %dma_wait3A_160 : memref<1x120xi32, #tpu.memory_space<vmem>> -> memref<120xi32, #tpu.memory_space<vmem>>
      %dma_wait3A_162 = arith.constant 0 : i32
      %dma_wait3A_163 = arith.constant 0 : i32
      %dma_wait3A_164 = tpu.memref_slice %arg19[%dma_wait3A_162, %dma_wait3A_163] : memref<10112x128xf32, #tpu.memory_space<vmem_shared>> -> memref<10112x128xf32, #tpu.memory_space<vmem_shared>>
      tpu.wait_indirect_dma semaphore(%arg14 : memref<!tpu.dma_semaphore, #tpu.memory_space<semaphore_mem>>) src(%arg8 : memref<120x128xf32, #tpu.memory_space<vmem>>) dst(%dma_wait3A_164 : memref<10112x128xf32, #tpu.memory_space<vmem_shared>>)
      %dma_start3A_165 = arith.constant 6 : i32
      %dma_start3A_166 = arith.constant 0 : i32
      %dma_start3A_167 = tpu.memref_slice %arg6[%dma_start3A_165, %dma_start3A_166] : memref<8x120xi32, #tpu.memory_space<vmem>> -> memref<1x120xi32, #tpu.memory_space<vmem>>
      %dma_start3A_168 = tpu.memref_squeeze %dma_start3A_167 : memref<1x120xi32, #tpu.memory_space<vmem>> -> memref<120xi32, #tpu.memory_space<vmem>>
      %dma_start3A_169 = arith.constant 0 : i32
      %dma_start3A_170 = arith.constant 0 : i32
      %dma_start3A_171 = tpu.memref_slice %arg2[%dma_start3A_169, %dma_start3A_170] : memref<20224x128xf32, #tpu.memory_space<hbm>> -> memref<20224x128xf32, #tpu.memory_space<hbm>>
      tpu.enqueue_indirect_dma source(%dma_start3A_171 : memref<20224x128xf32, #tpu.memory_space<hbm>>) target(%arg8 : memref<120x128xf32, #tpu.memory_space<vmem>>) offsets(%dma_start3A_168 : memref<120xi32, #tpu.memory_space<vmem>>) semaphore(%arg11 : memref<!tpu.dma_semaphore, #tpu.memory_space<semaphore_mem>>)
      %dma_wait3A_172 = arith.constant 4 : i32
      %dma_wait3A_173 = arith.constant 0 : i32
      %dma_wait3A_174 = tpu.memref_slice %arg6[%dma_wait3A_172, %dma_wait3A_173] : memref<8x120xi32, #tpu.memory_space<vmem>> -> memref<1x120xi32, #tpu.memory_space<vmem>>
      %dma_wait3A_175 = tpu.memref_squeeze %dma_wait3A_174 : memref<1x120xi32, #tpu.memory_space<vmem>> -> memref<120xi32, #tpu.memory_space<vmem>>
      %dma_wait3A_176 = arith.constant 0 : i32
      %dma_wait3A_177 = arith.constant 0 : i32
      %dma_wait3A_178 = tpu.memref_slice %arg2[%dma_wait3A_176, %dma_wait3A_177] : memref<20224x128xf32, #tpu.memory_space<hbm>> -> memref<20224x128xf32, #tpu.memory_space<hbm>>
      tpu.wait_indirect_dma semaphore(%arg12 : memref<!tpu.dma_semaphore, #tpu.memory_space<semaphore_mem>>) src(%dma_wait3A_178 : memref<20224x128xf32, #tpu.memory_space<hbm>>) dst(%arg9 : memref<120x128xf32, #tpu.memory_space<vmem>>)
      %dma_start3A_179 = arith.constant 4 : i32
      %dma_start3A_180 = arith.constant 0 : i32
      %dma_start3A_181 = tpu.memref_slice %arg7[%dma_start3A_179, %dma_start3A_180] : memref<8x120xi32, #tpu.memory_space<vmem>> -> memref<1x120xi32, #tpu.memory_space<vmem>>
      %dma_start3A_182 = tpu.memref_squeeze %dma_start3A_181 : memref<1x120xi32, #tpu.memory_space<vmem>> -> memref<120xi32, #tpu.memory_space<vmem>>
      %dma_start3A_183 = arith.constant 0 : i32
      %dma_start3A_184 = arith.constant 0 : i32
      %dma_start3A_185 = tpu.memref_slice %arg19[%dma_start3A_183, %dma_start3A_184] : memref<10112x128xf32, #tpu.memory_space<vmem_shared>> -> memref<10112x128xf32, #tpu.memory_space<vmem_shared>>
      tpu.enqueue_indirect_dma source(%arg9 : memref<120x128xf32, #tpu.memory_space<vmem>>) target(%dma_start3A_185 : memref<10112x128xf32, #tpu.memory_space<vmem_shared>>) offsets(%dma_start3A_182 : memref<120xi32, #tpu.memory_space<vmem>>) semaphore(%arg15 : memref<!tpu.dma_semaphore, #tpu.memory_space<semaphore_mem>>) {add = true}
      %dma_wait3A_186 = arith.constant 4 : i32
      %dma_wait3A_187 = arith.constant 0 : i32
      %dma_wait3A_188 = tpu.memref_slice %arg7[%dma_wait3A_186, %dma_wait3A_187] : memref<8x120xi32, #tpu.memory_space<vmem>> -> memref<1x120xi32, #tpu.memory_space<vmem>>
      %dma_wait3A_189 = tpu.memref_squeeze %dma_wait3A_188 : memref<1x120xi32, #tpu.memory_space<vmem>> -> memref<120xi32, #tpu.memory_space<vmem>>
      %dma_wait3A_190 = arith.constant 0 : i32
      %dma_wait3A_191 = arith.constant 0 : i32
      %dma_wait3A_192 = tpu.memref_slice %arg19[%dma_wait3A_190, %dma_wait3A_191] : memref<10112x128xf32, #tpu.memory_space<vmem_shared>> -> memref<10112x128xf32, #tpu.memory_space<vmem_shared>>
      tpu.wait_indirect_dma semaphore(%arg15 : memref<!tpu.dma_semaphore, #tpu.memory_space<semaphore_mem>>) src(%arg9 : memref<120x128xf32, #tpu.memory_space<vmem>>) dst(%dma_wait3A_192 : memref<10112x128xf32, #tpu.memory_space<vmem_shared>>)
      %dma_start3A_193 = arith.constant 7 : i32
      %dma_start3A_194 = arith.constant 0 : i32
      %dma_start3A_195 = tpu.memref_slice %arg6[%dma_start3A_193, %dma_start3A_194] : memref<8x120xi32, #tpu.memory_space<vmem>> -> memref<1x120xi32, #tpu.memory_space<vmem>>
      %dma_start3A_196 = tpu.memref_squeeze %dma_start3A_195 : memref<1x120xi32, #tpu.memory_space<vmem>> -> memref<120xi32, #tpu.memory_space<vmem>>
      %dma_start3A_197 = arith.constant 0 : i32
      %dma_start3A_198 = arith.constant 0 : i32
      %dma_start3A_199 = tpu.memref_slice %arg2[%dma_start3A_197, %dma_start3A_198] : memref<20224x128xf32, #tpu.memory_space<hbm>> -> memref<20224x128xf32, #tpu.memory_space<hbm>>
      tpu.enqueue_indirect_dma source(%dma_start3A_199 : memref<20224x128xf32, #tpu.memory_space<hbm>>) target(%arg9 : memref<120x128xf32, #tpu.memory_space<vmem>>) offsets(%dma_start3A_196 : memref<120xi32, #tpu.memory_space<vmem>>) semaphore(%arg12 : memref<!tpu.dma_semaphore, #tpu.memory_space<semaphore_mem>>)
      %dma_wait3A_200 = arith.constant 5 : i32
      %dma_wait3A_201 = arith.constant 0 : i32
      %dma_wait3A_202 = tpu.memref_slice %arg6[%dma_wait3A_200, %dma_wait3A_201] : memref<8x120xi32, #tpu.memory_space<vmem>> -> memref<1x120xi32, #tpu.memory_space<vmem>>
      %dma_wait3A_203 = tpu.memref_squeeze %dma_wait3A_202 : memref<1x120xi32, #tpu.memory_space<vmem>> -> memref<120xi32, #tpu.memory_space<vmem>>
      %dma_wait3A_204 = arith.constant 0 : i32
      %dma_wait3A_205 = arith.constant 0 : i32
      %dma_wait3A_206 = tpu.memref_slice %arg2[%dma_wait3A_204, %dma_wait3A_205] : memref<20224x128xf32, #tpu.memory_space<hbm>> -> memref<20224x128xf32, #tpu.memory_space<hbm>>
      tpu.wait_indirect_dma semaphore(%arg13 : memref<!tpu.dma_semaphore, #tpu.memory_space<semaphore_mem>>) src(%dma_wait3A_206 : memref<20224x128xf32, #tpu.memory_space<hbm>>) dst(%arg10 : memref<120x128xf32, #tpu.memory_space<vmem>>)
      %dma_start3A_207 = arith.constant 5 : i32
      %dma_start3A_208 = arith.constant 0 : i32
      %dma_start3A_209 = tpu.memref_slice %arg7[%dma_start3A_207, %dma_start3A_208] : memref<8x120xi32, #tpu.memory_space<vmem>> -> memref<1x120xi32, #tpu.memory_space<vmem>>
      %dma_start3A_210 = tpu.memref_squeeze %dma_start3A_209 : memref<1x120xi32, #tpu.memory_space<vmem>> -> memref<120xi32, #tpu.memory_space<vmem>>
      %dma_start3A_211 = arith.constant 0 : i32
      %dma_start3A_212 = arith.constant 0 : i32
      %dma_start3A_213 = tpu.memref_slice %arg19[%dma_start3A_211, %dma_start3A_212] : memref<10112x128xf32, #tpu.memory_space<vmem_shared>> -> memref<10112x128xf32, #tpu.memory_space<vmem_shared>>
      tpu.enqueue_indirect_dma source(%arg10 : memref<120x128xf32, #tpu.memory_space<vmem>>) target(%dma_start3A_213 : memref<10112x128xf32, #tpu.memory_space<vmem_shared>>) offsets(%dma_start3A_210 : memref<120xi32, #tpu.memory_space<vmem>>) semaphore(%arg16 : memref<!tpu.dma_semaphore, #tpu.memory_space<semaphore_mem>>) {add = true}
      %dma_wait3A_214 = arith.constant 6 : i32
      %dma_wait3A_215 = arith.constant 0 : i32
      %dma_wait3A_216 = tpu.memref_slice %arg6[%dma_wait3A_214, %dma_wait3A_215] : memref<8x120xi32, #tpu.memory_space<vmem>> -> memref<1x120xi32, #tpu.memory_space<vmem>>
      %dma_wait3A_217 = tpu.memref_squeeze %dma_wait3A_216 : memref<1x120xi32, #tpu.memory_space<vmem>> -> memref<120xi32, #tpu.memory_space<vmem>>
      %dma_wait3A_218 = arith.constant 0 : i32
      %dma_wait3A_219 = arith.constant 0 : i32
      %dma_wait3A_220 = tpu.memref_slice %arg2[%dma_wait3A_218, %dma_wait3A_219] : memref<20224x128xf32, #tpu.memory_space<hbm>> -> memref<20224x128xf32, #tpu.memory_space<hbm>>
      tpu.wait_indirect_dma semaphore(%arg11 : memref<!tpu.dma_semaphore, #tpu.memory_space<semaphore_mem>>) src(%dma_wait3A_220 : memref<20224x128xf32, #tpu.memory_space<hbm>>) dst(%arg8 : memref<120x128xf32, #tpu.memory_space<vmem>>)
      %dma_start3A_221 = arith.constant 6 : i32
      %dma_start3A_222 = arith.constant 0 : i32
      %dma_start3A_223 = tpu.memref_slice %arg7[%dma_start3A_221, %dma_start3A_222] : memref<8x120xi32, #tpu.memory_space<vmem>> -> memref<1x120xi32, #tpu.memory_space<vmem>>
      %dma_start3A_224 = tpu.memref_squeeze %dma_start3A_223 : memref<1x120xi32, #tpu.memory_space<vmem>> -> memref<120xi32, #tpu.memory_space<vmem>>
      %dma_start3A_225 = arith.constant 0 : i32
      %dma_start3A_226 = arith.constant 0 : i32
      %dma_start3A_227 = tpu.memref_slice %arg19[%dma_start3A_225, %dma_start3A_226] : memref<10112x128xf32, #tpu.memory_space<vmem_shared>> -> memref<10112x128xf32, #tpu.memory_space<vmem_shared>>
      tpu.enqueue_indirect_dma source(%arg8 : memref<120x128xf32, #tpu.memory_space<vmem>>) target(%dma_start3A_227 : memref<10112x128xf32, #tpu.memory_space<vmem_shared>>) offsets(%dma_start3A_224 : memref<120xi32, #tpu.memory_space<vmem>>) semaphore(%arg14 : memref<!tpu.dma_semaphore, #tpu.memory_space<semaphore_mem>>) {add = true}
      %dma_wait3A_228 = arith.constant 7 : i32
      %dma_wait3A_229 = arith.constant 0 : i32
      %dma_wait3A_230 = tpu.memref_slice %arg6[%dma_wait3A_228, %dma_wait3A_229] : memref<8x120xi32, #tpu.memory_space<vmem>> -> memref<1x120xi32, #tpu.memory_space<vmem>>
      %dma_wait3A_231 = tpu.memref_squeeze %dma_wait3A_230 : memref<1x120xi32, #tpu.memory_space<vmem>> -> memref<120xi32, #tpu.memory_space<vmem>>
      %dma_wait3A_232 = arith.constant 0 : i32
      %dma_wait3A_233 = arith.constant 0 : i32
      %dma_wait3A_234 = tpu.memref_slice %arg2[%dma_wait3A_232, %dma_wait3A_233] : memref<20224x128xf32, #tpu.memory_space<hbm>> -> memref<20224x128xf32, #tpu.memory_space<hbm>>
      tpu.wait_indirect_dma semaphore(%arg12 : memref<!tpu.dma_semaphore, #tpu.memory_space<semaphore_mem>>) src(%dma_wait3A_234 : memref<20224x128xf32, #tpu.memory_space<hbm>>) dst(%arg9 : memref<120x128xf32, #tpu.memory_space<vmem>>)
      %dma_start3A_235 = arith.constant 7 : i32
      %dma_start3A_236 = arith.constant 0 : i32
      %dma_start3A_237 = tpu.memref_slice %arg7[%dma_start3A_235, %dma_start3A_236] : memref<8x120xi32, #tpu.memory_space<vmem>> -> memref<1x120xi32, #tpu.memory_space<vmem>>
      %dma_start3A_238 = tpu.memref_squeeze %dma_start3A_237 : memref<1x120xi32, #tpu.memory_space<vmem>> -> memref<120xi32, #tpu.memory_space<vmem>>
      %dma_start3A_239 = arith.constant 0 : i32
      %dma_start3A_240 = arith.constant 0 : i32
      %dma_start3A_241 = tpu.memref_slice %arg19[%dma_start3A_239, %dma_start3A_240] : memref<10112x128xf32, #tpu.memory_space<vmem_shared>> -> memref<10112x128xf32, #tpu.memory_space<vmem_shared>>
      tpu.enqueue_indirect_dma source(%arg9 : memref<120x128xf32, #tpu.memory_space<vmem>>) target(%dma_start3A_241 : memref<10112x128xf32, #tpu.memory_space<vmem_shared>>) offsets(%dma_start3A_238 : memref<120xi32, #tpu.memory_space<vmem>>) semaphore(%arg15 : memref<!tpu.dma_semaphore, #tpu.memory_space<semaphore_mem>>) {add = true}
      %dma_wait3A_242 = arith.constant 6 : i32
      %dma_wait3A_243 = arith.constant 0 : i32
      %dma_wait3A_244 = tpu.memref_slice %arg7[%dma_wait3A_242, %dma_wait3A_243] : memref<8x120xi32, #tpu.memory_space<vmem>> -> memref<1x120xi32, #tpu.memory_space<vmem>>
      %dma_wait3A_245 = tpu.memref_squeeze %dma_wait3A_244 : memref<1x120xi32, #tpu.memory_space<vmem>> -> memref<120xi32, #tpu.memory_space<vmem>>
      %dma_wait3A_246 = arith.constant 0 : i32
      %dma_wait3A_247 = arith.constant 0 : i32
      %dma_wait3A_248 = tpu.memref_slice %arg19[%dma_wait3A_246, %dma_wait3A_247] : memref<10112x128xf32, #tpu.memory_space<vmem_shared>> -> memref<10112x128xf32, #tpu.memory_space<vmem_shared>>
      tpu.wait_indirect_dma semaphore(%arg14 : memref<!tpu.dma_semaphore, #tpu.memory_space<semaphore_mem>>) src(%arg8 : memref<120x128xf32, #tpu.memory_space<vmem>>) dst(%dma_wait3A_248 : memref<10112x128xf32, #tpu.memory_space<vmem_shared>>)
      %dma_wait3A_249 = arith.constant 7 : i32
      %dma_wait3A_250 = arith.constant 0 : i32
      %dma_wait3A_251 = tpu.memref_slice %arg7[%dma_wait3A_249, %dma_wait3A_250] : memref<8x120xi32, #tpu.memory_space<vmem>> -> memref<1x120xi32, #tpu.memory_space<vmem>>
      %dma_wait3A_252 = tpu.memref_squeeze %dma_wait3A_251 : memref<1x120xi32, #tpu.memory_space<vmem>> -> memref<120xi32, #tpu.memory_space<vmem>>
      %dma_wait3A_253 = arith.constant 0 : i32
      %dma_wait3A_254 = arith.constant 0 : i32
      %dma_wait3A_255 = tpu.memref_slice %arg19[%dma_wait3A_253, %dma_wait3A_254] : memref<10112x128xf32, #tpu.memory_space<vmem_shared>> -> memref<10112x128xf32, #tpu.memory_space<vmem_shared>>
      tpu.wait_indirect_dma semaphore(%arg15 : memref<!tpu.dma_semaphore, #tpu.memory_space<semaphore_mem>>) src(%arg9 : memref<120x128xf32, #tpu.memory_space<vmem>>) dst(%dma_wait3A_255 : memref<10112x128xf32, #tpu.memory_space<vmem_shared>>)
      %dma_wait3A_256 = arith.constant 5 : i32
      %dma_wait3A_257 = arith.constant 0 : i32
      %dma_wait3A_258 = tpu.memref_slice %arg7[%dma_wait3A_256, %dma_wait3A_257] : memref<8x120xi32, #tpu.memory_space<vmem>> -> memref<1x120xi32, #tpu.memory_space<vmem>>
      %dma_wait3A_259 = tpu.memref_squeeze %dma_wait3A_258 : memref<1x120xi32, #tpu.memory_space<vmem>> -> memref<120xi32, #tpu.memory_space<vmem>>
      %dma_wait3A_260 = arith.constant 0 : i32
      %dma_wait3A_261 = arith.constant 0 : i32
      %dma_wait3A_262 = tpu.memref_slice %arg19[%dma_wait3A_260, %dma_wait3A_261] : memref<10112x128xf32, #tpu.memory_space<vmem_shared>> -> memref<10112x128xf32, #tpu.memory_space<vmem_shared>>
      tpu.wait_indirect_dma semaphore(%arg16 : memref<!tpu.dma_semaphore, #tpu.memory_space<semaphore_mem>>) src(%arg10 : memref<120x128xf32, #tpu.memory_space<vmem>>) dst(%dma_wait3A_262 : memref<10112x128xf32, #tpu.memory_space<vmem_shared>>)
    }
    %scan3A_7 = arith.constant 21 : i32
    %barrier3A_8 = arith.constant 0 : index
    tpu.barrier barrier_id(%barrier3A_8)
    %mul3A_9 = arith.constant 10112 : i32
    %mul3A_10 = arith.muli %arg0, %mul3A_9 : i32
    %add3A_11 = arith.addi %mul3A_10, %mul3A_0 : i32
    "tpu.region"() ({
      %run_scoped3A = tpu.sem_alloc : memref<!tpu.dma_semaphore, #tpu.memory_space<semaphore_mem>>
      %dma_start3A = arith.constant 0 : i32
      %dma_start3A_12 = tpu.memref_slice %arg5[%add3A_11, %dma_start3A] : memref<20224x128xf32, #tpu.memory_space<hbm>> -> memref<632x128xf32, #tpu.memory_space<hbm>>
      %dma_start3A_13 = arith.constant 0 : i32
      %dma_start3A_14 = tpu.memref_slice %arg19[%mul3A_0, %dma_start3A_13] : memref<10112x128xf32, #tpu.memory_space<vmem_shared>> -> memref<632x128xf32, #tpu.memory_space<vmem_shared>>
      tpu.enqueue_dma source(%dma_start3A_14 : memref<632x128xf32, #tpu.memory_space<vmem_shared>>) target(%dma_start3A_12 : memref<632x128xf32, #tpu.memory_space<hbm>>) target_semaphore(%run_scoped3A : memref<!tpu.dma_semaphore, #tpu.memory_space<semaphore_mem>>)
      %dma_wait3A = arith.constant 0 : i32
      %dma_wait3A_15 = tpu.memref_slice %arg5[%add3A_11, %dma_wait3A] : memref<20224x128xf32, #tpu.memory_space<hbm>> -> memref<632x128xf32, #tpu.memory_space<hbm>>
      %dma_wait3A_16 = arith.constant 0 : i32
      %dma_wait3A_17 = tpu.memref_slice %arg19[%mul3A_0, %dma_wait3A_16] : memref<10112x128xf32, #tpu.memory_space<vmem_shared>> -> memref<632x128xf32, #tpu.memory_space<vmem_shared>>
      tpu.wait_dma2 semaphore(%run_scoped3A : memref<!tpu.dma_semaphore, #tpu.memory_space<semaphore_mem>>) src(%dma_wait3A_17 : memref<632x128xf32, #tpu.memory_space<vmem_shared>>) dst(%dma_wait3A_15 : memref<632x128xf32, #tpu.memory_space<hbm>>)
      tpu.yield
    }) : () -> ()
    return
  }
}

module attributes {stable_mosaic.version = 14 : i64} {
  func.func @_prep_body(%arg0: i32, %arg1: i32, %arg2: memref<1x2000x1xf32, #tpu.memory_space<vmem>>, %arg3: memref<1x2000x1xf32, #tpu.memory_space<vmem>>, %arg4: memref<1x128xf32, #tpu.memory_space<vmem>>, %arg5: memref<1x128xf32, #tpu.memory_space<vmem>>, %arg6: memref<128x128xf32, #tpu.memory_space<vmem>>, %arg7: memref<1x2000x128xf32, #tpu.memory_space<vmem>>, %arg8: memref<1x2000x1xf32, #tpu.memory_space<vmem>>) attributes {dimension_semantics = [#tpu.dimension_semantics<parallel>, #tpu.dimension_semantics<parallel>], iteration_bounds = array<i64: 2, 5>, scalar_prefetch = 0 : i64, scratch_operands = 0 : i64, tpu.core_type = #tpu.core_type<tc>, window_params = [{transform_indices = @transform_0, window_bounds = array<i64: 1, 2000, 1>}, {transform_indices = @transform_1, window_bounds = array<i64: 1, 2000, 1>}, {pipeline_mode = #tpu.pipeline_mode<synchronous>, transform_indices = @transform_2, window_bounds = array<i64: 1, 128>}, {pipeline_mode = #tpu.pipeline_mode<synchronous>, transform_indices = @transform_3, window_bounds = array<i64: 1, 128>}, {pipeline_mode = #tpu.pipeline_mode<synchronous>, transform_indices = @transform_4, window_bounds = array<i64: 128, 128>}, {transform_indices = @transform_5, window_bounds = array<i64: 1, 2000, 128>}, {transform_indices = @transform_6, window_bounds = array<i64: 1, 2000, 1>}]} {
    %get3A = arith.constant 0 : index
    %get3A_0 = arith.constant 0 : index
    %get3A_1 = arith.constant 0 : index
    %get3A_2 = vector.load %arg3[%get3A, %get3A_0, %get3A_1] : memref<1x2000x1xf32, #tpu.memory_space<vmem>>, vector<1x2000x1xf32>
    %get3A_3 = vector.shape_cast %get3A_2 : vector<1x2000x1xf32> to vector<2000x1xf32>
    %add3A = arith.constant 1.000000e+00 : f32
    %add3A_4 = vector.broadcast %add3A : f32 to vector<2000x1xf32>
    %add3A_5 = arith.addf %get3A_3, %add3A_4 : vector<2000x1xf32>
    %rsqrt3A = math.rsqrt %add3A_5 : vector<2000x1xf32>
    %get3A_6 = arith.constant 0 : index
    %get3A_7 = arith.constant 0 : index
    %get3A_8 = arith.constant 0 : index
    %get3A_9 = vector.load %arg2[%get3A_6, %get3A_7, %get3A_8] : memref<1x2000x1xf32, #tpu.memory_space<vmem>>, vector<1x2000x1xf32>
    %get3A_10 = vector.shape_cast %get3A_9 : vector<1x2000x1xf32> to vector<2000x1xf32>
    %get3A_11 = arith.constant 0 : index
    %get3A_12 = arith.constant 0 : index
    %get3A_13 = vector.load %arg4[%get3A_11, %get3A_12] : memref<1x128xf32, #tpu.memory_space<vmem>>, vector<1x128xf32>
    %mul3A = vector.broadcast %get3A_10 : vector<2000x1xf32> to vector<2000x128xf32>
    %mul3A_14 = vector.broadcast %get3A_13 : vector<1x128xf32> to vector<2000x128xf32>
    %mul3A_15 = arith.mulf %mul3A, %mul3A_14 : vector<2000x128xf32>
    %get3A_16 = arith.constant 0 : index
    %get3A_17 = arith.constant 0 : index
    %get3A_18 = vector.load %arg5[%get3A_16, %get3A_17] : memref<1x128xf32, #tpu.memory_space<vmem>>, vector<1x128xf32>
    %add3A_19 = vector.broadcast %get3A_18 : vector<1x128xf32> to vector<2000x128xf32>
    %add3A_20 = arith.addf %mul3A_15, %add3A_19 : vector<2000x128xf32>
    %max3A = arith.constant 0.000000e+00 : f32
    %max3A_21 = vector.broadcast %max3A : f32 to vector<2000x128xf32>
    %max3A_22 = arith.maximumf %add3A_20, %max3A_21 : vector<2000x128xf32>
    %get3A_23 = arith.constant 0 : index
    %get3A_24 = arith.constant 0 : index
    %get3A_25 = vector.load %arg6[%get3A_23, %get3A_24] : memref<128x128xf32, #tpu.memory_space<vmem>>, vector<128x128xf32>
    %dot_general3A = arith.constant dense<0.000000e+00> : vector<2000x128xf32>
    %dot_general3A_26 = tpu.matmul %max3A_22, %get3A_25, %dot_general3A {dimension_numbers = #tpu.dot_dimension_numbers<[1], [0], [0], [1], [0, 0, 1, 1], [], []>, transpose_lhs_hint = false} : vector<2000x128xf32>, vector<128x128xf32>, vector<2000x128xf32> -> vector<2000x128xf32>
    %mul3A_27 = vector.broadcast %rsqrt3A : vector<2000x1xf32> to vector<2000x128xf32>
    %mul3A_28 = arith.mulf %mul3A_27, %dot_general3A_26 : vector<2000x128xf32>
    %swap3A = arith.constant 0 : index
    %swap3A_29 = arith.constant 0 : index
    %swap3A_30 = arith.constant 0 : index
    %swap3A_31 = vector.load %arg7[%swap3A, %swap3A_29, %swap3A_30] : memref<1x2000x128xf32, #tpu.memory_space<vmem>>, vector<1x2000x128xf32>
    %swap3A_32 = vector.shape_cast %swap3A_31 : vector<1x2000x128xf32> to vector<2000x128xf32>
    %swap3A_33 = vector.shape_cast %mul3A_28 : vector<2000x128xf32> to vector<1x2000x128xf32>
    tpu.vector_store %arg7[%swap3A, %swap3A_29, %swap3A_30], %swap3A_33 {strides = array<i32>} : memref<1x2000x128xf32, #tpu.memory_space<vmem>>, vector<1x2000x128xf32>,
    %swap3A_34 = arith.constant 0 : index
    %swap3A_35 = arith.constant 0 : index
    %swap3A_36 = arith.constant 0 : index
    %swap3A_37 = vector.load %arg8[%swap3A_34, %swap3A_35, %swap3A_36] : memref<1x2000x1xf32, #tpu.memory_space<vmem>>, vector<1x2000x1xf32>
    %swap3A_38 = vector.shape_cast %swap3A_37 : vector<1x2000x1xf32> to vector<2000x1xf32>
    %swap3A_39 = vector.shape_cast %rsqrt3A : vector<2000x1xf32> to vector<1x2000x1xf32>
    tpu.vector_store %arg8[%swap3A_34, %swap3A_35, %swap3A_36], %swap3A_39 {strides = array<i32>} : memref<1x2000x1xf32, #tpu.memory_space<vmem>>, vector<1x2000x1xf32>,
    return
  }
  func.func @transform_0(%arg0: i32, %arg1: i32) -> (i32, i32, i32) {
    %c0_i32 = arith.constant 0 : i32
    %c0_i32_0 = arith.constant 0 : i32
    return %arg0, %arg1, %c0_i32 : i32, i32, i32
  }
  func.func @transform_1(%arg0: i32, %arg1: i32) -> (i32, i32, i32) {
    %c0_i32 = arith.constant 0 : i32
    %c0_i32_0 = arith.constant 0 : i32
    return %arg0, %arg1, %c0_i32 : i32, i32, i32
  }
  func.func @transform_2(%arg0: i32, %arg1: i32) -> (i32, i32) {
    %c0_i32 = arith.constant 0 : i32
    %c0_i32_0 = arith.constant 0 : i32
    %c0_i32_1 = arith.constant 0 : i32
    return %c0_i32, %c0_i32_0 : i32, i32
  }
  func.func @transform_3(%arg0: i32, %arg1: i32) -> (i32, i32) {
    %c0_i32 = arith.constant 0 : i32
    %c0_i32_0 = arith.constant 0 : i32
    %c0_i32_1 = arith.constant 0 : i32
    return %c0_i32, %c0_i32_0 : i32, i32
  }
  func.func @transform_4(%arg0: i32, %arg1: i32) -> (i32, i32) {
    %c0_i32 = arith.constant 0 : i32
    %c0_i32_0 = arith.constant 0 : i32
    %c0_i32_1 = arith.constant 0 : i32
    return %c0_i32, %c0_i32_0 : i32, i32
  }
  func.func @transform_5(%arg0: i32, %arg1: i32) -> (i32, i32, i32) {
    %c0_i32 = arith.constant 0 : i32
    %c0_i32_0 = arith.constant 0 : i32
    return %arg0, %arg1, %c0_i32 : i32, i32, i32
  }
  func.func @transform_6(%arg0: i32, %arg1: i32) -> (i32, i32, i32) {
    %c0_i32 = arith.constant 0 : i32
    %c0_i32_0 = arith.constant 0 : i32
    return %arg0, %arg1, %c0_i32 : i32, i32, i32
  }
}

module attributes {stable_mosaic.version = 14 : i64} {
  func.func @_mid_body(%arg0: i32, %arg1: i32, %arg2: memref<1x2000x128xf32, #tpu.memory_space<vmem>>, %arg3: memref<1x2000x1xf32, #tpu.memory_space<vmem>>, %arg4: memref<1x128xf32, #tpu.memory_space<vmem>>, %arg5: memref<128x128xf32, #tpu.memory_space<vmem>>, %arg6: memref<1x2000x128xf32, #tpu.memory_space<vmem>>) attributes {dimension_semantics = [#tpu.dimension_semantics<parallel>, #tpu.dimension_semantics<parallel>], iteration_bounds = array<i64: 2, 5>, scalar_prefetch = 0 : i64, scratch_operands = 0 : i64, tpu.core_type = #tpu.core_type<tc>, window_params = [{transform_indices = @transform_0, window_bounds = array<i64: 1, 2000, 128>}, {transform_indices = @transform_1, window_bounds = array<i64: 1, 2000, 1>}, {pipeline_mode = #tpu.pipeline_mode<synchronous>, transform_indices = @transform_2, window_bounds = array<i64: 1, 128>}, {pipeline_mode = #tpu.pipeline_mode<synchronous>, transform_indices = @transform_3, window_bounds = array<i64: 128, 128>}, {transform_indices = @transform_4, window_bounds = array<i64: 1, 2000, 128>}]} {
    %get3A = arith.constant 0 : index
    %get3A_0 = arith.constant 0 : index
    %get3A_1 = arith.constant 0 : index
    %get3A_2 = vector.load %arg3[%get3A, %get3A_0, %get3A_1] : memref<1x2000x1xf32, #tpu.memory_space<vmem>>, vector<1x2000x1xf32>
    %get3A_3 = vector.shape_cast %get3A_2 : vector<1x2000x1xf32> to vector<2000x1xf32>
    %get3A_4 = arith.constant 0 : index
    %get3A_5 = arith.constant 0 : index
    %get3A_6 = arith.constant 0 : index
    %get3A_7 = vector.load %arg2[%get3A_4, %get3A_5, %get3A_6] : memref<1x2000x128xf32, #tpu.memory_space<vmem>>, vector<1x2000x128xf32>
    %get3A_8 = vector.shape_cast %get3A_7 : vector<1x2000x128xf32> to vector<2000x128xf32>
    %mul3A = vector.broadcast %get3A_3 : vector<2000x1xf32> to vector<2000x128xf32>
    %mul3A_9 = arith.mulf %mul3A, %get3A_8 : vector<2000x128xf32>
    %get3A_10 = arith.constant 0 : index
    %get3A_11 = arith.constant 0 : index
    %get3A_12 = vector.load %arg4[%get3A_10, %get3A_11] : memref<1x128xf32, #tpu.memory_space<vmem>>, vector<1x128xf32>
    %add3A = vector.broadcast %get3A_12 : vector<1x128xf32> to vector<2000x128xf32>
    %add3A_13 = arith.addf %mul3A_9, %add3A : vector<2000x128xf32>
    %max3A = arith.constant 0.000000e+00 : f32
    %max3A_14 = vector.broadcast %max3A : f32 to vector<2000x128xf32>
    %max3A_15 = arith.maximumf %add3A_13, %max3A_14 : vector<2000x128xf32>
    %get3A_16 = arith.constant 0 : index
    %get3A_17 = arith.constant 0 : index
    %get3A_18 = vector.load %arg5[%get3A_16, %get3A_17] : memref<128x128xf32, #tpu.memory_space<vmem>>, vector<128x128xf32>
    %dot_general3A = arith.constant dense<0.000000e+00> : vector<2000x128xf32>
    %dot_general3A_19 = tpu.matmul %max3A_15, %get3A_18, %dot_general3A {dimension_numbers = #tpu.dot_dimension_numbers<[1], [0], [0], [1], [0, 0, 1, 1], [], []>, transpose_lhs_hint = false} : vector<2000x128xf32>, vector<128x128xf32>, vector<2000x128xf32> -> vector<2000x128xf32>
    %mul3A_20 = vector.broadcast %get3A_3 : vector<2000x1xf32> to vector<2000x128xf32>
    %mul3A_21 = arith.mulf %mul3A_20, %dot_general3A_19 : vector<2000x128xf32>
    %swap3A = arith.constant 0 : index
    %swap3A_22 = arith.constant 0 : index
    %swap3A_23 = arith.constant 0 : index
    %swap3A_24 = vector.load %arg6[%swap3A, %swap3A_22, %swap3A_23] : memref<1x2000x128xf32, #tpu.memory_space<vmem>>, vector<1x2000x128xf32>
    %swap3A_25 = vector.shape_cast %swap3A_24 : vector<1x2000x128xf32> to vector<2000x128xf32>
    %swap3A_26 = vector.shape_cast %mul3A_21 : vector<2000x128xf32> to vector<1x2000x128xf32>
    tpu.vector_store %arg6[%swap3A, %swap3A_22, %swap3A_23], %swap3A_26 {strides = array<i32>} : memref<1x2000x128xf32, #tpu.memory_space<vmem>>, vector<1x2000x128xf32>,
    return
  }
  func.func @transform_0(%arg0: i32, %arg1: i32) -> (i32, i32, i32) {
    %c0_i32 = arith.constant 0 : i32
    %c0_i32_0 = arith.constant 0 : i32
    return %arg0, %arg1, %c0_i32 : i32, i32, i32
  }
  func.func @transform_1(%arg0: i32, %arg1: i32) -> (i32, i32, i32) {
    %c0_i32 = arith.constant 0 : i32
    %c0_i32_0 = arith.constant 0 : i32
    return %arg0, %arg1, %c0_i32 : i32, i32, i32
  }
  func.func @transform_2(%arg0: i32, %arg1: i32) -> (i32, i32) {
    %c0_i32 = arith.constant 0 : i32
    %c0_i32_0 = arith.constant 0 : i32
    %c0_i32_1 = arith.constant 0 : i32
    return %c0_i32, %c0_i32_0 : i32, i32
  }
  func.func @transform_3(%arg0: i32, %arg1: i32) -> (i32, i32) {
    %c0_i32 = arith.constant 0 : i32
    %c0_i32_0 = arith.constant 0 : i32
    %c0_i32_1 = arith.constant 0 : i32
    return %c0_i32, %c0_i32_0 : i32, i32
  }
  func.func @transform_4(%arg0: i32, %arg1: i32) -> (i32, i32, i32) {
    %c0_i32 = arith.constant 0 : i32
    %c0_i32_0 = arith.constant 0 : i32
    return %arg0, %arg1, %c0_i32 : i32, i32, i32
  }
}

module attributes {stable_mosaic.version = 14 : i64} {
  func.func @_pool_body(%arg0: i32, %arg1: i32, %arg2: memref<1x2000x128xf32, #tpu.memory_space<vmem>>, %arg3: memref<1x2000x1xf32, #tpu.memory_space<vmem>>, %arg4: memref<1x128xf32, #tpu.memory_space<vmem>>, %arg5: memref<1x2000x1xi32, #tpu.memory_space<vmem>>, %arg6: memref<1x128x128xf32, #tpu.memory_space<vmem>>, %arg7: memref<1x128x128xf32, #tpu.memory_space<vmem>>) attributes {dimension_semantics = [#tpu.dimension_semantics<parallel>, #tpu.dimension_semantics<arbitrary>], iteration_bounds = array<i64: 2, 5>, scalar_prefetch = 0 : i64, scratch_operands = 0 : i64, tpu.core_type = #tpu.core_type<tc>, window_params = [{transform_indices = @transform_0, window_bounds = array<i64: 1, 2000, 128>}, {transform_indices = @transform_1, window_bounds = array<i64: 1, 2000, 1>}, {pipeline_mode = #tpu.pipeline_mode<synchronous>, transform_indices = @transform_2, window_bounds = array<i64: 1, 128>}, {transform_indices = @transform_3, window_bounds = array<i64: 1, 2000, 1>}, {transform_indices = @transform_4, window_bounds = array<i64: 1, 128, 128>}, {transform_indices = @transform_5, window_bounds = array<i64: 1, 128, 128>}]} {
    %get3A = arith.constant 0 : index
    %get3A_0 = arith.constant 0 : index
    %get3A_1 = arith.constant 0 : index
    %get3A_2 = vector.load %arg3[%get3A, %get3A_0, %get3A_1] : memref<1x2000x1xf32, #tpu.memory_space<vmem>>, vector<1x2000x1xf32>
    %get3A_3 = vector.shape_cast %get3A_2 : vector<1x2000x1xf32> to vector<2000x1xf32>
    %get3A_4 = arith.constant 0 : index
    %get3A_5 = arith.constant 0 : index
    %get3A_6 = arith.constant 0 : index
    %get3A_7 = vector.load %arg2[%get3A_4, %get3A_5, %get3A_6] : memref<1x2000x128xf32, #tpu.memory_space<vmem>>, vector<1x2000x128xf32>
    %get3A_8 = vector.shape_cast %get3A_7 : vector<1x2000x128xf32> to vector<2000x128xf32>
    %mul3A = vector.broadcast %get3A_3 : vector<2000x1xf32> to vector<2000x128xf32>
    %mul3A_9 = arith.mulf %mul3A, %get3A_8 : vector<2000x128xf32>
    %get3A_10 = arith.constant 0 : index
    %get3A_11 = arith.constant 0 : index
    %get3A_12 = vector.load %arg4[%get3A_10, %get3A_11] : memref<1x128xf32, #tpu.memory_space<vmem>>, vector<1x128xf32>
    %add3A = vector.broadcast %get3A_12 : vector<1x128xf32> to vector<2000x128xf32>
    %add3A_13 = arith.addf %mul3A_9, %add3A : vector<2000x128xf32>
    %max3A = arith.constant 0.000000e+00 : f32
    %max3A_14 = vector.broadcast %max3A : f32 to vector<2000x128xf32>
    %max3A_15 = arith.maximumf %add3A_13, %max3A_14 : vector<2000x128xf32>
    %get3A_16 = arith.constant 0 : index
    %get3A_17 = arith.constant 0 : index
    %get3A_18 = arith.constant 0 : index
    %get3A_19 = vector.load %arg5[%get3A_16, %get3A_17, %get3A_18] : memref<1x2000x1xi32, #tpu.memory_space<vmem>>, vector<1x2000x1xi32>
    %get3A_20 = vector.shape_cast %get3A_19 : vector<1x2000x1xi32> to vector<2000x1xi32>
    %iota3A = tpu.iota {dimensions = array<i32: 1>} : vector<1x128xi32>
    %eq3A = vector.broadcast %get3A_20 : vector<2000x1xi32> to vector<2000x128xi32>
    %eq3A_21 = vector.broadcast %iota3A : vector<1x128xi32> to vector<2000x128xi32>
    %eq3A_22 = arith.cmpi eq, %eq3A, %eq3A_21 : vector<2000x128xi32>
    %convert_element_type3A = arith.extui %eq3A_22 : vector<2000x128xi1> to vector<2000x128xi32>
    %convert_element_type3A_23 = arith.sitofp %convert_element_type3A : vector<2000x128xi32> to vector<2000x128xf32>
    %dot_general3A = arith.constant dense<0.000000e+00> : vector<128x128xf32>
    %dot_general3A_24 = tpu.matmul %convert_element_type3A_23, %max3A_15, %dot_general3A {dimension_numbers = #tpu.dot_dimension_numbers<[0], [0], [1], [1], [0, 1, 1, 1], [], []>, precision = #tpu.contract_precision<fp32>, transpose_lhs_hint = false} : vector<2000x128xf32>, vector<2000x128xf32>, vector<128x128xf32> -> vector<128x128xf32>
    %broadcast_in_dim3A = arith.constant 1.000000e+00 : f32
    %broadcast_in_dim3A_25 = vector.broadcast %broadcast_in_dim3A : f32 to vector<2000x128xf32>
    %dot_general3A_26 = arith.constant dense<0.000000e+00> : vector<128x128xf32>
    %dot_general3A_27 = tpu.matmul %convert_element_type3A_23, %broadcast_in_dim3A_25, %dot_general3A_26 {dimension_numbers = #tpu.dot_dimension_numbers<[0], [0], [1], [1], [0, 1, 1, 1], [], []>, precision = #tpu.contract_precision<fp32>, transpose_lhs_hint = false} : vector<2000x128xf32>, vector<2000x128xf32>, vector<128x128xf32> -> vector<128x128xf32>
    %eq3A_28 = arith.constant 0 : i32
    %eq3A_29 = arith.cmpi eq, %arg1, %eq3A_28 : i32
    %convert_element_type3A_30 = arith.extui %eq3A_29 : i1 to i32
    %cond3A = arith.constant 0 : i32
    %cond3A_31 = arith.cmpi ne, %convert_element_type3A_30, %cond3A : i32
    scf.if %cond3A_31 {
      %swap3A = arith.constant 0 : index
      %swap3A_36 = arith.constant 0 : index
      %swap3A_37 = arith.constant 0 : index
      %swap3A_38 = vector.load %arg6[%swap3A, %swap3A_36, %swap3A_37] : memref<1x128x128xf32, #tpu.memory_space<vmem>>, vector<1x128x128xf32>
      %swap3A_39 = vector.shape_cast %swap3A_38 : vector<1x128x128xf32> to vector<128x128xf32>
      %swap3A_40 = vector.shape_cast %dot_general3A_24 : vector<128x128xf32> to vector<1x128x128xf32>
      tpu.vector_store %arg6[%swap3A, %swap3A_36, %swap3A_37], %swap3A_40 {strides = array<i32>} : memref<1x128x128xf32, #tpu.memory_space<vmem>>, vector<1x128x128xf32>,
      %swap3A_41 = arith.constant 0 : index
      %swap3A_42 = arith.constant 0 : index
      %swap3A_43 = arith.constant 0 : index
      %swap3A_44 = vector.load %arg7[%swap3A_41, %swap3A_42, %swap3A_43] : memref<1x128x128xf32, #tpu.memory_space<vmem>>, vector<1x128x128xf32>
      %swap3A_45 = vector.shape_cast %swap3A_44 : vector<1x128x128xf32> to vector<128x128xf32>
      %swap3A_46 = vector.shape_cast %dot_general3A_27 : vector<128x128xf32> to vector<1x128x128xf32>
      tpu.vector_store %arg7[%swap3A_41, %swap3A_42, %swap3A_43], %swap3A_46 {strides = array<i32>} : memref<1x128x128xf32, #tpu.memory_space<vmem>>, vector<1x128x128xf32>,
    } else {
    }
    %gt3A = arith.constant 0 : i32
    %gt3A_32 = arith.cmpi sgt, %arg1, %gt3A : i32
    %convert_element_type3A_33 = arith.extui %gt3A_32 : i1 to i32
    %cond3A_34 = arith.constant 0 : i32
    %cond3A_35 = arith.cmpi ne, %convert_element_type3A_33, %cond3A_34 : i32
    scf.if %cond3A_35 {
      %get3A_36 = arith.constant 0 : index
      %get3A_37 = arith.constant 0 : index
      %get3A_38 = arith.constant 0 : index
      %get3A_39 = vector.load %arg6[%get3A_36, %get3A_37, %get3A_38] : memref<1x128x128xf32, #tpu.memory_space<vmem>>, vector<1x128x128xf32>
      %get3A_40 = vector.shape_cast %get3A_39 : vector<1x128x128xf32> to vector<128x128xf32>
      %add3A_41 = arith.addf %get3A_40, %dot_general3A_24 : vector<128x128xf32>
      %swap3A = arith.constant 0 : index
      %swap3A_42 = arith.constant 0 : index
      %swap3A_43 = arith.constant 0 : index
      %swap3A_44 = vector.load %arg6[%swap3A, %swap3A_42, %swap3A_43] : memref<1x128x128xf32, #tpu.memory_space<vmem>>, vector<1x128x128xf32>
      %swap3A_45 = vector.shape_cast %swap3A_44 : vector<1x128x128xf32> to vector<128x128xf32>
      %swap3A_46 = vector.shape_cast %add3A_41 : vector<128x128xf32> to vector<1x128x128xf32>
      tpu.vector_store %arg6[%swap3A, %swap3A_42, %swap3A_43], %swap3A_46 {strides = array<i32>} : memref<1x128x128xf32, #tpu.memory_space<vmem>>, vector<1x128x128xf32>,
      %get3A_47 = arith.constant 0 : index
      %get3A_48 = arith.constant 0 : index
      %get3A_49 = arith.constant 0 : index
      %get3A_50 = vector.load %arg7[%get3A_47, %get3A_48, %get3A_49] : memref<1x128x128xf32, #tpu.memory_space<vmem>>, vector<1x128x128xf32>
      %get3A_51 = vector.shape_cast %get3A_50 : vector<1x128x128xf32> to vector<128x128xf32>
      %add3A_52 = arith.addf %get3A_51, %dot_general3A_27 : vector<128x128xf32>
      %swap3A_53 = arith.constant 0 : index
      %swap3A_54 = arith.constant 0 : index
      %swap3A_55 = arith.constant 0 : index
      %swap3A_56 = vector.load %arg7[%swap3A_53, %swap3A_54, %swap3A_55] : memref<1x128x128xf32, #tpu.memory_space<vmem>>, vector<1x128x128xf32>
      %swap3A_57 = vector.shape_cast %swap3A_56 : vector<1x128x128xf32> to vector<128x128xf32>
      %swap3A_58 = vector.shape_cast %add3A_52 : vector<128x128xf32> to vector<1x128x128xf32>
      tpu.vector_store %arg7[%swap3A_53, %swap3A_54, %swap3A_55], %swap3A_58 {strides = array<i32>} : memref<1x128x128xf32, #tpu.memory_space<vmem>>, vector<1x128x128xf32>,
    } else {
    }
    return
  }
  func.func @transform_0(%arg0: i32, %arg1: i32) -> (i32, i32, i32) {
    %c0_i32 = arith.constant 0 : i32
    %c0_i32_0 = arith.constant 0 : i32
    return %arg0, %arg1, %c0_i32 : i32, i32, i32
  }
  func.func @transform_1(%arg0: i32, %arg1: i32) -> (i32, i32, i32) {
    %c0_i32 = arith.constant 0 : i32
    %c0_i32_0 = arith.constant 0 : i32
    return %arg0, %arg1, %c0_i32 : i32, i32, i32
  }
  func.func @transform_2(%arg0: i32, %arg1: i32) -> (i32, i32) {
    %c0_i32 = arith.constant 0 : i32
    %c0_i32_0 = arith.constant 0 : i32
    %c0_i32_1 = arith.constant 0 : i32
    return %c0_i32, %c0_i32_0 : i32, i32
  }
  func.func @transform_3(%arg0: i32, %arg1: i32) -> (i32, i32, i32) {
    %c0_i32 = arith.constant 0 : i32
    %c0_i32_0 = arith.constant 0 : i32
    return %arg0, %arg1, %c0_i32 : i32, i32, i32
  }
  func.func @transform_4(%arg0: i32, %arg1: i32) -> (i32, i32, i32) {
    %c0_i32 = arith.constant 0 : i32
    %c0_i32_0 = arith.constant 0 : i32
    %c0_i32_1 = arith.constant 0 : i32
    return %arg0, %c0_i32, %c0_i32_0 : i32, i32, i32
  }
  func.func @transform_5(%arg0: i32, %arg1: i32) -> (i32, i32, i32) {
    %c0_i32 = arith.constant 0 : i32
    %c0_i32_0 = arith.constant 0 : i32
    %c0_i32_1 = arith.constant 0 : i32
    return %arg0, %c0_i32, %c0_i32_0 : i32, i32, i32
  }
}

module attributes {stable_mosaic.version = 14 : i64} {
  func.func @_head_body(%arg0: memref<2x128x128xf32, #tpu.memory_space<vmem>>, %arg1: memref<2x128x128xf32, #tpu.memory_space<vmem>>, %arg2: memref<128x128xf32, #tpu.memory_space<vmem>>, %arg3: memref<1x128xf32, #tpu.memory_space<vmem>>, %arg4: memref<512x128xf32, #tpu.memory_space<vmem>>, %arg5: memref<1x128xf32, #tpu.memory_space<vmem>>, %arg6: memref<128x1xf32, #tpu.memory_space<vmem>>, %arg7: memref<1x1xf32, #tpu.memory_space<vmem>>, %arg8: memref<128x1xf32, #tpu.memory_space<vmem>>) attributes {dimension_semantics = [], scalar_prefetch = 0 : i64, scratch_operands = 0 : i64, tpu.core_type = #tpu.core_type<tc>} {
    %get3A = arith.constant 0 : index
    %get3A_0 = arith.constant 0 : index
    %get3A_1 = arith.constant 0 : index
    %get3A_2 = vector.load %arg0[%get3A, %get3A_0, %get3A_1] : memref<2x128x128xf32, #tpu.memory_space<vmem>>, vector<1x128x128xf32>
    %get3A_3 = vector.shape_cast %get3A_2 : vector<1x128x128xf32> to vector<128x128xf32>
    %get3A_4 = arith.constant 0 : index
    %get3A_5 = arith.constant 0 : index
    %get3A_6 = arith.constant 0 : index
    %get3A_7 = vector.load %arg1[%get3A_4, %get3A_5, %get3A_6] : memref<2x128x128xf32, #tpu.memory_space<vmem>>, vector<1x128x128xf32>
    %get3A_8 = vector.shape_cast %get3A_7 : vector<1x128x128xf32> to vector<128x128xf32>
    %max3A = arith.constant 1.000000e+00 : f32
    %max3A_9 = vector.broadcast %max3A : f32 to vector<128x128xf32>
    %max3A_10 = arith.maximumf %get3A_8, %max3A_9 : vector<128x128xf32>
    %div3A = arith.divf %get3A_3, %max3A_10 : vector<128x128xf32>
    %get3A_11 = arith.constant 1 : index
    %get3A_12 = arith.constant 0 : index
    %get3A_13 = arith.constant 0 : index
    %get3A_14 = vector.load %arg0[%get3A_11, %get3A_12, %get3A_13] : memref<2x128x128xf32, #tpu.memory_space<vmem>>, vector<1x128x128xf32>
    %get3A_15 = vector.shape_cast %get3A_14 : vector<1x128x128xf32> to vector<128x128xf32>
    %get3A_16 = arith.constant 1 : index
    %get3A_17 = arith.constant 0 : index
    %get3A_18 = arith.constant 0 : index
    %get3A_19 = vector.load %arg1[%get3A_16, %get3A_17, %get3A_18] : memref<2x128x128xf32, #tpu.memory_space<vmem>>, vector<1x128x128xf32>
    %get3A_20 = vector.shape_cast %get3A_19 : vector<1x128x128xf32> to vector<128x128xf32>
    %max3A_21 = arith.constant 1.000000e+00 : f32
    %max3A_22 = vector.broadcast %max3A_21 : f32 to vector<128x128xf32>
    %max3A_23 = arith.maximumf %get3A_20, %max3A_22 : vector<128x128xf32>
    %div3A_24 = arith.divf %get3A_15, %max3A_23 : vector<128x128xf32>
    %get3A_25 = arith.constant 0 : index
    %get3A_26 = arith.constant 0 : index
    %get3A_27 = vector.load %arg2[%get3A_25, %get3A_26] : memref<128x128xf32, #tpu.memory_space<vmem>>, vector<128x128xf32>
    %dot_general3A = arith.constant dense<0.000000e+00> : vector<128x128xf32>
    %dot_general3A_28 = tpu.matmul %div3A, %get3A_27, %dot_general3A {dimension_numbers = #tpu.dot_dimension_numbers<[1], [0], [0], [1], [0, 0, 1, 1], [], []>, transpose_lhs_hint = false} : vector<128x128xf32>, vector<128x128xf32>, vector<128x128xf32> -> vector<128x128xf32>
    %get3A_29 = arith.constant 0 : index
    %get3A_30 = arith.constant 0 : index
    %get3A_31 = vector.load %arg3[%get3A_29, %get3A_30] : memref<1x128xf32, #tpu.memory_space<vmem>>, vector<1x128xf32>
    %add3A = vector.broadcast %get3A_31 : vector<1x128xf32> to vector<128x128xf32>
    %add3A_32 = arith.addf %dot_general3A_28, %add3A : vector<128x128xf32>
    %max3A_33 = arith.constant 0.000000e+00 : f32
    %max3A_34 = vector.broadcast %max3A_33 : f32 to vector<128x128xf32>
    %max3A_35 = arith.maximumf %add3A_32, %max3A_34 : vector<128x128xf32>
    %get3A_36 = arith.constant 0 : index
    %get3A_37 = arith.constant 0 : index
    %get3A_38 = vector.load %arg2[%get3A_36, %get3A_37] : memref<128x128xf32, #tpu.memory_space<vmem>>, vector<128x128xf32>
    %dot_general3A_39 = arith.constant dense<0.000000e+00> : vector<128x128xf32>
    %dot_general3A_40 = tpu.matmul %div3A_24, %get3A_38, %dot_general3A_39 {dimension_numbers = #tpu.dot_dimension_numbers<[1], [0], [0], [1], [0, 0, 1, 1], [], []>, transpose_lhs_hint = false} : vector<128x128xf32>, vector<128x128xf32>, vector<128x128xf32> -> vector<128x128xf32>
    %get3A_41 = arith.constant 0 : index
    %get3A_42 = arith.constant 0 : index
    %get3A_43 = vector.load %arg3[%get3A_41, %get3A_42] : memref<1x128xf32, #tpu.memory_space<vmem>>, vector<1x128xf32>
    %add3A_44 = vector.broadcast %get3A_43 : vector<1x128xf32> to vector<128x128xf32>
    %add3A_45 = arith.addf %dot_general3A_40, %add3A_44 : vector<128x128xf32>
    %max3A_46 = arith.constant 0.000000e+00 : f32
    %max3A_47 = vector.broadcast %max3A_46 : f32 to vector<128x128xf32>
    %max3A_48 = arith.maximumf %add3A_45, %max3A_47 : vector<128x128xf32>
    %get3A_49 = arith.constant 0 : index
    %get3A_50 = arith.constant 0 : index
    %get3A_51 = vector.load %arg4[%get3A_49, %get3A_50] : memref<512x128xf32, #tpu.memory_space<vmem>>, vector<128x128xf32>
    %dot_general3A_52 = arith.constant dense<0.000000e+00> : vector<128x128xf32>
    %dot_general3A_53 = tpu.matmul %max3A_35, %get3A_51, %dot_general3A_52 {dimension_numbers = #tpu.dot_dimension_numbers<[1], [0], [0], [1], [0, 0, 1, 1], [], []>, transpose_lhs_hint = false} : vector<128x128xf32>, vector<128x128xf32>, vector<128x128xf32> -> vector<128x128xf32>
    %get3A_54 = arith.constant 128 : index
    %get3A_55 = arith.constant 0 : index
    %get3A_56 = vector.load %arg4[%get3A_54, %get3A_55] : memref<512x128xf32, #tpu.memory_space<vmem>>, vector<128x128xf32>
    %dot_general3A_57 = arith.constant dense<0.000000e+00> : vector<128x128xf32>
    %dot_general3A_58 = tpu.matmul %max3A_48, %get3A_56, %dot_general3A_57 {dimension_numbers = #tpu.dot_dimension_numbers<[1], [0], [0], [1], [0, 0, 1, 1], [], []>, transpose_lhs_hint = false} : vector<128x128xf32>, vector<128x128xf32>, vector<128x128xf32> -> vector<128x128xf32>
    %add3A_59 = arith.addf %dot_general3A_53, %dot_general3A_58 : vector<128x128xf32>
    %sub3A = arith.subf %max3A_35, %max3A_48 : vector<128x128xf32>
    %abs3A = math.absf %sub3A : vector<128x128xf32>
    %get3A_60 = arith.constant 256 : index
    %get3A_61 = arith.constant 0 : index
    %get3A_62 = vector.load %arg4[%get3A_60, %get3A_61] : memref<512x128xf32, #tpu.memory_space<vmem>>, vector<128x128xf32>
    %dot_general3A_63 = arith.constant dense<0.000000e+00> : vector<128x128xf32>
    %dot_general3A_64 = tpu.matmul %abs3A, %get3A_62, %dot_general3A_63 {dimension_numbers = #tpu.dot_dimension_numbers<[1], [0], [0], [1], [0, 0, 1, 1], [], []>, transpose_lhs_hint = false} : vector<128x128xf32>, vector<128x128xf32>, vector<128x128xf32> -> vector<128x128xf32>
    %add3A_65 = arith.addf %add3A_59, %dot_general3A_64 : vector<128x128xf32>
    %mul3A = arith.mulf %max3A_35, %max3A_48 : vector<128x128xf32>
    %get3A_66 = arith.constant 384 : index
    %get3A_67 = arith.constant 0 : index
    %get3A_68 = vector.load %arg4[%get3A_66, %get3A_67] : memref<512x128xf32, #tpu.memory_space<vmem>>, vector<128x128xf32>
    %dot_general3A_69 = arith.constant dense<0.000000e+00> : vector<128x128xf32>
    %dot_general3A_70 = tpu.matmul %mul3A, %get3A_68, %dot_general3A_69 {dimension_numbers = #tpu.dot_dimension_numbers<[1], [0], [0], [1], [0, 0, 1, 1], [], []>, transpose_lhs_hint = false} : vector<128x128xf32>, vector<128x128xf32>, vector<128x128xf32> -> vector<128x128xf32>
    %add3A_71 = arith.addf %add3A_65, %dot_general3A_70 : vector<128x128xf32>
    %get3A_72 = arith.constant 0 : index
    %get3A_73 = arith.constant 0 : index
    %get3A_74 = vector.load %arg5[%get3A_72, %get3A_73] : memref<1x128xf32, #tpu.memory_space<vmem>>, vector<1x128xf32>
    %add3A_75 = vector.broadcast %get3A_74 : vector<1x128xf32> to vector<128x128xf32>
    %add3A_76 = arith.addf %add3A_71, %add3A_75 : vector<128x128xf32>
    %max3A_77 = arith.constant 0.000000e+00 : f32
    %max3A_78 = vector.broadcast %max3A_77 : f32 to vector<128x128xf32>
    %max3A_79 = arith.maximumf %add3A_76, %max3A_78 : vector<128x128xf32>
    %get3A_80 = arith.constant 0 : index
    %get3A_81 = arith.constant 0 : index
    %get3A_82 = vector.load %arg6[%get3A_80, %get3A_81] : memref<128x1xf32, #tpu.memory_space<vmem>>, vector<128x1xf32>
    %dot_general3A_83 = arith.constant dense<0.000000e+00> : vector<128x1xf32>
    %dot_general3A_84 = tpu.matmul %max3A_79, %get3A_82, %dot_general3A_83 {dimension_numbers = #tpu.dot_dimension_numbers<[1], [0], [0], [1], [0, 0, 1, 1], [], []>, transpose_lhs_hint = false} : vector<128x128xf32>, vector<128x1xf32>, vector<128x1xf32> -> vector<128x1xf32>
    %get3A_85 = arith.constant 0 : index
    %get3A_86 = arith.constant 0 : index
    %get3A_87 = vector.load %arg7[%get3A_85, %get3A_86] : memref<1x1xf32, #tpu.memory_space<vmem>>, vector<1x1xf32>
    %add3A_88 = vector.broadcast %get3A_87 : vector<1x1xf32> to vector<128x1xf32>
    %add3A_89 = arith.addf %dot_general3A_84, %add3A_88 : vector<128x1xf32>
    %swap3A = arith.constant 0 : index
    %swap3A_90 = arith.constant 0 : index
    %swap3A_91 = vector.load %arg8[%swap3A, %swap3A_90] : memref<128x1xf32, #tpu.memory_space<vmem>>, vector<128x1xf32>
    tpu.vector_store %arg8[%swap3A, %swap3A_90], %add3A_89 {strides = array<i32>} : memref<128x1xf32, #tpu.memory_space<vmem>>, vector<128x1xf32>,
    return
  }
}

</mosaic_0001>

<sc_bundles>
// kernel: kernel.11.cloned.1.call-start
scs
__scs_entry_jumppad:
0x0: {  	(pc) =	sbr.rel $0x88, $3  }
0x1: {  	(tag) =	ssettag $0x0;
	lr =	simm.s32 $0x1  }
0x2: {  	[smem:$0x3F8D] =	sst lr;
	_ =	strace $0xD0000000  }
0x3: {  	_ = 	snop  }
0x4: {  	_ = 	snop  }
0x5: {  	_ = 	snop  }
0x6: {  	_ = 	snop  }
0x7: {  	_ = 	snop  }
__scs_overlays_trampoline_lowered:
0x8: {  	[smem:$0x3F9C] =	sst s0  }
0x9: {  	[smem:$0x3F9D] =	sst s1  }
0xa: {  	[smem:$0x3F9E] =	sst s2  }
0xb: {  	[smem:$0x3F9F] =	sst s3  }
0xc: {  	[smem:$0x3FA0] =	sst s4  }
0xd: {  	[smem:$0x3FA1] =	sst s5  }
0xe: {  	[smem:$0x3FA2] =	sst s6  }
0xf: {  	[smem:$0x3FA3] =	sst s7  }
0x10: {  	[smem:$0x3FA4] =	sst s8  }
0x11: {  	[smem:$0x3FA5] =	sst s9;
	s0 =	simm.s32 @!p0 $0x0  }
0x12: {  	s1 =	sld [smem:$0x3F8B];
	s0 =	simm.s32 @p0 $0x1  }
0x13: {  	[smem:$0x3FA6] =	sst s0;
	s0 =	simm.s32 @!p1 $0x0  }
0x14: {  	s2 =	sld [smem:$0x3F8A];
	s0 =	simm.s32 @p1 $0x1  }
0x15: {  	[smem:$0x3FA7] =	sst s0;
	s0 =	simm.s32 @!p2 $0x0  }
0x16: {  	s3 =	sld [smem:$0x3FDB];
	s0 =	simm.s32 @p2 $0x1  }
0x17: {  	s4 =	simm.s32 $0x1BF5;
	[smem:$0x3FA9] =	sst s0  }
0x18: {  	s0 =	sld [smem:$0x3F8C];
	_ =	swait.ge [sflag:s4], $0x0  }
0x19: {  	s7 =	sld [smem:$0x3F8D]  }
0x1a: {  	s8 =	sadd.s32 $0xFFFFE003, lr  }
0x1b: {  	s9 =	sadd.s32 $0xFFFFFEF7, lr;
	s5 =	simm.s32 $0xFFFFFFFF;
	p2 =	slt.u32 s8, $0xFFFFF086  }
0x1c: {  	p1 =	slt.u32 s9, $0xF7A;
	s5 =	simm.s32 @!p2 $0x0  }
0x1d: {  	s5 =	simm.s32 @p1 $0x1;
	p0 =	seq.s32 s7, s2  }
0x1e: {  	s7 =	smul.u32 @!p0 $0xF7A, s2;
	p2 =	seq.s32 @!p0 s5, $0x0  }
0x1f: {  	s9 =	smul.u32 $0xF7A, s1;
	s8 =	simm.s32 @!p0 $0x1BF5;
	p2 =	por !p2, p0  }
0x20: {  	[sflag:s8] =	ssyncset.s32 @!p0 $0xFFFFF086;
	s6 =	sadd.s32 @!p0 s3, s7;
	s7 =	simm.s32 @!p0 $0x108  }
0x21: {  	s3 =	sadd.s32 s3, s9;
	s6 =	sadd.s32 @!p0 $0x88, s6;
	s7 =	simm.s32 @p2 $0x1082  }
0x22: {  	[simem:s7], [sflag:s8] =	dma.local @!p0 [hbm:s6], $0xF7A  }
0x23: {  	s9 =	sor.u32 $0xD0000000, s2;
	s6 =	simm.s32 $0x108;
	_ =	swait.ge @!p0 [sflag:s8], $0x0  }
0x24: {  	s3 =	sadd.s32 $0x88, s3;
	s6 =	simm.s32 @!p1 $0x1082;
	[sflag:s4] =	ssyncset.s32 $0xFFFFF086  }
0x25: {  	[simem:s6], [sflag:s4] =	dma.local [hbm:s3], $0xF7A  }
0x26: {  	[smem:$0x3F8D] =	sst s1;
	(tag) =	ssettag s2;
	_ =	strace s9  }
0x27: {  	s1 =	sld [smem:$0x3F9D]  }
0x28: {  	s2 =	sld [smem:$0x3F9E]  }
0x29: {  	s4 =	sld [smem:$0x3FA0]  }
0x2a: {  	p0 =	seq.s32 s5, $0x0;
	s5 =	sld [smem:$0x3FA1]  }
0x2b: {  	s6 =	sld [smem:$0x3FA2]  }
0x2c: {  	s7 =	sld [smem:$0x3FA3]  }
0x2d: {  	s3 =	simm.s32 $0x108;
	s8 =	sld [smem:$0x3FA4]  }
0x2e: {  	s3 =	simm.s32 @!p0 $0x1082;
	s9 =	sld [smem:$0x3FA5]  }
0x2f: {  	lr =	sadd.s32 s0, s3;
	s0 =	sld [smem:$0x3F9C]  }
0x30: {  	s3 =	sld [smem:$0x3F9F]  }
0x31: {  	[smem:$0x3FA8] =	sst s10  }
0x32: {  	s10 =	sld [smem:$0x3FA6];
	_ =	sdelay $0x3  }
0x33: {  	p0 =	seq.s32 s10, $0x1;
	s10 =	sld [smem:$0x3FA8];
	_ =	sdelay $0x3  }
0x34: {  	[smem:$0x3FA8] =	sst s10  }
0x35: {  	s10 =	sld [smem:$0x3FA7];
	_ =	sdelay $0x3  }
0x36: {  	p1 =	seq.s32 s10, $0x1;
	s10 =	sld [smem:$0x3FA8];
	_ =	sdelay $0x3  }
0x37: {  	[smem:$0x3FA8] =	sst s10  }
0x38: {  	s10 =	sld [smem:$0x3FA9]  }
0x39: {  	_ = 	snop;
	(pc) =	sbr.ind lr, $3  }
0x3a: {  	_ = 	snop  }
0x3b: {  	_ = 	snop  }
0x3c: {  	p2 =	seq.s32 s10, $0x1;
	s10 =	sld [smem:$0x3FA8]  }
0x3d: {  	_ =	shalt  }
0x3e: {  	_ =	shalt  }
0x3f: {  	_ =	shalt  }
0x40: {  	_ =	shalt  }
0x41: {  	_ =	shalt  }
0x42: {  	_ =	shalt  }
0x43: {  	_ =	shalt  }
0x44: {  	_ =	shalt  }
0x45: {  	_ =	shalt  }
0x46: {  	_ =	shalt  }
0x47: {  	_ =	shalt  }
0x48: {  	_ =	shalt  }
0x49: {  	_ =	shalt  }
0x4a: {  	_ =	shalt  }
0x4b: {  	_ =	shalt  }
0x4c: {  	_ =	shalt  }
0x4d: {  	_ =	shalt  }
0x4e: {  	_ =	shalt  }
0x4f: {  	_ =	shalt  }
0x50: {  	_ =	shalt  }
0x51: {  	_ =	shalt  }
0x52: {  	_ =	shalt  }
0x53: {  	_ =	shalt  }
0x54: {  	_ =	shalt  }
0x55: {  	_ =	shalt  }
0x56: {  	_ =	shalt  }
0x57: {  	_ =	shalt  }
0x58: {  	_ =	shalt  }
0x59: {  	_ =	shalt  }
0x5a: {  	_ =	shalt  }
0x5b: {  	_ =	shalt  }
0x5c: {  	_ =	shalt  }
0x5d: {  	_ =	shalt  }
0x5e: {  	_ =	shalt  }
0x5f: {  	_ =	shalt  }
0x60: {  	_ =	shalt  }
0x61: {  	_ =	shalt  }
0x62: {  	_ =	shalt  }
0x63: {  	_ =	shalt  }
0x64: {  	_ =	shalt  }
0x65: {  	_ =	shalt  }
0x66: {  	_ =	shalt  }
0x67: {  	_ =	shalt  }
0x68: {  	_ =	shalt  }
0x69: {  	_ =	shalt  }
0x6a: {  	_ =	shalt  }
0x6b: {  	_ =	shalt  }
0x6c: {  	_ =	shalt  }
0x6d: {  	_ =	shalt  }
0x6e: {  	_ =	shalt  }
0x6f: {  	_ =	shalt  }
0x70: {  	_ =	shalt  }
0x71: {  	_ =	shalt  }
0x72: {  	_ =	shalt  }
0x73: {  	_ =	shalt  }
0x74: {  	_ =	shalt  }
0x75: {  	_ =	shalt  }
0x76: {  	_ =	shalt  }
0x77: {  	_ =	shalt  }
0x78: {  	_ =	shalt  }
0x79: {  	_ =	shalt  }
0x7a: {  	_ =	shalt  }
0x7b: {  	_ =	shalt  }
0x7c: {  	_ =	shalt  }
0x7d: {  	_ =	shalt  }
0x7e: {  	_ =	shalt  }
0x7f: {  	_ =	shalt  }
0x80: {  	_ =	shalt  }
0x81: {  	_ =	shalt  }
0x82: {  	_ =	shalt  }
0x83: {  	_ =	shalt  }
0x84: {  	_ =	shalt  }
0x85: {  	_ =	shalt  }
0x86: {  	_ =	shalt  }
0x87: {  	_ =	shalt  }
.Lfunc_end0:
.L_simem_size_0:
called_computation_lowered:
.L_overlay_start_0:
0x88: {  	s2 =	sld [smem:$0x3FD9]  }
0x89: {  	s3 =	sld [smem:$0x3FFE];
	_ =	sdelay $0x1  }
0x8a: {  	s1 =	srdreg.scid  }
0x8b: {  	s0 =	sand.u32 $0x1, s1  }
0x8c: {  	s16 =	sshll.u32 s0, $0xA;
	s2 =	sadd.s32 s3, s2  }
0x8d: {  	s2 =	sadd.s32 s2, s16  }
0x8e: {  	[smem:$0x3FB4] =	sst s2  }
0x8f: {  	_ = 	snop  }
0x90: {  	(tm) =	ssettm $0x1  }
0x91: {  	s17 =	sld [smem:$0x3FFB];
	_ =	sdelay $0x3  }
0x92: {  	_ =	strace s17  }
0x93: {  	s2 =	sld [smem:$0x3FFC];
	_ =	sdelay $0x3  }
0x94: {  	_ =	strace s2  }
0x95: {  	s2 =	sld [smem:$0x3FFD];
	_ =	sdelay $0x3  }
0x96: {  	_ =	strace s2  }
0x97: {  	_ =	strace $0x8FFFFFFF  }
0x98: {  	s18 =	sld [smem:$0x3FDB];
	_ =	sdelay $0x1  }
0x99: {  	s19 =	simm.s32 $_scs_section_size  }
0x9a: {  	s4 =	simm.s32 $_size__tile_overlayer_lowered;
	s5 =	simm.s32 $_tile_overlayer_lowered  }
0x9b: {  	s22 =	simm.s32 $0x1BFF;
	s21 =	sshll.u32 s5, $0x1;
	s2 =	sadd.s32 s19, s18  }
0x9c: {  	s6 =	simm.s32 $0x0;
	s20 =	sshll.u32 s4, $0x1;
	s4 =	sadd.s32 s21, s2  }
0x9d: {  	[timem:s6], [sflag:s22] =	dma.local [hbm:s4], s20  }
0x9e: {  	_ =	swait.ge [sflag:s22], s20  }
0x9f: {  	s3 =	ssub.s32 $0x0, s20;
	[sflag:s22] =	ssyncset.done $0x0  }
0xa0: {  	[sflag:s22] =	ssyncadd.s32 s3;
	_ =	sdelay $0x1  }
0xa1: {  	s23 =	simm.s32 $0x1B8B  }
0xa2: {  	_ =	swait.ge [sflag:s23], $0x1  }
0xa3: {  	[sflag:s23] =	ssyncset.done $0x0  }
0xa4: {  	s25 =	simm.s32 $0x1B8E;
	s24 =	sld [smem:$0x3FFE];
	[sflag:s23] =	ssyncadd.s32 $0xFFFFFFFF  }
0xa5: {  	s26 =	simm.s32 $execute0_lowered;
	[smem:$0x3FD2] =	sst s25  }
0xa6: {  	s4 =	sshll.u32 s26, $0x1;
	_ =	strace $0x80000046;
	[dreg:$0x1] =	wrdreg $0xFFFFFFFF  }
0xa7: {  	s28 =	simm.s32 $_size_execute0_lowered;
	s2 =	sadd.s32 s2, s4;
	[dreg:$0x0] =	wrdreg $0x0  }
0xa8: {  	s4 =	sshll.u32 s28, $0x1;
	[dreg:$0x2] =	wrdreg s2  }
0xa9: {  	[dreg:$0x3] =	wrdreg s4  }
0xaa: {  	[dreg:$0x4] =	wrdreg $0xC0  }
0xab: {  	_ =	task [dreg:s6], $0x5FFFF  }
0xac: {  	[dreg:$0x1] =	wrdreg $0xFFFFFFFF  }
0xad: {  	[dreg:$0x0] =	wrdreg $0x60  }
0xae: {  	[dreg:$0x2] =	wrdreg s24  }
0xaf: {  	[dreg:$0x3] =	wrdreg $0x7800  }
0xb0: {  	[dreg:$0x4] =	wrdreg $0x9  }
0xb1: {  	_ =	task.clear_ibuf [dreg:s6], $0x5FFFF;
	_ =	strace $0x90000046  }
0xb2: {  	s29 =	simm.s32 $0x9;
	_ =	strace $0x80000048  }
0xb3: {  	_ =	swait.ge [sflag:s29], $0x1  }
0xb4: {  	[sflag:s29] =	ssyncadd.s32 $0xFFFFFFFF  }
0xb5: {  	_ =	strace $0x90000048  }
0xb6: {  	_ =	sfence  }
0xb7: {  	s30 =	sld [smem:$0x0];
	_ =	sdelay $0x2  }
0xb8: {  	s31 =	sshll.u32 s1, $0xD;
	s1 =	sshrl.u32 s1, $0x2  }
0xb9: {  	s3 =	sand.u32 $0x4000, s31;
	s1 =	sadd.s32 s1, s30  }
0xba: {  	s0 =	sor.u32 s3, s0;
	s1 =	sshll.u32 s1, $0x11  }
0xbb: {  	s0 =	sor.u32 s1, s0  }
0xbc: {  	s0 =	sadd.s32 $0x8F2B, s0  }
0xbd: {  	[sflag:s0] =	ssyncadd.remote.s32 $0x1  }
0xbe: {  	_ =	sfence.sel $0xFFFF  }
0xbf: {  	[dreg:$0x0] =	wrdreg $0xFFFFFFFF;
	(pc) =	sbr.abs _section_cstart, $3  }
0xc0: {  	[dreg:$0x1] =	wrdreg $0xFFFFFFFF  }
0xc1: {  	_ =	task.clear_ibuf [dreg:s6], $0x2FFFF;
	_ =	strace $0x9FFFFFFF  }
0xc2: {  	(tm) =	ssettm $0x7FFFFFFF  }
0xc3: {  	_ =	shalt  }
tec
execute0_lowered:
.L_overlay_start_1:
0x0: {  	(tag) =	ssettag $0x1  }
0x1: {  	s4 =	rddreg [dreg:$0x0]  }
0x2: {  	s0 =	srdreg.scid;
	s2 =	rddreg [dreg:$0x1]  }
0x3: {  	s1 =	rddreg [dreg:$0x2];
	s3 =	simm.s32 $0x0;
	s10 =	simm.s32 $0x78  }
0x4: {  	s11 =	simm.s32 $0x400;
	s12 =	simm.s32 $0x80;
	s13 =	simm.s32 $0x100  }
0x5: {  	s14 =	simm.s32 $0x180;
	s15 =	simm.s32 $0x200;
	s16 =	simm.s32 $0x280  }
0x6: {  	s17 =	simm.s32 $0x300;
	s18 =	simm.s32 $0x380;
	s5 =	sand.u32 $0x1, s0  }
0x7: {  	s21 =	simm.s32 $0x20;
	s0 =	stileid.u32;
	s6 =	smul.u32 $0x54000, s5  }
0x8: {  	s22 =	simm.s32 $0x10;
	s23 =	simm.s32 $0x0;
	s7 =	smul.u32 $0x5400, s0  }
0x9: {  	[smem:$0x7FF] =	sst s3;
	s26 =	smul.u32 $0x500, s0;
	s8 =	sshll.u32 s5, $0x7  }
0xa: {  	s5 =	ssub.s32 $0x2, s5;
	s28 =	smul.u32 $0xA00, s0;
	s19 =	sshll.u32 s0, $0x6  }
0xb: {  	_ =	strace $0x80000047;
	s30 =	sshrl.u32 s5, $0x1;
	s19 =	sor.u32 $0x1C01, s19  }
0xc: {  	s6 =	sadd.s32 s7, s6;
	s7 =	sor.u32 s8, s26;
	s31 =	sshrl.u32 s28, $0x2  }
0xd: {  	s8 =	simm.s32 $0x500;
	s6 =	sshrl.u32 s6, $0x3;
	s29 =	sshrl.u32 s7, $0x3  }
0xe: {  	s7 =	ssub.s32 s5, s30;
	s9 =	sadd.s32 s6, s4;
	s6 =	sadd.s32 s29, s4  }
0xf: {  	s4 =	sadd.s32 s31, s2;
	s5 =	sadd.s32 $0x2CA00, s6;
	s6 =	smax.u32 s7, $0x1  }
0x10: {  	v0 =	vimm.f32 $1.000000000e+00;
	v1 =	vimm.f32 $0.0e+00;
	s7 =	sadd.s32 $0x2A00, s9;
	s9 =	simm.s32 $0x1;
	s20 =	sshrl.u32 s4, $0x3  }
.LBB2_1:
0x11: {  	[tilespmem:$0x400] =	vst v0  }
0x12: {  	[tilespmem:$0x410] =	vst v0  }
0x13: {  	[tilespmem:$0x420] =	vst v0  }
0x14: {  	[tilespmem:$0x430] =	vst v0  }
0x15: {  	[tilespmem:$0x440] =	vst v0  }
0x16: {  	[tilespmem:$0x450] =	vst v0  }
0x17: {  	[tilespmem:$0x460] =	vst v0  }
0x18: {  	[tilespmem:$0x470] =	vst v0  }
0x19: {  	[tilespmem:$0x500] =	vst v1  }
0x1a: {  	[tilespmem:$0x510] =	vst v1  }
0x1b: {  	[tilespmem:$0x520] =	vst v1  }
0x1c: {  	[tilespmem:$0x530] =	vst v1  }
0x1d: {  	[tilespmem:$0x540] =	vst v1  }
0x1e: {  	[tilespmem:$0x550] =	vst v1  }
0x1f: {  	[tilespmem:$0x560] =	vst v1  }
0x20: {  	[tilespmem:$0x570] =	vst v1  }
0x21: {  	[tilespmem:$0x580] =	vst v1  }
0x22: {  	[tilespmem:$0x590] =	vst v1  }
0x23: {  	[tilespmem:$0x5A0] =	vst v1  }
0x24: {  	[tilespmem:$0x5B0] =	vst v1  }
0x25: {  	[tilespmem:$0x5C0] =	vst v1  }
0x26: {  	[tilespmem:$0x5D0] =	vst v1  }
0x27: {  	[tilespmem:$0x5E0] =	vst v1  }
0x28: {  	[tilespmem:$0x5F0] =	vst v1  }
0x29: {  	[tilespmem:$0x600] =	vst v1  }
0x2a: {  	[tilespmem:$0x610] =	vst v1  }
0x2b: {  	[tilespmem:$0x620] =	vst v1  }
0x2c: {  	[tilespmem:$0x630] =	vst v1  }
0x2d: {  	[tilespmem:$0x640] =	vst v1  }
0x2e: {  	[tilespmem:$0x650] =	vst v1  }
0x2f: {  	[tilespmem:$0x660] =	vst v1  }
0x30: {  	[tilespmem:$0x670] =	vst v1  }
0x31: {  	[tilespmem:$0x680] =	vst v1  }
0x32: {  	[tilespmem:$0x690] =	vst v1  }
0x33: {  	[tilespmem:$0x6A0] =	vst v1  }
0x34: {  	[tilespmem:$0x6B0] =	vst v1  }
0x35: {  	[tilespmem:$0x6C0] =	vst v1  }
0x36: {  	[tilespmem:$0x6D0] =	vst v1  }
0x37: {  	[tilespmem:$0x6E0] =	vst v1  }
0x38: {  	[tilespmem:$0x6F0] =	vst v1  }
0x39: {  	[tilespmem:$0x700] =	vst v1  }
0x3a: {  	[tilespmem:$0x710] =	vst v1  }
0x3b: {  	[tilespmem:$0x720] =	vst v1  }
0x3c: {  	[tilespmem:$0x730] =	vst v1  }
0x3d: {  	[tilespmem:$0x740] =	vst v1  }
0x3e: {  	[tilespmem:$0x750] =	vst v1  }
0x3f: {  	[tilespmem:$0x760] =	vst v1  }
0x40: {  	[tilespmem:$0x770] =	vst v1  }
0x41: {  	[spmem:s4] =	stream.linear.scatter [tilespmem:s8], [sflag:$0x1], $0x280, $0x38;
	[tilespmem:$0xA00] =	vst v63  }
0x42: {  	_ =	swait.ge [sflag:s9], $0x280  }
0x43: {  	[sflag:s9] =	ssyncset.done $0x0  }
0x44: {  	[sflag:s9] =	ssyncadd.s32 $0xFFFFFD80  }
0x45: {  	s24 =	sadd.s32 $0x0, s7;
	[bflag:$0x0] =	sbarrier.arrive $0xFFFF  }
0x46: {  	[tilespmem:s3], [sflag:$0x1] =	stream.linear.gather [hbm4b:s24+s3], $0x400, $0x38;
	[tilespmem:$0xA00] =	vst v63  }
0x47: {  	_ =	swait.ge [sflag:s9], $0x400  }
0x48: {  	[sflag:s9] =	ssyncset.done $0x0  }
0x49: {  	[sflag:s9] =	ssyncadd.s32 $0xFFFFFC00  }
0x4a: {  	[spmem:s2] =	stream.indirect.scatter.add.f32 [tilespmem:s11], [sflag:$0x1], $0x1, s3, s10, $0xb8;
	[tilespmem:$0xA00] =	vst v63  }
0x4b: {  	_ =	swait.ge [sflag:s9], $0x78  }
0x4c: {  	[sflag:s9] =	ssyncset.done $0x0  }
0x4d: {  	[sflag:s9] =	ssyncadd.s32 $0xFFFFFF88  }
0x4e: {  	[spmem:s2] =	stream.indirect.scatter.add.f32 [tilespmem:s11], [sflag:$0x1], $0x1, s12, s10, $0xb8;
	[tilespmem:$0xA00] =	vst v63  }
0x4f: {  	_ =	swait.ge [sflag:s9], $0x78  }
0x50: {  	[sflag:s9] =	ssyncset.done $0x0  }
0x51: {  	[sflag:s9] =	ssyncadd.s32 $0xFFFFFF88  }
0x52: {  	[spmem:s2] =	stream.indirect.scatter.add.f32 [tilespmem:s11], [sflag:$0x1], $0x1, s13, s10, $0xb8;
	[tilespmem:$0xA00] =	vst v63  }
0x53: {  	_ =	swait.ge [sflag:s9], $0x78  }
0x54: {  	[sflag:s9] =	ssyncset.done $0x0  }
0x55: {  	[sflag:s9] =	ssyncadd.s32 $0xFFFFFF88  }
0x56: {  	[spmem:s2] =	stream.indirect.scatter.add.f32 [tilespmem:s11], [sflag:$0x1], $0x1, s14, s10, $0xb8;
	[tilespmem:$0xA00] =	vst v63  }
0x57: {  	_ =	swait.ge [sflag:s9], $0x78  }
0x58: {  	[sflag:s9] =	ssyncset.done $0x0  }
0x59: {  	[sflag:s9] =	ssyncadd.s32 $0xFFFFFF88  }
0x5a: {  	[spmem:s2] =	stream.indirect.scatter.add.f32 [tilespmem:s11], [sflag:$0x1], $0x1, s15, s10, $0xb8;
	[tilespmem:$0xA00] =	vst v63  }
0x5b: {  	_ =	swait.ge [sflag:s9], $0x78  }
0x5c: {  	[sflag:s9] =	ssyncset.done $0x0  }
0x5d: {  	[sflag:s9] =	ssyncadd.s32 $0xFFFFFF88  }
0x5e: {  	[spmem:s2] =	stream.indirect.scatter.add.f32 [tilespmem:s11], [sflag:$0x1], $0x1, s16, s10, $0xb8;
	[tilespmem:$0xA00] =	vst v63  }
0x5f: {  	_ =	swait.ge [sflag:s9], $0x78  }
0x60: {  	[sflag:s9] =	ssyncset.done $0x0  }
0x61: {  	[sflag:s9] =	ssyncadd.s32 $0xFFFFFF88  }
0x62: {  	[spmem:s2] =	stream.indirect.scatter.add.f32 [tilespmem:s11], [sflag:$0x1], $0x1, s17, s10, $0xb8;
	[tilespmem:$0xA00] =	vst v63  }
0x63: {  	_ =	swait.ge [sflag:s9], $0x78  }
0x64: {  	[sflag:s9] =	ssyncset.done $0x0  }
0x65: {  	[sflag:s9] =	ssyncadd.s32 $0xFFFFFF88  }
0x66: {  	[spmem:s2] =	stream.indirect.scatter.add.f32 [tilespmem:s11], [sflag:$0x1], $0x1, s18, s10, $0xb8;
	[tilespmem:$0xA00] =	vst v63  }
0x67: {  	_ =	swait.ge [sflag:s9], $0x78  }
0x68: {  	s26 =	simm.s32 $0x100;
	s24 =	simm.s32 $0x80;
	[sflag:s9] =	ssyncset.done $0x0  }
.LBB2_2:
0x69: {  	s28 =	sadd.s32 s24, s7  }
0x6a: {  	[sflag:s9] =	ssyncadd.s32 $0xFFFFFF88;
	s24 =	smov.u32 s26;
	s25 =	sadd.s32 $0x80, s26  }
0x6b: {  	[tilespmem:s3], [sflag:$0x1] =	stream.linear.gather [hbm4b:s28+s3], $0x400, $0x38;
	[tilespmem:$0xA00] =	vst v63  }
0x6c: {  	p0 =	sne.s32 s26, $0xA00;
	_ =	swait.ge [sflag:s9], $0x400  }
0x6d: {  	[sflag:s9] =	ssyncset.done $0x0  }
0x6e: {  	[sflag:s9] =	ssyncadd.s32 $0xFFFFFC00  }
0x6f: {  	[spmem:s2] =	stream.indirect.scatter.add.f32 [tilespmem:s11], [sflag:$0x1], $0x1, s3, s10, $0xb8;
	[tilespmem:$0xA00] =	vst v63  }
0x70: {  	_ =	swait.ge [sflag:s9], $0x78  }
0x71: {  	[sflag:s9] =	ssyncset.done $0x0  }
0x72: {  	[sflag:s9] =	ssyncadd.s32 $0xFFFFFF88  }
0x73: {  	[spmem:s2] =	stream.indirect.scatter.add.f32 [tilespmem:s11], [sflag:$0x1], $0x1, s12, s10, $0xb8;
	[tilespmem:$0xA00] =	vst v63  }
0x74: {  	_ =	swait.ge [sflag:s9], $0x78  }
0x75: {  	[sflag:s9] =	ssyncset.done $0x0  }
0x76: {  	[sflag:s9] =	ssyncadd.s32 $0xFFFFFF88  }
0x77: {  	[spmem:s2] =	stream.indirect.scatter.add.f32 [tilespmem:s11], [sflag:$0x1], $0x1, s13, s10, $0xb8;
	[tilespmem:$0xA00] =	vst v63  }
0x78: {  	_ =	swait.ge [sflag:s9], $0x78  }
0x79: {  	[sflag:s9] =	ssyncset.done $0x0  }
0x7a: {  	[sflag:s9] =	ssyncadd.s32 $0xFFFFFF88  }
0x7b: {  	[spmem:s2] =	stream.indirect.scatter.add.f32 [tilespmem:s11], [sflag:$0x1], $0x1, s14, s10, $0xb8;
	[tilespmem:$0xA00] =	vst v63  }
0x7c: {  	_ =	swait.ge [sflag:s9], $0x78  }
0x7d: {  	[sflag:s9] =	ssyncset.done $0x0  }
0x7e: {  	[sflag:s9] =	ssyncadd.s32 $0xFFFFFF88  }
0x7f: {  	[spmem:s2] =	stream.indirect.scatter.add.f32 [tilespmem:s11], [sflag:$0x1], $0x1, s15, s10, $0xb8;
	[tilespmem:$0xA00] =	vst v63  }
0x80: {  	_ =	swait.ge [sflag:s9], $0x78  }
0x81: {  	[sflag:s9] =	ssyncset.done $0x0  }
0x82: {  	[sflag:s9] =	ssyncadd.s32 $0xFFFFFF88  }
0x83: {  	[spmem:s2] =	stream.indirect.scatter.add.f32 [tilespmem:s11], [sflag:$0x1], $0x1, s16, s10, $0xb8;
	[tilespmem:$0xA00] =	vst v63  }
0x84: {  	_ =	swait.ge [sflag:s9], $0x78  }
0x85: {  	[sflag:s9] =	ssyncset.done $0x0  }
0x86: {  	[sflag:s9] =	ssyncadd.s32 $0xFFFFFF88  }
0x87: {  	[spmem:s2] =	stream.indirect.scatter.add.f32 [tilespmem:s11], [sflag:$0x1], $0x1, s17, s10, $0xb8;
	[tilespmem:$0xA00] =	vst v63  }
0x88: {  	_ =	swait.ge [sflag:s9], $0x78  }
.Ltmp0:
0x89: {  	[sflag:s9] =	ssyncset.done $0x0;
	(pc) =	sbr.rel @p0 .LBB2_2-.Ltmp0, $4  }
0x8a: {  	[sflag:s9] =	ssyncadd.s32 $0xFFFFFF88  }
0x8b: {  	[spmem:s2] =	stream.indirect.scatter.add.f32 [tilespmem:s11], [sflag:$0x1], $0x1, s18, s10, $0xb8;
	[tilespmem:$0xA00] =	vst v63  }
0x8c: {  	_ =	swait.ge [sflag:s9], $0x78  }
0x8d: {  	s26 =	smov.u32 s25;
	[sflag:s9] =	ssyncset.done $0x0  }
0x8e: {  	s24 =	sadd.s32 s24, s7;
	[sflag:s9] =	ssyncadd.s32 $0xFFFFFF88  }
0x8f: {  	[tilespmem:s3], [sflag:$0x1] =	stream.linear.gather [hbm4b:s24+s3], $0x400, $0x38;
	[tilespmem:$0xA00] =	vst v63  }
0x90: {  	_ =	swait.ge [sflag:s9], $0x400  }
0x91: {  	[sflag:s9] =	ssyncset.done $0x0  }
0x92: {  	[sflag:s9] =	ssyncadd.s32 $0xFFFFFC00  }
0x93: {  	[spmem:s2] =	stream.indirect.scatter.add.f32 [tilespmem:s11], [sflag:$0x1], $0x1, s3, s10, $0xb8;
	[tilespmem:$0xA00] =	vst v63  }
0x94: {  	_ =	swait.ge [sflag:s9], $0x78  }
0x95: {  	[sflag:s9] =	ssyncset.done $0x0  }
0x96: {  	[sflag:s9] =	ssyncadd.s32 $0xFFFFFF88  }
0x97: {  	[spmem:s2] =	stream.indirect.scatter.add.f32 [tilespmem:s11], [sflag:$0x1], $0x1, s12, s10, $0xb8;
	[tilespmem:$0xA00] =	vst v63  }
0x98: {  	_ =	swait.ge [sflag:s9], $0x78  }
0x99: {  	[sflag:s9] =	ssyncset.done $0x0  }
0x9a: {  	[sflag:s9] =	ssyncadd.s32 $0xFFFFFF88  }
0x9b: {  	[spmem:s2] =	stream.indirect.scatter.add.f32 [tilespmem:s11], [sflag:$0x1], $0x1, s13, s10, $0xb8;
	[tilespmem:$0xA00] =	vst v63  }
0x9c: {  	_ =	swait.ge [sflag:s9], $0x78  }
0x9d: {  	[sflag:s9] =	ssyncset.done $0x0  }
0x9e: {  	[sflag:s9] =	ssyncadd.s32 $0xFFFFFF88  }
0x9f: {  	[spmem:s2] =	stream.indirect.scatter.add.f32 [tilespmem:s11], [sflag:$0x1], $0x1, s14, s10, $0xb8;
	[tilespmem:$0xA00] =	vst v63  }
0xa0: {  	_ =	swait.ge [sflag:s9], $0x78  }
0xa1: {  	[sflag:s9] =	ssyncset.done $0x0  }
0xa2: {  	[sflag:s9] =	ssyncadd.s32 $0xFFFFFF88  }
0xa3: {  	[spmem:s2] =	stream.indirect.scatter.add.f32 [tilespmem:s11], [sflag:$0x1], $0x1, s15, s10, $0xb8;
	[tilespmem:$0xA00] =	vst v63  }
0xa4: {  	_ =	swait.ge [sflag:s9], $0x78  }
0xa5: {  	[sflag:s9] =	ssyncset.done $0x0  }
0xa6: {  	[sflag:s9] =	ssyncadd.s32 $0xFFFFFF88  }
0xa7: {  	[spmem:s2] =	stream.indirect.scatter.add.f32 [tilespmem:s11], [sflag:$0x1], $0x1, s16, s10, $0xb8;
	[tilespmem:$0xA00] =	vst v63  }
0xa8: {  	_ =	swait.ge [sflag:s9], $0x78  }
0xa9: {  	[sflag:s9] =	ssyncset.done $0x0  }
0xaa: {  	[sflag:s9] =	ssyncadd.s32 $0xFFFFFF88  }
0xab: {  	[spmem:s2] =	stream.indirect.scatter.add.f32 [tilespmem:s11], [sflag:$0x1], $0x1, s17, s10, $0xb8;
	[tilespmem:$0xA00] =	vst v63  }
0xac: {  	_ =	swait.ge [sflag:s9], $0x78  }
0xad: {  	[sflag:s9] =	ssyncset.done $0x0  }
0xae: {  	[sflag:s9] =	ssyncadd.s32 $0xFFFFFF88  }
0xaf: {  	[spmem:s2] =	stream.indirect.scatter.add.f32 [tilespmem:s11], [sflag:$0x1], $0x1, s18, s10, $0xb8;
	[tilespmem:$0xA00] =	vst v63  }
0xb0: {  	_ =	swait.ge [sflag:s9], $0x78  }
0xb1: {  	s23 =	sadd.s32 $0x1, s23;
	[sflag:s9] =	ssyncset.done $0x0  }
0xb2: {  	p0 =	sne.s32 s23, s6;
	[sflag:s9] =	ssyncadd.s32 $0xFFFFFF88  }
.Ltmp1:
0xb3: {  	[bflag:$0x0] =	sbarrier.arrive $0xFFFF;
	(pc) =	sbr.rel @p0 .LBB2_1-.Ltmp1, $4  }
0xb4: {  	[hbm:s5@s21], [sflag:s19] =	dma.strided [spmem:s20@s22], $0x50, s9, $0x10   }
0xb5: {  	_ =	swait.ge [sflag:s9], $0x50  }
0xb6: {  	[sflag:s9] =	ssyncset.done $0x0  }
0xb7: {  	[sflag:s9] =	ssyncadd.s32 $0xFFFFFFB0  }
0xb8: {  	_ =	sfence.sel $0x180000  }
0xb9: {  	[bflag:$0x0] =	sbarrier.arrive $0xFFFF  }
0xba: {  	p0 =	sne.s32 s0, $0x0;
	_ =	strace $0x90000047  }
0xbb: {  	s0 =	sadd.s32 @!p0 $0x100000, s1;
	[bflag:$0x2] =	sbarrier.arrive $0xFFFF  }
0xbc: {  	[sflag:s0] =	ssyncadd.tile.s32 @!p0 $0x1;
	_ =	shalt  }
.Lfunc_end2:
_tile_overlayer_lowered:
.L_overlay_start_2:
0xbd: {  	(tag) =	ssettag $0x2  }
0xbe: {  	s0 =	rddreg [dreg:$0x0];
	s2 =	stileid.u32  }
0xbf: {  	s1 =	rddreg [dreg:$0x1];
	p0 =	sne.s32 s2, $0x0  }
0xc0: {  	s3 =	rddreg [dreg:$0x2];
	[bflag:$0x3] =	sbarrier.arrive $0xFFFF;
	s2 =	simm.s32 @!p0 $0x1C01  }
0xc1: {  	[timem:s3], [sflag:s2] =	dma.local @!p0 [hbm:s0], s1  }
0xc2: {  	s0 =	simm.s32 @!p0 $0x1  }
0xc3: {  	_ =	swait.ge @!p0 [sflag:s0], s1  }
0xc4: {  	s1 =	ssub.s32 @!p0 $0x0, s1;
	[sflag:s0] =	ssyncset.done @!p0 $0x0  }
0xc5: {  	[sflag:s0] =	ssyncadd.s32 @!p0 s1  }
0xc6: {  	[bflag:$0x3] =	sbarrier.arrive $0xFFFF  }
0xc7: {  	_ =	shalt  }

// kernel: kernel.14.cloned.1.call-start
scs
__scs_entry_jumppad:
0x0: {  	(pc) =	sbr.rel $0x88, $3  }
0x1: {  	(tag) =	ssettag $0x0;
	lr =	simm.s32 $0x1  }
0x2: {  	[smem:$0x3F8D] =	sst lr;
	_ =	strace $0xD0000000  }
0x3: {  	_ = 	snop  }
0x4: {  	_ = 	snop  }
0x5: {  	_ = 	snop  }
0x6: {  	_ = 	snop  }
0x7: {  	_ = 	snop  }
__scs_overlays_trampoline_lowered:
0x8: {  	[smem:$0x3F9C] =	sst s0  }
0x9: {  	[smem:$0x3F9D] =	sst s1  }
0xa: {  	[smem:$0x3F9E] =	sst s2  }
0xb: {  	[smem:$0x3F9F] =	sst s3  }
0xc: {  	[smem:$0x3FA0] =	sst s4  }
0xd: {  	[smem:$0x3FA1] =	sst s5  }
0xe: {  	[smem:$0x3FA2] =	sst s6  }
0xf: {  	[smem:$0x3FA3] =	sst s7  }
0x10: {  	[smem:$0x3FA4] =	sst s8  }
0x11: {  	[smem:$0x3FA5] =	sst s9;
	s0 =	simm.s32 @!p0 $0x0  }
0x12: {  	s1 =	sld [smem:$0x3F8B];
	s0 =	simm.s32 @p0 $0x1  }
0x13: {  	[smem:$0x3FA6] =	sst s0;
	s0 =	simm.s32 @!p1 $0x0  }
0x14: {  	s2 =	sld [smem:$0x3F8A];
	s0 =	simm.s32 @p1 $0x1  }
0x15: {  	[smem:$0x3FA7] =	sst s0;
	s0 =	simm.s32 @!p2 $0x0  }
0x16: {  	s3 =	sld [smem:$0x3FDB];
	s0 =	simm.s32 @p2 $0x1  }
0x17: {  	s4 =	simm.s32 $0x1BF5;
	[smem:$0x3FA9] =	sst s0  }
0x18: {  	s0 =	sld [smem:$0x3F8C];
	_ =	swait.ge [sflag:s4], $0x0  }
0x19: {  	s7 =	sld [smem:$0x3F8D]  }
0x1a: {  	s8 =	sadd.s32 $0xFFFFE003, lr  }
0x1b: {  	s9 =	sadd.s32 $0xFFFFFEF7, lr;
	s5 =	simm.s32 $0xFFFFFFFF;
	p2 =	slt.u32 s8, $0xFFFFF086  }
0x1c: {  	p1 =	slt.u32 s9, $0xF7A;
	s5 =	simm.s32 @!p2 $0x0  }
0x1d: {  	s5 =	simm.s32 @p1 $0x1;
	p0 =	seq.s32 s7, s2  }
0x1e: {  	s7 =	smul.u32 @!p0 $0xF7A, s2;
	p2 =	seq.s32 @!p0 s5, $0x0  }
0x1f: {  	s9 =	smul.u32 $0xF7A, s1;
	s8 =	simm.s32 @!p0 $0x1BF5;
	p2 =	por !p2, p0  }
0x20: {  	[sflag:s8] =	ssyncset.s32 @!p0 $0xFFFFF086;
	s6 =	sadd.s32 @!p0 s3, s7;
	s7 =	simm.s32 @!p0 $0x108  }
0x21: {  	s3 =	sadd.s32 s3, s9;
	s6 =	sadd.s32 @!p0 $0x88, s6;
	s7 =	simm.s32 @p2 $0x1082  }
0x22: {  	[simem:s7], [sflag:s8] =	dma.local @!p0 [hbm:s6], $0xF7A  }
0x23: {  	s9 =	sor.u32 $0xD0000000, s2;
	s6 =	simm.s32 $0x108;
	_ =	swait.ge @!p0 [sflag:s8], $0x0  }
0x24: {  	s3 =	sadd.s32 $0x88, s3;
	s6 =	simm.s32 @!p1 $0x1082;
	[sflag:s4] =	ssyncset.s32 $0xFFFFF086  }
0x25: {  	[simem:s6], [sflag:s4] =	dma.local [hbm:s3], $0xF7A  }
0x26: {  	[smem:$0x3F8D] =	sst s1;
	(tag) =	ssettag s2;
	_ =	strace s9  }
0x27: {  	s1 =	sld [smem:$0x3F9D]  }
0x28: {  	s2 =	sld [smem:$0x3F9E]  }
0x29: {  	s4 =	sld [smem:$0x3FA0]  }
0x2a: {  	p0 =	seq.s32 s5, $0x0;
	s5 =	sld [smem:$0x3FA1]  }
0x2b: {  	s6 =	sld [smem:$0x3FA2]  }
0x2c: {  	s7 =	sld [smem:$0x3FA3]  }
0x2d: {  	s3 =	simm.s32 $0x108;
	s8 =	sld [smem:$0x3FA4]  }
0x2e: {  	s3 =	simm.s32 @!p0 $0x1082;
	s9 =	sld [smem:$0x3FA5]  }
0x2f: {  	lr =	sadd.s32 s0, s3;
	s0 =	sld [smem:$0x3F9C]  }
0x30: {  	s3 =	sld [smem:$0x3F9F]  }
0x31: {  	[smem:$0x3FA8] =	sst s10  }
0x32: {  	s10 =	sld [smem:$0x3FA6];
	_ =	sdelay $0x3  }
0x33: {  	p0 =	seq.s32 s10, $0x1;
	s10 =	sld [smem:$0x3FA8];
	_ =	sdelay $0x3  }
0x34: {  	[smem:$0x3FA8] =	sst s10  }
0x35: {  	s10 =	sld [smem:$0x3FA7];
	_ =	sdelay $0x3  }
0x36: {  	p1 =	seq.s32 s10, $0x1;
	s10 =	sld [smem:$0x3FA8];
	_ =	sdelay $0x3  }
0x37: {  	[smem:$0x3FA8] =	sst s10  }
0x38: {  	s10 =	sld [smem:$0x3FA9]  }
0x39: {  	_ = 	snop;
	(pc) =	sbr.ind lr, $3  }
0x3a: {  	_ = 	snop  }
0x3b: {  	_ = 	snop  }
0x3c: {  	p2 =	seq.s32 s10, $0x1;
	s10 =	sld [smem:$0x3FA8]  }
0x3d: {  	_ =	shalt  }
0x3e: {  	_ =	shalt  }
0x3f: {  	_ =	shalt  }
0x40: {  	_ =	shalt  }
0x41: {  	_ =	shalt  }
0x42: {  	_ =	shalt  }
0x43: {  	_ =	shalt  }
0x44: {  	_ =	shalt  }
0x45: {  	_ =	shalt  }
0x46: {  	_ =	shalt  }
0x47: {  	_ =	shalt  }
0x48: {  	_ =	shalt  }
0x49: {  	_ =	shalt  }
0x4a: {  	_ =	shalt  }
0x4b: {  	_ =	shalt  }
0x4c: {  	_ =	shalt  }
0x4d: {  	_ =	shalt  }
0x4e: {  	_ =	shalt  }
0x4f: {  	_ =	shalt  }
0x50: {  	_ =	shalt  }
0x51: {  	_ =	shalt  }
0x52: {  	_ =	shalt  }
0x53: {  	_ =	shalt  }
0x54: {  	_ =	shalt  }
0x55: {  	_ =	shalt  }
0x56: {  	_ =	shalt  }
0x57: {  	_ =	shalt  }
0x58: {  	_ =	shalt  }
0x59: {  	_ =	shalt  }
0x5a: {  	_ =	shalt  }
0x5b: {  	_ =	shalt  }
0x5c: {  	_ =	shalt  }
0x5d: {  	_ =	shalt  }
0x5e: {  	_ =	shalt  }
0x5f: {  	_ =	shalt  }
0x60: {  	_ =	shalt  }
0x61: {  	_ =	shalt  }
0x62: {  	_ =	shalt  }
0x63: {  	_ =	shalt  }
0x64: {  	_ =	shalt  }
0x65: {  	_ =	shalt  }
0x66: {  	_ =	shalt  }
0x67: {  	_ =	shalt  }
0x68: {  	_ =	shalt  }
0x69: {  	_ =	shalt  }
0x6a: {  	_ =	shalt  }
0x6b: {  	_ =	shalt  }
0x6c: {  	_ =	shalt  }
0x6d: {  	_ =	shalt  }
0x6e: {  	_ =	shalt  }
0x6f: {  	_ =	shalt  }
0x70: {  	_ =	shalt  }
0x71: {  	_ =	shalt  }
0x72: {  	_ =	shalt  }
0x73: {  	_ =	shalt  }
0x74: {  	_ =	shalt  }
0x75: {  	_ =	shalt  }
0x76: {  	_ =	shalt  }
0x77: {  	_ =	shalt  }
0x78: {  	_ =	shalt  }
0x79: {  	_ =	shalt  }
0x7a: {  	_ =	shalt  }
0x7b: {  	_ =	shalt  }
0x7c: {  	_ =	shalt  }
0x7d: {  	_ =	shalt  }
0x7e: {  	_ =	shalt  }
0x7f: {  	_ =	shalt  }
0x80: {  	_ =	shalt  }
0x81: {  	_ =	shalt  }
0x82: {  	_ =	shalt  }
0x83: {  	_ =	shalt  }
0x84: {  	_ =	shalt  }
0x85: {  	_ =	shalt  }
0x86: {  	_ =	shalt  }
0x87: {  	_ =	shalt  }
.Lfunc_end0:
.L_simem_size_0:
called_computation.1_lowered:
.L_overlay_start_0:
0x88: {  	s2 =	sld [smem:$0x3FD9]  }
0x89: {  	s3 =	sld [smem:$0x3FFE];
	_ =	sdelay $0x1  }
0x8a: {  	s1 =	srdreg.scid  }
0x8b: {  	s0 =	sand.u32 $0x1, s1  }
0x8c: {  	s16 =	sshll.u32 s0, $0xA;
	s2 =	sadd.s32 s3, s2  }
0x8d: {  	s2 =	sadd.s32 s2, s16  }
0x8e: {  	[smem:$0x3FB4] =	sst s2  }
0x8f: {  	_ = 	snop  }
0x90: {  	(tm) =	ssettm $0x1  }
0x91: {  	s17 =	sld [smem:$0x3FFB];
	_ =	sdelay $0x3  }
0x92: {  	_ =	strace s17  }
0x93: {  	s2 =	sld [smem:$0x3FFC];
	_ =	sdelay $0x3  }
0x94: {  	_ =	strace s2  }
0x95: {  	s2 =	sld [smem:$0x3FFD];
	_ =	sdelay $0x3  }
0x96: {  	_ =	strace s2  }
0x97: {  	_ =	strace $0x8FFFFFFF  }
0x98: {  	s18 =	sld [smem:$0x3FDB];
	_ =	sdelay $0x1  }
0x99: {  	s19 =	simm.s32 $_scs_section_size  }
0x9a: {  	s4 =	simm.s32 $_size__tile_overlayer_lowered;
	s5 =	simm.s32 $_tile_overlayer_lowered  }
0x9b: {  	s22 =	simm.s32 $0x1BFF;
	s21 =	sshll.u32 s5, $0x1;
	s2 =	sadd.s32 s19, s18  }
0x9c: {  	s6 =	simm.s32 $0x0;
	s20 =	sshll.u32 s4, $0x1;
	s4 =	sadd.s32 s21, s2  }
0x9d: {  	[timem:s6], [sflag:s22] =	dma.local [hbm:s4], s20  }
0x9e: {  	_ =	swait.ge [sflag:s22], s20  }
0x9f: {  	s3 =	ssub.s32 $0x0, s20;
	[sflag:s22] =	ssyncset.done $0x0  }
0xa0: {  	[sflag:s22] =	ssyncadd.s32 s3;
	_ =	sdelay $0x1  }
0xa1: {  	s23 =	simm.s32 $0x1B8B  }
0xa2: {  	_ =	swait.ge [sflag:s23], $0x1  }
0xa3: {  	[sflag:s23] =	ssyncset.done $0x0  }
0xa4: {  	s25 =	simm.s32 $0x1B8E;
	s24 =	sld [smem:$0x3FFE];
	[sflag:s23] =	ssyncadd.s32 $0xFFFFFFFF  }
0xa5: {  	s26 =	simm.s32 $execute0_lowered;
	[smem:$0x3FD2] =	sst s25  }
0xa6: {  	s4 =	sshll.u32 s26, $0x1;
	_ =	strace $0x80000049;
	[dreg:$0x1] =	wrdreg $0xFFFFFFFF  }
0xa7: {  	s28 =	simm.s32 $_size_execute0_lowered;
	s2 =	sadd.s32 s2, s4;
	[dreg:$0x0] =	wrdreg $0x0  }
0xa8: {  	s4 =	sshll.u32 s28, $0x1;
	[dreg:$0x2] =	wrdreg s2  }
0xa9: {  	[dreg:$0x3] =	wrdreg s4  }
0xaa: {  	[dreg:$0x4] =	wrdreg $0xC0  }
0xab: {  	_ =	task [dreg:s6], $0x5FFFF  }
0xac: {  	[dreg:$0x1] =	wrdreg $0xFFFFFFFF  }
0xad: {  	[dreg:$0x0] =	wrdreg $0x60  }
0xae: {  	[dreg:$0x2] =	wrdreg s24  }
0xaf: {  	[dreg:$0x3] =	wrdreg $0xBC000  }
0xb0: {  	[dreg:$0x4] =	wrdreg $0x9  }
0xb1: {  	_ =	task.clear_ibuf [dreg:s6], $0x5FFFF;
	_ =	strace $0x90000049  }
0xb2: {  	s29 =	simm.s32 $0x9;
	_ =	strace $0x8000004B  }
0xb3: {  	_ =	swait.ge [sflag:s29], $0x1  }
0xb4: {  	[sflag:s29] =	ssyncadd.s32 $0xFFFFFFFF  }
0xb5: {  	_ =	strace $0x9000004B  }
0xb6: {  	_ =	sfence  }
0xb7: {  	s30 =	sld [smem:$0x0];
	_ =	sdelay $0x2  }
0xb8: {  	s31 =	sshll.u32 s1, $0xD;
	s1 =	sshrl.u32 s1, $0x2  }
0xb9: {  	s3 =	sand.u32 $0x4000, s31;
	s1 =	sadd.s32 s1, s30  }
0xba: {  	s0 =	sor.u32 s3, s0;
	s1 =	sshll.u32 s1, $0x11  }
0xbb: {  	s0 =	sor.u32 s1, s0  }
0xbc: {  	s0 =	sadd.s32 $0x8F2B, s0  }
0xbd: {  	[sflag:s0] =	ssyncadd.remote.s32 $0x1  }
0xbe: {  	_ =	sfence.sel $0xFFFF  }
0xbf: {  	[dreg:$0x0] =	wrdreg $0xFFFFFFFF;
	(pc) =	sbr.abs _section_cstart, $3  }
0xc0: {  	[dreg:$0x1] =	wrdreg $0xFFFFFFFF  }
0xc1: {  	_ =	task.clear_ibuf [dreg:s6], $0x2FFFF;
	_ =	strace $0x9FFFFFFF  }
0xc2: {  	(tm) =	ssettm $0x7FFFFFFF  }
0xc3: {  	_ =	shalt  }
tec
execute0_lowered:
.L_overlay_start_1:
0x0: {  	(tag) =	ssettag $0x1  }
0x1: {  	s0 =	rddreg [dreg:$0x0];
	s1 =	srdreg.scid  }
0x2: {  	s2 =	rddreg [dreg:$0x1];
	s9 =	stileid.u32  }
0x3: {  	s3 =	simm.s32 $0x0;
	s10 =	simm.s32 $0x9;
	s11 =	simm.s32 $0x400  }
0x4: {  	s12 =	simm.s32 $0x7;
	s13 =	simm.s32 $0x8;
	s24 =	simm.s32 $0x80  }
0x5: {  	s14 =	simm.s32 $0x78;
	s25 =	simm.s32 $0x100;
	s15 =	simm.s32 $0x800  }
0x6: {  	s16 =	simm.s32 $0x4400;
	s17 =	simm.s32 $0x8000;
	s18 =	simm.s32 $0x1  }
0x7: {  	s26 =	simm.s32 $0x180;
	s28 =	simm.s32 $0x280;
	s5 =	smul.u32 $0x5400, s9  }
0x8: {  	s29 =	simm.s32 $0x580;
	s30 =	simm.s32 $0x300;
	s7 =	smul.u32 $0x278, s9  }
0x9: {  	s31 =	simm.s32 $0x600;
	s1 =	sand.u32 $0x1, s1;
	s8 =	smul.u32 $0x4F000, s9  }
0xa: {  	[smem:$0x7FF] =	sst s3;
	s21 =	sshll.u32 s9, $0x6;
	s4 =	smul.u32 $0x54000, s1  }
0xb: {  	s6 =	smul.u32 $0x2780, s1;
	_ =	strace $0x8000004A;
	[dreg:$0x5] =	wrdreg s24  }
0xc: {  	s1 =	ssub.s32 $0x2, s1;
	s9 =	sor.u32 $0x1C09, s21;
	[dreg:$0x6] =	wrdreg s25  }
0xd: {  	[dreg:$0x7] =	wrdreg s26;
	s21 =	simm.s32 $0x480;
	s24 =	simm.s32 $0x3  }
0xe: {  	s25 =	simm.s32 $0x500;
	s26 =	simm.s32 $0x6;
	s19 =	sshrl.u32 s1, $0x1  }
0xf: {  	s8 =	sshrl.u32 s8, $0x2;
	[dreg:$0x9] =	wrdreg s9;
	s5 =	sadd.s32 s5, s4  }
0x10: {  	s4 =	sadd.s32 $0x7AC00, s0;
	s6 =	sadd.s32 s7, s6;
	s1 =	ssub.s32 s1, s19  }
0x11: {  	s20 =	sadd.s32 s8, s2;
	s19 =	simm.s32 $0x4;
	s7 =	simm.s32 $0x780  }
0x12: {  	s5 =	sshrl.u32 s5, $0x3;
	s6 =	sshll.u32 s6, $0x4;
	s23 =	smax.u32 s1, $0x1  }
0x13: {  	s8 =	sshrl.u32 s20, $0x3;
	s5 =	sadd.s32 s5, s0;
	[dreg:$0xb] =	wrdreg s23  }
0x14: {  	s0 =	sadd.s32 s6, s0;
	s6 =	sadd.s32 s4, s6;
	[dreg:$0xc] =	wrdreg s8  }
0x15: {  	s20 =	simm.s32 $0x2;
	[dreg:$0x8] =	wrdreg s6;
	s22 =	sadd.s32 $0x2A00, s5  }
0x16: {  	s1 =	simm.s32 $0x680;
	s0 =	sadd.s32 $0xC9C00, s0;
	[dreg:$0x3] =	wrdreg s22  }
0x17: {  	s23 =	simm.s32 $0x200;
	s5 =	sadd.s32 $0x17A00, s5;
	[dreg:$0xa] =	wrdreg s0  }
0x18: {  	s6 =	simm.s32 $0x0;
	[dreg:$0x4] =	wrdreg s5;
	s22 =	simm.s32 $0x5  }
0x19: {  	s0 =	simm.s32 $0x380;
	s5 =	simm.s32 $0x700;
	[dreg:$0xd] =	wrdreg s6  }
.LBB2_1:
0x1a: {  	s6 =	rddreg [dreg:$0x8]  }
0x1b: {  	[spmem:s8], [sflag:s9] =	dma.local [hbm:s6], $0x2780  }
0x1c: {  	_ =	swait.ge [sflag:s10], $0x2780  }
0x1d: {  	[sflag:s10] =	ssyncset.done $0x0  }
0x1e: {  	[sflag:s10] =	ssyncadd.s32 $0xFFFFD880  }
0x1f: {  	[bflag:$0x0] =	sbarrier.arrive $0xFFFF  }
0x20: {  	s10 =	rddreg [dreg:$0x4]  }
0x21: {  	s8 =	rddreg [dreg:$0x3];
	s6 =	sadd.s32 $0x0, s10  }
0x22: {  	[tilespmem:s3], [sflag:$0x7] =	stream.linear.gather [hbm4b:s6+s3], $0x400, $0x38;
	[tilespmem:$0x1F800] =	vst v63  }
0x23: {  	s9 =	sadd.s32 $0x0, s8  }
0x24: {  	[tilespmem:s11], [sflag:$0x8] =	stream.linear.gather [hbm4b:s9+s3], $0x400, $0x38;
	[tilespmem:$0x1F800] =	vst v63  }
0x25: {  	_ =	swait.ge [sflag:s12], $0x400  }
0x26: {  	[sflag:s12] =	ssyncset.done $0x0  }
0x27: {  	[sflag:s12] =	ssyncadd.s32 $0xFFFFFC00  }
0x28: {  	_ =	swait.ge [sflag:s13], $0x400  }
0x29: {  	[sflag:s13] =	ssyncset.done $0x0  }
0x2a: {  	[sflag:s13] =	ssyncadd.s32 $0xFFFFFC00  }
0x2b: {  	[tilespmem:s15], [sflag:$0x1] =	stream.indirect.gather [hbm4b:s4+s14], $0x80, s3, s14, $0xb8;
	[tilespmem:$0x1F800] =	vst v63  }
0x2c: {  	s10 =	rddreg [dreg:$0x5]  }
0x2d: {  	[tilespmem:s16], [sflag:$0x2] =	stream.indirect.gather [hbm4b:s4+s14], $0x80, s10, s14, $0xb8;
	[tilespmem:$0x1F800] =	vst v63  }
0x2e: {  	s8 =	rddreg [dreg:$0x6]  }
0x2f: {  	[tilespmem:s17], [sflag:$0x3] =	stream.indirect.gather [hbm4b:s4+s14], $0x80, s8, s14, $0xb8;
	[tilespmem:$0x1F800] =	vst v63  }
0x30: {  	_ =	swait.ge [sflag:s18], $0x3C00  }
0x31: {  	[sflag:s18] =	ssyncset.done $0x0  }
0x32: {  	[sflag:s18] =	ssyncadd.s32 $0xFFFFC400  }
0x33: {  	[spmem:s2] =	stream.indirect.scatter.add.f32 [tilespmem:s15], [sflag:$0x4], $0x80, s11, s14, $0xb8;
	[tilespmem:$0x1F800] =	vst v63  }
0x34: {  	_ =	swait.ge [sflag:s19], $0x3C00  }
0x35: {  	[sflag:s19] =	ssyncset.done $0x0  }
0x36: {  	s10 =	rddreg [dreg:$0x7];
	[sflag:s19] =	ssyncadd.s32 $0xFFFFC400  }
0x37: {  	[tilespmem:s15], [sflag:$0x1] =	stream.indirect.gather [hbm4b:s4+s14], $0x80, s10, s14, $0xb8;
	[tilespmem:$0x1F800] =	vst v63  }
0x38: {  	_ =	swait.ge [sflag:s20], $0x3C00  }
0x39: {  	[sflag:s20] =	ssyncset.done $0x0  }
0x3a: {  	[sflag:s20] =	ssyncadd.s32 $0xFFFFC400  }
0x3b: {  	[spmem:s2] =	stream.indirect.scatter.add.f32 [tilespmem:s16], [sflag:$0x5], $0x80, s21, s14, $0xb8;
	[tilespmem:$0x1F800] =	vst v63  }
0x3c: {  	_ =	swait.ge [sflag:s22], $0x3C00  }
0x3d: {  	[sflag:s22] =	ssyncset.done $0x0  }
0x3e: {  	[sflag:s22] =	ssyncadd.s32 $0xFFFFC400  }
0x3f: {  	[tilespmem:s16], [sflag:$0x2] =	stream.indirect.gather [hbm4b:s4+s14], $0x80, s23, s14, $0xb8;
	[tilespmem:$0x1F800] =	vst v63  }
0x40: {  	_ =	swait.ge [sflag:s24], $0x3C00  }
0x41: {  	[sflag:s24] =	ssyncset.done $0x0  }
0x42: {  	[sflag:s24] =	ssyncadd.s32 $0xFFFFC400  }
0x43: {  	[spmem:s2] =	stream.indirect.scatter.add.f32 [tilespmem:s17], [sflag:$0x6], $0x80, s25, s14, $0xb8;
	[tilespmem:$0x1F800] =	vst v63  }
0x44: {  	_ =	swait.ge [sflag:s26], $0x3C00  }
0x45: {  	[sflag:s26] =	ssyncset.done $0x0  }
0x46: {  	[sflag:s26] =	ssyncadd.s32 $0xFFFFC400  }
0x47: {  	[tilespmem:s17], [sflag:$0x3] =	stream.indirect.gather [hbm4b:s4+s14], $0x80, s28, s14, $0xb8;
	[tilespmem:$0x1F800] =	vst v63  }
0x48: {  	_ =	swait.ge [sflag:s18], $0x3C00  }
0x49: {  	[sflag:s18] =	ssyncset.done $0x0  }
0x4a: {  	[sflag:s18] =	ssyncadd.s32 $0xFFFFC400  }
0x4b: {  	[spmem:s2] =	stream.indirect.scatter.add.f32 [tilespmem:s15], [sflag:$0x4], $0x80, s29, s14, $0xb8;
	[tilespmem:$0x1F800] =	vst v63  }
0x4c: {  	_ =	swait.ge [sflag:s19], $0x3C00  }
0x4d: {  	[sflag:s19] =	ssyncset.done $0x0  }
0x4e: {  	[sflag:s19] =	ssyncadd.s32 $0xFFFFC400  }
0x4f: {  	[tilespmem:s15], [sflag:$0x1] =	stream.indirect.gather [hbm4b:s4+s14], $0x80, s30, s14, $0xb8;
	[tilespmem:$0x1F800] =	vst v63  }
0x50: {  	_ =	swait.ge [sflag:s20], $0x3C00  }
0x51: {  	[sflag:s20] =	ssyncset.done $0x0  }
0x52: {  	[sflag:s20] =	ssyncadd.s32 $0xFFFFC400  }
0x53: {  	[spmem:s2] =	stream.indirect.scatter.add.f32 [tilespmem:s16], [sflag:$0x5], $0x80, s31, s14, $0xb8;
	[tilespmem:$0x1F800] =	vst v63  }
0x54: {  	_ =	swait.ge [sflag:s22], $0x3C00  }
0x55: {  	[sflag:s22] =	ssyncset.done $0x0  }
0x56: {  	[sflag:s22] =	ssyncadd.s32 $0xFFFFC400  }
0x57: {  	[tilespmem:s16], [sflag:$0x2] =	stream.indirect.gather [hbm4b:s4+s14], $0x80, s0, s14, $0xb8;
	[tilespmem:$0x1F800] =	vst v63  }
0x58: {  	_ =	swait.ge [sflag:s24], $0x3C00  }
0x59: {  	[sflag:s24] =	ssyncset.done $0x0  }
0x5a: {  	[sflag:s24] =	ssyncadd.s32 $0xFFFFC400  }
0x5b: {  	[spmem:s2] =	stream.indirect.scatter.add.f32 [tilespmem:s17], [sflag:$0x6], $0x80, s1, s14, $0xb8;
	[tilespmem:$0x1F800] =	vst v63  }
0x5c: {  	_ =	swait.ge [sflag:s18], $0x3C00  }
0x5d: {  	[sflag:s18] =	ssyncset.done $0x0  }
0x5e: {  	[sflag:s18] =	ssyncadd.s32 $0xFFFFC400  }
0x5f: {  	[spmem:s2] =	stream.indirect.scatter.add.f32 [tilespmem:s15], [sflag:$0x4], $0x80, s5, s14, $0xb8;
	[tilespmem:$0x1F800] =	vst v63  }
0x60: {  	_ =	swait.ge [sflag:s20], $0x3C00  }
0x61: {  	[sflag:s20] =	ssyncset.done $0x0  }
0x62: {  	[sflag:s20] =	ssyncadd.s32 $0xFFFFC400  }
0x63: {  	[spmem:s2] =	stream.indirect.scatter.add.f32 [tilespmem:s16], [sflag:$0x5], $0x80, s7, s14, $0xb8;
	[tilespmem:$0x1F800] =	vst v63  }
0x64: {  	_ =	swait.ge [sflag:s19], $0x3C00  }
0x65: {  	[sflag:s19] =	ssyncset.done $0x0  }
0x66: {  	[sflag:s19] =	ssyncadd.s32 $0xFFFFC400  }
0x67: {  	_ =	swait.ge [sflag:s22], $0x3C00  }
0x68: {  	[sflag:s22] =	ssyncset.done $0x0  }
0x69: {  	[sflag:s22] =	ssyncadd.s32 $0xFFFFC400  }
0x6a: {  	s6 =	simm.s32 $0x80;
	_ =	swait.ge [sflag:s26], $0x3C00  }
.LBB2_2:
0x6b: {  	s9 =	rddreg [dreg:$0x4];
	s10 =	smov.u32 s6;
	[sflag:s26] =	ssyncset.done $0x0  }
0x6c: {  	s8 =	rddreg [dreg:$0x3];
	s9 =	sadd.s32 s10, s9;
	[sflag:s26] =	ssyncadd.s32 $0xFFFFC400  }
0x6d: {  	[tilespmem:s3], [sflag:$0x7] =	stream.linear.gather [hbm4b:s9+s3], $0x400, $0x38;
	[tilespmem:$0x1F800] =	vst v63  }
0x6e: {  	s8 =	sadd.s32 s10, s8  }
0x6f: {  	[tilespmem:s11], [sflag:$0x8] =	stream.linear.gather [hbm4b:s8+s3], $0x400, $0x38;
	[tilespmem:$0x1F800] =	vst v63  }
0x70: {  	_ =	swait.ge [sflag:s12], $0x400  }
0x71: {  	[sflag:s12] =	ssyncset.done $0x0  }
0x72: {  	[sflag:s12] =	ssyncadd.s32 $0xFFFFFC00  }
0x73: {  	_ =	swait.ge [sflag:s13], $0x400  }
0x74: {  	[sflag:s13] =	ssyncset.done $0x0  }
0x75: {  	[sflag:s13] =	ssyncadd.s32 $0xFFFFFC00  }
0x76: {  	[tilespmem:s15], [sflag:$0x1] =	stream.indirect.gather [hbm4b:s4+s14], $0x80, s3, s14, $0xb8;
	[tilespmem:$0x1F800] =	vst v63  }
0x77: {  	s9 =	rddreg [dreg:$0x5]  }
0x78: {  	[tilespmem:s16], [sflag:$0x2] =	stream.indirect.gather [hbm4b:s4+s14], $0x80, s9, s14, $0xb8;
	[tilespmem:$0x1F800] =	vst v63  }
0x79: {  	s10 =	rddreg [dreg:$0x6]  }
0x7a: {  	[tilespmem:s17], [sflag:$0x3] =	stream.indirect.gather [hbm4b:s4+s14], $0x80, s10, s14, $0xb8;
	[tilespmem:$0x1F800] =	vst v63  }
0x7b: {  	_ =	swait.ge [sflag:s18], $0x3C00  }
0x7c: {  	[sflag:s18] =	ssyncset.done $0x0  }
0x7d: {  	[sflag:s18] =	ssyncadd.s32 $0xFFFFC400  }
0x7e: {  	[spmem:s2] =	stream.indirect.scatter.add.f32 [tilespmem:s15], [sflag:$0x4], $0x80, s11, s14, $0xb8;
	[tilespmem:$0x1F800] =	vst v63  }
0x7f: {  	_ =	swait.ge [sflag:s19], $0x3C00  }
0x80: {  	[sflag:s19] =	ssyncset.done $0x0  }
0x81: {  	s10 =	rddreg [dreg:$0x7];
	[sflag:s19] =	ssyncadd.s32 $0xFFFFC400  }
0x82: {  	[tilespmem:s15], [sflag:$0x1] =	stream.indirect.gather [hbm4b:s4+s14], $0x80, s10, s14, $0xb8;
	[tilespmem:$0x1F800] =	vst v63  }
0x83: {  	_ =	swait.ge [sflag:s20], $0x3C00  }
0x84: {  	[sflag:s20] =	ssyncset.done $0x0  }
0x85: {  	[sflag:s20] =	ssyncadd.s32 $0xFFFFC400  }
0x86: {  	[spmem:s2] =	stream.indirect.scatter.add.f32 [tilespmem:s16], [sflag:$0x5], $0x80, s21, s14, $0xb8;
	[tilespmem:$0x1F800] =	vst v63  }
0x87: {  	_ =	swait.ge [sflag:s22], $0x3C00  }
0x88: {  	[sflag:s22] =	ssyncset.done $0x0  }
0x89: {  	[sflag:s22] =	ssyncadd.s32 $0xFFFFC400  }
0x8a: {  	[tilespmem:s16], [sflag:$0x2] =	stream.indirect.gather [hbm4b:s4+s14], $0x80, s23, s14, $0xb8;
	[tilespmem:$0x1F800] =	vst v63  }
0x8b: {  	_ =	swait.ge [sflag:s24], $0x3C00  }
0x8c: {  	[sflag:s24] =	ssyncset.done $0x0  }
0x8d: {  	[sflag:s24] =	ssyncadd.s32 $0xFFFFC400  }
0x8e: {  	[spmem:s2] =	stream.indirect.scatter.add.f32 [tilespmem:s17], [sflag:$0x6], $0x80, s25, s14, $0xb8;
	[tilespmem:$0x1F800] =	vst v63  }
0x8f: {  	_ =	swait.ge [sflag:s26], $0x3C00  }
0x90: {  	[sflag:s26] =	ssyncset.done $0x0  }
0x91: {  	[sflag:s26] =	ssyncadd.s32 $0xFFFFC400  }
0x92: {  	[tilespmem:s17], [sflag:$0x3] =	stream.indirect.gather [hbm4b:s4+s14], $0x80, s28, s14, $0xb8;
	[tilespmem:$0x1F800] =	vst v63  }
0x93: {  	_ =	swait.ge [sflag:s18], $0x3C00  }
0x94: {  	[sflag:s18] =	ssyncset.done $0x0  }
0x95: {  	[sflag:s18] =	ssyncadd.s32 $0xFFFFC400  }
0x96: {  	[spmem:s2] =	stream.indirect.scatter.add.f32 [tilespmem:s15], [sflag:$0x4], $0x80, s29, s14, $0xb8;
	[tilespmem:$0x1F800] =	vst v63  }
0x97: {  	_ =	swait.ge [sflag:s19], $0x3C00  }
0x98: {  	[sflag:s19] =	ssyncset.done $0x0  }
0x99: {  	[sflag:s19] =	ssyncadd.s32 $0xFFFFC400  }
0x9a: {  	[tilespmem:s15], [sflag:$0x1] =	stream.indirect.gather [hbm4b:s4+s14], $0x80, s30, s14, $0xb8;
	[tilespmem:$0x1F800] =	vst v63  }
0x9b: {  	_ =	swait.ge [sflag:s20], $0x3C00  }
0x9c: {  	[sflag:s20] =	ssyncset.done $0x0  }
0x9d: {  	[sflag:s20] =	ssyncadd.s32 $0xFFFFC400  }
0x9e: {  	[spmem:s2] =	stream.indirect.scatter.add.f32 [tilespmem:s16], [sflag:$0x5], $0x80, s31, s14, $0xb8;
	[tilespmem:$0x1F800] =	vst v63  }
0x9f: {  	_ =	swait.ge [sflag:s22], $0x3C00  }
0xa0: {  	[sflag:s22] =	ssyncset.done $0x0  }
0xa1: {  	[sflag:s22] =	ssyncadd.s32 $0xFFFFC400  }
0xa2: {  	[tilespmem:s16], [sflag:$0x2] =	stream.indirect.gather [hbm4b:s4+s14], $0x80, s0, s14, $0xb8;
	[tilespmem:$0x1F800] =	vst v63  }
0xa3: {  	_ =	swait.ge [sflag:s24], $0x3C00  }
0xa4: {  	[sflag:s24] =	ssyncset.done $0x0  }
0xa5: {  	[sflag:s24] =	ssyncadd.s32 $0xFFFFC400  }
0xa6: {  	[spmem:s2] =	stream.indirect.scatter.add.f32 [tilespmem:s17], [sflag:$0x6], $0x80, s1, s14, $0xb8;
	[tilespmem:$0x1F800] =	vst v63  }
0xa7: {  	_ =	swait.ge [sflag:s18], $0x3C00  }
0xa8: {  	[sflag:s18] =	ssyncset.done $0x0  }
0xa9: {  	[sflag:s18] =	ssyncadd.s32 $0xFFFFC400  }
0xaa: {  	[spmem:s2] =	stream.indirect.scatter.add.f32 [tilespmem:s15], [sflag:$0x4], $0x80, s5, s14, $0xb8;
	[tilespmem:$0x1F800] =	vst v63  }
0xab: {  	_ =	swait.ge [sflag:s20], $0x3C00  }
0xac: {  	[sflag:s20] =	ssyncset.done $0x0  }
0xad: {  	[sflag:s20] =	ssyncadd.s32 $0xFFFFC400  }
0xae: {  	[spmem:s2] =	stream.indirect.scatter.add.f32 [tilespmem:s16], [sflag:$0x5], $0x80, s7, s14, $0xb8;
	[tilespmem:$0x1F800] =	vst v63  }
0xaf: {  	_ =	swait.ge [sflag:s19], $0x3C00  }
0xb0: {  	p0 =	sne.s32 s6, $0xA00;
	[sflag:s19] =	ssyncset.done $0x0  }
.Ltmp0:
0xb1: {  	[sflag:s19] =	ssyncadd.s32 $0xFFFFC400;
	(pc) =	sbr.rel @p0 .LBB2_2-.Ltmp0, $4  }
0xb2: {  	_ =	swait.ge [sflag:s22], $0x3C00  }
0xb3: {  	[sflag:s22] =	ssyncset.done $0x0  }
0xb4: {  	[sflag:s22] =	ssyncadd.s32 $0xFFFFC400  }
0xb5: {  	s6 =	sadd.s32 $0x80, s6;
	_ =	swait.ge [sflag:s26], $0x3C00  }
0xb6: {  	[sflag:s26] =	ssyncset.done $0x0  }
0xb7: {  	[sflag:s26] =	ssyncadd.s32 $0xFFFFC400  }
0xb8: {  	[bflag:$0x0] =	sbarrier.arrive $0xFFFF  }
0xb9: {  	s9 =	rddreg [dreg:$0x9]  }
0xba: {  	s6 =	rddreg [dreg:$0xa]  }
0xbb: {  	s10 =	simm.s32 $0x9;
	s8 =	rddreg [dreg:$0xc]  }
0xbc: {  	[hbm:s6], [sflag:s9] =	dma.local [spmem:s8], $0x2780  }
0xbd: {  	_ =	swait.ge [sflag:s10], $0x2780  }
0xbe: {  	s6 =	rddreg [dreg:$0xd]  }
0xbf: {  	s9 =	sadd.s32 $0x1, s6;
	s6 =	rddreg [dreg:$0xb]  }
0xc0: {  	p0 =	sne.s32 s9, s6  }
.Ltmp1:
0xc1: {  	_ = 	snop;
	(pc) =	sbr.rel @p0 .LBB2_1-.Ltmp1, $3  }
0xc2: {  	_ =	sdelay $0x1  }
0xc3: {  	[sflag:s10] =	ssyncset.done $0x0;
	[dreg:$0xd] =	wrdreg s9  }
0xc4: {  	[sflag:s10] =	ssyncadd.s32 $0xFFFFD880;
	s9 =	rddreg [dreg:$0x9]  }
0xc5: {  	_ =	sfence.sel $0x180000  }
0xc6: {  	[bflag:$0x0] =	sbarrier.arrive $0xFFFF  }
0xc7: {  	_ =	strace $0x9000004A  }
0xc8: {  	s0 =	stileid.u32;
	[bflag:$0x2] =	sbarrier.arrive $0xFFFF  }
0xc9: {  	p0 =	sne.s32 s0, $0x0;
	s0 =	rddreg [dreg:$0x2]  }
0xca: {  	s0 =	sadd.s32 @!p0 $0x100000, s0  }
0xcb: {  	[sflag:s0] =	ssyncadd.tile.s32 @!p0 $0x1;
	_ =	shalt  }
.Lfunc_end2:
_tile_overlayer_lowered:
.L_overlay_start_2:
0xcc: {  	(tag) =	ssettag $0x2  }
0xcd: {  	s0 =	rddreg [dreg:$0x0];
	s2 =	stileid.u32  }
0xce: {  	s1 =	rddreg [dreg:$0x1];
	p0 =	sne.s32 s2, $0x0  }
0xcf: {  	s3 =	rddreg [dreg:$0x2];
	[bflag:$0x3] =	sbarrier.arrive $0xFFFF;
	s2 =	simm.s32 @!p0 $0x1C09  }
0xd0: {  	[timem:s3], [sflag:s2] =	dma.local @!p0 [hbm:s0], s1  }
0xd1: {  	s0 =	simm.s32 @!p0 $0x9  }
0xd2: {  	_ =	swait.ge @!p0 [sflag:s0], s1  }
0xd3: {  	s1 =	ssub.s32 @!p0 $0x0, s1;
	[sflag:s0] =	ssyncset.done @!p0 $0x0  }
0xd4: {  	[sflag:s0] =	ssyncadd.s32 @!p0 s1  }
0xd5: {  	[bflag:$0x3] =	sbarrier.arrive $0xFFFF  }
0xd6: {  	_ =	shalt  }

// kernel: kernel.17.cloned.1.call-start
scs
__scs_entry_jumppad:
0x0: {  	(pc) =	sbr.rel $0x88, $3  }
0x1: {  	(tag) =	ssettag $0x0;
	lr =	simm.s32 $0x1  }
0x2: {  	[smem:$0x3F8D] =	sst lr;
	_ =	strace $0xD0000000  }
0x3: {  	_ = 	snop  }
0x4: {  	_ = 	snop  }
0x5: {  	_ = 	snop  }
0x6: {  	_ = 	snop  }
0x7: {  	_ = 	snop  }
__scs_overlays_trampoline_lowered:
0x8: {  	[smem:$0x3F9C] =	sst s0  }
0x9: {  	[smem:$0x3F9D] =	sst s1  }
0xa: {  	[smem:$0x3F9E] =	sst s2  }
0xb: {  	[smem:$0x3F9F] =	sst s3  }
0xc: {  	[smem:$0x3FA0] =	sst s4  }
0xd: {  	[smem:$0x3FA1] =	sst s5  }
0xe: {  	[smem:$0x3FA2] =	sst s6  }
0xf: {  	[smem:$0x3FA3] =	sst s7  }
0x10: {  	[smem:$0x3FA4] =	sst s8  }
0x11: {  	[smem:$0x3FA5] =	sst s9;
	s0 =	simm.s32 @!p0 $0x0  }
0x12: {  	s1 =	sld [smem:$0x3F8B];
	s0 =	simm.s32 @p0 $0x1  }
0x13: {  	[smem:$0x3FA6] =	sst s0;
	s0 =	simm.s32 @!p1 $0x0  }
0x14: {  	s2 =	sld [smem:$0x3F8A];
	s0 =	simm.s32 @p1 $0x1  }
0x15: {  	[smem:$0x3FA7] =	sst s0;
	s0 =	simm.s32 @!p2 $0x0  }
0x16: {  	s3 =	sld [smem:$0x3FDB];
	s0 =	simm.s32 @p2 $0x1  }
0x17: {  	s4 =	simm.s32 $0x1BF5;
	[smem:$0x3FA9] =	sst s0  }
0x18: {  	s0 =	sld [smem:$0x3F8C];
	_ =	swait.ge [sflag:s4], $0x0  }
0x19: {  	s7 =	sld [smem:$0x3F8D]  }
0x1a: {  	s8 =	sadd.s32 $0xFFFFE003, lr  }
0x1b: {  	s9 =	sadd.s32 $0xFFFFFEF7, lr;
	s5 =	simm.s32 $0xFFFFFFFF;
	p2 =	slt.u32 s8, $0xFFFFF086  }
0x1c: {  	p1 =	slt.u32 s9, $0xF7A;
	s5 =	simm.s32 @!p2 $0x0  }
0x1d: {  	s5 =	simm.s32 @p1 $0x1;
	p0 =	seq.s32 s7, s2  }
0x1e: {  	s7 =	smul.u32 @!p0 $0xF7A, s2;
	p2 =	seq.s32 @!p0 s5, $0x0  }
0x1f: {  	s9 =	smul.u32 $0xF7A, s1;
	s8 =	simm.s32 @!p0 $0x1BF5;
	p2 =	por !p2, p0  }
0x20: {  	[sflag:s8] =	ssyncset.s32 @!p0 $0xFFFFF086;
	s6 =	sadd.s32 @!p0 s3, s7;
	s7 =	simm.s32 @!p0 $0x108  }
0x21: {  	s3 =	sadd.s32 s3, s9;
	s6 =	sadd.s32 @!p0 $0x88, s6;
	s7 =	simm.s32 @p2 $0x1082  }
0x22: {  	[simem:s7], [sflag:s8] =	dma.local @!p0 [hbm:s6], $0xF7A  }
0x23: {  	s9 =	sor.u32 $0xD0000000, s2;
	s6 =	simm.s32 $0x108;
	_ =	swait.ge @!p0 [sflag:s8], $0x0  }
0x24: {  	s3 =	sadd.s32 $0x88, s3;
	s6 =	simm.s32 @!p1 $0x1082;
	[sflag:s4] =	ssyncset.s32 $0xFFFFF086  }
0x25: {  	[simem:s6], [sflag:s4] =	dma.local [hbm:s3], $0xF7A  }
0x26: {  	[smem:$0x3F8D] =	sst s1;
	(tag) =	ssettag s2;
	_ =	strace s9  }
0x27: {  	s1 =	sld [smem:$0x3F9D]  }
0x28: {  	s2 =	sld [smem:$0x3F9E]  }
0x29: {  	s4 =	sld [smem:$0x3FA0]  }
0x2a: {  	p0 =	seq.s32 s5, $0x0;
	s5 =	sld [smem:$0x3FA1]  }
0x2b: {  	s6 =	sld [smem:$0x3FA2]  }
0x2c: {  	s7 =	sld [smem:$0x3FA3]  }
0x2d: {  	s3 =	simm.s32 $0x108;
	s8 =	sld [smem:$0x3FA4]  }
0x2e: {  	s3 =	simm.s32 @!p0 $0x1082;
	s9 =	sld [smem:$0x3FA5]  }
0x2f: {  	lr =	sadd.s32 s0, s3;
	s0 =	sld [smem:$0x3F9C]  }
0x30: {  	s3 =	sld [smem:$0x3F9F]  }
0x31: {  	[smem:$0x3FA8] =	sst s10  }
0x32: {  	s10 =	sld [smem:$0x3FA6];
	_ =	sdelay $0x3  }
0x33: {  	p0 =	seq.s32 s10, $0x1;
	s10 =	sld [smem:$0x3FA8];
	_ =	sdelay $0x3  }
0x34: {  	[smem:$0x3FA8] =	sst s10  }
0x35: {  	s10 =	sld [smem:$0x3FA7];
	_ =	sdelay $0x3  }
0x36: {  	p1 =	seq.s32 s10, $0x1;
	s10 =	sld [smem:$0x3FA8];
	_ =	sdelay $0x3  }
0x37: {  	[smem:$0x3FA8] =	sst s10  }
0x38: {  	s10 =	sld [smem:$0x3FA9]  }
0x39: {  	_ = 	snop;
	(pc) =	sbr.ind lr, $3  }
0x3a: {  	_ = 	snop  }
0x3b: {  	_ = 	snop  }
0x3c: {  	p2 =	seq.s32 s10, $0x1;
	s10 =	sld [smem:$0x3FA8]  }
0x3d: {  	_ =	shalt  }
0x3e: {  	_ =	shalt  }
0x3f: {  	_ =	shalt  }
0x40: {  	_ =	shalt  }
0x41: {  	_ =	shalt  }
0x42: {  	_ =	shalt  }
0x43: {  	_ =	shalt  }
0x44: {  	_ =	shalt  }
0x45: {  	_ =	shalt  }
0x46: {  	_ =	shalt  }
0x47: {  	_ =	shalt  }
0x48: {  	_ =	shalt  }
0x49: {  	_ =	shalt  }
0x4a: {  	_ =	shalt  }
0x4b: {  	_ =	shalt  }
0x4c: {  	_ =	shalt  }
0x4d: {  	_ =	shalt  }
0x4e: {  	_ =	shalt  }
0x4f: {  	_ =	shalt  }
0x50: {  	_ =	shalt  }
0x51: {  	_ =	shalt  }
0x52: {  	_ =	shalt  }
0x53: {  	_ =	shalt  }
0x54: {  	_ =	shalt  }
0x55: {  	_ =	shalt  }
0x56: {  	_ =	shalt  }
0x57: {  	_ =	shalt  }
0x58: {  	_ =	shalt  }
0x59: {  	_ =	shalt  }
0x5a: {  	_ =	shalt  }
0x5b: {  	_ =	shalt  }
0x5c: {  	_ =	shalt  }
0x5d: {  	_ =	shalt  }
0x5e: {  	_ =	shalt  }
0x5f: {  	_ =	shalt  }
0x60: {  	_ =	shalt  }
0x61: {  	_ =	shalt  }
0x62: {  	_ =	shalt  }
0x63: {  	_ =	shalt  }
0x64: {  	_ =	shalt  }
0x65: {  	_ =	shalt  }
0x66: {  	_ =	shalt  }
0x67: {  	_ =	shalt  }
0x68: {  	_ =	shalt  }
0x69: {  	_ =	shalt  }
0x6a: {  	_ =	shalt  }
0x6b: {  	_ =	shalt  }
0x6c: {  	_ =	shalt  }
0x6d: {  	_ =	shalt  }
0x6e: {  	_ =	shalt  }
0x6f: {  	_ =	shalt  }
0x70: {  	_ =	shalt  }
0x71: {  	_ =	shalt  }
0x72: {  	_ =	shalt  }
0x73: {  	_ =	shalt  }
0x74: {  	_ =	shalt  }
0x75: {  	_ =	shalt  }
0x76: {  	_ =	shalt  }
0x77: {  	_ =	shalt  }
0x78: {  	_ =	shalt  }
0x79: {  	_ =	shalt  }
0x7a: {  	_ =	shalt  }
0x7b: {  	_ =	shalt  }
0x7c: {  	_ =	shalt  }
0x7d: {  	_ =	shalt  }
0x7e: {  	_ =	shalt  }
0x7f: {  	_ =	shalt  }
0x80: {  	_ =	shalt  }
0x81: {  	_ =	shalt  }
0x82: {  	_ =	shalt  }
0x83: {  	_ =	shalt  }
0x84: {  	_ =	shalt  }
0x85: {  	_ =	shalt  }
0x86: {  	_ =	shalt  }
0x87: {  	_ =	shalt  }
.Lfunc_end0:
.L_simem_size_0:
called_computation.2_lowered:
.L_overlay_start_0:
0x88: {  	s2 =	sld [smem:$0x3FD9]  }
0x89: {  	s3 =	sld [smem:$0x3FFE];
	_ =	sdelay $0x1  }
0x8a: {  	s1 =	srdreg.scid  }
0x8b: {  	s0 =	sand.u32 $0x1, s1  }
0x8c: {  	s16 =	sshll.u32 s0, $0xA;
	s2 =	sadd.s32 s3, s2  }
0x8d: {  	s2 =	sadd.s32 s2, s16  }
0x8e: {  	[smem:$0x3FB4] =	sst s2  }
0x8f: {  	_ = 	snop  }
0x90: {  	(tm) =	ssettm $0x1  }
0x91: {  	s17 =	sld [smem:$0x3FFB];
	_ =	sdelay $0x3  }
0x92: {  	_ =	strace s17  }
0x93: {  	s2 =	sld [smem:$0x3FFC];
	_ =	sdelay $0x3  }
0x94: {  	_ =	strace s2  }
0x95: {  	s2 =	sld [smem:$0x3FFD];
	_ =	sdelay $0x3  }
0x96: {  	_ =	strace s2  }
0x97: {  	_ =	strace $0x8FFFFFFF  }
0x98: {  	s18 =	sld [smem:$0x3FDB];
	_ =	sdelay $0x1  }
0x99: {  	s19 =	simm.s32 $_scs_section_size  }
0x9a: {  	s4 =	simm.s32 $_size__tile_overlayer_lowered;
	s5 =	simm.s32 $_tile_overlayer_lowered  }
0x9b: {  	s22 =	simm.s32 $0x1BFF;
	s21 =	sshll.u32 s5, $0x1;
	s2 =	sadd.s32 s19, s18  }
0x9c: {  	s6 =	simm.s32 $0x0;
	s20 =	sshll.u32 s4, $0x1;
	s4 =	sadd.s32 s21, s2  }
0x9d: {  	[timem:s6], [sflag:s22] =	dma.local [hbm:s4], s20  }
0x9e: {  	_ =	swait.ge [sflag:s22], s20  }
0x9f: {  	s3 =	ssub.s32 $0x0, s20;
	[sflag:s22] =	ssyncset.done $0x0  }
0xa0: {  	[sflag:s22] =	ssyncadd.s32 s3;
	_ =	sdelay $0x1  }
0xa1: {  	s23 =	simm.s32 $0x1B8B  }
0xa2: {  	_ =	swait.ge [sflag:s23], $0x1  }
0xa3: {  	[sflag:s23] =	ssyncset.done $0x0  }
0xa4: {  	s25 =	simm.s32 $0x1B8E;
	s24 =	sld [smem:$0x3FFE];
	[sflag:s23] =	ssyncadd.s32 $0xFFFFFFFF  }
0xa5: {  	s26 =	simm.s32 $execute0_lowered;
	[smem:$0x3FD2] =	sst s25  }
0xa6: {  	s4 =	sshll.u32 s26, $0x1;
	_ =	strace $0x8000004C;
	[dreg:$0x1] =	wrdreg $0xFFFFFFFF  }
0xa7: {  	s28 =	simm.s32 $_size_execute0_lowered;
	s2 =	sadd.s32 s2, s4;
	[dreg:$0x0] =	wrdreg $0x0  }
0xa8: {  	s4 =	sshll.u32 s28, $0x1;
	[dreg:$0x2] =	wrdreg s2  }
0xa9: {  	[dreg:$0x3] =	wrdreg s4  }
0xaa: {  	[dreg:$0x4] =	wrdreg $0xC0  }
0xab: {  	_ =	task [dreg:s6], $0x5FFFF  }
0xac: {  	[dreg:$0x1] =	wrdreg $0xFFFFFFFF  }
0xad: {  	[dreg:$0x0] =	wrdreg $0x60  }
0xae: {  	[dreg:$0x2] =	wrdreg s24  }
0xaf: {  	[dreg:$0x3] =	wrdreg $0xBC000  }
0xb0: {  	[dreg:$0x4] =	wrdreg $0x9  }
0xb1: {  	_ =	task.clear_ibuf [dreg:s6], $0x5FFFF;
	_ =	strace $0x9000004C  }
0xb2: {  	s29 =	simm.s32 $0x9;
	_ =	strace $0x8000004E  }
0xb3: {  	_ =	swait.ge [sflag:s29], $0x1  }
0xb4: {  	[sflag:s29] =	ssyncadd.s32 $0xFFFFFFFF  }
0xb5: {  	_ =	strace $0x9000004E  }
0xb6: {  	_ =	sfence  }
0xb7: {  	s30 =	sld [smem:$0x0];
	_ =	sdelay $0x2  }
0xb8: {  	s31 =	sshll.u32 s1, $0xD;
	s1 =	sshrl.u32 s1, $0x2  }
0xb9: {  	s3 =	sand.u32 $0x4000, s31;
	s1 =	sadd.s32 s1, s30  }
0xba: {  	s0 =	sor.u32 s3, s0;
	s1 =	sshll.u32 s1, $0x11  }
0xbb: {  	s0 =	sor.u32 s1, s0  }
0xbc: {  	s0 =	sadd.s32 $0x8F2B, s0  }
0xbd: {  	[sflag:s0] =	ssyncadd.remote.s32 $0x1  }
0xbe: {  	_ =	sfence.sel $0xFFFF  }
0xbf: {  	[dreg:$0x0] =	wrdreg $0xFFFFFFFF;
	(pc) =	sbr.abs _section_cstart, $3  }
0xc0: {  	[dreg:$0x1] =	wrdreg $0xFFFFFFFF  }
0xc1: {  	_ =	task.clear_ibuf [dreg:s6], $0x2FFFF;
	_ =	strace $0x9FFFFFFF  }
0xc2: {  	(tm) =	ssettm $0x7FFFFFFF  }
0xc3: {  	_ =	shalt  }
tec
execute0_lowered:
.L_overlay_start_1:
0x0: {  	(tag) =	ssettag $0x1  }
0x1: {  	s0 =	rddreg [dreg:$0x0];
	s1 =	srdreg.scid  }
0x2: {  	s2 =	rddreg [dreg:$0x1];
	s9 =	stileid.u32  }
0x3: {  	s3 =	simm.s32 $0x0;
	s10 =	simm.s32 $0x9;
	s11 =	simm.s32 $0x400  }
0x4: {  	s12 =	simm.s32 $0x7;
	s13 =	simm.s32 $0x8;
	s24 =	simm.s32 $0x80  }
0x5: {  	s14 =	simm.s32 $0x78;
	s25 =	simm.s32 $0x100;
	s15 =	simm.s32 $0x800  }
0x6: {  	s16 =	simm.s32 $0x4400;
	s17 =	simm.s32 $0x8000;
	s18 =	simm.s32 $0x1  }
0x7: {  	s26 =	simm.s32 $0x180;
	s28 =	simm.s32 $0x280;
	s5 =	smul.u32 $0x5400, s9  }
0x8: {  	s29 =	simm.s32 $0x580;
	s30 =	simm.s32 $0x300;
	s7 =	smul.u32 $0x278, s9  }
0x9: {  	s31 =	simm.s32 $0x600;
	s1 =	sand.u32 $0x1, s1;
	s8 =	smul.u32 $0x4F000, s9  }
0xa: {  	[smem:$0x7FF] =	sst s3;
	s21 =	sshll.u32 s9, $0x6;
	s4 =	smul.u32 $0x54000, s1  }
0xb: {  	s6 =	smul.u32 $0x2780, s1;
	_ =	strace $0x8000004D;
	[dreg:$0x5] =	wrdreg s24  }
0xc: {  	s1 =	ssub.s32 $0x2, s1;
	s9 =	sor.u32 $0x1C09, s21;
	[dreg:$0x6] =	wrdreg s25  }
0xd: {  	[dreg:$0x7] =	wrdreg s26;
	s21 =	simm.s32 $0x480;
	s24 =	simm.s32 $0x3  }
0xe: {  	s25 =	simm.s32 $0x500;
	s26 =	simm.s32 $0x6;
	s19 =	sshrl.u32 s1, $0x1  }
0xf: {  	s8 =	sshrl.u32 s8, $0x2;
	[dreg:$0x9] =	wrdreg s9;
	s5 =	sadd.s32 s5, s4  }
0x10: {  	s4 =	sadd.s32 $0x2CA00, s0;
	s6 =	sadd.s32 s7, s6;
	s1 =	ssub.s32 s1, s19  }
0x11: {  	s20 =	sadd.s32 s8, s2;
	s19 =	simm.s32 $0x4;
	s7 =	simm.s32 $0x780  }
0x12: {  	s5 =	sshrl.u32 s5, $0x3;
	s6 =	sshll.u32 s6, $0x4;
	s23 =	smax.u32 s1, $0x1  }
0x13: {  	s8 =	sshrl.u32 s20, $0x3;
	s5 =	sadd.s32 s5, s0;
	[dreg:$0xb] =	wrdreg s23  }
0x14: {  	s0 =	sadd.s32 s6, s0;
	s6 =	sadd.s32 s4, s6;
	[dreg:$0xc] =	wrdreg s8  }
0x15: {  	s20 =	simm.s32 $0x2;
	[dreg:$0x8] =	wrdreg s6;
	s22 =	sadd.s32 $0x2A00, s5  }
0x16: {  	s1 =	simm.s32 $0x680;
	s0 =	sadd.s32 $0x7BA00, s0;
	[dreg:$0x3] =	wrdreg s22  }
0x17: {  	s23 =	simm.s32 $0x200;
	s5 =	sadd.s32 $0x17A00, s5;
	[dreg:$0xa] =	wrdreg s0  }
0x18: {  	s6 =	simm.s32 $0x0;
	[dreg:$0x4] =	wrdreg s5;
	s22 =	simm.s32 $0x5  }
0x19: {  	s0 =	simm.s32 $0x380;
	s5 =	simm.s32 $0x700;
	[dreg:$0xd] =	wrdreg s6  }
.LBB2_1:
0x1a: {  	s6 =	rddreg [dreg:$0x8]  }
0x1b: {  	[spmem:s8], [sflag:s9] =	dma.local [hbm:s6], $0x2780  }
0x1c: {  	_ =	swait.ge [sflag:s10], $0x2780  }
0x1d: {  	[sflag:s10] =	ssyncset.done $0x0  }
0x1e: {  	[sflag:s10] =	ssyncadd.s32 $0xFFFFD880  }
0x1f: {  	[bflag:$0x0] =	sbarrier.arrive $0xFFFF  }
0x20: {  	s10 =	rddreg [dreg:$0x4]  }
0x21: {  	s8 =	rddreg [dreg:$0x3];
	s6 =	sadd.s32 $0x0, s10  }
0x22: {  	[tilespmem:s3], [sflag:$0x7] =	stream.linear.gather [hbm4b:s6+s3], $0x400, $0x38;
	[tilespmem:$0x1F800] =	vst v63  }
0x23: {  	s9 =	sadd.s32 $0x0, s8  }
0x24: {  	[tilespmem:s11], [sflag:$0x8] =	stream.linear.gather [hbm4b:s9+s3], $0x400, $0x38;
	[tilespmem:$0x1F800] =	vst v63  }
0x25: {  	_ =	swait.ge [sflag:s12], $0x400  }
0x26: {  	[sflag:s12] =	ssyncset.done $0x0  }
0x27: {  	[sflag:s12] =	ssyncadd.s32 $0xFFFFFC00  }
0x28: {  	_ =	swait.ge [sflag:s13], $0x400  }
0x29: {  	[sflag:s13] =	ssyncset.done $0x0  }
0x2a: {  	[sflag:s13] =	ssyncadd.s32 $0xFFFFFC00  }
0x2b: {  	[tilespmem:s15], [sflag:$0x1] =	stream.indirect.gather [hbm4b:s4+s14], $0x80, s3, s14, $0xb8;
	[tilespmem:$0x1F800] =	vst v63  }
0x2c: {  	s10 =	rddreg [dreg:$0x5]  }
0x2d: {  	[tilespmem:s16], [sflag:$0x2] =	stream.indirect.gather [hbm4b:s4+s14], $0x80, s10, s14, $0xb8;
	[tilespmem:$0x1F800] =	vst v63  }
0x2e: {  	s8 =	rddreg [dreg:$0x6]  }
0x2f: {  	[tilespmem:s17], [sflag:$0x3] =	stream.indirect.gather [hbm4b:s4+s14], $0x80, s8, s14, $0xb8;
	[tilespmem:$0x1F800] =	vst v63  }
0x30: {  	_ =	swait.ge [sflag:s18], $0x3C00  }
0x31: {  	[sflag:s18] =	ssyncset.done $0x0  }
0x32: {  	[sflag:s18] =	ssyncadd.s32 $0xFFFFC400  }
0x33: {  	[spmem:s2] =	stream.indirect.scatter.add.f32 [tilespmem:s15], [sflag:$0x4], $0x80, s11, s14, $0xb8;
	[tilespmem:$0x1F800] =	vst v63  }
0x34: {  	_ =	swait.ge [sflag:s19], $0x3C00  }
0x35: {  	[sflag:s19] =	ssyncset.done $0x0  }
0x36: {  	s10 =	rddreg [dreg:$0x7];
	[sflag:s19] =	ssyncadd.s32 $0xFFFFC400  }
0x37: {  	[tilespmem:s15], [sflag:$0x1] =	stream.indirect.gather [hbm4b:s4+s14], $0x80, s10, s14, $0xb8;
	[tilespmem:$0x1F800] =	vst v63  }
0x38: {  	_ =	swait.ge [sflag:s20], $0x3C00  }
0x39: {  	[sflag:s20] =	ssyncset.done $0x0  }
0x3a: {  	[sflag:s20] =	ssyncadd.s32 $0xFFFFC400  }
0x3b: {  	[spmem:s2] =	stream.indirect.scatter.add.f32 [tilespmem:s16], [sflag:$0x5], $0x80, s21, s14, $0xb8;
	[tilespmem:$0x1F800] =	vst v63  }
0x3c: {  	_ =	swait.ge [sflag:s22], $0x3C00  }
0x3d: {  	[sflag:s22] =	ssyncset.done $0x0  }
0x3e: {  	[sflag:s22] =	ssyncadd.s32 $0xFFFFC400  }
0x3f: {  	[tilespmem:s16], [sflag:$0x2] =	stream.indirect.gather [hbm4b:s4+s14], $0x80, s23, s14, $0xb8;
	[tilespmem:$0x1F800] =	vst v63  }
0x40: {  	_ =	swait.ge [sflag:s24], $0x3C00  }
0x41: {  	[sflag:s24] =	ssyncset.done $0x0  }
0x42: {  	[sflag:s24] =	ssyncadd.s32 $0xFFFFC400  }
0x43: {  	[spmem:s2] =	stream.indirect.scatter.add.f32 [tilespmem:s17], [sflag:$0x6], $0x80, s25, s14, $0xb8;
	[tilespmem:$0x1F800] =	vst v63  }
0x44: {  	_ =	swait.ge [sflag:s26], $0x3C00  }
0x45: {  	[sflag:s26] =	ssyncset.done $0x0  }
0x46: {  	[sflag:s26] =	ssyncadd.s32 $0xFFFFC400  }
0x47: {  	[tilespmem:s17], [sflag:$0x3] =	stream.indirect.gather [hbm4b:s4+s14], $0x80, s28, s14, $0xb8;
	[tilespmem:$0x1F800] =	vst v63  }
0x48: {  	_ =	swait.ge [sflag:s18], $0x3C00  }
0x49: {  	[sflag:s18] =	ssyncset.done $0x0  }
0x4a: {  	[sflag:s18] =	ssyncadd.s32 $0xFFFFC400  }
0x4b: {  	[spmem:s2] =	stream.indirect.scatter.add.f32 [tilespmem:s15], [sflag:$0x4], $0x80, s29, s14, $0xb8;
	[tilespmem:$0x1F800] =	vst v63  }
0x4c: {  	_ =	swait.ge [sflag:s19], $0x3C00  }
0x4d: {  	[sflag:s19] =	ssyncset.done $0x0  }
0x4e: {  	[sflag:s19] =	ssyncadd.s32 $0xFFFFC400  }
0x4f: {  	[tilespmem:s15], [sflag:$0x1] =	stream.indirect.gather [hbm4b:s4+s14], $0x80, s30, s14, $0xb8;
	[tilespmem:$0x1F800] =	vst v63  }
0x50: {  	_ =	swait.ge [sflag:s20], $0x3C00  }
0x51: {  	[sflag:s20] =	ssyncset.done $0x0  }
0x52: {  	[sflag:s20] =	ssyncadd.s32 $0xFFFFC400  }
0x53: {  	[spmem:s2] =	stream.indirect.scatter.add.f32 [tilespmem:s16], [sflag:$0x5], $0x80, s31, s14, $0xb8;
	[tilespmem:$0x1F800] =	vst v63  }
0x54: {  	_ =	swait.ge [sflag:s22], $0x3C00  }
0x55: {  	[sflag:s22] =	ssyncset.done $0x0  }
0x56: {  	[sflag:s22] =	ssyncadd.s32 $0xFFFFC400  }
0x57: {  	[tilespmem:s16], [sflag:$0x2] =	stream.indirect.gather [hbm4b:s4+s14], $0x80, s0, s14, $0xb8;
	[tilespmem:$0x1F800] =	vst v63  }
0x58: {  	_ =	swait.ge [sflag:s24], $0x3C00  }
0x59: {  	[sflag:s24] =	ssyncset.done $0x0  }
0x5a: {  	[sflag:s24] =	ssyncadd.s32 $0xFFFFC400  }
0x5b: {  	[spmem:s2] =	stream.indirect.scatter.add.f32 [tilespmem:s17], [sflag:$0x6], $0x80, s1, s14, $0xb8;
	[tilespmem:$0x1F800] =	vst v63  }
0x5c: {  	_ =	swait.ge [sflag:s18], $0x3C00  }
0x5d: {  	[sflag:s18] =	ssyncset.done $0x0  }
0x5e: {  	[sflag:s18] =	ssyncadd.s32 $0xFFFFC400  }
0x5f: {  	[spmem:s2] =	stream.indirect.scatter.add.f32 [tilespmem:s15], [sflag:$0x4], $0x80, s5, s14, $0xb8;
	[tilespmem:$0x1F800] =	vst v63  }
0x60: {  	_ =	swait.ge [sflag:s20], $0x3C00  }
0x61: {  	[sflag:s20] =	ssyncset.done $0x0  }
0x62: {  	[sflag:s20] =	ssyncadd.s32 $0xFFFFC400  }
0x63: {  	[spmem:s2] =	stream.indirect.scatter.add.f32 [tilespmem:s16], [sflag:$0x5], $0x80, s7, s14, $0xb8;
	[tilespmem:$0x1F800] =	vst v63  }
0x64: {  	_ =	swait.ge [sflag:s19], $0x3C00  }
0x65: {  	[sflag:s19] =	ssyncset.done $0x0  }
0x66: {  	[sflag:s19] =	ssyncadd.s32 $0xFFFFC400  }
0x67: {  	_ =	swait.ge [sflag:s22], $0x3C00  }
0x68: {  	[sflag:s22] =	ssyncset.done $0x0  }
0x69: {  	[sflag:s22] =	ssyncadd.s32 $0xFFFFC400  }
0x6a: {  	s6 =	simm.s32 $0x80;
	_ =	swait.ge [sflag:s26], $0x3C00  }
.LBB2_2:
0x6b: {  	s9 =	rddreg [dreg:$0x4];
	s10 =	smov.u32 s6;
	[sflag:s26] =	ssyncset.done $0x0  }
0x6c: {  	s8 =	rddreg [dreg:$0x3];
	s9 =	sadd.s32 s10, s9;
	[sflag:s26] =	ssyncadd.s32 $0xFFFFC400  }
0x6d: {  	[tilespmem:s3], [sflag:$0x7] =	stream.linear.gather [hbm4b:s9+s3], $0x400, $0x38;
	[tilespmem:$0x1F800] =	vst v63  }
0x6e: {  	s8 =	sadd.s32 s10, s8  }
0x6f: {  	[tilespmem:s11], [sflag:$0x8] =	stream.linear.gather [hbm4b:s8+s3], $0x400, $0x38;
	[tilespmem:$0x1F800] =	vst v63  }
0x70: {  	_ =	swait.ge [sflag:s12], $0x400  }
0x71: {  	[sflag:s12] =	ssyncset.done $0x0  }
0x72: {  	[sflag:s12] =	ssyncadd.s32 $0xFFFFFC00  }
0x73: {  	_ =	swait.ge [sflag:s13], $0x400  }
0x74: {  	[sflag:s13] =	ssyncset.done $0x0  }
0x75: {  	[sflag:s13] =	ssyncadd.s32 $0xFFFFFC00  }
0x76: {  	[tilespmem:s15], [sflag:$0x1] =	stream.indirect.gather [hbm4b:s4+s14], $0x80, s3, s14, $0xb8;
	[tilespmem:$0x1F800] =	vst v63  }
0x77: {  	s9 =	rddreg [dreg:$0x5]  }
0x78: {  	[tilespmem:s16], [sflag:$0x2] =	stream.indirect.gather [hbm4b:s4+s14], $0x80, s9, s14, $0xb8;
	[tilespmem:$0x1F800] =	vst v63  }
0x79: {  	s10 =	rddreg [dreg:$0x6]  }
0x7a: {  	[tilespmem:s17], [sflag:$0x3] =	stream.indirect.gather [hbm4b:s4+s14], $0x80, s10, s14, $0xb8;
	[tilespmem:$0x1F800] =	vst v63  }
0x7b: {  	_ =	swait.ge [sflag:s18], $0x3C00  }
0x7c: {  	[sflag:s18] =	ssyncset.done $0x0  }
0x7d: {  	[sflag:s18] =	ssyncadd.s32 $0xFFFFC400  }
0x7e: {  	[spmem:s2] =	stream.indirect.scatter.add.f32 [tilespmem:s15], [sflag:$0x4], $0x80, s11, s14, $0xb8;
	[tilespmem:$0x1F800] =	vst v63  }
0x7f: {  	_ =	swait.ge [sflag:s19], $0x3C00  }
0x80: {  	[sflag:s19] =	ssyncset.done $0x0  }
0x81: {  	s10 =	rddreg [dreg:$0x7];
	[sflag:s19] =	ssyncadd.s32 $0xFFFFC400  }
0x82: {  	[tilespmem:s15], [sflag:$0x1] =	stream.indirect.gather [hbm4b:s4+s14], $0x80, s10, s14, $0xb8;
	[tilespmem:$0x1F800] =	vst v63  }
0x83: {  	_ =	swait.ge [sflag:s20], $0x3C00  }
0x84: {  	[sflag:s20] =	ssyncset.done $0x0  }
0x85: {  	[sflag:s20] =	ssyncadd.s32 $0xFFFFC400  }
0x86: {  	[spmem:s2] =	stream.indirect.scatter.add.f32 [tilespmem:s16], [sflag:$0x5], $0x80, s21, s14, $0xb8;
	[tilespmem:$0x1F800] =	vst v63  }
0x87: {  	_ =	swait.ge [sflag:s22], $0x3C00  }
0x88: {  	[sflag:s22] =	ssyncset.done $0x0  }
0x89: {  	[sflag:s22] =	ssyncadd.s32 $0xFFFFC400  }
0x8a: {  	[tilespmem:s16], [sflag:$0x2] =	stream.indirect.gather [hbm4b:s4+s14], $0x80, s23, s14, $0xb8;
	[tilespmem:$0x1F800] =	vst v63  }
0x8b: {  	_ =	swait.ge [sflag:s24], $0x3C00  }
0x8c: {  	[sflag:s24] =	ssyncset.done $0x0  }
0x8d: {  	[sflag:s24] =	ssyncadd.s32 $0xFFFFC400  }
0x8e: {  	[spmem:s2] =	stream.indirect.scatter.add.f32 [tilespmem:s17], [sflag:$0x6], $0x80, s25, s14, $0xb8;
	[tilespmem:$0x1F800] =	vst v63  }
0x8f: {  	_ =	swait.ge [sflag:s26], $0x3C00  }
0x90: {  	[sflag:s26] =	ssyncset.done $0x0  }
0x91: {  	[sflag:s26] =	ssyncadd.s32 $0xFFFFC400  }
0x92: {  	[tilespmem:s17], [sflag:$0x3] =	stream.indirect.gather [hbm4b:s4+s14], $0x80, s28, s14, $0xb8;
	[tilespmem:$0x1F800] =	vst v63  }
0x93: {  	_ =	swait.ge [sflag:s18], $0x3C00  }
0x94: {  	[sflag:s18] =	ssyncset.done $0x0  }
0x95: {  	[sflag:s18] =	ssyncadd.s32 $0xFFFFC400  }
0x96: {  	[spmem:s2] =	stream.indirect.scatter.add.f32 [tilespmem:s15], [sflag:$0x4], $0x80, s29, s14, $0xb8;
	[tilespmem:$0x1F800] =	vst v63  }
0x97: {  	_ =	swait.ge [sflag:s19], $0x3C00  }
0x98: {  	[sflag:s19] =	ssyncset.done $0x0  }
0x99: {  	[sflag:s19] =	ssyncadd.s32 $0xFFFFC400  }
0x9a: {  	[tilespmem:s15], [sflag:$0x1] =	stream.indirect.gather [hbm4b:s4+s14], $0x80, s30, s14, $0xb8;
	[tilespmem:$0x1F800] =	vst v63  }
0x9b: {  	_ =	swait.ge [sflag:s20], $0x3C00  }
0x9c: {  	[sflag:s20] =	ssyncset.done $0x0  }
0x9d: {  	[sflag:s20] =	ssyncadd.s32 $0xFFFFC400  }
0x9e: {  	[spmem:s2] =	stream.indirect.scatter.add.f32 [tilespmem:s16], [sflag:$0x5], $0x80, s31, s14, $0xb8;
	[tilespmem:$0x1F800] =	vst v63  }
0x9f: {  	_ =	swait.ge [sflag:s22], $0x3C00  }
0xa0: {  	[sflag:s22] =	ssyncset.done $0x0  }
0xa1: {  	[sflag:s22] =	ssyncadd.s32 $0xFFFFC400  }
0xa2: {  	[tilespmem:s16], [sflag:$0x2] =	stream.indirect.gather [hbm4b:s4+s14], $0x80, s0, s14, $0xb8;
	[tilespmem:$0x1F800] =	vst v63  }
0xa3: {  	_ =	swait.ge [sflag:s24], $0x3C00  }
0xa4: {  	[sflag:s24] =	ssyncset.done $0x0  }
0xa5: {  	[sflag:s24] =	ssyncadd.s32 $0xFFFFC400  }
0xa6: {  	[spmem:s2] =	stream.indirect.scatter.add.f32 [tilespmem:s17], [sflag:$0x6], $0x80, s1, s14, $0xb8;
	[tilespmem:$0x1F800] =	vst v63  }
0xa7: {  	_ =	swait.ge [sflag:s18], $0x3C00  }
0xa8: {  	[sflag:s18] =	ssyncset.done $0x0  }
0xa9: {  	[sflag:s18] =	ssyncadd.s32 $0xFFFFC400  }
0xaa: {  	[spmem:s2] =	stream.indirect.scatter.add.f32 [tilespmem:s15], [sflag:$0x4], $0x80, s5, s14, $0xb8;
	[tilespmem:$0x1F800] =	vst v63  }
0xab: {  	_ =	swait.ge [sflag:s20], $0x3C00  }
0xac: {  	[sflag:s20] =	ssyncset.done $0x0  }
0xad: {  	[sflag:s20] =	ssyncadd.s32 $0xFFFFC400  }
0xae: {  	[spmem:s2] =	stream.indirect.scatter.add.f32 [tilespmem:s16], [sflag:$0x5], $0x80, s7, s14, $0xb8;
	[tilespmem:$0x1F800] =	vst v63  }
0xaf: {  	_ =	swait.ge [sflag:s19], $0x3C00  }
0xb0: {  	p0 =	sne.s32 s6, $0xA00;
	[sflag:s19] =	ssyncset.done $0x0  }
.Ltmp0:
0xb1: {  	[sflag:s19] =	ssyncadd.s32 $0xFFFFC400;
	(pc) =	sbr.rel @p0 .LBB2_2-.Ltmp0, $4  }
0xb2: {  	_ =	swait.ge [sflag:s22], $0x3C00  }
0xb3: {  	[sflag:s22] =	ssyncset.done $0x0  }
0xb4: {  	[sflag:s22] =	ssyncadd.s32 $0xFFFFC400  }
0xb5: {  	s6 =	sadd.s32 $0x80, s6;
	_ =	swait.ge [sflag:s26], $0x3C00  }
0xb6: {  	[sflag:s26] =	ssyncset.done $0x0  }
0xb7: {  	[sflag:s26] =	ssyncadd.s32 $0xFFFFC400  }
0xb8: {  	[bflag:$0x0] =	sbarrier.arrive $0xFFFF  }
0xb9: {  	s9 =	rddreg [dreg:$0x9]  }
0xba: {  	s6 =	rddreg [dreg:$0xa]  }
0xbb: {  	s10 =	simm.s32 $0x9;
	s8 =	rddreg [dreg:$0xc]  }
0xbc: {  	[hbm:s6], [sflag:s9] =	dma.local [spmem:s8], $0x2780  }
0xbd: {  	_ =	swait.ge [sflag:s10], $0x2780  }
0xbe: {  	s6 =	rddreg [dreg:$0xd]  }
0xbf: {  	s9 =	sadd.s32 $0x1, s6;
	s6 =	rddreg [dreg:$0xb]  }
0xc0: {  	p0 =	sne.s32 s9, s6  }
.Ltmp1:
0xc1: {  	_ = 	snop;
	(pc) =	sbr.rel @p0 .LBB2_1-.Ltmp1, $3  }
0xc2: {  	_ =	sdelay $0x1  }
0xc3: {  	[sflag:s10] =	ssyncset.done $0x0;
	[dreg:$0xd] =	wrdreg s9  }
0xc4: {  	[sflag:s10] =	ssyncadd.s32 $0xFFFFD880;
	s9 =	rddreg [dreg:$0x9]  }
0xc5: {  	_ =	sfence.sel $0x180000  }
0xc6: {  	[bflag:$0x0] =	sbarrier.arrive $0xFFFF  }
0xc7: {  	_ =	strace $0x9000004D  }
0xc8: {  	s0 =	stileid.u32;
	[bflag:$0x2] =	sbarrier.arrive $0xFFFF  }
0xc9: {  	p0 =	sne.s32 s0, $0x0;
	s0 =	rddreg [dreg:$0x2]  }
0xca: {  	s0 =	sadd.s32 @!p0 $0x100000, s0  }
0xcb: {  	[sflag:s0] =	ssyncadd.tile.s32 @!p0 $0x1;
	_ =	shalt  }
.Lfunc_end2:
_tile_overlayer_lowered:
.L_overlay_start_2:
0xcc: {  	(tag) =	ssettag $0x2  }
0xcd: {  	s0 =	rddreg [dreg:$0x0];
	s2 =	stileid.u32  }
0xce: {  	s1 =	rddreg [dreg:$0x1];
	p0 =	sne.s32 s2, $0x0  }
0xcf: {  	s3 =	rddreg [dreg:$0x2];
	[bflag:$0x3] =	sbarrier.arrive $0xFFFF;
	s2 =	simm.s32 @!p0 $0x1C09  }
0xd0: {  	[timem:s3], [sflag:s2] =	dma.local @!p0 [hbm:s0], s1  }
0xd1: {  	s0 =	simm.s32 @!p0 $0x9  }
0xd2: {  	_ =	swait.ge @!p0 [sflag:s0], s1  }
0xd3: {  	s1 =	ssub.s32 @!p0 $0x0, s1;
	[sflag:s0] =	ssyncset.done @!p0 $0x0  }
0xd4: {  	[sflag:s0] =	ssyncadd.s32 @!p0 s1  }
0xd5: {  	[bflag:$0x3] =	sbarrier.arrive $0xFFFF  }
0xd6: {  	_ =	shalt  }

// kernel: kernel.20.cloned.1.call-start
scs
__scs_entry_jumppad:
0x0: {  	(pc) =	sbr.rel $0x88, $3  }
0x1: {  	(tag) =	ssettag $0x0;
	lr =	simm.s32 $0x1  }
0x2: {  	[smem:$0x3F8D] =	sst lr;
	_ =	strace $0xD0000000  }
0x3: {  	_ = 	snop  }
0x4: {  	_ = 	snop  }
0x5: {  	_ = 	snop  }
0x6: {  	_ = 	snop  }
0x7: {  	_ = 	snop  }
__scs_overlays_trampoline_lowered:
0x8: {  	[smem:$0x3F9C] =	sst s0  }
0x9: {  	[smem:$0x3F9D] =	sst s1  }
0xa: {  	[smem:$0x3F9E] =	sst s2  }
0xb: {  	[smem:$0x3F9F] =	sst s3  }
0xc: {  	[smem:$0x3FA0] =	sst s4  }
0xd: {  	[smem:$0x3FA1] =	sst s5  }
0xe: {  	[smem:$0x3FA2] =	sst s6  }
0xf: {  	[smem:$0x3FA3] =	sst s7  }
0x10: {  	[smem:$0x3FA4] =	sst s8  }
0x11: {  	[smem:$0x3FA5] =	sst s9;
	s0 =	simm.s32 @!p0 $0x0  }
0x12: {  	s1 =	sld [smem:$0x3F8B];
	s0 =	simm.s32 @p0 $0x1  }
0x13: {  	[smem:$0x3FA6] =	sst s0;
	s0 =	simm.s32 @!p1 $0x0  }
0x14: {  	s2 =	sld [smem:$0x3F8A];
	s0 =	simm.s32 @p1 $0x1  }
0x15: {  	[smem:$0x3FA7] =	sst s0;
	s0 =	simm.s32 @!p2 $0x0  }
0x16: {  	s3 =	sld [smem:$0x3FDB];
	s0 =	simm.s32 @p2 $0x1  }
0x17: {  	s4 =	simm.s32 $0x1BF5;
	[smem:$0x3FA9] =	sst s0  }
0x18: {  	s0 =	sld [smem:$0x3F8C];
	_ =	swait.ge [sflag:s4], $0x0  }
0x19: {  	s7 =	sld [smem:$0x3F8D]  }
0x1a: {  	s8 =	sadd.s32 $0xFFFFE003, lr  }
0x1b: {  	s9 =	sadd.s32 $0xFFFFFEF7, lr;
	s5 =	simm.s32 $0xFFFFFFFF;
	p2 =	slt.u32 s8, $0xFFFFF086  }
0x1c: {  	p1 =	slt.u32 s9, $0xF7A;
	s5 =	simm.s32 @!p2 $0x0  }
0x1d: {  	s5 =	simm.s32 @p1 $0x1;
	p0 =	seq.s32 s7, s2  }
0x1e: {  	s7 =	smul.u32 @!p0 $0xF7A, s2;
	p2 =	seq.s32 @!p0 s5, $0x0  }
0x1f: {  	s9 =	smul.u32 $0xF7A, s1;
	s8 =	simm.s32 @!p0 $0x1BF5;
	p2 =	por !p2, p0  }
0x20: {  	[sflag:s8] =	ssyncset.s32 @!p0 $0xFFFFF086;
	s6 =	sadd.s32 @!p0 s3, s7;
	s7 =	simm.s32 @!p0 $0x108  }
0x21: {  	s3 =	sadd.s32 s3, s9;
	s6 =	sadd.s32 @!p0 $0x88, s6;
	s7 =	simm.s32 @p2 $0x1082  }
0x22: {  	[simem:s7], [sflag:s8] =	dma.local @!p0 [hbm:s6], $0xF7A  }
0x23: {  	s9 =	sor.u32 $0xD0000000, s2;
	s6 =	simm.s32 $0x108;
	_ =	swait.ge @!p0 [sflag:s8], $0x0  }
0x24: {  	s3 =	sadd.s32 $0x88, s3;
	s6 =	simm.s32 @!p1 $0x1082;
	[sflag:s4] =	ssyncset.s32 $0xFFFFF086  }
0x25: {  	[simem:s6], [sflag:s4] =	dma.local [hbm:s3], $0xF7A  }
0x26: {  	[smem:$0x3F8D] =	sst s1;
	(tag) =	ssettag s2;
	_ =	strace s9  }
0x27: {  	s1 =	sld [smem:$0x3F9D]  }
0x28: {  	s2 =	sld [smem:$0x3F9E]  }
0x29: {  	s4 =	sld [smem:$0x3FA0]  }
0x2a: {  	p0 =	seq.s32 s5, $0x0;
	s5 =	sld [smem:$0x3FA1]  }
0x2b: {  	s6 =	sld [smem:$0x3FA2]  }
0x2c: {  	s7 =	sld [smem:$0x3FA3]  }
0x2d: {  	s3 =	simm.s32 $0x108;
	s8 =	sld [smem:$0x3FA4]  }
0x2e: {  	s3 =	simm.s32 @!p0 $0x1082;
	s9 =	sld [smem:$0x3FA5]  }
0x2f: {  	lr =	sadd.s32 s0, s3;
	s0 =	sld [smem:$0x3F9C]  }
0x30: {  	s3 =	sld [smem:$0x3F9F]  }
0x31: {  	[smem:$0x3FA8] =	sst s10  }
0x32: {  	s10 =	sld [smem:$0x3FA6];
	_ =	sdelay $0x3  }
0x33: {  	p0 =	seq.s32 s10, $0x1;
	s10 =	sld [smem:$0x3FA8];
	_ =	sdelay $0x3  }
0x34: {  	[smem:$0x3FA8] =	sst s10  }
0x35: {  	s10 =	sld [smem:$0x3FA7];
	_ =	sdelay $0x3  }
0x36: {  	p1 =	seq.s32 s10, $0x1;
	s10 =	sld [smem:$0x3FA8];
	_ =	sdelay $0x3  }
0x37: {  	[smem:$0x3FA8] =	sst s10  }
0x38: {  	s10 =	sld [smem:$0x3FA9]  }
0x39: {  	_ = 	snop;
	(pc) =	sbr.ind lr, $3  }
0x3a: {  	_ = 	snop  }
0x3b: {  	_ = 	snop  }
0x3c: {  	p2 =	seq.s32 s10, $0x1;
	s10 =	sld [smem:$0x3FA8]  }
0x3d: {  	_ =	shalt  }
0x3e: {  	_ =	shalt  }
0x3f: {  	_ =	shalt  }
0x40: {  	_ =	shalt  }
0x41: {  	_ =	shalt  }
0x42: {  	_ =	shalt  }
0x43: {  	_ =	shalt  }
0x44: {  	_ =	shalt  }
0x45: {  	_ =	shalt  }
0x46: {  	_ =	shalt  }
0x47: {  	_ =	shalt  }
0x48: {  	_ =	shalt  }
0x49: {  	_ =	shalt  }
0x4a: {  	_ =	shalt  }
0x4b: {  	_ =	shalt  }
0x4c: {  	_ =	shalt  }
0x4d: {  	_ =	shalt  }
0x4e: {  	_ =	shalt  }
0x4f: {  	_ =	shalt  }
0x50: {  	_ =	shalt  }
0x51: {  	_ =	shalt  }
0x52: {  	_ =	shalt  }
0x53: {  	_ =	shalt  }
0x54: {  	_ =	shalt  }
0x55: {  	_ =	shalt  }
0x56: {  	_ =	shalt  }
0x57: {  	_ =	shalt  }
0x58: {  	_ =	shalt  }
0x59: {  	_ =	shalt  }
0x5a: {  	_ =	shalt  }
0x5b: {  	_ =	shalt  }
0x5c: {  	_ =	shalt  }
0x5d: {  	_ =	shalt  }
0x5e: {  	_ =	shalt  }
0x5f: {  	_ =	shalt  }
0x60: {  	_ =	shalt  }
0x61: {  	_ =	shalt  }
0x62: {  	_ =	shalt  }
0x63: {  	_ =	shalt  }
0x64: {  	_ =	shalt  }
0x65: {  	_ =	shalt  }
0x66: {  	_ =	shalt  }
0x67: {  	_ =	shalt  }
0x68: {  	_ =	shalt  }
0x69: {  	_ =	shalt  }
0x6a: {  	_ =	shalt  }
0x6b: {  	_ =	shalt  }
0x6c: {  	_ =	shalt  }
0x6d: {  	_ =	shalt  }
0x6e: {  	_ =	shalt  }
0x6f: {  	_ =	shalt  }
0x70: {  	_ =	shalt  }
0x71: {  	_ =	shalt  }
0x72: {  	_ =	shalt  }
0x73: {  	_ =	shalt  }
0x74: {  	_ =	shalt  }
0x75: {  	_ =	shalt  }
0x76: {  	_ =	shalt  }
0x77: {  	_ =	shalt  }
0x78: {  	_ =	shalt  }
0x79: {  	_ =	shalt  }
0x7a: {  	_ =	shalt  }
0x7b: {  	_ =	shalt  }
0x7c: {  	_ =	shalt  }
0x7d: {  	_ =	shalt  }
0x7e: {  	_ =	shalt  }
0x7f: {  	_ =	shalt  }
0x80: {  	_ =	shalt  }
0x81: {  	_ =	shalt  }
0x82: {  	_ =	shalt  }
0x83: {  	_ =	shalt  }
0x84: {  	_ =	shalt  }
0x85: {  	_ =	shalt  }
0x86: {  	_ =	shalt  }
0x87: {  	_ =	shalt  }
.Lfunc_end0:
.L_simem_size_0:
called_computation.3_lowered:
.L_overlay_start_0:
0x88: {  	s2 =	sld [smem:$0x3FD9]  }
0x89: {  	s3 =	sld [smem:$0x3FFE];
	_ =	sdelay $0x1  }
0x8a: {  	s1 =	srdreg.scid  }
0x8b: {  	s0 =	sand.u32 $0x1, s1  }
0x8c: {  	s16 =	sshll.u32 s0, $0xA;
	s2 =	sadd.s32 s3, s2  }
0x8d: {  	s2 =	sadd.s32 s2, s16  }
0x8e: {  	[smem:$0x3FB4] =	sst s2  }
0x8f: {  	_ = 	snop  }
0x90: {  	(tm) =	ssettm $0x1  }
0x91: {  	s17 =	sld [smem:$0x3FFB];
	_ =	sdelay $0x3  }
0x92: {  	_ =	strace s17  }
0x93: {  	s2 =	sld [smem:$0x3FFC];
	_ =	sdelay $0x3  }
0x94: {  	_ =	strace s2  }
0x95: {  	s2 =	sld [smem:$0x3FFD];
	_ =	sdelay $0x3  }
0x96: {  	_ =	strace s2  }
0x97: {  	_ =	strace $0x8FFFFFFF  }
0x98: {  	s18 =	sld [smem:$0x3FDB];
	_ =	sdelay $0x1  }
0x99: {  	s19 =	simm.s32 $_scs_section_size  }
0x9a: {  	s4 =	simm.s32 $_size__tile_overlayer_lowered;
	s5 =	simm.s32 $_tile_overlayer_lowered  }
0x9b: {  	s22 =	simm.s32 $0x1BFF;
	s21 =	sshll.u32 s5, $0x1;
	s2 =	sadd.s32 s19, s18  }
0x9c: {  	s6 =	simm.s32 $0x0;
	s20 =	sshll.u32 s4, $0x1;
	s4 =	sadd.s32 s21, s2  }
0x9d: {  	[timem:s6], [sflag:s22] =	dma.local [hbm:s4], s20  }
0x9e: {  	_ =	swait.ge [sflag:s22], s20  }
0x9f: {  	s3 =	ssub.s32 $0x0, s20;
	[sflag:s22] =	ssyncset.done $0x0  }
0xa0: {  	[sflag:s22] =	ssyncadd.s32 s3;
	_ =	sdelay $0x1  }
0xa1: {  	s23 =	simm.s32 $0x1B8B  }
0xa2: {  	_ =	swait.ge [sflag:s23], $0x1  }
0xa3: {  	[sflag:s23] =	ssyncset.done $0x0  }
0xa4: {  	s25 =	simm.s32 $0x1B8E;
	s24 =	sld [smem:$0x3FFE];
	[sflag:s23] =	ssyncadd.s32 $0xFFFFFFFF  }
0xa5: {  	s26 =	simm.s32 $execute0_lowered;
	[smem:$0x3FD2] =	sst s25  }
0xa6: {  	s4 =	sshll.u32 s26, $0x1;
	_ =	strace $0x8000004F;
	[dreg:$0x1] =	wrdreg $0xFFFFFFFF  }
0xa7: {  	s28 =	simm.s32 $_size_execute0_lowered;
	s2 =	sadd.s32 s2, s4;
	[dreg:$0x0] =	wrdreg $0x0  }
0xa8: {  	s4 =	sshll.u32 s28, $0x1;
	[dreg:$0x2] =	wrdreg s2  }
0xa9: {  	[dreg:$0x3] =	wrdreg s4  }
0xaa: {  	[dreg:$0x4] =	wrdreg $0xC0  }
0xab: {  	_ =	task [dreg:s6], $0x5FFFF  }
0xac: {  	[dreg:$0x1] =	wrdreg $0xFFFFFFFF  }
0xad: {  	[dreg:$0x0] =	wrdreg $0x60  }
0xae: {  	[dreg:$0x2] =	wrdreg s24  }
0xaf: {  	[dreg:$0x3] =	wrdreg $0xBC000  }
0xb0: {  	[dreg:$0x4] =	wrdreg $0x9  }
0xb1: {  	_ =	task.clear_ibuf [dreg:s6], $0x5FFFF;
	_ =	strace $0x9000004F  }
0xb2: {  	s29 =	simm.s32 $0x9;
	_ =	strace $0x80000051  }
0xb3: {  	_ =	swait.ge [sflag:s29], $0x1  }
0xb4: {  	[sflag:s29] =	ssyncadd.s32 $0xFFFFFFFF  }
0xb5: {  	_ =	strace $0x90000051  }
0xb6: {  	_ =	sfence  }
0xb7: {  	s30 =	sld [smem:$0x0];
	_ =	sdelay $0x2  }
0xb8: {  	s31 =	sshll.u32 s1, $0xD;
	s1 =	sshrl.u32 s1, $0x2  }
0xb9: {  	s3 =	sand.u32 $0x4000, s31;
	s1 =	sadd.s32 s1, s30  }
0xba: {  	s0 =	sor.u32 s3, s0;
	s1 =	sshll.u32 s1, $0x11  }
0xbb: {  	s0 =	sor.u32 s1, s0  }
0xbc: {  	s0 =	sadd.s32 $0x8F2B, s0  }
0xbd: {  	[sflag:s0] =	ssyncadd.remote.s32 $0x1  }
0xbe: {  	_ =	sfence.sel $0xFFFF  }
0xbf: {  	[dreg:$0x0] =	wrdreg $0xFFFFFFFF;
	(pc) =	sbr.abs _section_cstart, $3  }
0xc0: {  	[dreg:$0x1] =	wrdreg $0xFFFFFFFF  }
0xc1: {  	_ =	task.clear_ibuf [dreg:s6], $0x2FFFF;
	_ =	strace $0x9FFFFFFF  }
0xc2: {  	(tm) =	ssettm $0x7FFFFFFF  }
0xc3: {  	_ =	shalt  }
tec
execute0_lowered:
.L_overlay_start_1:
0x0: {  	(tag) =	ssettag $0x1  }
0x1: {  	s0 =	rddreg [dreg:$0x0];
	s1 =	srdreg.scid  }
0x2: {  	s2 =	rddreg [dreg:$0x1];
	s9 =	stileid.u32  }
0x3: {  	s3 =	simm.s32 $0x0;
	s10 =	simm.s32 $0x9;
	s11 =	simm.s32 $0x400  }
0x4: {  	s12 =	simm.s32 $0x7;
	s13 =	simm.s32 $0x8;
	s24 =	simm.s32 $0x80  }
0x5: {  	s14 =	simm.s32 $0x78;
	s25 =	simm.s32 $0x100;
	s15 =	simm.s32 $0x800  }
0x6: {  	s16 =	simm.s32 $0x4400;
	s17 =	simm.s32 $0x8000;
	s18 =	simm.s32 $0x1  }
0x7: {  	s26 =	simm.s32 $0x180;
	s28 =	simm.s32 $0x280;
	s5 =	smul.u32 $0x5400, s9  }
0x8: {  	s29 =	simm.s32 $0x580;
	s30 =	simm.s32 $0x300;
	s7 =	smul.u32 $0x278, s9  }
0x9: {  	s31 =	simm.s32 $0x600;
	s1 =	sand.u32 $0x1, s1;
	s8 =	smul.u32 $0x4F000, s9  }
0xa: {  	[smem:$0x7FF] =	sst s3;
	s21 =	sshll.u32 s9, $0x6;
	s4 =	smul.u32 $0x54000, s1  }
0xb: {  	s6 =	smul.u32 $0x2780, s1;
	_ =	strace $0x80000050;
	[dreg:$0x5] =	wrdreg s24  }
0xc: {  	s1 =	ssub.s32 $0x2, s1;
	s9 =	sor.u32 $0x1C09, s21;
	[dreg:$0x6] =	wrdreg s25  }
0xd: {  	[dreg:$0x7] =	wrdreg s26;
	s21 =	simm.s32 $0x480;
	s24 =	simm.s32 $0x3  }
0xe: {  	s25 =	simm.s32 $0x500;
	s26 =	simm.s32 $0x6;
	s19 =	sshrl.u32 s1, $0x1  }
0xf: {  	s8 =	sshrl.u32 s8, $0x2;
	[dreg:$0x9] =	wrdreg s9;
	s5 =	sadd.s32 s5, s4  }
0x10: {  	s4 =	sadd.s32 $0x2CA00, s0;
	s6 =	sadd.s32 s7, s6;
	s1 =	ssub.s32 s1, s19  }
0x11: {  	s20 =	sadd.s32 s8, s2;
	s19 =	simm.s32 $0x4;
	s7 =	simm.s32 $0x780  }
0x12: {  	s5 =	sshrl.u32 s5, $0x3;
	s6 =	sshll.u32 s6, $0x4;
	s23 =	smax.u32 s1, $0x1  }
0x13: {  	s8 =	sshrl.u32 s20, $0x3;
	s5 =	sadd.s32 s5, s0;
	[dreg:$0xb] =	wrdreg s23  }
0x14: {  	s0 =	sadd.s32 s6, s0;
	s6 =	sadd.s32 s4, s6;
	[dreg:$0xc] =	wrdreg s8  }
0x15: {  	s20 =	simm.s32 $0x2;
	[dreg:$0x8] =	wrdreg s6;
	s22 =	sadd.s32 $0x2A00, s5  }
0x16: {  	s1 =	simm.s32 $0x680;
	s0 =	sadd.s32 $0x7BA00, s0;
	[dreg:$0x3] =	wrdreg s22  }
0x17: {  	s23 =	simm.s32 $0x200;
	s5 =	sadd.s32 $0x17A00, s5;
	[dreg:$0xa] =	wrdreg s0  }
0x18: {  	s6 =	simm.s32 $0x0;
	[dreg:$0x4] =	wrdreg s5;
	s22 =	simm.s32 $0x5  }
0x19: {  	s0 =	simm.s32 $0x380;
	s5 =	simm.s32 $0x700;
	[dreg:$0xd] =	wrdreg s6  }
.LBB2_1:
0x1a: {  	s6 =	rddreg [dreg:$0x8]  }
0x1b: {  	[spmem:s8], [sflag:s9] =	dma.local [hbm:s6], $0x2780  }
0x1c: {  	_ =	swait.ge [sflag:s10], $0x2780  }
0x1d: {  	[sflag:s10] =	ssyncset.done $0x0  }
0x1e: {  	[sflag:s10] =	ssyncadd.s32 $0xFFFFD880  }
0x1f: {  	[bflag:$0x0] =	sbarrier.arrive $0xFFFF  }
0x20: {  	s10 =	rddreg [dreg:$0x4]  }
0x21: {  	s8 =	rddreg [dreg:$0x3];
	s6 =	sadd.s32 $0x0, s10  }
0x22: {  	[tilespmem:s3], [sflag:$0x7] =	stream.linear.gather [hbm4b:s6+s3], $0x400, $0x38;
	[tilespmem:$0x1F800] =	vst v63  }
0x23: {  	s9 =	sadd.s32 $0x0, s8  }
0x24: {  	[tilespmem:s11], [sflag:$0x8] =	stream.linear.gather [hbm4b:s9+s3], $0x400, $0x38;
	[tilespmem:$0x1F800] =	vst v63  }
0x25: {  	_ =	swait.ge [sflag:s12], $0x400  }
0x26: {  	[sflag:s12] =	ssyncset.done $0x0  }
0x27: {  	[sflag:s12] =	ssyncadd.s32 $0xFFFFFC00  }
0x28: {  	_ =	swait.ge [sflag:s13], $0x400  }
0x29: {  	[sflag:s13] =	ssyncset.done $0x0  }
0x2a: {  	[sflag:s13] =	ssyncadd.s32 $0xFFFFFC00  }
0x2b: {  	[tilespmem:s15], [sflag:$0x1] =	stream.indirect.gather [hbm4b:s4+s14], $0x80, s3, s14, $0xb8;
	[tilespmem:$0x1F800] =	vst v63  }
0x2c: {  	s10 =	rddreg [dreg:$0x5]  }
0x2d: {  	[tilespmem:s16], [sflag:$0x2] =	stream.indirect.gather [hbm4b:s4+s14], $0x80, s10, s14, $0xb8;
	[tilespmem:$0x1F800] =	vst v63  }
0x2e: {  	s8 =	rddreg [dreg:$0x6]  }
0x2f: {  	[tilespmem:s17], [sflag:$0x3] =	stream.indirect.gather [hbm4b:s4+s14], $0x80, s8, s14, $0xb8;
	[tilespmem:$0x1F800] =	vst v63  }
0x30: {  	_ =	swait.ge [sflag:s18], $0x3C00  }
0x31: {  	[sflag:s18] =	ssyncset.done $0x0  }
0x32: {  	[sflag:s18] =	ssyncadd.s32 $0xFFFFC400  }
0x33: {  	[spmem:s2] =	stream.indirect.scatter.add.f32 [tilespmem:s15], [sflag:$0x4], $0x80, s11, s14, $0xb8;
	[tilespmem:$0x1F800] =	vst v63  }
0x34: {  	_ =	swait.ge [sflag:s19], $0x3C00  }
0x35: {  	[sflag:s19] =	ssyncset.done $0x0  }
0x36: {  	s10 =	rddreg [dreg:$0x7];
	[sflag:s19] =	ssyncadd.s32 $0xFFFFC400  }
0x37: {  	[tilespmem:s15], [sflag:$0x1] =	stream.indirect.gather [hbm4b:s4+s14], $0x80, s10, s14, $0xb8;
	[tilespmem:$0x1F800] =	vst v63  }
0x38: {  	_ =	swait.ge [sflag:s20], $0x3C00  }
0x39: {  	[sflag:s20] =	ssyncset.done $0x0  }
0x3a: {  	[sflag:s20] =	ssyncadd.s32 $0xFFFFC400  }
0x3b: {  	[spmem:s2] =	stream.indirect.scatter.add.f32 [tilespmem:s16], [sflag:$0x5], $0x80, s21, s14, $0xb8;
	[tilespmem:$0x1F800] =	vst v63  }
0x3c: {  	_ =	swait.ge [sflag:s22], $0x3C00  }
0x3d: {  	[sflag:s22] =	ssyncset.done $0x0  }
0x3e: {  	[sflag:s22] =	ssyncadd.s32 $0xFFFFC400  }
0x3f: {  	[tilespmem:s16], [sflag:$0x2] =	stream.indirect.gather [hbm4b:s4+s14], $0x80, s23, s14, $0xb8;
	[tilespmem:$0x1F800] =	vst v63  }
0x40: {  	_ =	swait.ge [sflag:s24], $0x3C00  }
0x41: {  	[sflag:s24] =	ssyncset.done $0x0  }
0x42: {  	[sflag:s24] =	ssyncadd.s32 $0xFFFFC400  }
0x43: {  	[spmem:s2] =	stream.indirect.scatter.add.f32 [tilespmem:s17], [sflag:$0x6], $0x80, s25, s14, $0xb8;
	[tilespmem:$0x1F800] =	vst v63  }
0x44: {  	_ =	swait.ge [sflag:s26], $0x3C00  }
0x45: {  	[sflag:s26] =	ssyncset.done $0x0  }
0x46: {  	[sflag:s26] =	ssyncadd.s32 $0xFFFFC400  }
0x47: {  	[tilespmem:s17], [sflag:$0x3] =	stream.indirect.gather [hbm4b:s4+s14], $0x80, s28, s14, $0xb8;
	[tilespmem:$0x1F800] =	vst v63  }
0x48: {  	_ =	swait.ge [sflag:s18], $0x3C00  }
0x49: {  	[sflag:s18] =	ssyncset.done $0x0  }
0x4a: {  	[sflag:s18] =	ssyncadd.s32 $0xFFFFC400  }
0x4b: {  	[spmem:s2] =	stream.indirect.scatter.add.f32 [tilespmem:s15], [sflag:$0x4], $0x80, s29, s14, $0xb8;
	[tilespmem:$0x1F800] =	vst v63  }
0x4c: {  	_ =	swait.ge [sflag:s19], $0x3C00  }
0x4d: {  	[sflag:s19] =	ssyncset.done $0x0  }
0x4e: {  	[sflag:s19] =	ssyncadd.s32 $0xFFFFC400  }
0x4f: {  	[tilespmem:s15], [sflag:$0x1] =	stream.indirect.gather [hbm4b:s4+s14], $0x80, s30, s14, $0xb8;
	[tilespmem:$0x1F800] =	vst v63  }
0x50: {  	_ =	swait.ge [sflag:s20], $0x3C00  }
0x51: {  	[sflag:s20] =	ssyncset.done $0x0  }
0x52: {  	[sflag:s20] =	ssyncadd.s32 $0xFFFFC400  }
0x53: {  	[spmem:s2] =	stream.indirect.scatter.add.f32 [tilespmem:s16], [sflag:$0x5], $0x80, s31, s14, $0xb8;
	[tilespmem:$0x1F800] =	vst v63  }
0x54: {  	_ =	swait.ge [sflag:s22], $0x3C00  }
0x55: {  	[sflag:s22] =	ssyncset.done $0x0  }
0x56: {  	[sflag:s22] =	ssyncadd.s32 $0xFFFFC400  }
0x57: {  	[tilespmem:s16], [sflag:$0x2] =	stream.indirect.gather [hbm4b:s4+s14], $0x80, s0, s14, $0xb8;
	[tilespmem:$0x1F800] =	vst v63  }
0x58: {  	_ =	swait.ge [sflag:s24], $0x3C00  }
0x59: {  	[sflag:s24] =	ssyncset.done $0x0  }
0x5a: {  	[sflag:s24] =	ssyncadd.s32 $0xFFFFC400  }
0x5b: {  	[spmem:s2] =	stream.indirect.scatter.add.f32 [tilespmem:s17], [sflag:$0x6], $0x80, s1, s14, $0xb8;
	[tilespmem:$0x1F800] =	vst v63  }
0x5c: {  	_ =	swait.ge [sflag:s18], $0x3C00  }
0x5d: {  	[sflag:s18] =	ssyncset.done $0x0  }
0x5e: {  	[sflag:s18] =	ssyncadd.s32 $0xFFFFC400  }
0x5f: {  	[spmem:s2] =	stream.indirect.scatter.add.f32 [tilespmem:s15], [sflag:$0x4], $0x80, s5, s14, $0xb8;
	[tilespmem:$0x1F800] =	vst v63  }
0x60: {  	_ =	swait.ge [sflag:s20], $0x3C00  }
0x61: {  	[sflag:s20] =	ssyncset.done $0x0  }
0x62: {  	[sflag:s20] =	ssyncadd.s32 $0xFFFFC400  }
0x63: {  	[spmem:s2] =	stream.indirect.scatter.add.f32 [tilespmem:s16], [sflag:$0x5], $0x80, s7, s14, $0xb8;
	[tilespmem:$0x1F800] =	vst v63  }
0x64: {  	_ =	swait.ge [sflag:s19], $0x3C00  }
0x65: {  	[sflag:s19] =	ssyncset.done $0x0  }
0x66: {  	[sflag:s19] =	ssyncadd.s32 $0xFFFFC400  }
0x67: {  	_ =	swait.ge [sflag:s22], $0x3C00  }
0x68: {  	[sflag:s22] =	ssyncset.done $0x0  }
0x69: {  	[sflag:s22] =	ssyncadd.s32 $0xFFFFC400  }
0x6a: {  	s6 =	simm.s32 $0x80;
	_ =	swait.ge [sflag:s26], $0x3C00  }
.LBB2_2:
0x6b: {  	s9 =	rddreg [dreg:$0x4];
	s10 =	smov.u32 s6;
	[sflag:s26] =	ssyncset.done $0x0  }
0x6c: {  	s8 =	rddreg [dreg:$0x3];
	s9 =	sadd.s32 s10, s9;
	[sflag:s26] =	ssyncadd.s32 $0xFFFFC400  }
0x6d: {  	[tilespmem:s3], [sflag:$0x7] =	stream.linear.gather [hbm4b:s9+s3], $0x400, $0x38;
	[tilespmem:$0x1F800] =	vst v63  }
0x6e: {  	s8 =	sadd.s32 s10, s8  }
0x6f: {  	[tilespmem:s11], [sflag:$0x8] =	stream.linear.gather [hbm4b:s8+s3], $0x400, $0x38;
	[tilespmem:$0x1F800] =	vst v63  }
0x70: {  	_ =	swait.ge [sflag:s12], $0x400  }
0x71: {  	[sflag:s12] =	ssyncset.done $0x0  }
0x72: {  	[sflag:s12] =	ssyncadd.s32 $0xFFFFFC00  }
0x73: {  	_ =	swait.ge [sflag:s13], $0x400  }
0x74: {  	[sflag:s13] =	ssyncset.done $0x0  }
0x75: {  	[sflag:s13] =	ssyncadd.s32 $0xFFFFFC00  }
0x76: {  	[tilespmem:s15], [sflag:$0x1] =	stream.indirect.gather [hbm4b:s4+s14], $0x80, s3, s14, $0xb8;
	[tilespmem:$0x1F800] =	vst v63  }
0x77: {  	s9 =	rddreg [dreg:$0x5]  }
0x78: {  	[tilespmem:s16], [sflag:$0x2] =	stream.indirect.gather [hbm4b:s4+s14], $0x80, s9, s14, $0xb8;
	[tilespmem:$0x1F800] =	vst v63  }
0x79: {  	s10 =	rddreg [dreg:$0x6]  }
0x7a: {  	[tilespmem:s17], [sflag:$0x3] =	stream.indirect.gather [hbm4b:s4+s14], $0x80, s10, s14, $0xb8;
	[tilespmem:$0x1F800] =	vst v63  }
0x7b: {  	_ =	swait.ge [sflag:s18], $0x3C00  }
0x7c: {  	[sflag:s18] =	ssyncset.done $0x0  }
0x7d: {  	[sflag:s18] =	ssyncadd.s32 $0xFFFFC400  }
0x7e: {  	[spmem:s2] =	stream.indirect.scatter.add.f32 [tilespmem:s15], [sflag:$0x4], $0x80, s11, s14, $0xb8;
	[tilespmem:$0x1F800] =	vst v63  }
0x7f: {  	_ =	swait.ge [sflag:s19], $0x3C00  }
0x80: {  	[sflag:s19] =	ssyncset.done $0x0  }
0x81: {  	s10 =	rddreg [dreg:$0x7];
	[sflag:s19] =	ssyncadd.s32 $0xFFFFC400  }
0x82: {  	[tilespmem:s15], [sflag:$0x1] =	stream.indirect.gather [hbm4b:s4+s14], $0x80, s10, s14, $0xb8;
	[tilespmem:$0x1F800] =	vst v63  }
0x83: {  	_ =	swait.ge [sflag:s20], $0x3C00  }
0x84: {  	[sflag:s20] =	ssyncset.done $0x0  }
0x85: {  	[sflag:s20] =	ssyncadd.s32 $0xFFFFC400  }
0x86: {  	[spmem:s2] =	stream.indirect.scatter.add.f32 [tilespmem:s16], [sflag:$0x5], $0x80, s21, s14, $0xb8;
	[tilespmem:$0x1F800] =	vst v63  }
0x87: {  	_ =	swait.ge [sflag:s22], $0x3C00  }
0x88: {  	[sflag:s22] =	ssyncset.done $0x0  }
0x89: {  	[sflag:s22] =	ssyncadd.s32 $0xFFFFC400  }
0x8a: {  	[tilespmem:s16], [sflag:$0x2] =	stream.indirect.gather [hbm4b:s4+s14], $0x80, s23, s14, $0xb8;
	[tilespmem:$0x1F800] =	vst v63  }
0x8b: {  	_ =	swait.ge [sflag:s24], $0x3C00  }
0x8c: {  	[sflag:s24] =	ssyncset.done $0x0  }
0x8d: {  	[sflag:s24] =	ssyncadd.s32 $0xFFFFC400  }
0x8e: {  	[spmem:s2] =	stream.indirect.scatter.add.f32 [tilespmem:s17], [sflag:$0x6], $0x80, s25, s14, $0xb8;
	[tilespmem:$0x1F800] =	vst v63  }
0x8f: {  	_ =	swait.ge [sflag:s26], $0x3C00  }
0x90: {  	[sflag:s26] =	ssyncset.done $0x0  }
0x91: {  	[sflag:s26] =	ssyncadd.s32 $0xFFFFC400  }
0x92: {  	[tilespmem:s17], [sflag:$0x3] =	stream.indirect.gather [hbm4b:s4+s14], $0x80, s28, s14, $0xb8;
	[tilespmem:$0x1F800] =	vst v63  }
0x93: {  	_ =	swait.ge [sflag:s18], $0x3C00  }
0x94: {  	[sflag:s18] =	ssyncset.done $0x0  }
0x95: {  	[sflag:s18] =	ssyncadd.s32 $0xFFFFC400  }
0x96: {  	[spmem:s2] =	stream.indirect.scatter.add.f32 [tilespmem:s15], [sflag:$0x4], $0x80, s29, s14, $0xb8;
	[tilespmem:$0x1F800] =	vst v63  }
0x97: {  	_ =	swait.ge [sflag:s19], $0x3C00  }
0x98: {  	[sflag:s19] =	ssyncset.done $0x0  }
0x99: {  	[sflag:s19] =	ssyncadd.s32 $0xFFFFC400  }
0x9a: {  	[tilespmem:s15], [sflag:$0x1] =	stream.indirect.gather [hbm4b:s4+s14], $0x80, s30, s14, $0xb8;
	[tilespmem:$0x1F800] =	vst v63  }
0x9b: {  	_ =	swait.ge [sflag:s20], $0x3C00  }
0x9c: {  	[sflag:s20] =	ssyncset.done $0x0  }
0x9d: {  	[sflag:s20] =	ssyncadd.s32 $0xFFFFC400  }
0x9e: {  	[spmem:s2] =	stream.indirect.scatter.add.f32 [tilespmem:s16], [sflag:$0x5], $0x80, s31, s14, $0xb8;
	[tilespmem:$0x1F800] =	vst v63  }
0x9f: {  	_ =	swait.ge [sflag:s22], $0x3C00  }
0xa0: {  	[sflag:s22] =	ssyncset.done $0x0  }
0xa1: {  	[sflag:s22] =	ssyncadd.s32 $0xFFFFC400  }
0xa2: {  	[tilespmem:s16], [sflag:$0x2] =	stream.indirect.gather [hbm4b:s4+s14], $0x80, s0, s14, $0xb8;
	[tilespmem:$0x1F800] =	vst v63  }
0xa3: {  	_ =	swait.ge [sflag:s24], $0x3C00  }
0xa4: {  	[sflag:s24] =	ssyncset.done $0x0  }
0xa5: {  	[sflag:s24] =	ssyncadd.s32 $0xFFFFC400  }
0xa6: {  	[spmem:s2] =	stream.indirect.scatter.add.f32 [tilespmem:s17], [sflag:$0x6], $0x80, s1, s14, $0xb8;
	[tilespmem:$0x1F800] =	vst v63  }
0xa7: {  	_ =	swait.ge [sflag:s18], $0x3C00  }
0xa8: {  	[sflag:s18] =	ssyncset.done $0x0  }
0xa9: {  	[sflag:s18] =	ssyncadd.s32 $0xFFFFC400  }
0xaa: {  	[spmem:s2] =	stream.indirect.scatter.add.f32 [tilespmem:s15], [sflag:$0x4], $0x80, s5, s14, $0xb8;
	[tilespmem:$0x1F800] =	vst v63  }
0xab: {  	_ =	swait.ge [sflag:s20], $0x3C00  }
0xac: {  	[sflag:s20] =	ssyncset.done $0x0  }
0xad: {  	[sflag:s20] =	ssyncadd.s32 $0xFFFFC400  }
0xae: {  	[spmem:s2] =	stream.indirect.scatter.add.f32 [tilespmem:s16], [sflag:$0x5], $0x80, s7, s14, $0xb8;
	[tilespmem:$0x1F800] =	vst v63  }
0xaf: {  	_ =	swait.ge [sflag:s19], $0x3C00  }
0xb0: {  	p0 =	sne.s32 s6, $0xA00;
	[sflag:s19] =	ssyncset.done $0x0  }
.Ltmp0:
0xb1: {  	[sflag:s19] =	ssyncadd.s32 $0xFFFFC400;
	(pc) =	sbr.rel @p0 .LBB2_2-.Ltmp0, $4  }
0xb2: {  	_ =	swait.ge [sflag:s22], $0x3C00  }
0xb3: {  	[sflag:s22] =	ssyncset.done $0x0  }
0xb4: {  	[sflag:s22] =	ssyncadd.s32 $0xFFFFC400  }
0xb5: {  	s6 =	sadd.s32 $0x80, s6;
	_ =	swait.ge [sflag:s26], $0x3C00  }
0xb6: {  	[sflag:s26] =	ssyncset.done $0x0  }
0xb7: {  	[sflag:s26] =	ssyncadd.s32 $0xFFFFC400  }
0xb8: {  	[bflag:$0x0] =	sbarrier.arrive $0xFFFF  }
0xb9: {  	s9 =	rddreg [dreg:$0x9]  }
0xba: {  	s6 =	rddreg [dreg:$0xa]  }
0xbb: {  	s10 =	simm.s32 $0x9;
	s8 =	rddreg [dreg:$0xc]  }
0xbc: {  	[hbm:s6], [sflag:s9] =	dma.local [spmem:s8], $0x2780  }
0xbd: {  	_ =	swait.ge [sflag:s10], $0x2780  }
0xbe: {  	s6 =	rddreg [dreg:$0xd]  }
0xbf: {  	s9 =	sadd.s32 $0x1, s6;
	s6 =	rddreg [dreg:$0xb]  }
0xc0: {  	p0 =	sne.s32 s9, s6  }
.Ltmp1:
0xc1: {  	_ = 	snop;
	(pc) =	sbr.rel @p0 .LBB2_1-.Ltmp1, $3  }
0xc2: {  	_ =	sdelay $0x1  }
0xc3: {  	[sflag:s10] =	ssyncset.done $0x0;
	[dreg:$0xd] =	wrdreg s9  }
0xc4: {  	[sflag:s10] =	ssyncadd.s32 $0xFFFFD880;
	s9 =	rddreg [dreg:$0x9]  }
0xc5: {  	_ =	sfence.sel $0x180000  }
0xc6: {  	[bflag:$0x0] =	sbarrier.arrive $0xFFFF  }
0xc7: {  	_ =	strace $0x90000050  }
0xc8: {  	s0 =	stileid.u32;
	[bflag:$0x2] =	sbarrier.arrive $0xFFFF  }
0xc9: {  	p0 =	sne.s32 s0, $0x0;
	s0 =	rddreg [dreg:$0x2]  }
0xca: {  	s0 =	sadd.s32 @!p0 $0x100000, s0  }
0xcb: {  	[sflag:s0] =	ssyncadd.tile.s32 @!p0 $0x1;
	_ =	shalt  }
.Lfunc_end2:
_tile_overlayer_lowered:
.L_overlay_start_2:
0xcc: {  	(tag) =	ssettag $0x2  }
0xcd: {  	s0 =	rddreg [dreg:$0x0];
	s2 =	stileid.u32  }
0xce: {  	s1 =	rddreg [dreg:$0x1];
	p0 =	sne.s32 s2, $0x0  }
0xcf: {  	s3 =	rddreg [dreg:$0x2];
	[bflag:$0x3] =	sbarrier.arrive $0xFFFF;
	s2 =	simm.s32 @!p0 $0x1C09  }
0xd0: {  	[timem:s3], [sflag:s2] =	dma.local @!p0 [hbm:s0], s1  }
0xd1: {  	s0 =	simm.s32 @!p0 $0x9  }
0xd2: {  	_ =	swait.ge @!p0 [sflag:s0], s1  }
0xd3: {  	s1 =	ssub.s32 @!p0 $0x0, s1;
	[sflag:s0] =	ssyncset.done @!p0 $0x0  }
0xd4: {  	[sflag:s0] =	ssyncadd.s32 @!p0 s1  }
0xd5: {  	[bflag:$0x3] =	sbarrier.arrive $0xFFFF  }
0xd6: {  	_ =	shalt  }

</sc_bundles>
